<compile_context>
chip_gen: v7x
topology: tpu7x:2x2x1
jax: 0.10.2.dev20260603
libtpu: 0.0.44.dev20260713+nightly
codegen_flags: <defaults>
</compile_context>

<pallas_src>
import functools

import jax
import jax.numpy as jnp
from jax import lax
from jax.experimental import pallas as pl
from jax.experimental.pallas import tpu as pltpu
from jax.experimental.pallas import tpu_sc as plsc

_NC = 2
_NS = 16
_L = 16

_CHUNK = 128


@functools.lru_cache(maxsize=None)
def _make_sc_spmm(N, D, R, EPTP, NPAD):
    assert R % _NC == 0 and NPAD % (8 * _NS) == 0 and EPTP % _CHUNK == 0
    rpc = R // _NC
    n_chunks = EPTP // _CHUNK
    rpt = NPAD // _NS
    mesh = plsc.VectorSubcoreMesh(core_axis_name="c", subcore_axis_name="s")

    @functools.partial(
        pl.kernel,
        out_type=jax.ShapeDtypeStruct((R * NPAD, D), jnp.float32),
        mesh=mesh,
        scratch_types=[
            pltpu.VMEM((_CHUNK,), jnp.int32),
            pltpu.VMEM((_CHUNK,), jnp.int32),
            pltpu.VMEM((_CHUNK,), jnp.float32),
            pltpu.VMEM((_CHUNK, D), jnp.float32),
            pltpu.VMEM_SHARED((NPAD, D), jnp.float32),
            pltpu.SemaphoreType.DMA,
        ],
    )
    def spmm(x_hbm, src_hbm, dst_hbm, w_hbm, out_hbm, src_v, dst_v, w_v,
             rows_v, acc, sem):
        cid = lax.axis_index("c")
        sid = lax.axis_index("s")
        row0 = sid * rpt

        for rr in range(rpc):
            r = cid * rpc + rr

            def _zb(i, carry):
                z = jnp.zeros((_L,), jnp.float32)
                for j in range(D // _L):
                    rows_v[i, pl.ds(j * _L, _L)] = z
                return carry
            lax.fori_loop(0, _CHUNK, _zb, 0)

            done = 0
            while done < rpt:
                nrows = min(_CHUNK, rpt - done)
                pltpu.sync_copy(rows_v.at[pl.ds(0, nrows)],
                                acc.at[pl.ds(row0 + done, nrows)])
                done += nrows
            plsc.subcore_barrier()

            seg = (r * _NS + sid) * n_chunks

            pltpu.sync_copy(src_hbm.at[seg], src_v)
            pltpu.sync_copy(w_hbm.at[seg], w_v)

            def _chunk(k, carry):
                desc = pltpu.async_copy(x_hbm.at[src_v], rows_v, sem)
                pltpu.sync_copy(dst_hbm.at[seg + k], dst_v)
                desc.wait()

                def _scale(c16, c2):
                    wvec = w_v[pl.ds(c16 * _L, _L)]
                    for e16 in range(_L):
                        w = wvec[e16]
                        e = c16 * _L + e16
                        for j in range(D // _L):
                            sl = pl.ds(j * _L, _L)
                            rows_v[e, sl] = rows_v[e, sl] * w
                    return c2
                lax.fori_loop(0, _CHUNK // _L, _scale, 0)

                desc_s = pltpu.async_copy(rows_v, acc.at[dst_v], sem,
                                          add=True)
                kn = jnp.minimum(k + 1, n_chunks - 1)
                pltpu.sync_copy(src_hbm.at[seg + kn], src_v)
                pltpu.sync_copy(w_hbm.at[seg + kn], w_v)
                desc_s.wait()
                return carry
            lax.fori_loop(0, n_chunks, _chunk, 0)
            plsc.subcore_barrier()

            done = 0
            while done < rpt:
                nrows = min(_CHUNK, rpt - done)
                pltpu.sync_copy(acc.at[pl.ds(row0 + done, nrows)],
                                out_hbm.at[pl.ds(r * NPAD + row0 + done,
                                                 nrows)])
                done += nrows

    return spmm


@functools.lru_cache(maxsize=None)
def _make_dense(N, D, R, DOUT, B):
    assert N % B == 0
    grid = (N // B,)

    def body(s_ref, w_ref, sw_ref, b_ref, g_ref, be_ref, o_ref):
        ssum = s_ref[0]
        for r in range(1, R):
            ssum = ssum + s_ref[r]
        mu = jnp.mean(ssum, axis=-1, keepdims=True)
        d = ssum - mu
        var = jnp.mean(d * d, axis=-1, keepdims=True)
        sn = d * lax.rsqrt(var + 1e-6) * g_ref[...] + be_ref[...]
        acc = jnp.dot(sn, sw_ref[...], preferred_element_type=jnp.float32)
        for r in range(R):
            acc = acc + jnp.dot(s_ref[r], w_ref[r],
                                preferred_element_type=jnp.float32)
        o_ref[...] = acc * 0.5 + b_ref[...]

    return pl.pallas_call(
        body,
        grid=grid,
        in_specs=[
            pl.BlockSpec((R, B, D), lambda i: (0, i, 0)),
            pl.BlockSpec((R, D, DOUT), lambda i: (0, 0, 0)),
            pl.BlockSpec((D, DOUT), lambda i: (0, 0)),
            pl.BlockSpec((1, DOUT), lambda i: (0, 0)),
            pl.BlockSpec((1, D), lambda i: (0, 0)),
            pl.BlockSpec((1, D), lambda i: (0, 0)),
        ],
        out_specs=pl.BlockSpec((B, DOUT), lambda i: (i, 0)),
        out_shape=jax.ShapeDtypeStruct((N, DOUT), jnp.float32),
    )


def kernel(x, edge_index, edge_weight, weight, share_weight, bias,
           ln_gamma, ln_beta):
    N, D = x.shape
    R, _, E = edge_index.shape
    DOUT = weight.shape[1]

    ept = E // _NS
    n_chunks = -(-ept // _CHUNK)
    eptp = n_chunks * _CHUNK
    pad = eptp - ept

    src = edge_index[:, 0, :].reshape(R, _NS, ept)
    dst = edge_index[:, 1, :].reshape(R, _NS, ept)
    ew = edge_weight.reshape(R, _NS, ept)
    if pad:
        src = jnp.pad(src, ((0, 0), (0, 0), (0, pad)))
        dst = jnp.pad(dst, ((0, 0), (0, 0), (0, pad)))
        ew = jnp.pad(ew, ((0, 0), (0, 0), (0, pad)))
    srcc = src.reshape(R * _NS * n_chunks, _CHUNK)
    dstc = dst.reshape(R * _NS * n_chunks, _CHUNK)
    wchunks = ew.reshape(R * _NS * n_chunks, _CHUNK)

    npad = -(-N // (8 * _NS)) * (8 * _NS)
    supports = _make_sc_spmm(N, D, R, eptp, npad)(x, srcc, dstc, wchunks)
    s = supports.reshape(R, npad, D)

    dense = _make_dense(N, D, R, DOUT, B=1000)
    return dense(
        s,
        weight.reshape(R, D, DOUT),
        share_weight,
        bias.reshape(1, DOUT),
        ln_gamma.reshape(1, D),
        ln_beta.reshape(1, D),
    )

# --- scband reference (transcript-rebuilt; emitter-appended) ---
"""Pipeline reference for scband-graph-convolution-with-edge-concat-38070590112205 (READ-ONLY COPY).

The authoritative reference and input builder live on the scoring server;
editing this copy changes nothing except your own understanding.
"""

import jax, jax.numpy as jnp
import numpy as np

N = 10000
D = 128
R = 4
E = 160000
DOUT = 128


def setup_inputs(seed: int = 0) -> dict:
    key = jax.random.key(seed)
    ks = jax.random.split(key, 8)
    x = jax.random.normal(ks[0], (N, D), dtype=jnp.float32)
    edge_index = jax.random.randint(ks[1], (R, 2, E), 0, N, dtype=jnp.int32)
    edge_weight = jax.random.uniform(ks[2], (R, E), dtype=jnp.float32)
    stdv = 1.0 / np.sqrt(DOUT)
    weight = jax.random.uniform(ks[3], (D * R, DOUT), minval=-stdv, maxval=stdv, dtype=jnp.float32)
    share_weight = jax.random.uniform(ks[4], (D, DOUT), minval=-stdv, maxval=stdv, dtype=jnp.float32)
    bias = jax.random.uniform(ks[5], (DOUT,), minval=-stdv, maxval=stdv, dtype=jnp.float32)
    ln_gamma = jnp.ones((D,), dtype=jnp.float32)
    ln_beta = jnp.zeros((D,), dtype=jnp.float32)
    return {
        "x": x,
        "edge_index": edge_index,
        "edge_weight": edge_weight,
        "weight": weight,
        "share_weight": share_weight,
        "bias": bias,
        "ln_gamma": ln_gamma,
        "ln_beta": ln_beta,
    }


def reference(x, edge_index, edge_weight, weight, share_weight, bias, ln_gamma, ln_beta):
    # Each relation r has a sparse adjacency A_r represented as
    # (edge_index[r, 0] = src, edge_index[r, 1] = dst, edge_weight[r]).
    # spmm(A_r, x) == segment_sum over dst of edge_weight * x[src].
    n_nodes = x.shape[0]
    supports = []
    for r in range(edge_index.shape[0]):
        src = edge_index[r, 0]
        dst = edge_index[r, 1]
        msg = x[src] * edge_weight[r][:, None]
        s = jax.ops.segment_sum(msg, dst, num_segments=n_nodes)
        supports.append(s)
    support = jnp.concatenate(supports, axis=1)
    support_ = supports[0]
    for s in supports[1:]:
        support_ = support_ + s
    # LayerNorm(in_features, eps=1e-6)
    mu = jnp.mean(support_, axis=-1, keepdims=True)
    var = jnp.var(support_, axis=-1, keepdims=True)
    support_n = (support_ - mu) / jnp.sqrt(var + 1e-6) * ln_gamma + ln_beta
    output = (support @ weight + support_n @ share_weight) / 2.0
    return output + bias

if __name__ == "__main__":
    import jax
    _d = setup_inputs()
    print(jax.jit(kernel)(*tuple(_d.values())))

</pallas_src>

<mosaic_0001>
#map = affine_map<(d0, d1) -> (0, 0)>
module attributes {stable_mosaic.version = 14 : i64} {
  func.func @spmm(%arg0: i32, %arg1: i32, %arg2: memref<10000x128xf32, #tpu.memory_space<hbm>>, %arg3: memref<5056x128xi32, #tpu.memory_space<hbm>>, %arg4: memref<5056x128xi32, #tpu.memory_space<hbm>>, %arg5: memref<5056x128xf32, #tpu.memory_space<hbm>>, %arg6: memref<40448x128xf32, #tpu.memory_space<hbm>>, %arg7: memref<128xi32, #tpu.memory_space<vmem>>, %arg8: memref<128xi32, #tpu.memory_space<vmem>>, %arg9: memref<128xf32, #tpu.memory_space<vmem>>, %arg10: memref<128x128xf32, #tpu.memory_space<vmem>>, %arg11: memref<10112x128xf32, #tpu.memory_space<vmem_shared>>, %arg12: memref<!tpu.dma_semaphore, #tpu.memory_space<semaphore_mem>>) attributes {dimension_semantics = [#tpu.dimension_semantics<core_parallel>, #tpu.dimension_semantics<subcore_parallel>], iteration_bounds = array<i64: 2, 16>, scalar_prefetch = 0 : i64, scratch_operands = 6 : i64, tpu.core_type = #tpu.core_type<sc_vector_subcore>, window_params = [{transform_indices = #map}, {transform_indices = #map}, {transform_indices = #map}, {transform_indices = #map}, {transform_indices = #map}]} {
    %mul3A = arith.constant 632 : i32
    %mul3A_0 = arith.muli %arg1, %mul3A : i32
    %mul3A_1 = arith.constant 2 : i32
    %mul3A_2 = arith.muli %arg0, %mul3A_1 : i32
    %add3A = arith.constant 0 : i32
    %add3A_3 = arith.addi %mul3A_2, %add3A : i32
    %scan3A = arith.constant 0 : i32
    %scan3A_4 = arith.constant 0 : i32
    %scan3A_5 = arith.constant 128 : i32
    %scan3A_6 = arith.addi %scan3A_4, %scan3A_5 : i32
    %scan3A_7 = arith.constant 1 : i32
    scf.for %scan3A_134 = %scan3A_4 to %scan3A_6 step %scan3A_7  : i32 {
      %broadcast_in_dim3A = arith.constant 0.000000e+00 : f32
      %broadcast_in_dim3A_135 = vector.broadcast %broadcast_in_dim3A : f32 to vector<16xf32>
      %swap3A = arith.index_cast %scan3A_134 : i32 to index
      %swap3A_136 = arith.constant 0 : index
      %swap3A_137 = tpu.vector_load %arg10[%swap3A, %swap3A_136] {strides = array<i32>} : memref<128x128xf32, #tpu.memory_space<vmem>>, vector<1x16xf32>,
      %swap3A_138 = vector.shape_cast %swap3A_137 : vector<1x16xf32> to vector<16xf32>
      %swap3A_139 = vector.shape_cast %broadcast_in_dim3A_135 : vector<16xf32> to vector<1x16xf32>
      tpu.vector_store %arg10[%swap3A, %swap3A_136], %swap3A_139 {strides = array<i32>} : memref<128x128xf32, #tpu.memory_space<vmem>>, vector<1x16xf32>,
      %swap3A_140 = arith.index_cast %scan3A_134 : i32 to index
      %swap3A_141 = arith.constant 16 : index
      %swap3A_142 = tpu.vector_load %arg10[%swap3A_140, %swap3A_141] {strides = array<i32>} : memref<128x128xf32, #tpu.memory_space<vmem>>, vector<1x16xf32>,
      %swap3A_143 = vector.shape_cast %swap3A_142 : vector<1x16xf32> to vector<16xf32>
      %swap3A_144 = vector.shape_cast %broadcast_in_dim3A_135 : vector<16xf32> to vector<1x16xf32>
      tpu.vector_store %arg10[%swap3A_140, %swap3A_141], %swap3A_144 {strides = array<i32>} : memref<128x128xf32, #tpu.memory_space<vmem>>, vector<1x16xf32>,
      %swap3A_145 = arith.index_cast %scan3A_134 : i32 to index
      %swap3A_146 = arith.constant 32 : index
      %swap3A_147 = tpu.vector_load %arg10[%swap3A_145, %swap3A_146] {strides = array<i32>} : memref<128x128xf32, #tpu.memory_space<vmem>>, vector<1x16xf32>,
      %swap3A_148 = vector.shape_cast %swap3A_147 : vector<1x16xf32> to vector<16xf32>
      %swap3A_149 = vector.shape_cast %broadcast_in_dim3A_135 : vector<16xf32> to vector<1x16xf32>
      tpu.vector_store %arg10[%swap3A_145, %swap3A_146], %swap3A_149 {strides = array<i32>} : memref<128x128xf32, #tpu.memory_space<vmem>>, vector<1x16xf32>,
      %swap3A_150 = arith.index_cast %scan3A_134 : i32 to index
      %swap3A_151 = arith.constant 48 : index
      %swap3A_152 = tpu.vector_load %arg10[%swap3A_150, %swap3A_151] {strides = array<i32>} : memref<128x128xf32, #tpu.memory_space<vmem>>, vector<1x16xf32>,
      %swap3A_153 = vector.shape_cast %swap3A_152 : vector<1x16xf32> to vector<16xf32>
      %swap3A_154 = vector.shape_cast %broadcast_in_dim3A_135 : vector<16xf32> to vector<1x16xf32>
      tpu.vector_store %arg10[%swap3A_150, %swap3A_151], %swap3A_154 {strides = array<i32>} : memref<128x128xf32, #tpu.memory_space<vmem>>, vector<1x16xf32>,
      %swap3A_155 = arith.index_cast %scan3A_134 : i32 to index
      %swap3A_156 = arith.constant 64 : index
      %swap3A_157 = tpu.vector_load %arg10[%swap3A_155, %swap3A_156] {strides = array<i32>} : memref<128x128xf32, #tpu.memory_space<vmem>>, vector<1x16xf32>,
      %swap3A_158 = vector.shape_cast %swap3A_157 : vector<1x16xf32> to vector<16xf32>
      %swap3A_159 = vector.shape_cast %broadcast_in_dim3A_135 : vector<16xf32> to vector<1x16xf32>
      tpu.vector_store %arg10[%swap3A_155, %swap3A_156], %swap3A_159 {strides = array<i32>} : memref<128x128xf32, #tpu.memory_space<vmem>>, vector<1x16xf32>,
      %swap3A_160 = arith.index_cast %scan3A_134 : i32 to index
      %swap3A_161 = arith.constant 80 : index
      %swap3A_162 = tpu.vector_load %arg10[%swap3A_160, %swap3A_161] {strides = array<i32>} : memref<128x128xf32, #tpu.memory_space<vmem>>, vector<1x16xf32>,
      %swap3A_163 = vector.shape_cast %swap3A_162 : vector<1x16xf32> to vector<16xf32>
      %swap3A_164 = vector.shape_cast %broadcast_in_dim3A_135 : vector<16xf32> to vector<1x16xf32>
      tpu.vector_store %arg10[%swap3A_160, %swap3A_161], %swap3A_164 {strides = array<i32>} : memref<128x128xf32, #tpu.memory_space<vmem>>, vector<1x16xf32>,
      %swap3A_165 = arith.index_cast %scan3A_134 : i32 to index
      %swap3A_166 = arith.constant 96 : index
      %swap3A_167 = tpu.vector_load %arg10[%swap3A_165, %swap3A_166] {strides = array<i32>} : memref<128x128xf32, #tpu.memory_space<vmem>>, vector<1x16xf32>,
      %swap3A_168 = vector.shape_cast %swap3A_167 : vector<1x16xf32> to vector<16xf32>
      %swap3A_169 = vector.shape_cast %broadcast_in_dim3A_135 : vector<16xf32> to vector<1x16xf32>
      tpu.vector_store %arg10[%swap3A_165, %swap3A_166], %swap3A_169 {strides = array<i32>} : memref<128x128xf32, #tpu.memory_space<vmem>>, vector<1x16xf32>,
      %swap3A_170 = arith.index_cast %scan3A_134 : i32 to index
      %swap3A_171 = arith.constant 112 : index
      %swap3A_172 = tpu.vector_load %arg10[%swap3A_170, %swap3A_171] {strides = array<i32>} : memref<128x128xf32, #tpu.memory_space<vmem>>, vector<1x16xf32>,
      %swap3A_173 = vector.shape_cast %swap3A_172 : vector<1x16xf32> to vector<16xf32>
      %swap3A_174 = vector.shape_cast %broadcast_in_dim3A_135 : vector<16xf32> to vector<1x16xf32>
      tpu.vector_store %arg10[%swap3A_170, %swap3A_171], %swap3A_174 {strides = array<i32>} : memref<128x128xf32, #tpu.memory_space<vmem>>, vector<1x16xf32>,
    }
    %scan3A_8 = arith.constant 128 : i32
    %add3A_9 = arith.constant 0 : i32
    %add3A_10 = arith.addi %mul3A_0, %add3A_9 : i32
    "tpu.region"() ({
      %run_scoped3A = tpu.sem_alloc : memref<!tpu.dma_semaphore, #tpu.memory_space<semaphore_mem>>
      %dma_start3A = arith.constant 0 : i32
      %dma_start3A_134 = arith.constant 0 : i32
      %dma_start3A_135 = tpu.memref_slice %arg10[%dma_start3A, %dma_start3A_134] : memref<128x128xf32, #tpu.memory_space<vmem>> -> memref<128x128xf32, #tpu.memory_space<vmem>>
      %dma_start3A_136 = arith.constant 0 : i32
      %dma_start3A_137 = tpu.memref_slice %arg11[%add3A_10, %dma_start3A_136] : memref<10112x128xf32, #tpu.memory_space<vmem_shared>> -> memref<128x128xf32, #tpu.memory_space<vmem_shared>>
      %dma_start3A_138 = arith.constant 0 : i32
      %dma_start3A_139 = tpu.memref_slice %arg11[%add3A_10, %dma_start3A_138] : memref<10112x128xf32, #tpu.memory_space<vmem_shared>> -> memref<128x128xf32, #tpu.memory_space<vmem_shared>>
      %dma_start3A_140 = arith.constant 0 : i32
      %dma_start3A_141 = arith.constant 0 : i32
      %dma_start3A_142 = tpu.memref_slice %arg10[%dma_start3A_140, %dma_start3A_141] : memref<128x128xf32, #tpu.memory_space<vmem>> -> memref<128x128xf32, #tpu.memory_space<vmem>>
      tpu.enqueue_dma source(%dma_start3A_142 : memref<128x128xf32, #tpu.memory_space<vmem>>) target(%dma_start3A_139 : memref<128x128xf32, #tpu.memory_space<vmem_shared>>) target_semaphore(%run_scoped3A : memref<!tpu.dma_semaphore, #tpu.memory_space<semaphore_mem>>)
      %dma_wait3A = arith.constant 0 : i32
      %dma_wait3A_143 = arith.constant 0 : i32
      %dma_wait3A_144 = tpu.memref_slice %arg10[%dma_wait3A, %dma_wait3A_143] : memref<128x128xf32, #tpu.memory_space<vmem>> -> memref<128x128xf32, #tpu.memory_space<vmem>>
      %dma_wait3A_145 = arith.constant 0 : i32
      %dma_wait3A_146 = tpu.memref_slice %arg11[%add3A_10, %dma_wait3A_145] : memref<10112x128xf32, #tpu.memory_space<vmem_shared>> -> memref<128x128xf32, #tpu.memory_space<vmem_shared>>
      %dma_wait3A_147 = arith.constant 0 : i32
      %dma_wait3A_148 = tpu.memref_slice %arg11[%add3A_10, %dma_wait3A_147] : memref<10112x128xf32, #tpu.memory_space<vmem_shared>> -> memref<128x128xf32, #tpu.memory_space<vmem_shared>>
      %dma_wait3A_149 = arith.constant 0 : i32
      %dma_wait3A_150 = arith.constant 0 : i32
      %dma_wait3A_151 = tpu.memref_slice %arg10[%dma_wait3A_149, %dma_wait3A_150] : memref<128x128xf32, #tpu.memory_space<vmem>> -> memref<128x128xf32, #tpu.memory_space<vmem>>
      tpu.wait_dma2 semaphore(%run_scoped3A : memref<!tpu.dma_semaphore, #tpu.memory_space<semaphore_mem>>) src(%dma_wait3A_151 : memref<128x128xf32, #tpu.memory_space<vmem>>) dst(%dma_wait3A_148 : memref<128x128xf32, #tpu.memory_space<vmem_shared>>)
      tpu.yield
    }) : () -> ()
    %add3A_11 = arith.constant 128 : i32
    %add3A_12 = arith.addi %mul3A_0, %add3A_11 : i32
    "tpu.region"() ({
      %run_scoped3A = tpu.sem_alloc : memref<!tpu.dma_semaphore, #tpu.memory_space<semaphore_mem>>
      %dma_start3A = arith.constant 0 : i32
      %dma_start3A_134 = arith.constant 0 : i32
      %dma_start3A_135 = tpu.memref_slice %arg10[%dma_start3A, %dma_start3A_134] : memref<128x128xf32, #tpu.memory_space<vmem>> -> memref<128x128xf32, #tpu.memory_space<vmem>>
      %dma_start3A_136 = arith.constant 0 : i32
      %dma_start3A_137 = tpu.memref_slice %arg11[%add3A_12, %dma_start3A_136] : memref<10112x128xf32, #tpu.memory_space<vmem_shared>> -> memref<128x128xf32, #tpu.memory_space<vmem_shared>>
      %dma_start3A_138 = arith.constant 0 : i32
      %dma_start3A_139 = tpu.memref_slice %arg11[%add3A_12, %dma_start3A_138] : memref<10112x128xf32, #tpu.memory_space<vmem_shared>> -> memref<128x128xf32, #tpu.memory_space<vmem_shared>>
      %dma_start3A_140 = arith.constant 0 : i32
      %dma_start3A_141 = arith.constant 0 : i32
      %dma_start3A_142 = tpu.memref_slice %arg10[%dma_start3A_140, %dma_start3A_141] : memref<128x128xf32, #tpu.memory_space<vmem>> -> memref<128x128xf32, #tpu.memory_space<vmem>>
      tpu.enqueue_dma source(%dma_start3A_142 : memref<128x128xf32, #tpu.memory_space<vmem>>) target(%dma_start3A_139 : memref<128x128xf32, #tpu.memory_space<vmem_shared>>) target_semaphore(%run_scoped3A : memref<!tpu.dma_semaphore, #tpu.memory_space<semaphore_mem>>)
      %dma_wait3A = arith.constant 0 : i32
      %dma_wait3A_143 = arith.constant 0 : i32
      %dma_wait3A_144 = tpu.memref_slice %arg10[%dma_wait3A, %dma_wait3A_143] : memref<128x128xf32, #tpu.memory_space<vmem>> -> memref<128x128xf32, #tpu.memory_space<vmem>>
      %dma_wait3A_145 = arith.constant 0 : i32
      %dma_wait3A_146 = tpu.memref_slice %arg11[%add3A_12, %dma_wait3A_145] : memref<10112x128xf32, #tpu.memory_space<vmem_shared>> -> memref<128x128xf32, #tpu.memory_space<vmem_shared>>
      %dma_wait3A_147 = arith.constant 0 : i32
      %dma_wait3A_148 = tpu.memref_slice %arg11[%add3A_12, %dma_wait3A_147] : memref<10112x128xf32, #tpu.memory_space<vmem_shared>> -> memref<128x128xf32, #tpu.memory_space<vmem_shared>>
      %dma_wait3A_149 = arith.constant 0 : i32
      %dma_wait3A_150 = arith.constant 0 : i32
      %dma_wait3A_151 = tpu.memref_slice %arg10[%dma_wait3A_149, %dma_wait3A_150] : memref<128x128xf32, #tpu.memory_space<vmem>> -> memref<128x128xf32, #tpu.memory_space<vmem>>
      tpu.wait_dma2 semaphore(%run_scoped3A : memref<!tpu.dma_semaphore, #tpu.memory_space<semaphore_mem>>) src(%dma_wait3A_151 : memref<128x128xf32, #tpu.memory_space<vmem>>) dst(%dma_wait3A_148 : memref<128x128xf32, #tpu.memory_space<vmem_shared>>)
      tpu.yield
    }) : () -> ()
    %add3A_13 = arith.constant 256 : i32
    %add3A_14 = arith.addi %mul3A_0, %add3A_13 : i32
    "tpu.region"() ({
      %run_scoped3A = tpu.sem_alloc : memref<!tpu.dma_semaphore, #tpu.memory_space<semaphore_mem>>
      %dma_start3A = arith.constant 0 : i32
      %dma_start3A_134 = arith.constant 0 : i32
      %dma_start3A_135 = tpu.memref_slice %arg10[%dma_start3A, %dma_start3A_134] : memref<128x128xf32, #tpu.memory_space<vmem>> -> memref<128x128xf32, #tpu.memory_space<vmem>>
      %dma_start3A_136 = arith.constant 0 : i32
      %dma_start3A_137 = tpu.memref_slice %arg11[%add3A_14, %dma_start3A_136] : memref<10112x128xf32, #tpu.memory_space<vmem_shared>> -> memref<128x128xf32, #tpu.memory_space<vmem_shared>>
      %dma_start3A_138 = arith.constant 0 : i32
      %dma_start3A_139 = tpu.memref_slice %arg11[%add3A_14, %dma_start3A_138] : memref<10112x128xf32, #tpu.memory_space<vmem_shared>> -> memref<128x128xf32, #tpu.memory_space<vmem_shared>>
      %dma_start3A_140 = arith.constant 0 : i32
      %dma_start3A_141 = arith.constant 0 : i32
      %dma_start3A_142 = tpu.memref_slice %arg10[%dma_start3A_140, %dma_start3A_141] : memref<128x128xf32, #tpu.memory_space<vmem>> -> memref<128x128xf32, #tpu.memory_space<vmem>>
      tpu.enqueue_dma source(%dma_start3A_142 : memref<128x128xf32, #tpu.memory_space<vmem>>) target(%dma_start3A_139 : memref<128x128xf32, #tpu.memory_space<vmem_shared>>) target_semaphore(%run_scoped3A : memref<!tpu.dma_semaphore, #tpu.memory_space<semaphore_mem>>)
      %dma_wait3A = arith.constant 0 : i32
      %dma_wait3A_143 = arith.constant 0 : i32
      %dma_wait3A_144 = tpu.memref_slice %arg10[%dma_wait3A, %dma_wait3A_143] : memref<128x128xf32, #tpu.memory_space<vmem>> -> memref<128x128xf32, #tpu.memory_space<vmem>>
      %dma_wait3A_145 = arith.constant 0 : i32
      %dma_wait3A_146 = tpu.memref_slice %arg11[%add3A_14, %dma_wait3A_145] : memref<10112x128xf32, #tpu.memory_space<vmem_shared>> -> memref<128x128xf32, #tpu.memory_space<vmem_shared>>
      %dma_wait3A_147 = arith.constant 0 : i32
      %dma_wait3A_148 = tpu.memref_slice %arg11[%add3A_14, %dma_wait3A_147] : memref<10112x128xf32, #tpu.memory_space<vmem_shared>> -> memref<128x128xf32, #tpu.memory_space<vmem_shared>>
      %dma_wait3A_149 = arith.constant 0 : i32
      %dma_wait3A_150 = arith.constant 0 : i32
      %dma_wait3A_151 = tpu.memref_slice %arg10[%dma_wait3A_149, %dma_wait3A_150] : memref<128x128xf32, #tpu.memory_space<vmem>> -> memref<128x128xf32, #tpu.memory_space<vmem>>
      tpu.wait_dma2 semaphore(%run_scoped3A : memref<!tpu.dma_semaphore, #tpu.memory_space<semaphore_mem>>) src(%dma_wait3A_151 : memref<128x128xf32, #tpu.memory_space<vmem>>) dst(%dma_wait3A_148 : memref<128x128xf32, #tpu.memory_space<vmem_shared>>)
      tpu.yield
    }) : () -> ()
    %add3A_15 = arith.constant 384 : i32
    %add3A_16 = arith.addi %mul3A_0, %add3A_15 : i32
    "tpu.region"() ({
      %run_scoped3A = tpu.sem_alloc : memref<!tpu.dma_semaphore, #tpu.memory_space<semaphore_mem>>
      %dma_start3A = arith.constant 0 : i32
      %dma_start3A_134 = arith.constant 0 : i32
      %dma_start3A_135 = tpu.memref_slice %arg10[%dma_start3A, %dma_start3A_134] : memref<128x128xf32, #tpu.memory_space<vmem>> -> memref<128x128xf32, #tpu.memory_space<vmem>>
      %dma_start3A_136 = arith.constant 0 : i32
      %dma_start3A_137 = tpu.memref_slice %arg11[%add3A_16, %dma_start3A_136] : memref<10112x128xf32, #tpu.memory_space<vmem_shared>> -> memref<128x128xf32, #tpu.memory_space<vmem_shared>>
      %dma_start3A_138 = arith.constant 0 : i32
      %dma_start3A_139 = tpu.memref_slice %arg11[%add3A_16, %dma_start3A_138] : memref<10112x128xf32, #tpu.memory_space<vmem_shared>> -> memref<128x128xf32, #tpu.memory_space<vmem_shared>>
      %dma_start3A_140 = arith.constant 0 : i32
      %dma_start3A_141 = arith.constant 0 : i32
      %dma_start3A_142 = tpu.memref_slice %arg10[%dma_start3A_140, %dma_start3A_141] : memref<128x128xf32, #tpu.memory_space<vmem>> -> memref<128x128xf32, #tpu.memory_space<vmem>>
      tpu.enqueue_dma source(%dma_start3A_142 : memref<128x128xf32, #tpu.memory_space<vmem>>) target(%dma_start3A_139 : memref<128x128xf32, #tpu.memory_space<vmem_shared>>) target_semaphore(%run_scoped3A : memref<!tpu.dma_semaphore, #tpu.memory_space<semaphore_mem>>)
      %dma_wait3A = arith.constant 0 : i32
      %dma_wait3A_143 = arith.constant 0 : i32
      %dma_wait3A_144 = tpu.memref_slice %arg10[%dma_wait3A, %dma_wait3A_143] : memref<128x128xf32, #tpu.memory_space<vmem>> -> memref<128x128xf32, #tpu.memory_space<vmem>>
      %dma_wait3A_145 = arith.constant 0 : i32
      %dma_wait3A_146 = tpu.memref_slice %arg11[%add3A_16, %dma_wait3A_145] : memref<10112x128xf32, #tpu.memory_space<vmem_shared>> -> memref<128x128xf32, #tpu.memory_space<vmem_shared>>
      %dma_wait3A_147 = arith.constant 0 : i32
      %dma_wait3A_148 = tpu.memref_slice %arg11[%add3A_16, %dma_wait3A_147] : memref<10112x128xf32, #tpu.memory_space<vmem_shared>> -> memref<128x128xf32, #tpu.memory_space<vmem_shared>>
      %dma_wait3A_149 = arith.constant 0 : i32
      %dma_wait3A_150 = arith.constant 0 : i32
      %dma_wait3A_151 = tpu.memref_slice %arg10[%dma_wait3A_149, %dma_wait3A_150] : memref<128x128xf32, #tpu.memory_space<vmem>> -> memref<128x128xf32, #tpu.memory_space<vmem>>
      tpu.wait_dma2 semaphore(%run_scoped3A : memref<!tpu.dma_semaphore, #tpu.memory_space<semaphore_mem>>) src(%dma_wait3A_151 : memref<128x128xf32, #tpu.memory_space<vmem>>) dst(%dma_wait3A_148 : memref<128x128xf32, #tpu.memory_space<vmem_shared>>)
      tpu.yield
    }) : () -> ()
    %add3A_17 = arith.constant 512 : i32
    %add3A_18 = arith.addi %mul3A_0, %add3A_17 : i32
    "tpu.region"() ({
      %run_scoped3A = tpu.sem_alloc : memref<!tpu.dma_semaphore, #tpu.memory_space<semaphore_mem>>
      %dma_start3A = arith.constant 0 : i32
      %dma_start3A_134 = arith.constant 0 : i32
      %dma_start3A_135 = tpu.memref_slice %arg10[%dma_start3A, %dma_start3A_134] : memref<128x128xf32, #tpu.memory_space<vmem>> -> memref<120x128xf32, #tpu.memory_space<vmem>>
      %dma_start3A_136 = arith.constant 0 : i32
      %dma_start3A_137 = tpu.memref_slice %arg11[%add3A_18, %dma_start3A_136] : memref<10112x128xf32, #tpu.memory_space<vmem_shared>> -> memref<120x128xf32, #tpu.memory_space<vmem_shared>>
      %dma_start3A_138 = arith.constant 0 : i32
      %dma_start3A_139 = tpu.memref_slice %arg11[%add3A_18, %dma_start3A_138] : memref<10112x128xf32, #tpu.memory_space<vmem_shared>> -> memref<120x128xf32, #tpu.memory_space<vmem_shared>>
      %dma_start3A_140 = arith.constant 0 : i32
      %dma_start3A_141 = arith.constant 0 : i32
      %dma_start3A_142 = tpu.memref_slice %arg10[%dma_start3A_140, %dma_start3A_141] : memref<128x128xf32, #tpu.memory_space<vmem>> -> memref<120x128xf32, #tpu.memory_space<vmem>>
      tpu.enqueue_dma source(%dma_start3A_142 : memref<120x128xf32, #tpu.memory_space<vmem>>) target(%dma_start3A_139 : memref<120x128xf32, #tpu.memory_space<vmem_shared>>) target_semaphore(%run_scoped3A : memref<!tpu.dma_semaphore, #tpu.memory_space<semaphore_mem>>)
      %dma_wait3A = arith.constant 0 : i32
      %dma_wait3A_143 = arith.constant 0 : i32
      %dma_wait3A_144 = tpu.memref_slice %arg10[%dma_wait3A, %dma_wait3A_143] : memref<128x128xf32, #tpu.memory_space<vmem>> -> memref<120x128xf32, #tpu.memory_space<vmem>>
      %dma_wait3A_145 = arith.constant 0 : i32
      %dma_wait3A_146 = tpu.memref_slice %arg11[%add3A_18, %dma_wait3A_145] : memref<10112x128xf32, #tpu.memory_space<vmem_shared>> -> memref<120x128xf32, #tpu.memory_space<vmem_shared>>
      %dma_wait3A_147 = arith.constant 0 : i32
      %dma_wait3A_148 = tpu.memref_slice %arg11[%add3A_18, %dma_wait3A_147] : memref<10112x128xf32, #tpu.memory_space<vmem_shared>> -> memref<120x128xf32, #tpu.memory_space<vmem_shared>>
      %dma_wait3A_149 = arith.constant 0 : i32
      %dma_wait3A_150 = arith.constant 0 : i32
      %dma_wait3A_151 = tpu.memref_slice %arg10[%dma_wait3A_149, %dma_wait3A_150] : memref<128x128xf32, #tpu.memory_space<vmem>> -> memref<120x128xf32, #tpu.memory_space<vmem>>
      tpu.wait_dma2 semaphore(%run_scoped3A : memref<!tpu.dma_semaphore, #tpu.memory_space<semaphore_mem>>) src(%dma_wait3A_151 : memref<120x128xf32, #tpu.memory_space<vmem>>) dst(%dma_wait3A_148 : memref<120x128xf32, #tpu.memory_space<vmem_shared>>)
      tpu.yield
    }) : () -> ()
    %barrier3A = arith.constant 0 : index
    tpu.barrier barrier_id(%barrier3A)
    %mul3A_19 = arith.constant 16 : i32
    %mul3A_20 = arith.muli %add3A_3, %mul3A_19 : i32
    %add3A_21 = arith.addi %mul3A_20, %arg1 : i32
    %mul3A_22 = arith.constant 79 : i32
    %mul3A_23 = arith.muli %add3A_21, %mul3A_22 : i32
    "tpu.region"() ({
      %run_scoped3A = tpu.sem_alloc : memref<!tpu.dma_semaphore, #tpu.memory_space<semaphore_mem>>
      %dma_start3A = arith.constant 0 : i32
      %dma_start3A_134 = tpu.memref_slice %arg3[%mul3A_23, %dma_start3A] : memref<5056x128xi32, #tpu.memory_space<hbm>> -> memref<1x128xi32, #tpu.memory_space<hbm>>
      %dma_start3A_135 = tpu.memref_squeeze %dma_start3A_134 : memref<1x128xi32, #tpu.memory_space<hbm>> -> memref<128xi32, #tpu.memory_space<hbm>>
      %dma_start3A_136 = arith.constant 0 : i32
      %dma_start3A_137 = tpu.memref_slice %arg3[%mul3A_23, %dma_start3A_136] : memref<5056x128xi32, #tpu.memory_space<hbm>> -> memref<1x128xi32, #tpu.memory_space<hbm>>
      %dma_start3A_138 = tpu.memref_squeeze %dma_start3A_137 : memref<1x128xi32, #tpu.memory_space<hbm>> -> memref<128xi32, #tpu.memory_space<hbm>>
      tpu.enqueue_dma source(%dma_start3A_138 : memref<128xi32, #tpu.memory_space<hbm>>) target(%arg7 : memref<128xi32, #tpu.memory_space<vmem>>) target_semaphore(%run_scoped3A : memref<!tpu.dma_semaphore, #tpu.memory_space<semaphore_mem>>)
      %dma_wait3A = arith.constant 0 : i32
      %dma_wait3A_139 = tpu.memref_slice %arg3[%mul3A_23, %dma_wait3A] : memref<5056x128xi32, #tpu.memory_space<hbm>> -> memref<1x128xi32, #tpu.memory_space<hbm>>
      %dma_wait3A_140 = tpu.memref_squeeze %dma_wait3A_139 : memref<1x128xi32, #tpu.memory_space<hbm>> -> memref<128xi32, #tpu.memory_space<hbm>>
      %dma_wait3A_141 = arith.constant 0 : i32
      %dma_wait3A_142 = tpu.memref_slice %arg3[%mul3A_23, %dma_wait3A_141] : memref<5056x128xi32, #tpu.memory_space<hbm>> -> memref<1x128xi32, #tpu.memory_space<hbm>>
      %dma_wait3A_143 = tpu.memref_squeeze %dma_wait3A_142 : memref<1x128xi32, #tpu.memory_space<hbm>> -> memref<128xi32, #tpu.memory_space<hbm>>
      tpu.wait_dma2 semaphore(%run_scoped3A : memref<!tpu.dma_semaphore, #tpu.memory_space<semaphore_mem>>) src(%dma_wait3A_143 : memref<128xi32, #tpu.memory_space<hbm>>) dst(%arg7 : memref<128xi32, #tpu.memory_space<vmem>>)
      tpu.yield
    }) : () -> ()
    "tpu.region"() ({
      %run_scoped3A = tpu.sem_alloc : memref<!tpu.dma_semaphore, #tpu.memory_space<semaphore_mem>>
      %dma_start3A = arith.constant 0 : i32
      %dma_start3A_134 = tpu.memref_slice %arg5[%mul3A_23, %dma_start3A] : memref<5056x128xf32, #tpu.memory_space<hbm>> -> memref<1x128xf32, #tpu.memory_space<hbm>>
      %dma_start3A_135 = tpu.memref_squeeze %dma_start3A_134 : memref<1x128xf32, #tpu.memory_space<hbm>> -> memref<128xf32, #tpu.memory_space<hbm>>
      %dma_start3A_136 = arith.constant 0 : i32
      %dma_start3A_137 = tpu.memref_slice %arg5[%mul3A_23, %dma_start3A_136] : memref<5056x128xf32, #tpu.memory_space<hbm>> -> memref<1x128xf32, #tpu.memory_space<hbm>>
      %dma_start3A_138 = tpu.memref_squeeze %dma_start3A_137 : memref<1x128xf32, #tpu.memory_space<hbm>> -> memref<128xf32, #tpu.memory_space<hbm>>
      tpu.enqueue_dma source(%dma_start3A_138 : memref<128xf32, #tpu.memory_space<hbm>>) target(%arg9 : memref<128xf32, #tpu.memory_space<vmem>>) target_semaphore(%run_scoped3A : memref<!tpu.dma_semaphore, #tpu.memory_space<semaphore_mem>>)
      %dma_wait3A = arith.constant 0 : i32
      %dma_wait3A_139 = tpu.memref_slice %arg5[%mul3A_23, %dma_wait3A] : memref<5056x128xf32, #tpu.memory_space<hbm>> -> memref<1x128xf32, #tpu.memory_space<hbm>>
      %dma_wait3A_140 = tpu.memref_squeeze %dma_wait3A_139 : memref<1x128xf32, #tpu.memory_space<hbm>> -> memref<128xf32, #tpu.memory_space<hbm>>
      %dma_wait3A_141 = arith.constant 0 : i32
      %dma_wait3A_142 = tpu.memref_slice %arg5[%mul3A_23, %dma_wait3A_141] : memref<5056x128xf32, #tpu.memory_space<hbm>> -> memref<1x128xf32, #tpu.memory_space<hbm>>
      %dma_wait3A_143 = tpu.memref_squeeze %dma_wait3A_142 : memref<1x128xf32, #tpu.memory_space<hbm>> -> memref<128xf32, #tpu.memory_space<hbm>>
      tpu.wait_dma2 semaphore(%run_scoped3A : memref<!tpu.dma_semaphore, #tpu.memory_space<semaphore_mem>>) src(%dma_wait3A_143 : memref<128xf32, #tpu.memory_space<hbm>>) dst(%arg9 : memref<128xf32, #tpu.memory_space<vmem>>)
      tpu.yield
    }) : () -> ()
    %scan3A_24 = arith.constant 0 : i32
    %scan3A_25 = arith.constant 0 : i32
    %scan3A_26 = arith.constant 79 : i32
    %scan3A_27 = arith.addi %scan3A_25, %scan3A_26 : i32
    %scan3A_28 = arith.constant 1 : i32
    scf.for %scan3A_134 = %scan3A_25 to %scan3A_27 step %scan3A_28  : i32 {
      %dma_start3A = arith.constant 0 : i32
      %dma_start3A_135 = arith.constant 0 : i32
      %dma_start3A_136 = tpu.memref_slice %arg2[%dma_start3A, %dma_start3A_135] : memref<10000x128xf32, #tpu.memory_space<hbm>> -> memref<10000x128xf32, #tpu.memory_space<hbm>>
      tpu.enqueue_indirect_dma source(%dma_start3A_136 : memref<10000x128xf32, #tpu.memory_space<hbm>>) target(%arg10 : memref<128x128xf32, #tpu.memory_space<vmem>>) offsets(%arg7 : memref<128xi32, #tpu.memory_space<vmem>>) semaphore(%arg12 : memref<!tpu.dma_semaphore, #tpu.memory_space<semaphore_mem>>)
      %add3A_137 = arith.addi %mul3A_23, %scan3A_134 : i32
      "tpu.region"() ({
        %run_scoped3A = tpu.sem_alloc : memref<!tpu.dma_semaphore, #tpu.memory_space<semaphore_mem>>
        %dma_start3A_157 = arith.constant 0 : i32
        %dma_start3A_158 = tpu.memref_slice %arg4[%add3A_137, %dma_start3A_157] : memref<5056x128xi32, #tpu.memory_space<hbm>> -> memref<1x128xi32, #tpu.memory_space<hbm>>
        %dma_start3A_159 = tpu.memref_squeeze %dma_start3A_158 : memref<1x128xi32, #tpu.memory_space<hbm>> -> memref<128xi32, #tpu.memory_space<hbm>>
        %dma_start3A_160 = arith.constant 0 : i32
        %dma_start3A_161 = tpu.memref_slice %arg4[%add3A_137, %dma_start3A_160] : memref<5056x128xi32, #tpu.memory_space<hbm>> -> memref<1x128xi32, #tpu.memory_space<hbm>>
        %dma_start3A_162 = tpu.memref_squeeze %dma_start3A_161 : memref<1x128xi32, #tpu.memory_space<hbm>> -> memref<128xi32, #tpu.memory_space<hbm>>
        tpu.enqueue_dma source(%dma_start3A_162 : memref<128xi32, #tpu.memory_space<hbm>>) target(%arg8 : memref<128xi32, #tpu.memory_space<vmem>>) target_semaphore(%run_scoped3A : memref<!tpu.dma_semaphore, #tpu.memory_space<semaphore_mem>>)
        %dma_wait3A_163 = arith.constant 0 : i32
        %dma_wait3A_164 = tpu.memref_slice %arg4[%add3A_137, %dma_wait3A_163] : memref<5056x128xi32, #tpu.memory_space<hbm>> -> memref<1x128xi32, #tpu.memory_space<hbm>>
        %dma_wait3A_165 = tpu.memref_squeeze %dma_wait3A_164 : memref<1x128xi32, #tpu.memory_space<hbm>> -> memref<128xi32, #tpu.memory_space<hbm>>
        %dma_wait3A_166 = arith.constant 0 : i32
        %dma_wait3A_167 = tpu.memref_slice %arg4[%add3A_137, %dma_wait3A_166] : memref<5056x128xi32, #tpu.memory_space<hbm>> -> memref<1x128xi32, #tpu.memory_space<hbm>>
        %dma_wait3A_168 = tpu.memref_squeeze %dma_wait3A_167 : memref<1x128xi32, #tpu.memory_space<hbm>> -> memref<128xi32, #tpu.memory_space<hbm>>
        tpu.wait_dma2 semaphore(%run_scoped3A : memref<!tpu.dma_semaphore, #tpu.memory_space<semaphore_mem>>) src(%dma_wait3A_168 : memref<128xi32, #tpu.memory_space<hbm>>) dst(%arg8 : memref<128xi32, #tpu.memory_space<vmem>>)
        tpu.yield
      }) : () -> ()
      %dma_wait3A = arith.constant 0 : i32
      %dma_wait3A_138 = arith.constant 0 : i32
      %dma_wait3A_139 = tpu.memref_slice %arg2[%dma_wait3A, %dma_wait3A_138] : memref<10000x128xf32, #tpu.memory_space<hbm>> -> memref<10000x128xf32, #tpu.memory_space<hbm>>
      tpu.wait_indirect_dma semaphore(%arg12 : memref<!tpu.dma_semaphore, #tpu.memory_space<semaphore_mem>>) src(%dma_wait3A_139 : memref<10000x128xf32, #tpu.memory_space<hbm>>) dst(%arg10 : memref<128x128xf32, #tpu.memory_space<vmem>>)
      %scan3A_140 = arith.constant 0 : i32
      %scan3A_141 = arith.constant 0 : i32
      %scan3A_142 = arith.constant 8 : i32
      %scan3A_143 = arith.addi %scan3A_141, %scan3A_142 : i32
      %scan3A_144 = arith.constant 1 : i32
      scf.for %scan3A_157 = %scan3A_141 to %scan3A_143 step %scan3A_144  : i32 {
        %mul3A_158 = arith.constant 16 : i32
        %mul3A_159 = arith.muli %scan3A_157, %mul3A_158 : i32
        %get3A = arith.index_cast %mul3A_159 : i32 to index
        %get3A_160 = tpu.vector_load %arg9[%get3A] {strides = array<i32>} : memref<128xf32, #tpu.memory_space<vmem>>, vector<16xf32>,
        %get3A_161 = vector.shape_cast %get3A_160 : vector<16xf32> to vector<16xf32>
        %slice3A = vector.extract_strided_slice %get3A_161 {offsets = [0], sizes = [1], strides = [1]} : vector<16xf32> to vector<1xf32>
        %squeeze3A = vector.extract %slice3A[0] : f32 from vector<1xf32>
        %mul3A_162 = arith.constant 16 : i32
        %mul3A_163 = arith.muli %scan3A_157, %mul3A_162 : i32
        %add3A_164 = arith.constant 0 : i32
        %add3A_165 = arith.addi %mul3A_163, %add3A_164 : i32
        %get3A_166 = arith.index_cast %add3A_165 : i32 to index
        %get3A_167 = arith.constant 0 : index
        %get3A_168 = tpu.vector_load %arg10[%get3A_166, %get3A_167] {strides = array<i32>} : memref<128x128xf32, #tpu.memory_space<vmem>>, vector<1x16xf32>,
        %get3A_169 = vector.shape_cast %get3A_168 : vector<1x16xf32> to vector<16xf32>
        %mul3A_170 = vector.broadcast %squeeze3A : f32 to vector<16xf32>
        %mul3A_171 = arith.mulf %get3A_169, %mul3A_170 : vector<16xf32>
        %swap3A = arith.index_cast %add3A_165 : i32 to index
        %swap3A_172 = arith.constant 0 : index
        %swap3A_173 = tpu.vector_load %arg10[%swap3A, %swap3A_172] {strides = array<i32>} : memref<128x128xf32, #tpu.memory_space<vmem>>, vector<1x16xf32>,
        %swap3A_174 = vector.shape_cast %swap3A_173 : vector<1x16xf32> to vector<16xf32>
        %swap3A_175 = vector.shape_cast %mul3A_171 : vector<16xf32> to vector<1x16xf32>
        tpu.vector_store %arg10[%swap3A, %swap3A_172], %swap3A_175 {strides = array<i32>} : memref<128x128xf32, #tpu.memory_space<vmem>>, vector<1x16xf32>,
        %get3A_176 = arith.index_cast %add3A_165 : i32 to index
        %get3A_177 = arith.constant 16 : index
        %get3A_178 = tpu.vector_load %arg10[%get3A_176, %get3A_177] {strides = array<i32>} : memref<128x128xf32, #tpu.memory_space<vmem>>, vector<1x16xf32>,
        %get3A_179 = vector.shape_cast %get3A_178 : vector<1x16xf32> to vector<16xf32>
        %mul3A_180 = vector.broadcast %squeeze3A : f32 to vector<16xf32>
        %mul3A_181 = arith.mulf %get3A_179, %mul3A_180 : vector<16xf32>
        %swap3A_182 = arith.index_cast %add3A_165 : i32 to index
        %swap3A_183 = arith.constant 16 : index
        %swap3A_184 = tpu.vector_load %arg10[%swap3A_182, %swap3A_183] {strides = array<i32>} : memref<128x128xf32, #tpu.memory_space<vmem>>, vector<1x16xf32>,
        %swap3A_185 = vector.shape_cast %swap3A_184 : vector<1x16xf32> to vector<16xf32>
        %swap3A_186 = vector.shape_cast %mul3A_181 : vector<16xf32> to vector<1x16xf32>
        tpu.vector_store %arg10[%swap3A_182, %swap3A_183], %swap3A_186 {strides = array<i32>} : memref<128x128xf32, #tpu.memory_space<vmem>>, vector<1x16xf32>,
        %get3A_187 = arith.index_cast %add3A_165 : i32 to index
        %get3A_188 = arith.constant 32 : index
        %get3A_189 = tpu.vector_load %arg10[%get3A_187, %get3A_188] {strides = array<i32>} : memref<128x128xf32, #tpu.memory_space<vmem>>, vector<1x16xf32>,
        %get3A_190 = vector.shape_cast %get3A_189 : vector<1x16xf32> to vector<16xf32>
        %mul3A_191 = vector.broadcast %squeeze3A : f32 to vector<16xf32>
        %mul3A_192 = arith.mulf %get3A_190, %mul3A_191 : vector<16xf32>
        %swap3A_193 = arith.index_cast %add3A_165 : i32 to index
        %swap3A_194 = arith.constant 32 : index
        %swap3A_195 = tpu.vector_load %arg10[%swap3A_193, %swap3A_194] {strides = array<i32>} : memref<128x128xf32, #tpu.memory_space<vmem>>, vector<1x16xf32>,
        %swap3A_196 = vector.shape_cast %swap3A_195 : vector<1x16xf32> to vector<16xf32>
        %swap3A_197 = vector.shape_cast %mul3A_192 : vector<16xf32> to vector<1x16xf32>
        tpu.vector_store %arg10[%swap3A_193, %swap3A_194], %swap3A_197 {strides = array<i32>} : memref<128x128xf32, #tpu.memory_space<vmem>>, vector<1x16xf32>,
        %get3A_198 = arith.index_cast %add3A_165 : i32 to index
        %get3A_199 = arith.constant 48 : index
        %get3A_200 = tpu.vector_load %arg10[%get3A_198, %get3A_199] {strides = array<i32>} : memref<128x128xf32, #tpu.memory_space<vmem>>, vector<1x16xf32>,
        %get3A_201 = vector.shape_cast %get3A_200 : vector<1x16xf32> to vector<16xf32>
        %mul3A_202 = vector.broadcast %squeeze3A : f32 to vector<16xf32>
        %mul3A_203 = arith.mulf %get3A_201, %mul3A_202 : vector<16xf32>
        %swap3A_204 = arith.index_cast %add3A_165 : i32 to index
        %swap3A_205 = arith.constant 48 : index
        %swap3A_206 = tpu.vector_load %arg10[%swap3A_204, %swap3A_205] {strides = array<i32>} : memref<128x128xf32, #tpu.memory_space<vmem>>, vector<1x16xf32>,
        %swap3A_207 = vector.shape_cast %swap3A_206 : vector<1x16xf32> to vector<16xf32>
        %swap3A_208 = vector.shape_cast %mul3A_203 : vector<16xf32> to vector<1x16xf32>
        tpu.vector_store %arg10[%swap3A_204, %swap3A_205], %swap3A_208 {strides = array<i32>} : memref<128x128xf32, #tpu.memory_space<vmem>>, vector<1x16xf32>,
        %get3A_209 = arith.index_cast %add3A_165 : i32 to index
        %get3A_210 = arith.constant 64 : index
        %get3A_211 = tpu.vector_load %arg10[%get3A_209, %get3A_210] {strides = array<i32>} : memref<128x128xf32, #tpu.memory_space<vmem>>, vector<1x16xf32>,
        %get3A_212 = vector.shape_cast %get3A_211 : vector<1x16xf32> to vector<16xf32>
        %mul3A_213 = vector.broadcast %squeeze3A : f32 to vector<16xf32>
        %mul3A_214 = arith.mulf %get3A_212, %mul3A_213 : vector<16xf32>
        %swap3A_215 = arith.index_cast %add3A_165 : i32 to index
        %swap3A_216 = arith.constant 64 : index
        %swap3A_217 = tpu.vector_load %arg10[%swap3A_215, %swap3A_216] {strides = array<i32>} : memref<128x128xf32, #tpu.memory_space<vmem>>, vector<1x16xf32>,
        %swap3A_218 = vector.shape_cast %swap3A_217 : vector<1x16xf32> to vector<16xf32>
        %swap3A_219 = vector.shape_cast %mul3A_214 : vector<16xf32> to vector<1x16xf32>
        tpu.vector_store %arg10[%swap3A_215, %swap3A_216], %swap3A_219 {strides = array<i32>} : memref<128x128xf32, #tpu.memory_space<vmem>>, vector<1x16xf32>,
        %get3A_220 = arith.index_cast %add3A_165 : i32 to index
        %get3A_221 = arith.constant 80 : index
        %get3A_222 = tpu.vector_load %arg10[%get3A_220, %get3A_221] {strides = array<i32>} : memref<128x128xf32, #tpu.memory_space<vmem>>, vector<1x16xf32>,
        %get3A_223 = vector.shape_cast %get3A_222 : vector<1x16xf32> to vector<16xf32>
        %mul3A_224 = vector.broadcast %squeeze3A : f32 to vector<16xf32>
        %mul3A_225 = arith.mulf %get3A_223, %mul3A_224 : vector<16xf32>
        %swap3A_226 = arith.index_cast %add3A_165 : i32 to index
        %swap3A_227 = arith.constant 80 : index
        %swap3A_228 = tpu.vector_load %arg10[%swap3A_226, %swap3A_227] {strides = array<i32>} : memref<128x128xf32, #tpu.memory_space<vmem>>, vector<1x16xf32>,
        %swap3A_229 = vector.shape_cast %swap3A_228 : vector<1x16xf32> to vector<16xf32>
        %swap3A_230 = vector.shape_cast %mul3A_225 : vector<16xf32> to vector<1x16xf32>
        tpu.vector_store %arg10[%swap3A_226, %swap3A_227], %swap3A_230 {strides = array<i32>} : memref<128x128xf32, #tpu.memory_space<vmem>>, vector<1x16xf32>,
        %get3A_231 = arith.index_cast %add3A_165 : i32 to index
        %get3A_232 = arith.constant 96 : index
        %get3A_233 = tpu.vector_load %arg10[%get3A_231, %get3A_232] {strides = array<i32>} : memref<128x128xf32, #tpu.memory_space<vmem>>, vector<1x16xf32>,
        %get3A_234 = vector.shape_cast %get3A_233 : vector<1x16xf32> to vector<16xf32>
        %mul3A_235 = vector.broadcast %squeeze3A : f32 to vector<16xf32>
        %mul3A_236 = arith.mulf %get3A_234, %mul3A_235 : vector<16xf32>
        %swap3A_237 = arith.index_cast %add3A_165 : i32 to index
        %swap3A_238 = arith.constant 96 : index
        %swap3A_239 = tpu.vector_load %arg10[%swap3A_237, %swap3A_238] {strides = array<i32>} : memref<128x128xf32, #tpu.memory_space<vmem>>, vector<1x16xf32>,
        %swap3A_240 = vector.shape_cast %swap3A_239 : vector<1x16xf32> to vector<16xf32>
        %swap3A_241 = vector.shape_cast %mul3A_236 : vector<16xf32> to vector<1x16xf32>
        tpu.vector_store %arg10[%swap3A_237, %swap3A_238], %swap3A_241 {strides = array<i32>} : memref<128x128xf32, #tpu.memory_space<vmem>>, vector<1x16xf32>,
        %get3A_242 = arith.index_cast %add3A_165 : i32 to index
        %get3A_243 = arith.constant 112 : index
        %get3A_244 = tpu.vector_load %arg10[%get3A_242, %get3A_243] {strides = array<i32>} : memref<128x128xf32, #tpu.memory_space<vmem>>, vector<1x16xf32>,
        %get3A_245 = vector.shape_cast %get3A_244 : vector<1x16xf32> to vector<16xf32>
        %mul3A_246 = vector.broadcast %squeeze3A : f32 to vector<16xf32>
        %mul3A_247 = arith.mulf %get3A_245, %mul3A_246 : vector<16xf32>
        %swap3A_248 = arith.index_cast %add3A_165 : i32 to index
        %swap3A_249 = arith.constant 112 : index
        %swap3A_250 = tpu.vector_load %arg10[%swap3A_248, %swap3A_249] {strides = array<i32>} : memref<128x128xf32, #tpu.memory_space<vmem>>, vector<1x16xf32>,
        %swap3A_251 = vector.shape_cast %swap3A_250 : vector<1x16xf32> to vector<16xf32>
        %swap3A_252 = vector.shape_cast %mul3A_247 : vector<16xf32> to vector<1x16xf32>
        tpu.vector_store %arg10[%swap3A_248, %swap3A_249], %swap3A_252 {strides = array<i32>} : memref<128x128xf32, #tpu.memory_space<vmem>>, vector<1x16xf32>,
        %slice3A_253 = vector.extract_strided_slice %get3A_161 {offsets = [1], sizes = [1], strides = [1]} : vector<16xf32> to vector<1xf32>
        %squeeze3A_254 = vector.extract %slice3A_253[0] : f32 from vector<1xf32>
        %mul3A_255 = arith.constant 16 : i32
        %mul3A_256 = arith.muli %scan3A_157, %mul3A_255 : i32
        %add3A_257 = arith.constant 1 : i32
        %add3A_258 = arith.addi %mul3A_256, %add3A_257 : i32
        %get3A_259 = arith.index_cast %add3A_258 : i32 to index
        %get3A_260 = arith.constant 0 : index
        %get3A_261 = tpu.vector_load %arg10[%get3A_259, %get3A_260] {strides = array<i32>} : memref<128x128xf32, #tpu.memory_space<vmem>>, vector<1x16xf32>,
        %get3A_262 = vector.shape_cast %get3A_261 : vector<1x16xf32> to vector<16xf32>
        %mul3A_263 = vector.broadcast %squeeze3A_254 : f32 to vector<16xf32>
        %mul3A_264 = arith.mulf %get3A_262, %mul3A_263 : vector<16xf32>
        %swap3A_265 = arith.index_cast %add3A_258 : i32 to index
        %swap3A_266 = arith.constant 0 : index
        %swap3A_267 = tpu.vector_load %arg10[%swap3A_265, %swap3A_266] {strides = array<i32>} : memref<128x128xf32, #tpu.memory_space<vmem>>, vector<1x16xf32>,
        %swap3A_268 = vector.shape_cast %swap3A_267 : vector<1x16xf32> to vector<16xf32>
        %swap3A_269 = vector.shape_cast %mul3A_264 : vector<16xf32> to vector<1x16xf32>
        tpu.vector_store %arg10[%swap3A_265, %swap3A_266], %swap3A_269 {strides = array<i32>} : memref<128x128xf32, #tpu.memory_space<vmem>>, vector<1x16xf32>,
        %get3A_270 = arith.index_cast %add3A_258 : i32 to index
        %get3A_271 = arith.constant 16 : index
        %get3A_272 = tpu.vector_load %arg10[%get3A_270, %get3A_271] {strides = array<i32>} : memref<128x128xf32, #tpu.memory_space<vmem>>, vector<1x16xf32>,
        %get3A_273 = vector.shape_cast %get3A_272 : vector<1x16xf32> to vector<16xf32>
        %mul3A_274 = vector.broadcast %squeeze3A_254 : f32 to vector<16xf32>
        %mul3A_275 = arith.mulf %get3A_273, %mul3A_274 : vector<16xf32>
        %swap3A_276 = arith.index_cast %add3A_258 : i32 to index
        %swap3A_277 = arith.constant 16 : index
        %swap3A_278 = tpu.vector_load %arg10[%swap3A_276, %swap3A_277] {strides = array<i32>} : memref<128x128xf32, #tpu.memory_space<vmem>>, vector<1x16xf32>,
        %swap3A_279 = vector.shape_cast %swap3A_278 : vector<1x16xf32> to vector<16xf32>
        %swap3A_280 = vector.shape_cast %mul3A_275 : vector<16xf32> to vector<1x16xf32>
        tpu.vector_store %arg10[%swap3A_276, %swap3A_277], %swap3A_280 {strides = array<i32>} : memref<128x128xf32, #tpu.memory_space<vmem>>, vector<1x16xf32>,
        %get3A_281 = arith.index_cast %add3A_258 : i32 to index
        %get3A_282 = arith.constant 32 : index
        %get3A_283 = tpu.vector_load %arg10[%get3A_281, %get3A_282] {strides = array<i32>} : memref<128x128xf32, #tpu.memory_space<vmem>>, vector<1x16xf32>,
        %get3A_284 = vector.shape_cast %get3A_283 : vector<1x16xf32> to vector<16xf32>
        %mul3A_285 = vector.broadcast %squeeze3A_254 : f32 to vector<16xf32>
        %mul3A_286 = arith.mulf %get3A_284, %mul3A_285 : vector<16xf32>
        %swap3A_287 = arith.index_cast %add3A_258 : i32 to index
        %swap3A_288 = arith.constant 32 : index
        %swap3A_289 = tpu.vector_load %arg10[%swap3A_287, %swap3A_288] {strides = array<i32>} : memref<128x128xf32, #tpu.memory_space<vmem>>, vector<1x16xf32>,
        %swap3A_290 = vector.shape_cast %swap3A_289 : vector<1x16xf32> to vector<16xf32>
        %swap3A_291 = vector.shape_cast %mul3A_286 : vector<16xf32> to vector<1x16xf32>
        tpu.vector_store %arg10[%swap3A_287, %swap3A_288], %swap3A_291 {strides = array<i32>} : memref<128x128xf32, #tpu.memory_space<vmem>>, vector<1x16xf32>,
        %get3A_292 = arith.index_cast %add3A_258 : i32 to index
        %get3A_293 = arith.constant 48 : index
        %get3A_294 = tpu.vector_load %arg10[%get3A_292, %get3A_293] {strides = array<i32>} : memref<128x128xf32, #tpu.memory_space<vmem>>, vector<1x16xf32>,
        %get3A_295 = vector.shape_cast %get3A_294 : vector<1x16xf32> to vector<16xf32>
        %mul3A_296 = vector.broadcast %squeeze3A_254 : f32 to vector<16xf32>
        %mul3A_297 = arith.mulf %get3A_295, %mul3A_296 : vector<16xf32>
        %swap3A_298 = arith.index_cast %add3A_258 : i32 to index
        %swap3A_299 = arith.constant 48 : index
        %swap3A_300 = tpu.vector_load %arg10[%swap3A_298, %swap3A_299] {strides = array<i32>} : memref<128x128xf32, #tpu.memory_space<vmem>>, vector<1x16xf32>,
        %swap3A_301 = vector.shape_cast %swap3A_300 : vector<1x16xf32> to vector<16xf32>
        %swap3A_302 = vector.shape_cast %mul3A_297 : vector<16xf32> to vector<1x16xf32>
        tpu.vector_store %arg10[%swap3A_298, %swap3A_299], %swap3A_302 {strides = array<i32>} : memref<128x128xf32, #tpu.memory_space<vmem>>, vector<1x16xf32>,
        %get3A_303 = arith.index_cast %add3A_258 : i32 to index
        %get3A_304 = arith.constant 64 : index
        %get3A_305 = tpu.vector_load %arg10[%get3A_303, %get3A_304] {strides = array<i32>} : memref<128x128xf32, #tpu.memory_space<vmem>>, vector<1x16xf32>,
        %get3A_306 = vector.shape_cast %get3A_305 : vector<1x16xf32> to vector<16xf32>
        %mul3A_307 = vector.broadcast %squeeze3A_254 : f32 to vector<16xf32>
        %mul3A_308 = arith.mulf %get3A_306, %mul3A_307 : vector<16xf32>
        %swap3A_309 = arith.index_cast %add3A_258 : i32 to index
        %swap3A_310 = arith.constant 64 : index
        %swap3A_311 = tpu.vector_load %arg10[%swap3A_309, %swap3A_310] {strides = array<i32>} : memref<128x128xf32, #tpu.memory_space<vmem>>, vector<1x16xf32>,
        %swap3A_312 = vector.shape_cast %swap3A_311 : vector<1x16xf32> to vector<16xf32>
        %swap3A_313 = vector.shape_cast %mul3A_308 : vector<16xf32> to vector<1x16xf32>
        tpu.vector_store %arg10[%swap3A_309, %swap3A_310], %swap3A_313 {strides = array<i32>} : memref<128x128xf32, #tpu.memory_space<vmem>>, vector<1x16xf32>,
        %get3A_314 = arith.index_cast %add3A_258 : i32 to index
        %get3A_315 = arith.constant 80 : index
        %get3A_316 = tpu.vector_load %arg10[%get3A_314, %get3A_315] {strides = array<i32>} : memref<128x128xf32, #tpu.memory_space<vmem>>, vector<1x16xf32>,
        %get3A_317 = vector.shape_cast %get3A_316 : vector<1x16xf32> to vector<16xf32>
        %mul3A_318 = vector.broadcast %squeeze3A_254 : f32 to vector<16xf32>
        %mul3A_319 = arith.mulf %get3A_317, %mul3A_318 : vector<16xf32>
        %swap3A_320 = arith.index_cast %add3A_258 : i32 to index
        %swap3A_321 = arith.constant 80 : index
        %swap3A_322 = tpu.vector_load %arg10[%swap3A_320, %swap3A_321] {strides = array<i32>} : memref<128x128xf32, #tpu.memory_space<vmem>>, vector<1x16xf32>,
        %swap3A_323 = vector.shape_cast %swap3A_322 : vector<1x16xf32> to vector<16xf32>
        %swap3A_324 = vector.shape_cast %mul3A_319 : vector<16xf32> to vector<1x16xf32>
        tpu.vector_store %arg10[%swap3A_320, %swap3A_321], %swap3A_324 {strides = array<i32>} : memref<128x128xf32, #tpu.memory_space<vmem>>, vector<1x16xf32>,
        %get3A_325 = arith.index_cast %add3A_258 : i32 to index
        %get3A_326 = arith.constant 96 : index
        %get3A_327 = tpu.vector_load %arg10[%get3A_325, %get3A_326] {strides = array<i32>} : memref<128x128xf32, #tpu.memory_space<vmem>>, vector<1x16xf32>,
        %get3A_328 = vector.shape_cast %get3A_327 : vector<1x16xf32> to vector<16xf32>
        %mul3A_329 = vector.broadcast %squeeze3A_254 : f32 to vector<16xf32>
        %mul3A_330 = arith.mulf %get3A_328, %mul3A_329 : vector<16xf32>
        %swap3A_331 = arith.index_cast %add3A_258 : i32 to index
        %swap3A_332 = arith.constant 96 : index
        %swap3A_333 = tpu.vector_load %arg10[%swap3A_331, %swap3A_332] {strides = array<i32>} : memref<128x128xf32, #tpu.memory_space<vmem>>, vector<1x16xf32>,
        %swap3A_334 = vector.shape_cast %swap3A_333 : vector<1x16xf32> to vector<16xf32>
        %swap3A_335 = vector.shape_cast %mul3A_330 : vector<16xf32> to vector<1x16xf32>
        tpu.vector_store %arg10[%swap3A_331, %swap3A_332], %swap3A_335 {strides = array<i32>} : memref<128x128xf32, #tpu.memory_space<vmem>>, vector<1x16xf32>,
        %get3A_336 = arith.index_cast %add3A_258 : i32 to index
        %get3A_337 = arith.constant 112 : index
        %get3A_338 = tpu.vector_load %arg10[%get3A_336, %get3A_337] {strides = array<i32>} : memref<128x128xf32, #tpu.memory_space<vmem>>, vector<1x16xf32>,
        %get3A_339 = vector.shape_cast %get3A_338 : vector<1x16xf32> to vector<16xf32>
        %mul3A_340 = vector.broadcast %squeeze3A_254 : f32 to vector<16xf32>
        %mul3A_341 = arith.mulf %get3A_339, %mul3A_340 : vector<16xf32>
        %swap3A_342 = arith.index_cast %add3A_258 : i32 to index
        %swap3A_343 = arith.constant 112 : index
        %swap3A_344 = tpu.vector_load %arg10[%swap3A_342, %swap3A_343] {strides = array<i32>} : memref<128x128xf32, #tpu.memory_space<vmem>>, vector<1x16xf32>,
        %swap3A_345 = vector.shape_cast %swap3A_344 : vector<1x16xf32> to vector<16xf32>
        %swap3A_346 = vector.shape_cast %mul3A_341 : vector<16xf32> to vector<1x16xf32>
        tpu.vector_store %arg10[%swap3A_342, %swap3A_343], %swap3A_346 {strides = array<i32>} : memref<128x128xf32, #tpu.memory_space<vmem>>, vector<1x16xf32>,
        %slice3A_347 = vector.extract_strided_slice %get3A_161 {offsets = [2], sizes = [1], strides = [1]} : vector<16xf32> to vector<1xf32>
        %squeeze3A_348 = vector.extract %slice3A_347[0] : f32 from vector<1xf32>
        %mul3A_349 = arith.constant 16 : i32
        %mul3A_350 = arith.muli %scan3A_157, %mul3A_349 : i32
        %add3A_351 = arith.constant 2 : i32
        %add3A_352 = arith.addi %mul3A_350, %add3A_351 : i32
        %get3A_353 = arith.index_cast %add3A_352 : i32 to index
        %get3A_354 = arith.constant 0 : index
        %get3A_355 = tpu.vector_load %arg10[%get3A_353, %get3A_354] {strides = array<i32>} : memref<128x128xf32, #tpu.memory_space<vmem>>, vector<1x16xf32>,
        %get3A_356 = vector.shape_cast %get3A_355 : vector<1x16xf32> to vector<16xf32>
        %mul3A_357 = vector.broadcast %squeeze3A_348 : f32 to vector<16xf32>
        %mul3A_358 = arith.mulf %get3A_356, %mul3A_357 : vector<16xf32>
        %swap3A_359 = arith.index_cast %add3A_352 : i32 to index
        %swap3A_360 = arith.constant 0 : index
        %swap3A_361 = tpu.vector_load %arg10[%swap3A_359, %swap3A_360] {strides = array<i32>} : memref<128x128xf32, #tpu.memory_space<vmem>>, vector<1x16xf32>,
        %swap3A_362 = vector.shape_cast %swap3A_361 : vector<1x16xf32> to vector<16xf32>
        %swap3A_363 = vector.shape_cast %mul3A_358 : vector<16xf32> to vector<1x16xf32>
        tpu.vector_store %arg10[%swap3A_359, %swap3A_360], %swap3A_363 {strides = array<i32>} : memref<128x128xf32, #tpu.memory_space<vmem>>, vector<1x16xf32>,
        %get3A_364 = arith.index_cast %add3A_352 : i32 to index
        %get3A_365 = arith.constant 16 : index
        %get3A_366 = tpu.vector_load %arg10[%get3A_364, %get3A_365] {strides = array<i32>} : memref<128x128xf32, #tpu.memory_space<vmem>>, vector<1x16xf32>,
        %get3A_367 = vector.shape_cast %get3A_366 : vector<1x16xf32> to vector<16xf32>
        %mul3A_368 = vector.broadcast %squeeze3A_348 : f32 to vector<16xf32>
        %mul3A_369 = arith.mulf %get3A_367, %mul3A_368 : vector<16xf32>
        %swap3A_370 = arith.index_cast %add3A_352 : i32 to index
        %swap3A_371 = arith.constant 16 : index
        %swap3A_372 = tpu.vector_load %arg10[%swap3A_370, %swap3A_371] {strides = array<i32>} : memref<128x128xf32, #tpu.memory_space<vmem>>, vector<1x16xf32>,
        %swap3A_373 = vector.shape_cast %swap3A_372 : vector<1x16xf32> to vector<16xf32>
        %swap3A_374 = vector.shape_cast %mul3A_369 : vector<16xf32> to vector<1x16xf32>
        tpu.vector_store %arg10[%swap3A_370, %swap3A_371], %swap3A_374 {strides = array<i32>} : memref<128x128xf32, #tpu.memory_space<vmem>>, vector<1x16xf32>,
        %get3A_375 = arith.index_cast %add3A_352 : i32 to index
        %get3A_376 = arith.constant 32 : index
        %get3A_377 = tpu.vector_load %arg10[%get3A_375, %get3A_376] {strides = array<i32>} : memref<128x128xf32, #tpu.memory_space<vmem>>, vector<1x16xf32>,
        %get3A_378 = vector.shape_cast %get3A_377 : vector<1x16xf32> to vector<16xf32>
        %mul3A_379 = vector.broadcast %squeeze3A_348 : f32 to vector<16xf32>
        %mul3A_380 = arith.mulf %get3A_378, %mul3A_379 : vector<16xf32>
        %swap3A_381 = arith.index_cast %add3A_352 : i32 to index
        %swap3A_382 = arith.constant 32 : index
        %swap3A_383 = tpu.vector_load %arg10[%swap3A_381, %swap3A_382] {strides = array<i32>} : memref<128x128xf32, #tpu.memory_space<vmem>>, vector<1x16xf32>,
        %swap3A_384 = vector.shape_cast %swap3A_383 : vector<1x16xf32> to vector<16xf32>
        %swap3A_385 = vector.shape_cast %mul3A_380 : vector<16xf32> to vector<1x16xf32>
        tpu.vector_store %arg10[%swap3A_381, %swap3A_382], %swap3A_385 {strides = array<i32>} : memref<128x128xf32, #tpu.memory_space<vmem>>, vector<1x16xf32>,
        %get3A_386 = arith.index_cast %add3A_352 : i32 to index
        %get3A_387 = arith.constant 48 : index
        %get3A_388 = tpu.vector_load %arg10[%get3A_386, %get3A_387] {strides = array<i32>} : memref<128x128xf32, #tpu.memory_space<vmem>>, vector<1x16xf32>,
        %get3A_389 = vector.shape_cast %get3A_388 : vector<1x16xf32> to vector<16xf32>
        %mul3A_390 = vector.broadcast %squeeze3A_348 : f32 to vector<16xf32>
        %mul3A_391 = arith.mulf %get3A_389, %mul3A_390 : vector<16xf32>
        %swap3A_392 = arith.index_cast %add3A_352 : i32 to index
        %swap3A_393 = arith.constant 48 : index
        %swap3A_394 = tpu.vector_load %arg10[%swap3A_392, %swap3A_393] {strides = array<i32>} : memref<128x128xf32, #tpu.memory_space<vmem>>, vector<1x16xf32>,
        %swap3A_395 = vector.shape_cast %swap3A_394 : vector<1x16xf32> to vector<16xf32>
        %swap3A_396 = vector.shape_cast %mul3A_391 : vector<16xf32> to vector<1x16xf32>
        tpu.vector_store %arg10[%swap3A_392, %swap3A_393], %swap3A_396 {strides = array<i32>} : memref<128x128xf32, #tpu.memory_space<vmem>>, vector<1x16xf32>,
        %get3A_397 = arith.index_cast %add3A_352 : i32 to index
        %get3A_398 = arith.constant 64 : index
        %get3A_399 = tpu.vector_load %arg10[%get3A_397, %get3A_398] {strides = array<i32>} : memref<128x128xf32, #tpu.memory_space<vmem>>, vector<1x16xf32>,
        %get3A_400 = vector.shape_cast %get3A_399 : vector<1x16xf32> to vector<16xf32>
        %mul3A_401 = vector.broadcast %squeeze3A_348 : f32 to vector<16xf32>
        %mul3A_402 = arith.mulf %get3A_400, %mul3A_401 : vector<16xf32>
        %swap3A_403 = arith.index_cast %add3A_352 : i32 to index
        %swap3A_404 = arith.constant 64 : index
        %swap3A_405 = tpu.vector_load %arg10[%swap3A_403, %swap3A_404] {strides = array<i32>} : memref<128x128xf32, #tpu.memory_space<vmem>>, vector<1x16xf32>,
        %swap3A_406 = vector.shape_cast %swap3A_405 : vector<1x16xf32> to vector<16xf32>
        %swap3A_407 = vector.shape_cast %mul3A_402 : vector<16xf32> to vector<1x16xf32>
        tpu.vector_store %arg10[%swap3A_403, %swap3A_404], %swap3A_407 {strides = array<i32>} : memref<128x128xf32, #tpu.memory_space<vmem>>, vector<1x16xf32>,
        %get3A_408 = arith.index_cast %add3A_352 : i32 to index
        %get3A_409 = arith.constant 80 : index
        %get3A_410 = tpu.vector_load %arg10[%get3A_408, %get3A_409] {strides = array<i32>} : memref<128x128xf32, #tpu.memory_space<vmem>>, vector<1x16xf32>,
        %get3A_411 = vector.shape_cast %get3A_410 : vector<1x16xf32> to vector<16xf32>
        %mul3A_412 = vector.broadcast %squeeze3A_348 : f32 to vector<16xf32>
        %mul3A_413 = arith.mulf %get3A_411, %mul3A_412 : vector<16xf32>
        %swap3A_414 = arith.index_cast %add3A_352 : i32 to index
        %swap3A_415 = arith.constant 80 : index
        %swap3A_416 = tpu.vector_load %arg10[%swap3A_414, %swap3A_415] {strides = array<i32>} : memref<128x128xf32, #tpu.memory_space<vmem>>, vector<1x16xf32>,
        %swap3A_417 = vector.shape_cast %swap3A_416 : vector<1x16xf32> to vector<16xf32>
        %swap3A_418 = vector.shape_cast %mul3A_413 : vector<16xf32> to vector<1x16xf32>
        tpu.vector_store %arg10[%swap3A_414, %swap3A_415], %swap3A_418 {strides = array<i32>} : memref<128x128xf32, #tpu.memory_space<vmem>>, vector<1x16xf32>,
        %get3A_419 = arith.index_cast %add3A_352 : i32 to index
        %get3A_420 = arith.constant 96 : index
        %get3A_421 = tpu.vector_load %arg10[%get3A_419, %get3A_420] {strides = array<i32>} : memref<128x128xf32, #tpu.memory_space<vmem>>, vector<1x16xf32>,
        %get3A_422 = vector.shape_cast %get3A_421 : vector<1x16xf32> to vector<16xf32>
        %mul3A_423 = vector.broadcast %squeeze3A_348 : f32 to vector<16xf32>
        %mul3A_424 = arith.mulf %get3A_422, %mul3A_423 : vector<16xf32>
        %swap3A_425 = arith.index_cast %add3A_352 : i32 to index
        %swap3A_426 = arith.constant 96 : index
        %swap3A_427 = tpu.vector_load %arg10[%swap3A_425, %swap3A_426] {strides = array<i32>} : memref<128x128xf32, #tpu.memory_space<vmem>>, vector<1x16xf32>,
        %swap3A_428 = vector.shape_cast %swap3A_427 : vector<1x16xf32> to vector<16xf32>
        %swap3A_429 = vector.shape_cast %mul3A_424 : vector<16xf32> to vector<1x16xf32>
        tpu.vector_store %arg10[%swap3A_425, %swap3A_426], %swap3A_429 {strides = array<i32>} : memref<128x128xf32, #tpu.memory_space<vmem>>, vector<1x16xf32>,
        %get3A_430 = arith.index_cast %add3A_352 : i32 to index
        %get3A_431 = arith.constant 112 : index
        %get3A_432 = tpu.vector_load %arg10[%get3A_430, %get3A_431] {strides = array<i32>} : memref<128x128xf32, #tpu.memory_space<vmem>>, vector<1x16xf32>,
        %get3A_433 = vector.shape_cast %get3A_432 : vector<1x16xf32> to vector<16xf32>
        %mul3A_434 = vector.broadcast %squeeze3A_348 : f32 to vector<16xf32>
        %mul3A_435 = arith.mulf %get3A_433, %mul3A_434 : vector<16xf32>
        %swap3A_436 = arith.index_cast %add3A_352 : i32 to index
        %swap3A_437 = arith.constant 112 : index
        %swap3A_438 = tpu.vector_load %arg10[%swap3A_436, %swap3A_437] {strides = array<i32>} : memref<128x128xf32, #tpu.memory_space<vmem>>, vector<1x16xf32>,
        %swap3A_439 = vector.shape_cast %swap3A_438 : vector<1x16xf32> to vector<16xf32>
        %swap3A_440 = vector.shape_cast %mul3A_435 : vector<16xf32> to vector<1x16xf32>
        tpu.vector_store %arg10[%swap3A_436, %swap3A_437], %swap3A_440 {strides = array<i32>} : memref<128x128xf32, #tpu.memory_space<vmem>>, vector<1x16xf32>,
        %slice3A_441 = vector.extract_strided_slice %get3A_161 {offsets = [3], sizes = [1], strides = [1]} : vector<16xf32> to vector<1xf32>
        %squeeze3A_442 = vector.extract %slice3A_441[0] : f32 from vector<1xf32>
        %mul3A_443 = arith.constant 16 : i32
        %mul3A_444 = arith.muli %scan3A_157, %mul3A_443 : i32
        %add3A_445 = arith.constant 3 : i32
        %add3A_446 = arith.addi %mul3A_444, %add3A_445 : i32
        %get3A_447 = arith.index_cast %add3A_446 : i32 to index
        %get3A_448 = arith.constant 0 : index
        %get3A_449 = tpu.vector_load %arg10[%get3A_447, %get3A_448] {strides = array<i32>} : memref<128x128xf32, #tpu.memory_space<vmem>>, vector<1x16xf32>,
        %get3A_450 = vector.shape_cast %get3A_449 : vector<1x16xf32> to vector<16xf32>
        %mul3A_451 = vector.broadcast %squeeze3A_442 : f32 to vector<16xf32>
        %mul3A_452 = arith.mulf %get3A_450, %mul3A_451 : vector<16xf32>
        %swap3A_453 = arith.index_cast %add3A_446 : i32 to index
        %swap3A_454 = arith.constant 0 : index
        %swap3A_455 = tpu.vector_load %arg10[%swap3A_453, %swap3A_454] {strides = array<i32>} : memref<128x128xf32, #tpu.memory_space<vmem>>, vector<1x16xf32>,
        %swap3A_456 = vector.shape_cast %swap3A_455 : vector<1x16xf32> to vector<16xf32>
        %swap3A_457 = vector.shape_cast %mul3A_452 : vector<16xf32> to vector<1x16xf32>
        tpu.vector_store %arg10[%swap3A_453, %swap3A_454], %swap3A_457 {strides = array<i32>} : memref<128x128xf32, #tpu.memory_space<vmem>>, vector<1x16xf32>,
        %get3A_458 = arith.index_cast %add3A_446 : i32 to index
        %get3A_459 = arith.constant 16 : index
        %get3A_460 = tpu.vector_load %arg10[%get3A_458, %get3A_459] {strides = array<i32>} : memref<128x128xf32, #tpu.memory_space<vmem>>, vector<1x16xf32>,
        %get3A_461 = vector.shape_cast %get3A_460 : vector<1x16xf32> to vector<16xf32>
        %mul3A_462 = vector.broadcast %squeeze3A_442 : f32 to vector<16xf32>
        %mul3A_463 = arith.mulf %get3A_461, %mul3A_462 : vector<16xf32>
        %swap3A_464 = arith.index_cast %add3A_446 : i32 to index
        %swap3A_465 = arith.constant 16 : index
        %swap3A_466 = tpu.vector_load %arg10[%swap3A_464, %swap3A_465] {strides = array<i32>} : memref<128x128xf32, #tpu.memory_space<vmem>>, vector<1x16xf32>,
        %swap3A_467 = vector.shape_cast %swap3A_466 : vector<1x16xf32> to vector<16xf32>
        %swap3A_468 = vector.shape_cast %mul3A_463 : vector<16xf32> to vector<1x16xf32>
        tpu.vector_store %arg10[%swap3A_464, %swap3A_465], %swap3A_468 {strides = array<i32>} : memref<128x128xf32, #tpu.memory_space<vmem>>, vector<1x16xf32>,
        %get3A_469 = arith.index_cast %add3A_446 : i32 to index
        %get3A_470 = arith.constant 32 : index
        %get3A_471 = tpu.vector_load %arg10[%get3A_469, %get3A_470] {strides = array<i32>} : memref<128x128xf32, #tpu.memory_space<vmem>>, vector<1x16xf32>,
        %get3A_472 = vector.shape_cast %get3A_471 : vector<1x16xf32> to vector<16xf32>
        %mul3A_473 = vector.broadcast %squeeze3A_442 : f32 to vector<16xf32>
        %mul3A_474 = arith.mulf %get3A_472, %mul3A_473 : vector<16xf32>
        %swap3A_475 = arith.index_cast %add3A_446 : i32 to index
        %swap3A_476 = arith.constant 32 : index
        %swap3A_477 = tpu.vector_load %arg10[%swap3A_475, %swap3A_476] {strides = array<i32>} : memref<128x128xf32, #tpu.memory_space<vmem>>, vector<1x16xf32>,
        %swap3A_478 = vector.shape_cast %swap3A_477 : vector<1x16xf32> to vector<16xf32>
        %swap3A_479 = vector.shape_cast %mul3A_474 : vector<16xf32> to vector<1x16xf32>
        tpu.vector_store %arg10[%swap3A_475, %swap3A_476], %swap3A_479 {strides = array<i32>} : memref<128x128xf32, #tpu.memory_space<vmem>>, vector<1x16xf32>,
        %get3A_480 = arith.index_cast %add3A_446 : i32 to index
        %get3A_481 = arith.constant 48 : index
        %get3A_482 = tpu.vector_load %arg10[%get3A_480, %get3A_481] {strides = array<i32>} : memref<128x128xf32, #tpu.memory_space<vmem>>, vector<1x16xf32>,
        %get3A_483 = vector.shape_cast %get3A_482 : vector<1x16xf32> to vector<16xf32>
        %mul3A_484 = vector.broadcast %squeeze3A_442 : f32 to vector<16xf32>
        %mul3A_485 = arith.mulf %get3A_483, %mul3A_484 : vector<16xf32>
        %swap3A_486 = arith.index_cast %add3A_446 : i32 to index
        %swap3A_487 = arith.constant 48 : index
        %swap3A_488 = tpu.vector_load %arg10[%swap3A_486, %swap3A_487] {strides = array<i32>} : memref<128x128xf32, #tpu.memory_space<vmem>>, vector<1x16xf32>,
        %swap3A_489 = vector.shape_cast %swap3A_488 : vector<1x16xf32> to vector<16xf32>
        %swap3A_490 = vector.shape_cast %mul3A_485 : vector<16xf32> to vector<1x16xf32>
        tpu.vector_store %arg10[%swap3A_486, %swap3A_487], %swap3A_490 {strides = array<i32>} : memref<128x128xf32, #tpu.memory_space<vmem>>, vector<1x16xf32>,
        %get3A_491 = arith.index_cast %add3A_446 : i32 to index
        %get3A_492 = arith.constant 64 : index
        %get3A_493 = tpu.vector_load %arg10[%get3A_491, %get3A_492] {strides = array<i32>} : memref<128x128xf32, #tpu.memory_space<vmem>>, vector<1x16xf32>,
        %get3A_494 = vector.shape_cast %get3A_493 : vector<1x16xf32> to vector<16xf32>
        %mul3A_495 = vector.broadcast %squeeze3A_442 : f32 to vector<16xf32>
        %mul3A_496 = arith.mulf %get3A_494, %mul3A_495 : vector<16xf32>
        %swap3A_497 = arith.index_cast %add3A_446 : i32 to index
        %swap3A_498 = arith.constant 64 : index
        %swap3A_499 = tpu.vector_load %arg10[%swap3A_497, %swap3A_498] {strides = array<i32>} : memref<128x128xf32, #tpu.memory_space<vmem>>, vector<1x16xf32>,
        %swap3A_500 = vector.shape_cast %swap3A_499 : vector<1x16xf32> to vector<16xf32>
        %swap3A_501 = vector.shape_cast %mul3A_496 : vector<16xf32> to vector<1x16xf32>
        tpu.vector_store %arg10[%swap3A_497, %swap3A_498], %swap3A_501 {strides = array<i32>} : memref<128x128xf32, #tpu.memory_space<vmem>>, vector<1x16xf32>,
        %get3A_502 = arith.index_cast %add3A_446 : i32 to index
        %get3A_503 = arith.constant 80 : index
        %get3A_504 = tpu.vector_load %arg10[%get3A_502, %get3A_503] {strides = array<i32>} : memref<128x128xf32, #tpu.memory_space<vmem>>, vector<1x16xf32>,
        %get3A_505 = vector.shape_cast %get3A_504 : vector<1x16xf32> to vector<16xf32>
        %mul3A_506 = vector.broadcast %squeeze3A_442 : f32 to vector<16xf32>
        %mul3A_507 = arith.mulf %get3A_505, %mul3A_506 : vector<16xf32>
        %swap3A_508 = arith.index_cast %add3A_446 : i32 to index
        %swap3A_509 = arith.constant 80 : index
        %swap3A_510 = tpu.vector_load %arg10[%swap3A_508, %swap3A_509] {strides = array<i32>} : memref<128x128xf32, #tpu.memory_space<vmem>>, vector<1x16xf32>,
        %swap3A_511 = vector.shape_cast %swap3A_510 : vector<1x16xf32> to vector<16xf32>
        %swap3A_512 = vector.shape_cast %mul3A_507 : vector<16xf32> to vector<1x16xf32>
        tpu.vector_store %arg10[%swap3A_508, %swap3A_509], %swap3A_512 {strides = array<i32>} : memref<128x128xf32, #tpu.memory_space<vmem>>, vector<1x16xf32>,
        %get3A_513 = arith.index_cast %add3A_446 : i32 to index
        %get3A_514 = arith.constant 96 : index
        %get3A_515 = tpu.vector_load %arg10[%get3A_513, %get3A_514] {strides = array<i32>} : memref<128x128xf32, #tpu.memory_space<vmem>>, vector<1x16xf32>,
        %get3A_516 = vector.shape_cast %get3A_515 : vector<1x16xf32> to vector<16xf32>
        %mul3A_517 = vector.broadcast %squeeze3A_442 : f32 to vector<16xf32>
        %mul3A_518 = arith.mulf %get3A_516, %mul3A_517 : vector<16xf32>
        %swap3A_519 = arith.index_cast %add3A_446 : i32 to index
        %swap3A_520 = arith.constant 96 : index
        %swap3A_521 = tpu.vector_load %arg10[%swap3A_519, %swap3A_520] {strides = array<i32>} : memref<128x128xf32, #tpu.memory_space<vmem>>, vector<1x16xf32>,
        %swap3A_522 = vector.shape_cast %swap3A_521 : vector<1x16xf32> to vector<16xf32>
        %swap3A_523 = vector.shape_cast %mul3A_518 : vector<16xf32> to vector<1x16xf32>
        tpu.vector_store %arg10[%swap3A_519, %swap3A_520], %swap3A_523 {strides = array<i32>} : memref<128x128xf32, #tpu.memory_space<vmem>>, vector<1x16xf32>,
        %get3A_524 = arith.index_cast %add3A_446 : i32 to index
        %get3A_525 = arith.constant 112 : index
        %get3A_526 = tpu.vector_load %arg10[%get3A_524, %get3A_525] {strides = array<i32>} : memref<128x128xf32, #tpu.memory_space<vmem>>, vector<1x16xf32>,
        %get3A_527 = vector.shape_cast %get3A_526 : vector<1x16xf32> to vector<16xf32>
        %mul3A_528 = vector.broadcast %squeeze3A_442 : f32 to vector<16xf32>
        %mul3A_529 = arith.mulf %get3A_527, %mul3A_528 : vector<16xf32>
        %swap3A_530 = arith.index_cast %add3A_446 : i32 to index
        %swap3A_531 = arith.constant 112 : index
        %swap3A_532 = tpu.vector_load %arg10[%swap3A_530, %swap3A_531] {strides = array<i32>} : memref<128x128xf32, #tpu.memory_space<vmem>>, vector<1x16xf32>,
        %swap3A_533 = vector.shape_cast %swap3A_532 : vector<1x16xf32> to vector<16xf32>
        %swap3A_534 = vector.shape_cast %mul3A_529 : vector<16xf32> to vector<1x16xf32>
        tpu.vector_store %arg10[%swap3A_530, %swap3A_531], %swap3A_534 {strides = array<i32>} : memref<128x128xf32, #tpu.memory_space<vmem>>, vector<1x16xf32>,
        %slice3A_535 = vector.extract_strided_slice %get3A_161 {offsets = [4], sizes = [1], strides = [1]} : vector<16xf32> to vector<1xf32>
        %squeeze3A_536 = vector.extract %slice3A_535[0] : f32 from vector<1xf32>
        %mul3A_537 = arith.constant 16 : i32
        %mul3A_538 = arith.muli %scan3A_157, %mul3A_537 : i32
        %add3A_539 = arith.constant 4 : i32
        %add3A_540 = arith.addi %mul3A_538, %add3A_539 : i32
        %get3A_541 = arith.index_cast %add3A_540 : i32 to index
        %get3A_542 = arith.constant 0 : index
        %get3A_543 = tpu.vector_load %arg10[%get3A_541, %get3A_542] {strides = array<i32>} : memref<128x128xf32, #tpu.memory_space<vmem>>, vector<1x16xf32>,
        %get3A_544 = vector.shape_cast %get3A_543 : vector<1x16xf32> to vector<16xf32>
        %mul3A_545 = vector.broadcast %squeeze3A_536 : f32 to vector<16xf32>
        %mul3A_546 = arith.mulf %get3A_544, %mul3A_545 : vector<16xf32>
        %swap3A_547 = arith.index_cast %add3A_540 : i32 to index
        %swap3A_548 = arith.constant 0 : index
        %swap3A_549 = tpu.vector_load %arg10[%swap3A_547, %swap3A_548] {strides = array<i32>} : memref<128x128xf32, #tpu.memory_space<vmem>>, vector<1x16xf32>,
        %swap3A_550 = vector.shape_cast %swap3A_549 : vector<1x16xf32> to vector<16xf32>
        %swap3A_551 = vector.shape_cast %mul3A_546 : vector<16xf32> to vector<1x16xf32>
        tpu.vector_store %arg10[%swap3A_547, %swap3A_548], %swap3A_551 {strides = array<i32>} : memref<128x128xf32, #tpu.memory_space<vmem>>, vector<1x16xf32>,
        %get3A_552 = arith.index_cast %add3A_540 : i32 to index
        %get3A_553 = arith.constant 16 : index
        %get3A_554 = tpu.vector_load %arg10[%get3A_552, %get3A_553] {strides = array<i32>} : memref<128x128xf32, #tpu.memory_space<vmem>>, vector<1x16xf32>,
        %get3A_555 = vector.shape_cast %get3A_554 : vector<1x16xf32> to vector<16xf32>
        %mul3A_556 = vector.broadcast %squeeze3A_536 : f32 to vector<16xf32>
        %mul3A_557 = arith.mulf %get3A_555, %mul3A_556 : vector<16xf32>
        %swap3A_558 = arith.index_cast %add3A_540 : i32 to index
        %swap3A_559 = arith.constant 16 : index
        %swap3A_560 = tpu.vector_load %arg10[%swap3A_558, %swap3A_559] {strides = array<i32>} : memref<128x128xf32, #tpu.memory_space<vmem>>, vector<1x16xf32>,
        %swap3A_561 = vector.shape_cast %swap3A_560 : vector<1x16xf32> to vector<16xf32>
        %swap3A_562 = vector.shape_cast %mul3A_557 : vector<16xf32> to vector<1x16xf32>
        tpu.vector_store %arg10[%swap3A_558, %swap3A_559], %swap3A_562 {strides = array<i32>} : memref<128x128xf32, #tpu.memory_space<vmem>>, vector<1x16xf32>,
        %get3A_563 = arith.index_cast %add3A_540 : i32 to index
        %get3A_564 = arith.constant 32 : index
        %get3A_565 = tpu.vector_load %arg10[%get3A_563, %get3A_564] {strides = array<i32>} : memref<128x128xf32, #tpu.memory_space<vmem>>, vector<1x16xf32>,
        %get3A_566 = vector.shape_cast %get3A_565 : vector<1x16xf32> to vector<16xf32>
        %mul3A_567 = vector.broadcast %squeeze3A_536 : f32 to vector<16xf32>
        %mul3A_568 = arith.mulf %get3A_566, %mul3A_567 : vector<16xf32>
        %swap3A_569 = arith.index_cast %add3A_540 : i32 to index
        %swap3A_570 = arith.constant 32 : index
        %swap3A_571 = tpu.vector_load %arg10[%swap3A_569, %swap3A_570] {strides = array<i32>} : memref<128x128xf32, #tpu.memory_space<vmem>>, vector<1x16xf32>,
        %swap3A_572 = vector.shape_cast %swap3A_571 : vector<1x16xf32> to vector<16xf32>
        %swap3A_573 = vector.shape_cast %mul3A_568 : vector<16xf32> to vector<1x16xf32>
        tpu.vector_store %arg10[%swap3A_569, %swap3A_570], %swap3A_573 {strides = array<i32>} : memref<128x128xf32, #tpu.memory_space<vmem>>, vector<1x16xf32>,
        %get3A_574 = arith.index_cast %add3A_540 : i32 to index
        %get3A_575 = arith.constant 48 : index
        %get3A_576 = tpu.vector_load %arg10[%get3A_574, %get3A_575] {strides = array<i32>} : memref<128x128xf32, #tpu.memory_space<vmem>>, vector<1x16xf32>,
        %get3A_577 = vector.shape_cast %get3A_576 : vector<1x16xf32> to vector<16xf32>
        %mul3A_578 = vector.broadcast %squeeze3A_536 : f32 to vector<16xf32>
        %mul3A_579 = arith.mulf %get3A_577, %mul3A_578 : vector<16xf32>
        %swap3A_580 = arith.index_cast %add3A_540 : i32 to index
        %swap3A_581 = arith.constant 48 : index
        %swap3A_582 = tpu.vector_load %arg10[%swap3A_580, %swap3A_581] {strides = array<i32>} : memref<128x128xf32, #tpu.memory_space<vmem>>, vector<1x16xf32>,
        %swap3A_583 = vector.shape_cast %swap3A_582 : vector<1x16xf32> to vector<16xf32>
        %swap3A_584 = vector.shape_cast %mul3A_579 : vector<16xf32> to vector<1x16xf32>
        tpu.vector_store %arg10[%swap3A_580, %swap3A_581], %swap3A_584 {strides = array<i32>} : memref<128x128xf32, #tpu.memory_space<vmem>>, vector<1x16xf32>,
        %get3A_585 = arith.index_cast %add3A_540 : i32 to index
        %get3A_586 = arith.constant 64 : index
        %get3A_587 = tpu.vector_load %arg10[%get3A_585, %get3A_586] {strides = array<i32>} : memref<128x128xf32, #tpu.memory_space<vmem>>, vector<1x16xf32>,
        %get3A_588 = vector.shape_cast %get3A_587 : vector<1x16xf32> to vector<16xf32>
        %mul3A_589 = vector.broadcast %squeeze3A_536 : f32 to vector<16xf32>
        %mul3A_590 = arith.mulf %get3A_588, %mul3A_589 : vector<16xf32>
        %swap3A_591 = arith.index_cast %add3A_540 : i32 to index
        %swap3A_592 = arith.constant 64 : index
        %swap3A_593 = tpu.vector_load %arg10[%swap3A_591, %swap3A_592] {strides = array<i32>} : memref<128x128xf32, #tpu.memory_space<vmem>>, vector<1x16xf32>,
        %swap3A_594 = vector.shape_cast %swap3A_593 : vector<1x16xf32> to vector<16xf32>
        %swap3A_595 = vector.shape_cast %mul3A_590 : vector<16xf32> to vector<1x16xf32>
        tpu.vector_store %arg10[%swap3A_591, %swap3A_592], %swap3A_595 {strides = array<i32>} : memref<128x128xf32, #tpu.memory_space<vmem>>, vector<1x16xf32>,
        %get3A_596 = arith.index_cast %add3A_540 : i32 to index
        %get3A_597 = arith.constant 80 : index
        %get3A_598 = tpu.vector_load %arg10[%get3A_596, %get3A_597] {strides = array<i32>} : memref<128x128xf32, #tpu.memory_space<vmem>>, vector<1x16xf32>,
        %get3A_599 = vector.shape_cast %get3A_598 : vector<1x16xf32> to vector<16xf32>
        %mul3A_600 = vector.broadcast %squeeze3A_536 : f32 to vector<16xf32>
        %mul3A_601 = arith.mulf %get3A_599, %mul3A_600 : vector<16xf32>
        %swap3A_602 = arith.index_cast %add3A_540 : i32 to index
        %swap3A_603 = arith.constant 80 : index
        %swap3A_604 = tpu.vector_load %arg10[%swap3A_602, %swap3A_603] {strides = array<i32>} : memref<128x128xf32, #tpu.memory_space<vmem>>, vector<1x16xf32>,
        %swap3A_605 = vector.shape_cast %swap3A_604 : vector<1x16xf32> to vector<16xf32>
        %swap3A_606 = vector.shape_cast %mul3A_601 : vector<16xf32> to vector<1x16xf32>
        tpu.vector_store %arg10[%swap3A_602, %swap3A_603], %swap3A_606 {strides = array<i32>} : memref<128x128xf32, #tpu.memory_space<vmem>>, vector<1x16xf32>,
        %get3A_607 = arith.index_cast %add3A_540 : i32 to index
        %get3A_608 = arith.constant 96 : index
        %get3A_609 = tpu.vector_load %arg10[%get3A_607, %get3A_608] {strides = array<i32>} : memref<128x128xf32, #tpu.memory_space<vmem>>, vector<1x16xf32>,
        %get3A_610 = vector.shape_cast %get3A_609 : vector<1x16xf32> to vector<16xf32>
        %mul3A_611 = vector.broadcast %squeeze3A_536 : f32 to vector<16xf32>
        %mul3A_612 = arith.mulf %get3A_610, %mul3A_611 : vector<16xf32>
        %swap3A_613 = arith.index_cast %add3A_540 : i32 to index
        %swap3A_614 = arith.constant 96 : index
        %swap3A_615 = tpu.vector_load %arg10[%swap3A_613, %swap3A_614] {strides = array<i32>} : memref<128x128xf32, #tpu.memory_space<vmem>>, vector<1x16xf32>,
        %swap3A_616 = vector.shape_cast %swap3A_615 : vector<1x16xf32> to vector<16xf32>
        %swap3A_617 = vector.shape_cast %mul3A_612 : vector<16xf32> to vector<1x16xf32>
        tpu.vector_store %arg10[%swap3A_613, %swap3A_614], %swap3A_617 {strides = array<i32>} : memref<128x128xf32, #tpu.memory_space<vmem>>, vector<1x16xf32>,
        %get3A_618 = arith.index_cast %add3A_540 : i32 to index
        %get3A_619 = arith.constant 112 : index
        %get3A_620 = tpu.vector_load %arg10[%get3A_618, %get3A_619] {strides = array<i32>} : memref<128x128xf32, #tpu.memory_space<vmem>>, vector<1x16xf32>,
        %get3A_621 = vector.shape_cast %get3A_620 : vector<1x16xf32> to vector<16xf32>
        %mul3A_622 = vector.broadcast %squeeze3A_536 : f32 to vector<16xf32>
        %mul3A_623 = arith.mulf %get3A_621, %mul3A_622 : vector<16xf32>
        %swap3A_624 = arith.index_cast %add3A_540 : i32 to index
        %swap3A_625 = arith.constant 112 : index
        %swap3A_626 = tpu.vector_load %arg10[%swap3A_624, %swap3A_625] {strides = array<i32>} : memref<128x128xf32, #tpu.memory_space<vmem>>, vector<1x16xf32>,
        %swap3A_627 = vector.shape_cast %swap3A_626 : vector<1x16xf32> to vector<16xf32>
        %swap3A_628 = vector.shape_cast %mul3A_623 : vector<16xf32> to vector<1x16xf32>
        tpu.vector_store %arg10[%swap3A_624, %swap3A_625], %swap3A_628 {strides = array<i32>} : memref<128x128xf32, #tpu.memory_space<vmem>>, vector<1x16xf32>,
        %slice3A_629 = vector.extract_strided_slice %get3A_161 {offsets = [5], sizes = [1], strides = [1]} : vector<16xf32> to vector<1xf32>
        %squeeze3A_630 = vector.extract %slice3A_629[0] : f32 from vector<1xf32>
        %mul3A_631 = arith.constant 16 : i32
        %mul3A_632 = arith.muli %scan3A_157, %mul3A_631 : i32
        %add3A_633 = arith.constant 5 : i32
        %add3A_634 = arith.addi %mul3A_632, %add3A_633 : i32
        %get3A_635 = arith.index_cast %add3A_634 : i32 to index
        %get3A_636 = arith.constant 0 : index
        %get3A_637 = tpu.vector_load %arg10[%get3A_635, %get3A_636] {strides = array<i32>} : memref<128x128xf32, #tpu.memory_space<vmem>>, vector<1x16xf32>,
        %get3A_638 = vector.shape_cast %get3A_637 : vector<1x16xf32> to vector<16xf32>
        %mul3A_639 = vector.broadcast %squeeze3A_630 : f32 to vector<16xf32>
        %mul3A_640 = arith.mulf %get3A_638, %mul3A_639 : vector<16xf32>
        %swap3A_641 = arith.index_cast %add3A_634 : i32 to index
        %swap3A_642 = arith.constant 0 : index
        %swap3A_643 = tpu.vector_load %arg10[%swap3A_641, %swap3A_642] {strides = array<i32>} : memref<128x128xf32, #tpu.memory_space<vmem>>, vector<1x16xf32>,
        %swap3A_644 = vector.shape_cast %swap3A_643 : vector<1x16xf32> to vector<16xf32>
        %swap3A_645 = vector.shape_cast %mul3A_640 : vector<16xf32> to vector<1x16xf32>
        tpu.vector_store %arg10[%swap3A_641, %swap3A_642], %swap3A_645 {strides = array<i32>} : memref<128x128xf32, #tpu.memory_space<vmem>>, vector<1x16xf32>,
        %get3A_646 = arith.index_cast %add3A_634 : i32 to index
        %get3A_647 = arith.constant 16 : index
        %get3A_648 = tpu.vector_load %arg10[%get3A_646, %get3A_647] {strides = array<i32>} : memref<128x128xf32, #tpu.memory_space<vmem>>, vector<1x16xf32>,
        %get3A_649 = vector.shape_cast %get3A_648 : vector<1x16xf32> to vector<16xf32>
        %mul3A_650 = vector.broadcast %squeeze3A_630 : f32 to vector<16xf32>
        %mul3A_651 = arith.mulf %get3A_649, %mul3A_650 : vector<16xf32>
        %swap3A_652 = arith.index_cast %add3A_634 : i32 to index
        %swap3A_653 = arith.constant 16 : index
        %swap3A_654 = tpu.vector_load %arg10[%swap3A_652, %swap3A_653] {strides = array<i32>} : memref<128x128xf32, #tpu.memory_space<vmem>>, vector<1x16xf32>,
        %swap3A_655 = vector.shape_cast %swap3A_654 : vector<1x16xf32> to vector<16xf32>
        %swap3A_656 = vector.shape_cast %mul3A_651 : vector<16xf32> to vector<1x16xf32>
        tpu.vector_store %arg10[%swap3A_652, %swap3A_653], %swap3A_656 {strides = array<i32>} : memref<128x128xf32, #tpu.memory_space<vmem>>, vector<1x16xf32>,
        %get3A_657 = arith.index_cast %add3A_634 : i32 to index
        %get3A_658 = arith.constant 32 : index
        %get3A_659 = tpu.vector_load %arg10[%get3A_657, %get3A_658] {strides = array<i32>} : memref<128x128xf32, #tpu.memory_space<vmem>>, vector<1x16xf32>,
        %get3A_660 = vector.shape_cast %get3A_659 : vector<1x16xf32> to vector<16xf32>
        %mul3A_661 = vector.broadcast %squeeze3A_630 : f32 to vector<16xf32>
        %mul3A_662 = arith.mulf %get3A_660, %mul3A_661 : vector<16xf32>
        %swap3A_663 = arith.index_cast %add3A_634 : i32 to index
        %swap3A_664 = arith.constant 32 : index
        %swap3A_665 = tpu.vector_load %arg10[%swap3A_663, %swap3A_664] {strides = array<i32>} : memref<128x128xf32, #tpu.memory_space<vmem>>, vector<1x16xf32>,
        %swap3A_666 = vector.shape_cast %swap3A_665 : vector<1x16xf32> to vector<16xf32>
        %swap3A_667 = vector.shape_cast %mul3A_662 : vector<16xf32> to vector<1x16xf32>
        tpu.vector_store %arg10[%swap3A_663, %swap3A_664], %swap3A_667 {strides = array<i32>} : memref<128x128xf32, #tpu.memory_space<vmem>>, vector<1x16xf32>,
        %get3A_668 = arith.index_cast %add3A_634 : i32 to index
        %get3A_669 = arith.constant 48 : index
        %get3A_670 = tpu.vector_load %arg10[%get3A_668, %get3A_669] {strides = array<i32>} : memref<128x128xf32, #tpu.memory_space<vmem>>, vector<1x16xf32>,
        %get3A_671 = vector.shape_cast %get3A_670 : vector<1x16xf32> to vector<16xf32>
        %mul3A_672 = vector.broadcast %squeeze3A_630 : f32 to vector<16xf32>
        %mul3A_673 = arith.mulf %get3A_671, %mul3A_672 : vector<16xf32>
        %swap3A_674 = arith.index_cast %add3A_634 : i32 to index
        %swap3A_675 = arith.constant 48 : index
        %swap3A_676 = tpu.vector_load %arg10[%swap3A_674, %swap3A_675] {strides = array<i32>} : memref<128x128xf32, #tpu.memory_space<vmem>>, vector<1x16xf32>,
        %swap3A_677 = vector.shape_cast %swap3A_676 : vector<1x16xf32> to vector<16xf32>
        %swap3A_678 = vector.shape_cast %mul3A_673 : vector<16xf32> to vector<1x16xf32>
        tpu.vector_store %arg10[%swap3A_674, %swap3A_675], %swap3A_678 {strides = array<i32>} : memref<128x128xf32, #tpu.memory_space<vmem>>, vector<1x16xf32>,
        %get3A_679 = arith.index_cast %add3A_634 : i32 to index
        %get3A_680 = arith.constant 64 : index
        %get3A_681 = tpu.vector_load %arg10[%get3A_679, %get3A_680] {strides = array<i32>} : memref<128x128xf32, #tpu.memory_space<vmem>>, vector<1x16xf32>,
        %get3A_682 = vector.shape_cast %get3A_681 : vector<1x16xf32> to vector<16xf32>
        %mul3A_683 = vector.broadcast %squeeze3A_630 : f32 to vector<16xf32>
        %mul3A_684 = arith.mulf %get3A_682, %mul3A_683 : vector<16xf32>
        %swap3A_685 = arith.index_cast %add3A_634 : i32 to index
        %swap3A_686 = arith.constant 64 : index
        %swap3A_687 = tpu.vector_load %arg10[%swap3A_685, %swap3A_686] {strides = array<i32>} : memref<128x128xf32, #tpu.memory_space<vmem>>, vector<1x16xf32>,
        %swap3A_688 = vector.shape_cast %swap3A_687 : vector<1x16xf32> to vector<16xf32>
        %swap3A_689 = vector.shape_cast %mul3A_684 : vector<16xf32> to vector<1x16xf32>
        tpu.vector_store %arg10[%swap3A_685, %swap3A_686], %swap3A_689 {strides = array<i32>} : memref<128x128xf32, #tpu.memory_space<vmem>>, vector<1x16xf32>,
        %get3A_690 = arith.index_cast %add3A_634 : i32 to index
        %get3A_691 = arith.constant 80 : index
        %get3A_692 = tpu.vector_load %arg10[%get3A_690, %get3A_691] {strides = array<i32>} : memref<128x128xf32, #tpu.memory_space<vmem>>, vector<1x16xf32>,
        %get3A_693 = vector.shape_cast %get3A_692 : vector<1x16xf32> to vector<16xf32>
        %mul3A_694 = vector.broadcast %squeeze3A_630 : f32 to vector<16xf32>
        %mul3A_695 = arith.mulf %get3A_693, %mul3A_694 : vector<16xf32>
        %swap3A_696 = arith.index_cast %add3A_634 : i32 to index
        %swap3A_697 = arith.constant 80 : index
        %swap3A_698 = tpu.vector_load %arg10[%swap3A_696, %swap3A_697] {strides = array<i32>} : memref<128x128xf32, #tpu.memory_space<vmem>>, vector<1x16xf32>,
        %swap3A_699 = vector.shape_cast %swap3A_698 : vector<1x16xf32> to vector<16xf32>
        %swap3A_700 = vector.shape_cast %mul3A_695 : vector<16xf32> to vector<1x16xf32>
        tpu.vector_store %arg10[%swap3A_696, %swap3A_697], %swap3A_700 {strides = array<i32>} : memref<128x128xf32, #tpu.memory_space<vmem>>, vector<1x16xf32>,
        %get3A_701 = arith.index_cast %add3A_634 : i32 to index
        %get3A_702 = arith.constant 96 : index
        %get3A_703 = tpu.vector_load %arg10[%get3A_701, %get3A_702] {strides = array<i32>} : memref<128x128xf32, #tpu.memory_space<vmem>>, vector<1x16xf32>,
        %get3A_704 = vector.shape_cast %get3A_703 : vector<1x16xf32> to vector<16xf32>
        %mul3A_705 = vector.broadcast %squeeze3A_630 : f32 to vector<16xf32>
        %mul3A_706 = arith.mulf %get3A_704, %mul3A_705 : vector<16xf32>
        %swap3A_707 = arith.index_cast %add3A_634 : i32 to index
        %swap3A_708 = arith.constant 96 : index
        %swap3A_709 = tpu.vector_load %arg10[%swap3A_707, %swap3A_708] {strides = array<i32>} : memref<128x128xf32, #tpu.memory_space<vmem>>, vector<1x16xf32>,
        %swap3A_710 = vector.shape_cast %swap3A_709 : vector<1x16xf32> to vector<16xf32>
        %swap3A_711 = vector.shape_cast %mul3A_706 : vector<16xf32> to vector<1x16xf32>
        tpu.vector_store %arg10[%swap3A_707, %swap3A_708], %swap3A_711 {strides = array<i32>} : memref<128x128xf32, #tpu.memory_space<vmem>>, vector<1x16xf32>,
        %get3A_712 = arith.index_cast %add3A_634 : i32 to index
        %get3A_713 = arith.constant 112 : index
        %get3A_714 = tpu.vector_load %arg10[%get3A_712, %get3A_713] {strides = array<i32>} : memref<128x128xf32, #tpu.memory_space<vmem>>, vector<1x16xf32>,
        %get3A_715 = vector.shape_cast %get3A_714 : vector<1x16xf32> to vector<16xf32>
        %mul3A_716 = vector.broadcast %squeeze3A_630 : f32 to vector<16xf32>
        %mul3A_717 = arith.mulf %get3A_715, %mul3A_716 : vector<16xf32>
        %swap3A_718 = arith.index_cast %add3A_634 : i32 to index
        %swap3A_719 = arith.constant 112 : index
        %swap3A_720 = tpu.vector_load %arg10[%swap3A_718, %swap3A_719] {strides = array<i32>} : memref<128x128xf32, #tpu.memory_space<vmem>>, vector<1x16xf32>,
        %swap3A_721 = vector.shape_cast %swap3A_720 : vector<1x16xf32> to vector<16xf32>
        %swap3A_722 = vector.shape_cast %mul3A_717 : vector<16xf32> to vector<1x16xf32>
        tpu.vector_store %arg10[%swap3A_718, %swap3A_719], %swap3A_722 {strides = array<i32>} : memref<128x128xf32, #tpu.memory_space<vmem>>, vector<1x16xf32>,
        %slice3A_723 = vector.extract_strided_slice %get3A_161 {offsets = [6], sizes = [1], strides = [1]} : vector<16xf32> to vector<1xf32>
        %squeeze3A_724 = vector.extract %slice3A_723[0] : f32 from vector<1xf32>
        %mul3A_725 = arith.constant 16 : i32
        %mul3A_726 = arith.muli %scan3A_157, %mul3A_725 : i32
        %add3A_727 = arith.constant 6 : i32
        %add3A_728 = arith.addi %mul3A_726, %add3A_727 : i32
        %get3A_729 = arith.index_cast %add3A_728 : i32 to index
        %get3A_730 = arith.constant 0 : index
        %get3A_731 = tpu.vector_load %arg10[%get3A_729, %get3A_730] {strides = array<i32>} : memref<128x128xf32, #tpu.memory_space<vmem>>, vector<1x16xf32>,
        %get3A_732 = vector.shape_cast %get3A_731 : vector<1x16xf32> to vector<16xf32>
        %mul3A_733 = vector.broadcast %squeeze3A_724 : f32 to vector<16xf32>
        %mul3A_734 = arith.mulf %get3A_732, %mul3A_733 : vector<16xf32>
        %swap3A_735 = arith.index_cast %add3A_728 : i32 to index
        %swap3A_736 = arith.constant 0 : index
        %swap3A_737 = tpu.vector_load %arg10[%swap3A_735, %swap3A_736] {strides = array<i32>} : memref<128x128xf32, #tpu.memory_space<vmem>>, vector<1x16xf32>,
        %swap3A_738 = vector.shape_cast %swap3A_737 : vector<1x16xf32> to vector<16xf32>
        %swap3A_739 = vector.shape_cast %mul3A_734 : vector<16xf32> to vector<1x16xf32>
        tpu.vector_store %arg10[%swap3A_735, %swap3A_736], %swap3A_739 {strides = array<i32>} : memref<128x128xf32, #tpu.memory_space<vmem>>, vector<1x16xf32>,
        %get3A_740 = arith.index_cast %add3A_728 : i32 to index
        %get3A_741 = arith.constant 16 : index
        %get3A_742 = tpu.vector_load %arg10[%get3A_740, %get3A_741] {strides = array<i32>} : memref<128x128xf32, #tpu.memory_space<vmem>>, vector<1x16xf32>,
        %get3A_743 = vector.shape_cast %get3A_742 : vector<1x16xf32> to vector<16xf32>
        %mul3A_744 = vector.broadcast %squeeze3A_724 : f32 to vector<16xf32>
        %mul3A_745 = arith.mulf %get3A_743, %mul3A_744 : vector<16xf32>
        %swap3A_746 = arith.index_cast %add3A_728 : i32 to index
        %swap3A_747 = arith.constant 16 : index
        %swap3A_748 = tpu.vector_load %arg10[%swap3A_746, %swap3A_747] {strides = array<i32>} : memref<128x128xf32, #tpu.memory_space<vmem>>, vector<1x16xf32>,
        %swap3A_749 = vector.shape_cast %swap3A_748 : vector<1x16xf32> to vector<16xf32>
        %swap3A_750 = vector.shape_cast %mul3A_745 : vector<16xf32> to vector<1x16xf32>
        tpu.vector_store %arg10[%swap3A_746, %swap3A_747], %swap3A_750 {strides = array<i32>} : memref<128x128xf32, #tpu.memory_space<vmem>>, vector<1x16xf32>,
        %get3A_751 = arith.index_cast %add3A_728 : i32 to index
        %get3A_752 = arith.constant 32 : index
        %get3A_753 = tpu.vector_load %arg10[%get3A_751, %get3A_752] {strides = array<i32>} : memref<128x128xf32, #tpu.memory_space<vmem>>, vector<1x16xf32>,
        %get3A_754 = vector.shape_cast %get3A_753 : vector<1x16xf32> to vector<16xf32>
        %mul3A_755 = vector.broadcast %squeeze3A_724 : f32 to vector<16xf32>
        %mul3A_756 = arith.mulf %get3A_754, %mul3A_755 : vector<16xf32>
        %swap3A_757 = arith.index_cast %add3A_728 : i32 to index
        %swap3A_758 = arith.constant 32 : index
        %swap3A_759 = tpu.vector_load %arg10[%swap3A_757, %swap3A_758] {strides = array<i32>} : memref<128x128xf32, #tpu.memory_space<vmem>>, vector<1x16xf32>,
        %swap3A_760 = vector.shape_cast %swap3A_759 : vector<1x16xf32> to vector<16xf32>
        %swap3A_761 = vector.shape_cast %mul3A_756 : vector<16xf32> to vector<1x16xf32>
        tpu.vector_store %arg10[%swap3A_757, %swap3A_758], %swap3A_761 {strides = array<i32>} : memref<128x128xf32, #tpu.memory_space<vmem>>, vector<1x16xf32>,
        %get3A_762 = arith.index_cast %add3A_728 : i32 to index
        %get3A_763 = arith.constant 48 : index
        %get3A_764 = tpu.vector_load %arg10[%get3A_762, %get3A_763] {strides = array<i32>} : memref<128x128xf32, #tpu.memory_space<vmem>>, vector<1x16xf32>,
        %get3A_765 = vector.shape_cast %get3A_764 : vector<1x16xf32> to vector<16xf32>
        %mul3A_766 = vector.broadcast %squeeze3A_724 : f32 to vector<16xf32>
        %mul3A_767 = arith.mulf %get3A_765, %mul3A_766 : vector<16xf32>
        %swap3A_768 = arith.index_cast %add3A_728 : i32 to index
        %swap3A_769 = arith.constant 48 : index
        %swap3A_770 = tpu.vector_load %arg10[%swap3A_768, %swap3A_769] {strides = array<i32>} : memref<128x128xf32, #tpu.memory_space<vmem>>, vector<1x16xf32>,
        %swap3A_771 = vector.shape_cast %swap3A_770 : vector<1x16xf32> to vector<16xf32>
        %swap3A_772 = vector.shape_cast %mul3A_767 : vector<16xf32> to vector<1x16xf32>
        tpu.vector_store %arg10[%swap3A_768, %swap3A_769], %swap3A_772 {strides = array<i32>} : memref<128x128xf32, #tpu.memory_space<vmem>>, vector<1x16xf32>,
        %get3A_773 = arith.index_cast %add3A_728 : i32 to index
        %get3A_774 = arith.constant 64 : index
        %get3A_775 = tpu.vector_load %arg10[%get3A_773, %get3A_774] {strides = array<i32>} : memref<128x128xf32, #tpu.memory_space<vmem>>, vector<1x16xf32>,
        %get3A_776 = vector.shape_cast %get3A_775 : vector<1x16xf32> to vector<16xf32>
        %mul3A_777 = vector.broadcast %squeeze3A_724 : f32 to vector<16xf32>
        %mul3A_778 = arith.mulf %get3A_776, %mul3A_777 : vector<16xf32>
        %swap3A_779 = arith.index_cast %add3A_728 : i32 to index
        %swap3A_780 = arith.constant 64 : index
        %swap3A_781 = tpu.vector_load %arg10[%swap3A_779, %swap3A_780] {strides = array<i32>} : memref<128x128xf32, #tpu.memory_space<vmem>>, vector<1x16xf32>,
        %swap3A_782 = vector.shape_cast %swap3A_781 : vector<1x16xf32> to vector<16xf32>
        %swap3A_783 = vector.shape_cast %mul3A_778 : vector<16xf32> to vector<1x16xf32>
        tpu.vector_store %arg10[%swap3A_779, %swap3A_780], %swap3A_783 {strides = array<i32>} : memref<128x128xf32, #tpu.memory_space<vmem>>, vector<1x16xf32>,
        %get3A_784 = arith.index_cast %add3A_728 : i32 to index
        %get3A_785 = arith.constant 80 : index
        %get3A_786 = tpu.vector_load %arg10[%get3A_784, %get3A_785] {strides = array<i32>} : memref<128x128xf32, #tpu.memory_space<vmem>>, vector<1x16xf32>,
        %get3A_787 = vector.shape_cast %get3A_786 : vector<1x16xf32> to vector<16xf32>
        %mul3A_788 = vector.broadcast %squeeze3A_724 : f32 to vector<16xf32>
        %mul3A_789 = arith.mulf %get3A_787, %mul3A_788 : vector<16xf32>
        %swap3A_790 = arith.index_cast %add3A_728 : i32 to index
        %swap3A_791 = arith.constant 80 : index
        %swap3A_792 = tpu.vector_load %arg10[%swap3A_790, %swap3A_791] {strides = array<i32>} : memref<128x128xf32, #tpu.memory_space<vmem>>, vector<1x16xf32>,
        %swap3A_793 = vector.shape_cast %swap3A_792 : vector<1x16xf32> to vector<16xf32>
        %swap3A_794 = vector.shape_cast %mul3A_789 : vector<16xf32> to vector<1x16xf32>
        tpu.vector_store %arg10[%swap3A_790, %swap3A_791], %swap3A_794 {strides = array<i32>} : memref<128x128xf32, #tpu.memory_space<vmem>>, vector<1x16xf32>,
        %get3A_795 = arith.index_cast %add3A_728 : i32 to index
        %get3A_796 = arith.constant 96 : index
        %get3A_797 = tpu.vector_load %arg10[%get3A_795, %get3A_796] {strides = array<i32>} : memref<128x128xf32, #tpu.memory_space<vmem>>, vector<1x16xf32>,
        %get3A_798 = vector.shape_cast %get3A_797 : vector<1x16xf32> to vector<16xf32>
        %mul3A_799 = vector.broadcast %squeeze3A_724 : f32 to vector<16xf32>
        %mul3A_800 = arith.mulf %get3A_798, %mul3A_799 : vector<16xf32>
        %swap3A_801 = arith.index_cast %add3A_728 : i32 to index
        %swap3A_802 = arith.constant 96 : index
        %swap3A_803 = tpu.vector_load %arg10[%swap3A_801, %swap3A_802] {strides = array<i32>} : memref<128x128xf32, #tpu.memory_space<vmem>>, vector<1x16xf32>,
        %swap3A_804 = vector.shape_cast %swap3A_803 : vector<1x16xf32> to vector<16xf32>
        %swap3A_805 = vector.shape_cast %mul3A_800 : vector<16xf32> to vector<1x16xf32>
        tpu.vector_store %arg10[%swap3A_801, %swap3A_802], %swap3A_805 {strides = array<i32>} : memref<128x128xf32, #tpu.memory_space<vmem>>, vector<1x16xf32>,
        %get3A_806 = arith.index_cast %add3A_728 : i32 to index
        %get3A_807 = arith.constant 112 : index
        %get3A_808 = tpu.vector_load %arg10[%get3A_806, %get3A_807] {strides = array<i32>} : memref<128x128xf32, #tpu.memory_space<vmem>>, vector<1x16xf32>,
        %get3A_809 = vector.shape_cast %get3A_808 : vector<1x16xf32> to vector<16xf32>
        %mul3A_810 = vector.broadcast %squeeze3A_724 : f32 to vector<16xf32>
        %mul3A_811 = arith.mulf %get3A_809, %mul3A_810 : vector<16xf32>
        %swap3A_812 = arith.index_cast %add3A_728 : i32 to index
        %swap3A_813 = arith.constant 112 : index
        %swap3A_814 = tpu.vector_load %arg10[%swap3A_812, %swap3A_813] {strides = array<i32>} : memref<128x128xf32, #tpu.memory_space<vmem>>, vector<1x16xf32>,
        %swap3A_815 = vector.shape_cast %swap3A_814 : vector<1x16xf32> to vector<16xf32>
        %swap3A_816 = vector.shape_cast %mul3A_811 : vector<16xf32> to vector<1x16xf32>
        tpu.vector_store %arg10[%swap3A_812, %swap3A_813], %swap3A_816 {strides = array<i32>} : memref<128x128xf32, #tpu.memory_space<vmem>>, vector<1x16xf32>,
        %slice3A_817 = vector.extract_strided_slice %get3A_161 {offsets = [7], sizes = [1], strides = [1]} : vector<16xf32> to vector<1xf32>
        %squeeze3A_818 = vector.extract %slice3A_817[0] : f32 from vector<1xf32>
        %mul3A_819 = arith.constant 16 : i32
        %mul3A_820 = arith.muli %scan3A_157, %mul3A_819 : i32
        %add3A_821 = arith.constant 7 : i32
        %add3A_822 = arith.addi %mul3A_820, %add3A_821 : i32
        %get3A_823 = arith.index_cast %add3A_822 : i32 to index
        %get3A_824 = arith.constant 0 : index
        %get3A_825 = tpu.vector_load %arg10[%get3A_823, %get3A_824] {strides = array<i32>} : memref<128x128xf32, #tpu.memory_space<vmem>>, vector<1x16xf32>,
        %get3A_826 = vector.shape_cast %get3A_825 : vector<1x16xf32> to vector<16xf32>
        %mul3A_827 = vector.broadcast %squeeze3A_818 : f32 to vector<16xf32>
        %mul3A_828 = arith.mulf %get3A_826, %mul3A_827 : vector<16xf32>
        %swap3A_829 = arith.index_cast %add3A_822 : i32 to index
        %swap3A_830 = arith.constant 0 : index
        %swap3A_831 = tpu.vector_load %arg10[%swap3A_829, %swap3A_830] {strides = array<i32>} : memref<128x128xf32, #tpu.memory_space<vmem>>, vector<1x16xf32>,
        %swap3A_832 = vector.shape_cast %swap3A_831 : vector<1x16xf32> to vector<16xf32>
        %swap3A_833 = vector.shape_cast %mul3A_828 : vector<16xf32> to vector<1x16xf32>
        tpu.vector_store %arg10[%swap3A_829, %swap3A_830], %swap3A_833 {strides = array<i32>} : memref<128x128xf32, #tpu.memory_space<vmem>>, vector<1x16xf32>,
        %get3A_834 = arith.index_cast %add3A_822 : i32 to index
        %get3A_835 = arith.constant 16 : index
        %get3A_836 = tpu.vector_load %arg10[%get3A_834, %get3A_835] {strides = array<i32>} : memref<128x128xf32, #tpu.memory_space<vmem>>, vector<1x16xf32>,
        %get3A_837 = vector.shape_cast %get3A_836 : vector<1x16xf32> to vector<16xf32>
        %mul3A_838 = vector.broadcast %squeeze3A_818 : f32 to vector<16xf32>
        %mul3A_839 = arith.mulf %get3A_837, %mul3A_838 : vector<16xf32>
        %swap3A_840 = arith.index_cast %add3A_822 : i32 to index
        %swap3A_841 = arith.constant 16 : index
        %swap3A_842 = tpu.vector_load %arg10[%swap3A_840, %swap3A_841] {strides = array<i32>} : memref<128x128xf32, #tpu.memory_space<vmem>>, vector<1x16xf32>,
        %swap3A_843 = vector.shape_cast %swap3A_842 : vector<1x16xf32> to vector<16xf32>
        %swap3A_844 = vector.shape_cast %mul3A_839 : vector<16xf32> to vector<1x16xf32>
        tpu.vector_store %arg10[%swap3A_840, %swap3A_841], %swap3A_844 {strides = array<i32>} : memref<128x128xf32, #tpu.memory_space<vmem>>, vector<1x16xf32>,
        %get3A_845 = arith.index_cast %add3A_822 : i32 to index
        %get3A_846 = arith.constant 32 : index
        %get3A_847 = tpu.vector_load %arg10[%get3A_845, %get3A_846] {strides = array<i32>} : memref<128x128xf32, #tpu.memory_space<vmem>>, vector<1x16xf32>,
        %get3A_848 = vector.shape_cast %get3A_847 : vector<1x16xf32> to vector<16xf32>
        %mul3A_849 = vector.broadcast %squeeze3A_818 : f32 to vector<16xf32>
        %mul3A_850 = arith.mulf %get3A_848, %mul3A_849 : vector<16xf32>
        %swap3A_851 = arith.index_cast %add3A_822 : i32 to index
        %swap3A_852 = arith.constant 32 : index
        %swap3A_853 = tpu.vector_load %arg10[%swap3A_851, %swap3A_852] {strides = array<i32>} : memref<128x128xf32, #tpu.memory_space<vmem>>, vector<1x16xf32>,
        %swap3A_854 = vector.shape_cast %swap3A_853 : vector<1x16xf32> to vector<16xf32>
        %swap3A_855 = vector.shape_cast %mul3A_850 : vector<16xf32> to vector<1x16xf32>
        tpu.vector_store %arg10[%swap3A_851, %swap3A_852], %swap3A_855 {strides = array<i32>} : memref<128x128xf32, #tpu.memory_space<vmem>>, vector<1x16xf32>,
        %get3A_856 = arith.index_cast %add3A_822 : i32 to index
        %get3A_857 = arith.constant 48 : index
        %get3A_858 = tpu.vector_load %arg10[%get3A_856, %get3A_857] {strides = array<i32>} : memref<128x128xf32, #tpu.memory_space<vmem>>, vector<1x16xf32>,
        %get3A_859 = vector.shape_cast %get3A_858 : vector<1x16xf32> to vector<16xf32>
        %mul3A_860 = vector.broadcast %squeeze3A_818 : f32 to vector<16xf32>
        %mul3A_861 = arith.mulf %get3A_859, %mul3A_860 : vector<16xf32>
        %swap3A_862 = arith.index_cast %add3A_822 : i32 to index
        %swap3A_863 = arith.constant 48 : index
        %swap3A_864 = tpu.vector_load %arg10[%swap3A_862, %swap3A_863] {strides = array<i32>} : memref<128x128xf32, #tpu.memory_space<vmem>>, vector<1x16xf32>,
        %swap3A_865 = vector.shape_cast %swap3A_864 : vector<1x16xf32> to vector<16xf32>
        %swap3A_866 = vector.shape_cast %mul3A_861 : vector<16xf32> to vector<1x16xf32>
        tpu.vector_store %arg10[%swap3A_862, %swap3A_863], %swap3A_866 {strides = array<i32>} : memref<128x128xf32, #tpu.memory_space<vmem>>, vector<1x16xf32>,
        %get3A_867 = arith.index_cast %add3A_822 : i32 to index
        %get3A_868 = arith.constant 64 : index
        %get3A_869 = tpu.vector_load %arg10[%get3A_867, %get3A_868] {strides = array<i32>} : memref<128x128xf32, #tpu.memory_space<vmem>>, vector<1x16xf32>,
        %get3A_870 = vector.shape_cast %get3A_869 : vector<1x16xf32> to vector<16xf32>
        %mul3A_871 = vector.broadcast %squeeze3A_818 : f32 to vector<16xf32>
        %mul3A_872 = arith.mulf %get3A_870, %mul3A_871 : vector<16xf32>
        %swap3A_873 = arith.index_cast %add3A_822 : i32 to index
        %swap3A_874 = arith.constant 64 : index
        %swap3A_875 = tpu.vector_load %arg10[%swap3A_873, %swap3A_874] {strides = array<i32>} : memref<128x128xf32, #tpu.memory_space<vmem>>, vector<1x16xf32>,
        %swap3A_876 = vector.shape_cast %swap3A_875 : vector<1x16xf32> to vector<16xf32>
        %swap3A_877 = vector.shape_cast %mul3A_872 : vector<16xf32> to vector<1x16xf32>
        tpu.vector_store %arg10[%swap3A_873, %swap3A_874], %swap3A_877 {strides = array<i32>} : memref<128x128xf32, #tpu.memory_space<vmem>>, vector<1x16xf32>,
        %get3A_878 = arith.index_cast %add3A_822 : i32 to index
        %get3A_879 = arith.constant 80 : index
        %get3A_880 = tpu.vector_load %arg10[%get3A_878, %get3A_879] {strides = array<i32>} : memref<128x128xf32, #tpu.memory_space<vmem>>, vector<1x16xf32>,
        %get3A_881 = vector.shape_cast %get3A_880 : vector<1x16xf32> to vector<16xf32>
        %mul3A_882 = vector.broadcast %squeeze3A_818 : f32 to vector<16xf32>
        %mul3A_883 = arith.mulf %get3A_881, %mul3A_882 : vector<16xf32>
        %swap3A_884 = arith.index_cast %add3A_822 : i32 to index
        %swap3A_885 = arith.constant 80 : index
        %swap3A_886 = tpu.vector_load %arg10[%swap3A_884, %swap3A_885] {strides = array<i32>} : memref<128x128xf32, #tpu.memory_space<vmem>>, vector<1x16xf32>,
        %swap3A_887 = vector.shape_cast %swap3A_886 : vector<1x16xf32> to vector<16xf32>
        %swap3A_888 = vector.shape_cast %mul3A_883 : vector<16xf32> to vector<1x16xf32>
        tpu.vector_store %arg10[%swap3A_884, %swap3A_885], %swap3A_888 {strides = array<i32>} : memref<128x128xf32, #tpu.memory_space<vmem>>, vector<1x16xf32>,
        %get3A_889 = arith.index_cast %add3A_822 : i32 to index
        %get3A_890 = arith.constant 96 : index
        %get3A_891 = tpu.vector_load %arg10[%get3A_889, %get3A_890] {strides = array<i32>} : memref<128x128xf32, #tpu.memory_space<vmem>>, vector<1x16xf32>,
        %get3A_892 = vector.shape_cast %get3A_891 : vector<1x16xf32> to vector<16xf32>
        %mul3A_893 = vector.broadcast %squeeze3A_818 : f32 to vector<16xf32>
        %mul3A_894 = arith.mulf %get3A_892, %mul3A_893 : vector<16xf32>
        %swap3A_895 = arith.index_cast %add3A_822 : i32 to index
        %swap3A_896 = arith.constant 96 : index
        %swap3A_897 = tpu.vector_load %arg10[%swap3A_895, %swap3A_896] {strides = array<i32>} : memref<128x128xf32, #tpu.memory_space<vmem>>, vector<1x16xf32>,
        %swap3A_898 = vector.shape_cast %swap3A_897 : vector<1x16xf32> to vector<16xf32>
        %swap3A_899 = vector.shape_cast %mul3A_894 : vector<16xf32> to vector<1x16xf32>
        tpu.vector_store %arg10[%swap3A_895, %swap3A_896], %swap3A_899 {strides = array<i32>} : memref<128x128xf32, #tpu.memory_space<vmem>>, vector<1x16xf32>,
        %get3A_900 = arith.index_cast %add3A_822 : i32 to index
        %get3A_901 = arith.constant 112 : index
        %get3A_902 = tpu.vector_load %arg10[%get3A_900, %get3A_901] {strides = array<i32>} : memref<128x128xf32, #tpu.memory_space<vmem>>, vector<1x16xf32>,
        %get3A_903 = vector.shape_cast %get3A_902 : vector<1x16xf32> to vector<16xf32>
        %mul3A_904 = vector.broadcast %squeeze3A_818 : f32 to vector<16xf32>
        %mul3A_905 = arith.mulf %get3A_903, %mul3A_904 : vector<16xf32>
        %swap3A_906 = arith.index_cast %add3A_822 : i32 to index
        %swap3A_907 = arith.constant 112 : index
        %swap3A_908 = tpu.vector_load %arg10[%swap3A_906, %swap3A_907] {strides = array<i32>} : memref<128x128xf32, #tpu.memory_space<vmem>>, vector<1x16xf32>,
        %swap3A_909 = vector.shape_cast %swap3A_908 : vector<1x16xf32> to vector<16xf32>
        %swap3A_910 = vector.shape_cast %mul3A_905 : vector<16xf32> to vector<1x16xf32>
        tpu.vector_store %arg10[%swap3A_906, %swap3A_907], %swap3A_910 {strides = array<i32>} : memref<128x128xf32, #tpu.memory_space<vmem>>, vector<1x16xf32>,
        %slice3A_911 = vector.extract_strided_slice %get3A_161 {offsets = [8], sizes = [1], strides = [1]} : vector<16xf32> to vector<1xf32>
        %squeeze3A_912 = vector.extract %slice3A_911[0] : f32 from vector<1xf32>
        %mul3A_913 = arith.constant 16 : i32
        %mul3A_914 = arith.muli %scan3A_157, %mul3A_913 : i32
        %add3A_915 = arith.constant 8 : i32
        %add3A_916 = arith.addi %mul3A_914, %add3A_915 : i32
        %get3A_917 = arith.index_cast %add3A_916 : i32 to index
        %get3A_918 = arith.constant 0 : index
        %get3A_919 = tpu.vector_load %arg10[%get3A_917, %get3A_918] {strides = array<i32>} : memref<128x128xf32, #tpu.memory_space<vmem>>, vector<1x16xf32>,
        %get3A_920 = vector.shape_cast %get3A_919 : vector<1x16xf32> to vector<16xf32>
        %mul3A_921 = vector.broadcast %squeeze3A_912 : f32 to vector<16xf32>
        %mul3A_922 = arith.mulf %get3A_920, %mul3A_921 : vector<16xf32>
        %swap3A_923 = arith.index_cast %add3A_916 : i32 to index
        %swap3A_924 = arith.constant 0 : index
        %swap3A_925 = tpu.vector_load %arg10[%swap3A_923, %swap3A_924] {strides = array<i32>} : memref<128x128xf32, #tpu.memory_space<vmem>>, vector<1x16xf32>,
        %swap3A_926 = vector.shape_cast %swap3A_925 : vector<1x16xf32> to vector<16xf32>
        %swap3A_927 = vector.shape_cast %mul3A_922 : vector<16xf32> to vector<1x16xf32>
        tpu.vector_store %arg10[%swap3A_923, %swap3A_924], %swap3A_927 {strides = array<i32>} : memref<128x128xf32, #tpu.memory_space<vmem>>, vector<1x16xf32>,
        %get3A_928 = arith.index_cast %add3A_916 : i32 to index
        %get3A_929 = arith.constant 16 : index
        %get3A_930 = tpu.vector_load %arg10[%get3A_928, %get3A_929] {strides = array<i32>} : memref<128x128xf32, #tpu.memory_space<vmem>>, vector<1x16xf32>,
        %get3A_931 = vector.shape_cast %get3A_930 : vector<1x16xf32> to vector<16xf32>
        %mul3A_932 = vector.broadcast %squeeze3A_912 : f32 to vector<16xf32>
        %mul3A_933 = arith.mulf %get3A_931, %mul3A_932 : vector<16xf32>
        %swap3A_934 = arith.index_cast %add3A_916 : i32 to index
        %swap3A_935 = arith.constant 16 : index
        %swap3A_936 = tpu.vector_load %arg10[%swap3A_934, %swap3A_935] {strides = array<i32>} : memref<128x128xf32, #tpu.memory_space<vmem>>, vector<1x16xf32>,
        %swap3A_937 = vector.shape_cast %swap3A_936 : vector<1x16xf32> to vector<16xf32>
        %swap3A_938 = vector.shape_cast %mul3A_933 : vector<16xf32> to vector<1x16xf32>
        tpu.vector_store %arg10[%swap3A_934, %swap3A_935], %swap3A_938 {strides = array<i32>} : memref<128x128xf32, #tpu.memory_space<vmem>>, vector<1x16xf32>,
        %get3A_939 = arith.index_cast %add3A_916 : i32 to index
        %get3A_940 = arith.constant 32 : index
        %get3A_941 = tpu.vector_load %arg10[%get3A_939, %get3A_940] {strides = array<i32>} : memref<128x128xf32, #tpu.memory_space<vmem>>, vector<1x16xf32>,
        %get3A_942 = vector.shape_cast %get3A_941 : vector<1x16xf32> to vector<16xf32>
        %mul3A_943 = vector.broadcast %squeeze3A_912 : f32 to vector<16xf32>
        %mul3A_944 = arith.mulf %get3A_942, %mul3A_943 : vector<16xf32>
        %swap3A_945 = arith.index_cast %add3A_916 : i32 to index
        %swap3A_946 = arith.constant 32 : index
        %swap3A_947 = tpu.vector_load %arg10[%swap3A_945, %swap3A_946] {strides = array<i32>} : memref<128x128xf32, #tpu.memory_space<vmem>>, vector<1x16xf32>,
        %swap3A_948 = vector.shape_cast %swap3A_947 : vector<1x16xf32> to vector<16xf32>
        %swap3A_949 = vector.shape_cast %mul3A_944 : vector<16xf32> to vector<1x16xf32>
        tpu.vector_store %arg10[%swap3A_945, %swap3A_946], %swap3A_949 {strides = array<i32>} : memref<128x128xf32, #tpu.memory_space<vmem>>, vector<1x16xf32>,
        %get3A_950 = arith.index_cast %add3A_916 : i32 to index
        %get3A_951 = arith.constant 48 : index
        %get3A_952 = tpu.vector_load %arg10[%get3A_950, %get3A_951] {strides = array<i32>} : memref<128x128xf32, #tpu.memory_space<vmem>>, vector<1x16xf32>,
        %get3A_953 = vector.shape_cast %get3A_952 : vector<1x16xf32> to vector<16xf32>
        %mul3A_954 = vector.broadcast %squeeze3A_912 : f32 to vector<16xf32>
        %mul3A_955 = arith.mulf %get3A_953, %mul3A_954 : vector<16xf32>
        %swap3A_956 = arith.index_cast %add3A_916 : i32 to index
        %swap3A_957 = arith.constant 48 : index
        %swap3A_958 = tpu.vector_load %arg10[%swap3A_956, %swap3A_957] {strides = array<i32>} : memref<128x128xf32, #tpu.memory_space<vmem>>, vector<1x16xf32>,
        %swap3A_959 = vector.shape_cast %swap3A_958 : vector<1x16xf32> to vector<16xf32>
        %swap3A_960 = vector.shape_cast %mul3A_955 : vector<16xf32> to vector<1x16xf32>
        tpu.vector_store %arg10[%swap3A_956, %swap3A_957], %swap3A_960 {strides = array<i32>} : memref<128x128xf32, #tpu.memory_space<vmem>>, vector<1x16xf32>,
        %get3A_961 = arith.index_cast %add3A_916 : i32 to index
        %get3A_962 = arith.constant 64 : index
        %get3A_963 = tpu.vector_load %arg10[%get3A_961, %get3A_962] {strides = array<i32>} : memref<128x128xf32, #tpu.memory_space<vmem>>, vector<1x16xf32>,
        %get3A_964 = vector.shape_cast %get3A_963 : vector<1x16xf32> to vector<16xf32>
        %mul3A_965 = vector.broadcast %squeeze3A_912 : f32 to vector<16xf32>
        %mul3A_966 = arith.mulf %get3A_964, %mul3A_965 : vector<16xf32>
        %swap3A_967 = arith.index_cast %add3A_916 : i32 to index
        %swap3A_968 = arith.constant 64 : index
        %swap3A_969 = tpu.vector_load %arg10[%swap3A_967, %swap3A_968] {strides = array<i32>} : memref<128x128xf32, #tpu.memory_space<vmem>>, vector<1x16xf32>,
        %swap3A_970 = vector.shape_cast %swap3A_969 : vector<1x16xf32> to vector<16xf32>
        %swap3A_971 = vector.shape_cast %mul3A_966 : vector<16xf32> to vector<1x16xf32>
        tpu.vector_store %arg10[%swap3A_967, %swap3A_968], %swap3A_971 {strides = array<i32>} : memref<128x128xf32, #tpu.memory_space<vmem>>, vector<1x16xf32>,
        %get3A_972 = arith.index_cast %add3A_916 : i32 to index
        %get3A_973 = arith.constant 80 : index
        %get3A_974 = tpu.vector_load %arg10[%get3A_972, %get3A_973] {strides = array<i32>} : memref<128x128xf32, #tpu.memory_space<vmem>>, vector<1x16xf32>,
        %get3A_975 = vector.shape_cast %get3A_974 : vector<1x16xf32> to vector<16xf32>
        %mul3A_976 = vector.broadcast %squeeze3A_912 : f32 to vector<16xf32>
        %mul3A_977 = arith.mulf %get3A_975, %mul3A_976 : vector<16xf32>
        %swap3A_978 = arith.index_cast %add3A_916 : i32 to index
        %swap3A_979 = arith.constant 80 : index
        %swap3A_980 = tpu.vector_load %arg10[%swap3A_978, %swap3A_979] {strides = array<i32>} : memref<128x128xf32, #tpu.memory_space<vmem>>, vector<1x16xf32>,
        %swap3A_981 = vector.shape_cast %swap3A_980 : vector<1x16xf32> to vector<16xf32>
        %swap3A_982 = vector.shape_cast %mul3A_977 : vector<16xf32> to vector<1x16xf32>
        tpu.vector_store %arg10[%swap3A_978, %swap3A_979], %swap3A_982 {strides = array<i32>} : memref<128x128xf32, #tpu.memory_space<vmem>>, vector<1x16xf32>,
        %get3A_983 = arith.index_cast %add3A_916 : i32 to index
        %get3A_984 = arith.constant 96 : index
        %get3A_985 = tpu.vector_load %arg10[%get3A_983, %get3A_984] {strides = array<i32>} : memref<128x128xf32, #tpu.memory_space<vmem>>, vector<1x16xf32>,
        %get3A_986 = vector.shape_cast %get3A_985 : vector<1x16xf32> to vector<16xf32>
        %mul3A_987 = vector.broadcast %squeeze3A_912 : f32 to vector<16xf32>
        %mul3A_988 = arith.mulf %get3A_986, %mul3A_987 : vector<16xf32>
        %swap3A_989 = arith.index_cast %add3A_916 : i32 to index
        %swap3A_990 = arith.constant 96 : index
        %swap3A_991 = tpu.vector_load %arg10[%swap3A_989, %swap3A_990] {strides = array<i32>} : memref<128x128xf32, #tpu.memory_space<vmem>>, vector<1x16xf32>,
        %swap3A_992 = vector.shape_cast %swap3A_991 : vector<1x16xf32> to vector<16xf32>
        %swap3A_993 = vector.shape_cast %mul3A_988 : vector<16xf32> to vector<1x16xf32>
        tpu.vector_store %arg10[%swap3A_989, %swap3A_990], %swap3A_993 {strides = array<i32>} : memref<128x128xf32, #tpu.memory_space<vmem>>, vector<1x16xf32>,
        %get3A_994 = arith.index_cast %add3A_916 : i32 to index
        %get3A_995 = arith.constant 112 : index
        %get3A_996 = tpu.vector_load %arg10[%get3A_994, %get3A_995] {strides = array<i32>} : memref<128x128xf32, #tpu.memory_space<vmem>>, vector<1x16xf32>,
        %get3A_997 = vector.shape_cast %get3A_996 : vector<1x16xf32> to vector<16xf32>
        %mul3A_998 = vector.broadcast %squeeze3A_912 : f32 to vector<16xf32>
        %mul3A_999 = arith.mulf %get3A_997, %mul3A_998 : vector<16xf32>
        %swap3A_1000 = arith.index_cast %add3A_916 : i32 to index
        %swap3A_1001 = arith.constant 112 : index
        %swap3A_1002 = tpu.vector_load %arg10[%swap3A_1000, %swap3A_1001] {strides = array<i32>} : memref<128x128xf32, #tpu.memory_space<vmem>>, vector<1x16xf32>,
        %swap3A_1003 = vector.shape_cast %swap3A_1002 : vector<1x16xf32> to vector<16xf32>
        %swap3A_1004 = vector.shape_cast %mul3A_999 : vector<16xf32> to vector<1x16xf32>
        tpu.vector_store %arg10[%swap3A_1000, %swap3A_1001], %swap3A_1004 {strides = array<i32>} : memref<128x128xf32, #tpu.memory_space<vmem>>, vector<1x16xf32>,
        %slice3A_1005 = vector.extract_strided_slice %get3A_161 {offsets = [9], sizes = [1], strides = [1]} : vector<16xf32> to vector<1xf32>
        %squeeze3A_1006 = vector.extract %slice3A_1005[0] : f32 from vector<1xf32>
        %mul3A_1007 = arith.constant 16 : i32
        %mul3A_1008 = arith.muli %scan3A_157, %mul3A_1007 : i32
        %add3A_1009 = arith.constant 9 : i32
        %add3A_1010 = arith.addi %mul3A_1008, %add3A_1009 : i32
        %get3A_1011 = arith.index_cast %add3A_1010 : i32 to index
        %get3A_1012 = arith.constant 0 : index
        %get3A_1013 = tpu.vector_load %arg10[%get3A_1011, %get3A_1012] {strides = array<i32>} : memref<128x128xf32, #tpu.memory_space<vmem>>, vector<1x16xf32>,
        %get3A_1014 = vector.shape_cast %get3A_1013 : vector<1x16xf32> to vector<16xf32>
        %mul3A_1015 = vector.broadcast %squeeze3A_1006 : f32 to vector<16xf32>
        %mul3A_1016 = arith.mulf %get3A_1014, %mul3A_1015 : vector<16xf32>
        %swap3A_1017 = arith.index_cast %add3A_1010 : i32 to index
        %swap3A_1018 = arith.constant 0 : index
        %swap3A_1019 = tpu.vector_load %arg10[%swap3A_1017, %swap3A_1018] {strides = array<i32>} : memref<128x128xf32, #tpu.memory_space<vmem>>, vector<1x16xf32>,
        %swap3A_1020 = vector.shape_cast %swap3A_1019 : vector<1x16xf32> to vector<16xf32>
        %swap3A_1021 = vector.shape_cast %mul3A_1016 : vector<16xf32> to vector<1x16xf32>
        tpu.vector_store %arg10[%swap3A_1017, %swap3A_1018], %swap3A_1021 {strides = array<i32>} : memref<128x128xf32, #tpu.memory_space<vmem>>, vector<1x16xf32>,
        %get3A_1022 = arith.index_cast %add3A_1010 : i32 to index
        %get3A_1023 = arith.constant 16 : index
        %get3A_1024 = tpu.vector_load %arg10[%get3A_1022, %get3A_1023] {strides = array<i32>} : memref<128x128xf32, #tpu.memory_space<vmem>>, vector<1x16xf32>,
        %get3A_1025 = vector.shape_cast %get3A_1024 : vector<1x16xf32> to vector<16xf32>
        %mul3A_1026 = vector.broadcast %squeeze3A_1006 : f32 to vector<16xf32>
        %mul3A_1027 = arith.mulf %get3A_1025, %mul3A_1026 : vector<16xf32>
        %swap3A_1028 = arith.index_cast %add3A_1010 : i32 to index
        %swap3A_1029 = arith.constant 16 : index
        %swap3A_1030 = tpu.vector_load %arg10[%swap3A_1028, %swap3A_1029] {strides = array<i32>} : memref<128x128xf32, #tpu.memory_space<vmem>>, vector<1x16xf32>,
        %swap3A_1031 = vector.shape_cast %swap3A_1030 : vector<1x16xf32> to vector<16xf32>
        %swap3A_1032 = vector.shape_cast %mul3A_1027 : vector<16xf32> to vector<1x16xf32>
        tpu.vector_store %arg10[%swap3A_1028, %swap3A_1029], %swap3A_1032 {strides = array<i32>} : memref<128x128xf32, #tpu.memory_space<vmem>>, vector<1x16xf32>,
        %get3A_1033 = arith.index_cast %add3A_1010 : i32 to index
        %get3A_1034 = arith.constant 32 : index
        %get3A_1035 = tpu.vector_load %arg10[%get3A_1033, %get3A_1034] {strides = array<i32>} : memref<128x128xf32, #tpu.memory_space<vmem>>, vector<1x16xf32>,
        %get3A_1036 = vector.shape_cast %get3A_1035 : vector<1x16xf32> to vector<16xf32>
        %mul3A_1037 = vector.broadcast %squeeze3A_1006 : f32 to vector<16xf32>
        %mul3A_1038 = arith.mulf %get3A_1036, %mul3A_1037 : vector<16xf32>
        %swap3A_1039 = arith.index_cast %add3A_1010 : i32 to index
        %swap3A_1040 = arith.constant 32 : index
        %swap3A_1041 = tpu.vector_load %arg10[%swap3A_1039, %swap3A_1040] {strides = array<i32>} : memref<128x128xf32, #tpu.memory_space<vmem>>, vector<1x16xf32>,
        %swap3A_1042 = vector.shape_cast %swap3A_1041 : vector<1x16xf32> to vector<16xf32>
        %swap3A_1043 = vector.shape_cast %mul3A_1038 : vector<16xf32> to vector<1x16xf32>
        tpu.vector_store %arg10[%swap3A_1039, %swap3A_1040], %swap3A_1043 {strides = array<i32>} : memref<128x128xf32, #tpu.memory_space<vmem>>, vector<1x16xf32>,
        %get3A_1044 = arith.index_cast %add3A_1010 : i32 to index
        %get3A_1045 = arith.constant 48 : index
        %get3A_1046 = tpu.vector_load %arg10[%get3A_1044, %get3A_1045] {strides = array<i32>} : memref<128x128xf32, #tpu.memory_space<vmem>>, vector<1x16xf32>,
        %get3A_1047 = vector.shape_cast %get3A_1046 : vector<1x16xf32> to vector<16xf32>
        %mul3A_1048 = vector.broadcast %squeeze3A_1006 : f32 to vector<16xf32>
        %mul3A_1049 = arith.mulf %get3A_1047, %mul3A_1048 : vector<16xf32>
        %swap3A_1050 = arith.index_cast %add3A_1010 : i32 to index
        %swap3A_1051 = arith.constant 48 : index
        %swap3A_1052 = tpu.vector_load %arg10[%swap3A_1050, %swap3A_1051] {strides = array<i32>} : memref<128x128xf32, #tpu.memory_space<vmem>>, vector<1x16xf32>,
        %swap3A_1053 = vector.shape_cast %swap3A_1052 : vector<1x16xf32> to vector<16xf32>
        %swap3A_1054 = vector.shape_cast %mul3A_1049 : vector<16xf32> to vector<1x16xf32>
        tpu.vector_store %arg10[%swap3A_1050, %swap3A_1051], %swap3A_1054 {strides = array<i32>} : memref<128x128xf32, #tpu.memory_space<vmem>>, vector<1x16xf32>,
        %get3A_1055 = arith.index_cast %add3A_1010 : i32 to index
        %get3A_1056 = arith.constant 64 : index
        %get3A_1057 = tpu.vector_load %arg10[%get3A_1055, %get3A_1056] {strides = array<i32>} : memref<128x128xf32, #tpu.memory_space<vmem>>, vector<1x16xf32>,
        %get3A_1058 = vector.shape_cast %get3A_1057 : vector<1x16xf32> to vector<16xf32>
        %mul3A_1059 = vector.broadcast %squeeze3A_1006 : f32 to vector<16xf32>
        %mul3A_1060 = arith.mulf %get3A_1058, %mul3A_1059 : vector<16xf32>
        %swap3A_1061 = arith.index_cast %add3A_1010 : i32 to index
        %swap3A_1062 = arith.constant 64 : index
        %swap3A_1063 = tpu.vector_load %arg10[%swap3A_1061, %swap3A_1062] {strides = array<i32>} : memref<128x128xf32, #tpu.memory_space<vmem>>, vector<1x16xf32>,
        %swap3A_1064 = vector.shape_cast %swap3A_1063 : vector<1x16xf32> to vector<16xf32>
        %swap3A_1065 = vector.shape_cast %mul3A_1060 : vector<16xf32> to vector<1x16xf32>
        tpu.vector_store %arg10[%swap3A_1061, %swap3A_1062], %swap3A_1065 {strides = array<i32>} : memref<128x128xf32, #tpu.memory_space<vmem>>, vector<1x16xf32>,
        %get3A_1066 = arith.index_cast %add3A_1010 : i32 to index
        %get3A_1067 = arith.constant 80 : index
        %get3A_1068 = tpu.vector_load %arg10[%get3A_1066, %get3A_1067] {strides = array<i32>} : memref<128x128xf32, #tpu.memory_space<vmem>>, vector<1x16xf32>,
        %get3A_1069 = vector.shape_cast %get3A_1068 : vector<1x16xf32> to vector<16xf32>
        %mul3A_1070 = vector.broadcast %squeeze3A_1006 : f32 to vector<16xf32>
        %mul3A_1071 = arith.mulf %get3A_1069, %mul3A_1070 : vector<16xf32>
        %swap3A_1072 = arith.index_cast %add3A_1010 : i32 to index
        %swap3A_1073 = arith.constant 80 : index
        %swap3A_1074 = tpu.vector_load %arg10[%swap3A_1072, %swap3A_1073] {strides = array<i32>} : memref<128x128xf32, #tpu.memory_space<vmem>>, vector<1x16xf32>,
        %swap3A_1075 = vector.shape_cast %swap3A_1074 : vector<1x16xf32> to vector<16xf32>
        %swap3A_1076 = vector.shape_cast %mul3A_1071 : vector<16xf32> to vector<1x16xf32>
        tpu.vector_store %arg10[%swap3A_1072, %swap3A_1073], %swap3A_1076 {strides = array<i32>} : memref<128x128xf32, #tpu.memory_space<vmem>>, vector<1x16xf32>,
        %get3A_1077 = arith.index_cast %add3A_1010 : i32 to index
        %get3A_1078 = arith.constant 96 : index
        %get3A_1079 = tpu.vector_load %arg10[%get3A_1077, %get3A_1078] {strides = array<i32>} : memref<128x128xf32, #tpu.memory_space<vmem>>, vector<1x16xf32>,
        %get3A_1080 = vector.shape_cast %get3A_1079 : vector<1x16xf32> to vector<16xf32>
        %mul3A_1081 = vector.broadcast %squeeze3A_1006 : f32 to vector<16xf32>
        %mul3A_1082 = arith.mulf %get3A_1080, %mul3A_1081 : vector<16xf32>
        %swap3A_1083 = arith.index_cast %add3A_1010 : i32 to index
        %swap3A_1084 = arith.constant 96 : index
        %swap3A_1085 = tpu.vector_load %arg10[%swap3A_1083, %swap3A_1084] {strides = array<i32>} : memref<128x128xf32, #tpu.memory_space<vmem>>, vector<1x16xf32>,
        %swap3A_1086 = vector.shape_cast %swap3A_1085 : vector<1x16xf32> to vector<16xf32>
        %swap3A_1087 = vector.shape_cast %mul3A_1082 : vector<16xf32> to vector<1x16xf32>
        tpu.vector_store %arg10[%swap3A_1083, %swap3A_1084], %swap3A_1087 {strides = array<i32>} : memref<128x128xf32, #tpu.memory_space<vmem>>, vector<1x16xf32>,
        %get3A_1088 = arith.index_cast %add3A_1010 : i32 to index
        %get3A_1089 = arith.constant 112 : index
        %get3A_1090 = tpu.vector_load %arg10[%get3A_1088, %get3A_1089] {strides = array<i32>} : memref<128x128xf32, #tpu.memory_space<vmem>>, vector<1x16xf32>,
        %get3A_1091 = vector.shape_cast %get3A_1090 : vector<1x16xf32> to vector<16xf32>
        %mul3A_1092 = vector.broadcast %squeeze3A_1006 : f32 to vector<16xf32>
        %mul3A_1093 = arith.mulf %get3A_1091, %mul3A_1092 : vector<16xf32>
        %swap3A_1094 = arith.index_cast %add3A_1010 : i32 to index
        %swap3A_1095 = arith.constant 112 : index
        %swap3A_1096 = tpu.vector_load %arg10[%swap3A_1094, %swap3A_1095] {strides = array<i32>} : memref<128x128xf32, #tpu.memory_space<vmem>>, vector<1x16xf32>,
        %swap3A_1097 = vector.shape_cast %swap3A_1096 : vector<1x16xf32> to vector<16xf32>
        %swap3A_1098 = vector.shape_cast %mul3A_1093 : vector<16xf32> to vector<1x16xf32>
        tpu.vector_store %arg10[%swap3A_1094, %swap3A_1095], %swap3A_1098 {strides = array<i32>} : memref<128x128xf32, #tpu.memory_space<vmem>>, vector<1x16xf32>,
        %slice3A_1099 = vector.extract_strided_slice %get3A_161 {offsets = [10], sizes = [1], strides = [1]} : vector<16xf32> to vector<1xf32>
        %squeeze3A_1100 = vector.extract %slice3A_1099[0] : f32 from vector<1xf32>
        %mul3A_1101 = arith.constant 16 : i32
        %mul3A_1102 = arith.muli %scan3A_157, %mul3A_1101 : i32
        %add3A_1103 = arith.constant 10 : i32
        %add3A_1104 = arith.addi %mul3A_1102, %add3A_1103 : i32
        %get3A_1105 = arith.index_cast %add3A_1104 : i32 to index
        %get3A_1106 = arith.constant 0 : index
        %get3A_1107 = tpu.vector_load %arg10[%get3A_1105, %get3A_1106] {strides = array<i32>} : memref<128x128xf32, #tpu.memory_space<vmem>>, vector<1x16xf32>,
        %get3A_1108 = vector.shape_cast %get3A_1107 : vector<1x16xf32> to vector<16xf32>
        %mul3A_1109 = vector.broadcast %squeeze3A_1100 : f32 to vector<16xf32>
        %mul3A_1110 = arith.mulf %get3A_1108, %mul3A_1109 : vector<16xf32>
        %swap3A_1111 = arith.index_cast %add3A_1104 : i32 to index
        %swap3A_1112 = arith.constant 0 : index
        %swap3A_1113 = tpu.vector_load %arg10[%swap3A_1111, %swap3A_1112] {strides = array<i32>} : memref<128x128xf32, #tpu.memory_space<vmem>>, vector<1x16xf32>,
        %swap3A_1114 = vector.shape_cast %swap3A_1113 : vector<1x16xf32> to vector<16xf32>
        %swap3A_1115 = vector.shape_cast %mul3A_1110 : vector<16xf32> to vector<1x16xf32>
        tpu.vector_store %arg10[%swap3A_1111, %swap3A_1112], %swap3A_1115 {strides = array<i32>} : memref<128x128xf32, #tpu.memory_space<vmem>>, vector<1x16xf32>,
        %get3A_1116 = arith.index_cast %add3A_1104 : i32 to index
        %get3A_1117 = arith.constant 16 : index
        %get3A_1118 = tpu.vector_load %arg10[%get3A_1116, %get3A_1117] {strides = array<i32>} : memref<128x128xf32, #tpu.memory_space<vmem>>, vector<1x16xf32>,
        %get3A_1119 = vector.shape_cast %get3A_1118 : vector<1x16xf32> to vector<16xf32>
        %mul3A_1120 = vector.broadcast %squeeze3A_1100 : f32 to vector<16xf32>
        %mul3A_1121 = arith.mulf %get3A_1119, %mul3A_1120 : vector<16xf32>
        %swap3A_1122 = arith.index_cast %add3A_1104 : i32 to index
        %swap3A_1123 = arith.constant 16 : index
        %swap3A_1124 = tpu.vector_load %arg10[%swap3A_1122, %swap3A_1123] {strides = array<i32>} : memref<128x128xf32, #tpu.memory_space<vmem>>, vector<1x16xf32>,
        %swap3A_1125 = vector.shape_cast %swap3A_1124 : vector<1x16xf32> to vector<16xf32>
        %swap3A_1126 = vector.shape_cast %mul3A_1121 : vector<16xf32> to vector<1x16xf32>
        tpu.vector_store %arg10[%swap3A_1122, %swap3A_1123], %swap3A_1126 {strides = array<i32>} : memref<128x128xf32, #tpu.memory_space<vmem>>, vector<1x16xf32>,
        %get3A_1127 = arith.index_cast %add3A_1104 : i32 to index
        %get3A_1128 = arith.constant 32 : index
        %get3A_1129 = tpu.vector_load %arg10[%get3A_1127, %get3A_1128] {strides = array<i32>} : memref<128x128xf32, #tpu.memory_space<vmem>>, vector<1x16xf32>,
        %get3A_1130 = vector.shape_cast %get3A_1129 : vector<1x16xf32> to vector<16xf32>
        %mul3A_1131 = vector.broadcast %squeeze3A_1100 : f32 to vector<16xf32>
        %mul3A_1132 = arith.mulf %get3A_1130, %mul3A_1131 : vector<16xf32>
        %swap3A_1133 = arith.index_cast %add3A_1104 : i32 to index
        %swap3A_1134 = arith.constant 32 : index
        %swap3A_1135 = tpu.vector_load %arg10[%swap3A_1133, %swap3A_1134] {strides = array<i32>} : memref<128x128xf32, #tpu.memory_space<vmem>>, vector<1x16xf32>,
        %swap3A_1136 = vector.shape_cast %swap3A_1135 : vector<1x16xf32> to vector<16xf32>
        %swap3A_1137 = vector.shape_cast %mul3A_1132 : vector<16xf32> to vector<1x16xf32>
        tpu.vector_store %arg10[%swap3A_1133, %swap3A_1134], %swap3A_1137 {strides = array<i32>} : memref<128x128xf32, #tpu.memory_space<vmem>>, vector<1x16xf32>,
        %get3A_1138 = arith.index_cast %add3A_1104 : i32 to index
        %get3A_1139 = arith.constant 48 : index
        %get3A_1140 = tpu.vector_load %arg10[%get3A_1138, %get3A_1139] {strides = array<i32>} : memref<128x128xf32, #tpu.memory_space<vmem>>, vector<1x16xf32>,
        %get3A_1141 = vector.shape_cast %get3A_1140 : vector<1x16xf32> to vector<16xf32>
        %mul3A_1142 = vector.broadcast %squeeze3A_1100 : f32 to vector<16xf32>
        %mul3A_1143 = arith.mulf %get3A_1141, %mul3A_1142 : vector<16xf32>
        %swap3A_1144 = arith.index_cast %add3A_1104 : i32 to index
        %swap3A_1145 = arith.constant 48 : index
        %swap3A_1146 = tpu.vector_load %arg10[%swap3A_1144, %swap3A_1145] {strides = array<i32>} : memref<128x128xf32, #tpu.memory_space<vmem>>, vector<1x16xf32>,
        %swap3A_1147 = vector.shape_cast %swap3A_1146 : vector<1x16xf32> to vector<16xf32>
        %swap3A_1148 = vector.shape_cast %mul3A_1143 : vector<16xf32> to vector<1x16xf32>
        tpu.vector_store %arg10[%swap3A_1144, %swap3A_1145], %swap3A_1148 {strides = array<i32>} : memref<128x128xf32, #tpu.memory_space<vmem>>, vector<1x16xf32>,
        %get3A_1149 = arith.index_cast %add3A_1104 : i32 to index
        %get3A_1150 = arith.constant 64 : index
        %get3A_1151 = tpu.vector_load %arg10[%get3A_1149, %get3A_1150] {strides = array<i32>} : memref<128x128xf32, #tpu.memory_space<vmem>>, vector<1x16xf32>,
        %get3A_1152 = vector.shape_cast %get3A_1151 : vector<1x16xf32> to vector<16xf32>
        %mul3A_1153 = vector.broadcast %squeeze3A_1100 : f32 to vector<16xf32>
        %mul3A_1154 = arith.mulf %get3A_1152, %mul3A_1153 : vector<16xf32>
        %swap3A_1155 = arith.index_cast %add3A_1104 : i32 to index
        %swap3A_1156 = arith.constant 64 : index
        %swap3A_1157 = tpu.vector_load %arg10[%swap3A_1155, %swap3A_1156] {strides = array<i32>} : memref<128x128xf32, #tpu.memory_space<vmem>>, vector<1x16xf32>,
        %swap3A_1158 = vector.shape_cast %swap3A_1157 : vector<1x16xf32> to vector<16xf32>
        %swap3A_1159 = vector.shape_cast %mul3A_1154 : vector<16xf32> to vector<1x16xf32>
        tpu.vector_store %arg10[%swap3A_1155, %swap3A_1156], %swap3A_1159 {strides = array<i32>} : memref<128x128xf32, #tpu.memory_space<vmem>>, vector<1x16xf32>,
        %get3A_1160 = arith.index_cast %add3A_1104 : i32 to index
        %get3A_1161 = arith.constant 80 : index
        %get3A_1162 = tpu.vector_load %arg10[%get3A_1160, %get3A_1161] {strides = array<i32>} : memref<128x128xf32, #tpu.memory_space<vmem>>, vector<1x16xf32>,
        %get3A_1163 = vector.shape_cast %get3A_1162 : vector<1x16xf32> to vector<16xf32>
        %mul3A_1164 = vector.broadcast %squeeze3A_1100 : f32 to vector<16xf32>
        %mul3A_1165 = arith.mulf %get3A_1163, %mul3A_1164 : vector<16xf32>
        %swap3A_1166 = arith.index_cast %add3A_1104 : i32 to index
        %swap3A_1167 = arith.constant 80 : index
        %swap3A_1168 = tpu.vector_load %arg10[%swap3A_1166, %swap3A_1167] {strides = array<i32>} : memref<128x128xf32, #tpu.memory_space<vmem>>, vector<1x16xf32>,
        %swap3A_1169 = vector.shape_cast %swap3A_1168 : vector<1x16xf32> to vector<16xf32>
        %swap3A_1170 = vector.shape_cast %mul3A_1165 : vector<16xf32> to vector<1x16xf32>
        tpu.vector_store %arg10[%swap3A_1166, %swap3A_1167], %swap3A_1170 {strides = array<i32>} : memref<128x128xf32, #tpu.memory_space<vmem>>, vector<1x16xf32>,
        %get3A_1171 = arith.index_cast %add3A_1104 : i32 to index
        %get3A_1172 = arith.constant 96 : index
        %get3A_1173 = tpu.vector_load %arg10[%get3A_1171, %get3A_1172] {strides = array<i32>} : memref<128x128xf32, #tpu.memory_space<vmem>>, vector<1x16xf32>,
        %get3A_1174 = vector.shape_cast %get3A_1173 : vector<1x16xf32> to vector<16xf32>
        %mul3A_1175 = vector.broadcast %squeeze3A_1100 : f32 to vector<16xf32>
        %mul3A_1176 = arith.mulf %get3A_1174, %mul3A_1175 : vector<16xf32>
        %swap3A_1177 = arith.index_cast %add3A_1104 : i32 to index
        %swap3A_1178 = arith.constant 96 : index
        %swap3A_1179 = tpu.vector_load %arg10[%swap3A_1177, %swap3A_1178] {strides = array<i32>} : memref<128x128xf32, #tpu.memory_space<vmem>>, vector<1x16xf32>,
        %swap3A_1180 = vector.shape_cast %swap3A_1179 : vector<1x16xf32> to vector<16xf32>
        %swap3A_1181 = vector.shape_cast %mul3A_1176 : vector<16xf32> to vector<1x16xf32>
        tpu.vector_store %arg10[%swap3A_1177, %swap3A_1178], %swap3A_1181 {strides = array<i32>} : memref<128x128xf32, #tpu.memory_space<vmem>>, vector<1x16xf32>,
        %get3A_1182 = arith.index_cast %add3A_1104 : i32 to index
        %get3A_1183 = arith.constant 112 : index
        %get3A_1184 = tpu.vector_load %arg10[%get3A_1182, %get3A_1183] {strides = array<i32>} : memref<128x128xf32, #tpu.memory_space<vmem>>, vector<1x16xf32>,
        %get3A_1185 = vector.shape_cast %get3A_1184 : vector<1x16xf32> to vector<16xf32>
        %mul3A_1186 = vector.broadcast %squeeze3A_1100 : f32 to vector<16xf32>
        %mul3A_1187 = arith.mulf %get3A_1185, %mul3A_1186 : vector<16xf32>
        %swap3A_1188 = arith.index_cast %add3A_1104 : i32 to index
        %swap3A_1189 = arith.constant 112 : index
        %swap3A_1190 = tpu.vector_load %arg10[%swap3A_1188, %swap3A_1189] {strides = array<i32>} : memref<128x128xf32, #tpu.memory_space<vmem>>, vector<1x16xf32>,
        %swap3A_1191 = vector.shape_cast %swap3A_1190 : vector<1x16xf32> to vector<16xf32>
        %swap3A_1192 = vector.shape_cast %mul3A_1187 : vector<16xf32> to vector<1x16xf32>
        tpu.vector_store %arg10[%swap3A_1188, %swap3A_1189], %swap3A_1192 {strides = array<i32>} : memref<128x128xf32, #tpu.memory_space<vmem>>, vector<1x16xf32>,
        %slice3A_1193 = vector.extract_strided_slice %get3A_161 {offsets = [11], sizes = [1], strides = [1]} : vector<16xf32> to vector<1xf32>
        %squeeze3A_1194 = vector.extract %slice3A_1193[0] : f32 from vector<1xf32>
        %mul3A_1195 = arith.constant 16 : i32
        %mul3A_1196 = arith.muli %scan3A_157, %mul3A_1195 : i32
        %add3A_1197 = arith.constant 11 : i32
        %add3A_1198 = arith.addi %mul3A_1196, %add3A_1197 : i32
        %get3A_1199 = arith.index_cast %add3A_1198 : i32 to index
        %get3A_1200 = arith.constant 0 : index
        %get3A_1201 = tpu.vector_load %arg10[%get3A_1199, %get3A_1200] {strides = array<i32>} : memref<128x128xf32, #tpu.memory_space<vmem>>, vector<1x16xf32>,
        %get3A_1202 = vector.shape_cast %get3A_1201 : vector<1x16xf32> to vector<16xf32>
        %mul3A_1203 = vector.broadcast %squeeze3A_1194 : f32 to vector<16xf32>
        %mul3A_1204 = arith.mulf %get3A_1202, %mul3A_1203 : vector<16xf32>
        %swap3A_1205 = arith.index_cast %add3A_1198 : i32 to index
        %swap3A_1206 = arith.constant 0 : index
        %swap3A_1207 = tpu.vector_load %arg10[%swap3A_1205, %swap3A_1206] {strides = array<i32>} : memref<128x128xf32, #tpu.memory_space<vmem>>, vector<1x16xf32>,
        %swap3A_1208 = vector.shape_cast %swap3A_1207 : vector<1x16xf32> to vector<16xf32>
        %swap3A_1209 = vector.shape_cast %mul3A_1204 : vector<16xf32> to vector<1x16xf32>
        tpu.vector_store %arg10[%swap3A_1205, %swap3A_1206], %swap3A_1209 {strides = array<i32>} : memref<128x128xf32, #tpu.memory_space<vmem>>, vector<1x16xf32>,
        %get3A_1210 = arith.index_cast %add3A_1198 : i32 to index
        %get3A_1211 = arith.constant 16 : index
        %get3A_1212 = tpu.vector_load %arg10[%get3A_1210, %get3A_1211] {strides = array<i32>} : memref<128x128xf32, #tpu.memory_space<vmem>>, vector<1x16xf32>,
        %get3A_1213 = vector.shape_cast %get3A_1212 : vector<1x16xf32> to vector<16xf32>
        %mul3A_1214 = vector.broadcast %squeeze3A_1194 : f32 to vector<16xf32>
        %mul3A_1215 = arith.mulf %get3A_1213, %mul3A_1214 : vector<16xf32>
        %swap3A_1216 = arith.index_cast %add3A_1198 : i32 to index
        %swap3A_1217 = arith.constant 16 : index
        %swap3A_1218 = tpu.vector_load %arg10[%swap3A_1216, %swap3A_1217] {strides = array<i32>} : memref<128x128xf32, #tpu.memory_space<vmem>>, vector<1x16xf32>,
        %swap3A_1219 = vector.shape_cast %swap3A_1218 : vector<1x16xf32> to vector<16xf32>
        %swap3A_1220 = vector.shape_cast %mul3A_1215 : vector<16xf32> to vector<1x16xf32>
        tpu.vector_store %arg10[%swap3A_1216, %swap3A_1217], %swap3A_1220 {strides = array<i32>} : memref<128x128xf32, #tpu.memory_space<vmem>>, vector<1x16xf32>,
        %get3A_1221 = arith.index_cast %add3A_1198 : i32 to index
        %get3A_1222 = arith.constant 32 : index
        %get3A_1223 = tpu.vector_load %arg10[%get3A_1221, %get3A_1222] {strides = array<i32>} : memref<128x128xf32, #tpu.memory_space<vmem>>, vector<1x16xf32>,
        %get3A_1224 = vector.shape_cast %get3A_1223 : vector<1x16xf32> to vector<16xf32>
        %mul3A_1225 = vector.broadcast %squeeze3A_1194 : f32 to vector<16xf32>
        %mul3A_1226 = arith.mulf %get3A_1224, %mul3A_1225 : vector<16xf32>
        %swap3A_1227 = arith.index_cast %add3A_1198 : i32 to index
        %swap3A_1228 = arith.constant 32 : index
        %swap3A_1229 = tpu.vector_load %arg10[%swap3A_1227, %swap3A_1228] {strides = array<i32>} : memref<128x128xf32, #tpu.memory_space<vmem>>, vector<1x16xf32>,
        %swap3A_1230 = vector.shape_cast %swap3A_1229 : vector<1x16xf32> to vector<16xf32>
        %swap3A_1231 = vector.shape_cast %mul3A_1226 : vector<16xf32> to vector<1x16xf32>
        tpu.vector_store %arg10[%swap3A_1227, %swap3A_1228], %swap3A_1231 {strides = array<i32>} : memref<128x128xf32, #tpu.memory_space<vmem>>, vector<1x16xf32>,
        %get3A_1232 = arith.index_cast %add3A_1198 : i32 to index
        %get3A_1233 = arith.constant 48 : index
        %get3A_1234 = tpu.vector_load %arg10[%get3A_1232, %get3A_1233] {strides = array<i32>} : memref<128x128xf32, #tpu.memory_space<vmem>>, vector<1x16xf32>,
        %get3A_1235 = vector.shape_cast %get3A_1234 : vector<1x16xf32> to vector<16xf32>
        %mul3A_1236 = vector.broadcast %squeeze3A_1194 : f32 to vector<16xf32>
        %mul3A_1237 = arith.mulf %get3A_1235, %mul3A_1236 : vector<16xf32>
        %swap3A_1238 = arith.index_cast %add3A_1198 : i32 to index
        %swap3A_1239 = arith.constant 48 : index
        %swap3A_1240 = tpu.vector_load %arg10[%swap3A_1238, %swap3A_1239] {strides = array<i32>} : memref<128x128xf32, #tpu.memory_space<vmem>>, vector<1x16xf32>,
        %swap3A_1241 = vector.shape_cast %swap3A_1240 : vector<1x16xf32> to vector<16xf32>
        %swap3A_1242 = vector.shape_cast %mul3A_1237 : vector<16xf32> to vector<1x16xf32>
        tpu.vector_store %arg10[%swap3A_1238, %swap3A_1239], %swap3A_1242 {strides = array<i32>} : memref<128x128xf32, #tpu.memory_space<vmem>>, vector<1x16xf32>,
        %get3A_1243 = arith.index_cast %add3A_1198 : i32 to index
        %get3A_1244 = arith.constant 64 : index
        %get3A_1245 = tpu.vector_load %arg10[%get3A_1243, %get3A_1244] {strides = array<i32>} : memref<128x128xf32, #tpu.memory_space<vmem>>, vector<1x16xf32>,
        %get3A_1246 = vector.shape_cast %get3A_1245 : vector<1x16xf32> to vector<16xf32>
        %mul3A_1247 = vector.broadcast %squeeze3A_1194 : f32 to vector<16xf32>
        %mul3A_1248 = arith.mulf %get3A_1246, %mul3A_1247 : vector<16xf32>
        %swap3A_1249 = arith.index_cast %add3A_1198 : i32 to index
        %swap3A_1250 = arith.constant 64 : index
        %swap3A_1251 = tpu.vector_load %arg10[%swap3A_1249, %swap3A_1250] {strides = array<i32>} : memref<128x128xf32, #tpu.memory_space<vmem>>, vector<1x16xf32>,
        %swap3A_1252 = vector.shape_cast %swap3A_1251 : vector<1x16xf32> to vector<16xf32>
        %swap3A_1253 = vector.shape_cast %mul3A_1248 : vector<16xf32> to vector<1x16xf32>
        tpu.vector_store %arg10[%swap3A_1249, %swap3A_1250], %swap3A_1253 {strides = array<i32>} : memref<128x128xf32, #tpu.memory_space<vmem>>, vector<1x16xf32>,
        %get3A_1254 = arith.index_cast %add3A_1198 : i32 to index
        %get3A_1255 = arith.constant 80 : index
        %get3A_1256 = tpu.vector_load %arg10[%get3A_1254, %get3A_1255] {strides = array<i32>} : memref<128x128xf32, #tpu.memory_space<vmem>>, vector<1x16xf32>,
        %get3A_1257 = vector.shape_cast %get3A_1256 : vector<1x16xf32> to vector<16xf32>
        %mul3A_1258 = vector.broadcast %squeeze3A_1194 : f32 to vector<16xf32>
        %mul3A_1259 = arith.mulf %get3A_1257, %mul3A_1258 : vector<16xf32>
        %swap3A_1260 = arith.index_cast %add3A_1198 : i32 to index
        %swap3A_1261 = arith.constant 80 : index
        %swap3A_1262 = tpu.vector_load %arg10[%swap3A_1260, %swap3A_1261] {strides = array<i32>} : memref<128x128xf32, #tpu.memory_space<vmem>>, vector<1x16xf32>,
        %swap3A_1263 = vector.shape_cast %swap3A_1262 : vector<1x16xf32> to vector<16xf32>
        %swap3A_1264 = vector.shape_cast %mul3A_1259 : vector<16xf32> to vector<1x16xf32>
        tpu.vector_store %arg10[%swap3A_1260, %swap3A_1261], %swap3A_1264 {strides = array<i32>} : memref<128x128xf32, #tpu.memory_space<vmem>>, vector<1x16xf32>,
        %get3A_1265 = arith.index_cast %add3A_1198 : i32 to index
        %get3A_1266 = arith.constant 96 : index
        %get3A_1267 = tpu.vector_load %arg10[%get3A_1265, %get3A_1266] {strides = array<i32>} : memref<128x128xf32, #tpu.memory_space<vmem>>, vector<1x16xf32>,
        %get3A_1268 = vector.shape_cast %get3A_1267 : vector<1x16xf32> to vector<16xf32>
        %mul3A_1269 = vector.broadcast %squeeze3A_1194 : f32 to vector<16xf32>
        %mul3A_1270 = arith.mulf %get3A_1268, %mul3A_1269 : vector<16xf32>
        %swap3A_1271 = arith.index_cast %add3A_1198 : i32 to index
        %swap3A_1272 = arith.constant 96 : index
        %swap3A_1273 = tpu.vector_load %arg10[%swap3A_1271, %swap3A_1272] {strides = array<i32>} : memref<128x128xf32, #tpu.memory_space<vmem>>, vector<1x16xf32>,
        %swap3A_1274 = vector.shape_cast %swap3A_1273 : vector<1x16xf32> to vector<16xf32>
        %swap3A_1275 = vector.shape_cast %mul3A_1270 : vector<16xf32> to vector<1x16xf32>
        tpu.vector_store %arg10[%swap3A_1271, %swap3A_1272], %swap3A_1275 {strides = array<i32>} : memref<128x128xf32, #tpu.memory_space<vmem>>, vector<1x16xf32>,
        %get3A_1276 = arith.index_cast %add3A_1198 : i32 to index
        %get3A_1277 = arith.constant 112 : index
        %get3A_1278 = tpu.vector_load %arg10[%get3A_1276, %get3A_1277] {strides = array<i32>} : memref<128x128xf32, #tpu.memory_space<vmem>>, vector<1x16xf32>,
        %get3A_1279 = vector.shape_cast %get3A_1278 : vector<1x16xf32> to vector<16xf32>
        %mul3A_1280 = vector.broadcast %squeeze3A_1194 : f32 to vector<16xf32>
        %mul3A_1281 = arith.mulf %get3A_1279, %mul3A_1280 : vector<16xf32>
        %swap3A_1282 = arith.index_cast %add3A_1198 : i32 to index
        %swap3A_1283 = arith.constant 112 : index
        %swap3A_1284 = tpu.vector_load %arg10[%swap3A_1282, %swap3A_1283] {strides = array<i32>} : memref<128x128xf32, #tpu.memory_space<vmem>>, vector<1x16xf32>,
        %swap3A_1285 = vector.shape_cast %swap3A_1284 : vector<1x16xf32> to vector<16xf32>
        %swap3A_1286 = vector.shape_cast %mul3A_1281 : vector<16xf32> to vector<1x16xf32>
        tpu.vector_store %arg10[%swap3A_1282, %swap3A_1283], %swap3A_1286 {strides = array<i32>} : memref<128x128xf32, #tpu.memory_space<vmem>>, vector<1x16xf32>,
        %slice3A_1287 = vector.extract_strided_slice %get3A_161 {offsets = [12], sizes = [1], strides = [1]} : vector<16xf32> to vector<1xf32>
        %squeeze3A_1288 = vector.extract %slice3A_1287[0] : f32 from vector<1xf32>
        %mul3A_1289 = arith.constant 16 : i32
        %mul3A_1290 = arith.muli %scan3A_157, %mul3A_1289 : i32
        %add3A_1291 = arith.constant 12 : i32
        %add3A_1292 = arith.addi %mul3A_1290, %add3A_1291 : i32
        %get3A_1293 = arith.index_cast %add3A_1292 : i32 to index
        %get3A_1294 = arith.constant 0 : index
        %get3A_1295 = tpu.vector_load %arg10[%get3A_1293, %get3A_1294] {strides = array<i32>} : memref<128x128xf32, #tpu.memory_space<vmem>>, vector<1x16xf32>,
        %get3A_1296 = vector.shape_cast %get3A_1295 : vector<1x16xf32> to vector<16xf32>
        %mul3A_1297 = vector.broadcast %squeeze3A_1288 : f32 to vector<16xf32>
        %mul3A_1298 = arith.mulf %get3A_1296, %mul3A_1297 : vector<16xf32>
        %swap3A_1299 = arith.index_cast %add3A_1292 : i32 to index
        %swap3A_1300 = arith.constant 0 : index
        %swap3A_1301 = tpu.vector_load %arg10[%swap3A_1299, %swap3A_1300] {strides = array<i32>} : memref<128x128xf32, #tpu.memory_space<vmem>>, vector<1x16xf32>,
        %swap3A_1302 = vector.shape_cast %swap3A_1301 : vector<1x16xf32> to vector<16xf32>
        %swap3A_1303 = vector.shape_cast %mul3A_1298 : vector<16xf32> to vector<1x16xf32>
        tpu.vector_store %arg10[%swap3A_1299, %swap3A_1300], %swap3A_1303 {strides = array<i32>} : memref<128x128xf32, #tpu.memory_space<vmem>>, vector<1x16xf32>,
        %get3A_1304 = arith.index_cast %add3A_1292 : i32 to index
        %get3A_1305 = arith.constant 16 : index
        %get3A_1306 = tpu.vector_load %arg10[%get3A_1304, %get3A_1305] {strides = array<i32>} : memref<128x128xf32, #tpu.memory_space<vmem>>, vector<1x16xf32>,
        %get3A_1307 = vector.shape_cast %get3A_1306 : vector<1x16xf32> to vector<16xf32>
        %mul3A_1308 = vector.broadcast %squeeze3A_1288 : f32 to vector<16xf32>
        %mul3A_1309 = arith.mulf %get3A_1307, %mul3A_1308 : vector<16xf32>
        %swap3A_1310 = arith.index_cast %add3A_1292 : i32 to index
        %swap3A_1311 = arith.constant 16 : index
        %swap3A_1312 = tpu.vector_load %arg10[%swap3A_1310, %swap3A_1311] {strides = array<i32>} : memref<128x128xf32, #tpu.memory_space<vmem>>, vector<1x16xf32>,
        %swap3A_1313 = vector.shape_cast %swap3A_1312 : vector<1x16xf32> to vector<16xf32>
        %swap3A_1314 = vector.shape_cast %mul3A_1309 : vector<16xf32> to vector<1x16xf32>
        tpu.vector_store %arg10[%swap3A_1310, %swap3A_1311], %swap3A_1314 {strides = array<i32>} : memref<128x128xf32, #tpu.memory_space<vmem>>, vector<1x16xf32>,
        %get3A_1315 = arith.index_cast %add3A_1292 : i32 to index
        %get3A_1316 = arith.constant 32 : index
        %get3A_1317 = tpu.vector_load %arg10[%get3A_1315, %get3A_1316] {strides = array<i32>} : memref<128x128xf32, #tpu.memory_space<vmem>>, vector<1x16xf32>,
        %get3A_1318 = vector.shape_cast %get3A_1317 : vector<1x16xf32> to vector<16xf32>
        %mul3A_1319 = vector.broadcast %squeeze3A_1288 : f32 to vector<16xf32>
        %mul3A_1320 = arith.mulf %get3A_1318, %mul3A_1319 : vector<16xf32>
        %swap3A_1321 = arith.index_cast %add3A_1292 : i32 to index
        %swap3A_1322 = arith.constant 32 : index
        %swap3A_1323 = tpu.vector_load %arg10[%swap3A_1321, %swap3A_1322] {strides = array<i32>} : memref<128x128xf32, #tpu.memory_space<vmem>>, vector<1x16xf32>,
        %swap3A_1324 = vector.shape_cast %swap3A_1323 : vector<1x16xf32> to vector<16xf32>
        %swap3A_1325 = vector.shape_cast %mul3A_1320 : vector<16xf32> to vector<1x16xf32>
        tpu.vector_store %arg10[%swap3A_1321, %swap3A_1322], %swap3A_1325 {strides = array<i32>} : memref<128x128xf32, #tpu.memory_space<vmem>>, vector<1x16xf32>,
        %get3A_1326 = arith.index_cast %add3A_1292 : i32 to index
        %get3A_1327 = arith.constant 48 : index
        %get3A_1328 = tpu.vector_load %arg10[%get3A_1326, %get3A_1327] {strides = array<i32>} : memref<128x128xf32, #tpu.memory_space<vmem>>, vector<1x16xf32>,
        %get3A_1329 = vector.shape_cast %get3A_1328 : vector<1x16xf32> to vector<16xf32>
        %mul3A_1330 = vector.broadcast %squeeze3A_1288 : f32 to vector<16xf32>
        %mul3A_1331 = arith.mulf %get3A_1329, %mul3A_1330 : vector<16xf32>
        %swap3A_1332 = arith.index_cast %add3A_1292 : i32 to index
        %swap3A_1333 = arith.constant 48 : index
        %swap3A_1334 = tpu.vector_load %arg10[%swap3A_1332, %swap3A_1333] {strides = array<i32>} : memref<128x128xf32, #tpu.memory_space<vmem>>, vector<1x16xf32>,
        %swap3A_1335 = vector.shape_cast %swap3A_1334 : vector<1x16xf32> to vector<16xf32>
        %swap3A_1336 = vector.shape_cast %mul3A_1331 : vector<16xf32> to vector<1x16xf32>
        tpu.vector_store %arg10[%swap3A_1332, %swap3A_1333], %swap3A_1336 {strides = array<i32>} : memref<128x128xf32, #tpu.memory_space<vmem>>, vector<1x16xf32>,
        %get3A_1337 = arith.index_cast %add3A_1292 : i32 to index
        %get3A_1338 = arith.constant 64 : index
        %get3A_1339 = tpu.vector_load %arg10[%get3A_1337, %get3A_1338] {strides = array<i32>} : memref<128x128xf32, #tpu.memory_space<vmem>>, vector<1x16xf32>,
        %get3A_1340 = vector.shape_cast %get3A_1339 : vector<1x16xf32> to vector<16xf32>
        %mul3A_1341 = vector.broadcast %squeeze3A_1288 : f32 to vector<16xf32>
        %mul3A_1342 = arith.mulf %get3A_1340, %mul3A_1341 : vector<16xf32>
        %swap3A_1343 = arith.index_cast %add3A_1292 : i32 to index
        %swap3A_1344 = arith.constant 64 : index
        %swap3A_1345 = tpu.vector_load %arg10[%swap3A_1343, %swap3A_1344] {strides = array<i32>} : memref<128x128xf32, #tpu.memory_space<vmem>>, vector<1x16xf32>,
        %swap3A_1346 = vector.shape_cast %swap3A_1345 : vector<1x16xf32> to vector<16xf32>
        %swap3A_1347 = vector.shape_cast %mul3A_1342 : vector<16xf32> to vector<1x16xf32>
        tpu.vector_store %arg10[%swap3A_1343, %swap3A_1344], %swap3A_1347 {strides = array<i32>} : memref<128x128xf32, #tpu.memory_space<vmem>>, vector<1x16xf32>,
        %get3A_1348 = arith.index_cast %add3A_1292 : i32 to index
        %get3A_1349 = arith.constant 80 : index
        %get3A_1350 = tpu.vector_load %arg10[%get3A_1348, %get3A_1349] {strides = array<i32>} : memref<128x128xf32, #tpu.memory_space<vmem>>, vector<1x16xf32>,
        %get3A_1351 = vector.shape_cast %get3A_1350 : vector<1x16xf32> to vector<16xf32>
        %mul3A_1352 = vector.broadcast %squeeze3A_1288 : f32 to vector<16xf32>
        %mul3A_1353 = arith.mulf %get3A_1351, %mul3A_1352 : vector<16xf32>
        %swap3A_1354 = arith.index_cast %add3A_1292 : i32 to index
        %swap3A_1355 = arith.constant 80 : index
        %swap3A_1356 = tpu.vector_load %arg10[%swap3A_1354, %swap3A_1355] {strides = array<i32>} : memref<128x128xf32, #tpu.memory_space<vmem>>, vector<1x16xf32>,
        %swap3A_1357 = vector.shape_cast %swap3A_1356 : vector<1x16xf32> to vector<16xf32>
        %swap3A_1358 = vector.shape_cast %mul3A_1353 : vector<16xf32> to vector<1x16xf32>
        tpu.vector_store %arg10[%swap3A_1354, %swap3A_1355], %swap3A_1358 {strides = array<i32>} : memref<128x128xf32, #tpu.memory_space<vmem>>, vector<1x16xf32>,
        %get3A_1359 = arith.index_cast %add3A_1292 : i32 to index
        %get3A_1360 = arith.constant 96 : index
        %get3A_1361 = tpu.vector_load %arg10[%get3A_1359, %get3A_1360] {strides = array<i32>} : memref<128x128xf32, #tpu.memory_space<vmem>>, vector<1x16xf32>,
        %get3A_1362 = vector.shape_cast %get3A_1361 : vector<1x16xf32> to vector<16xf32>
        %mul3A_1363 = vector.broadcast %squeeze3A_1288 : f32 to vector<16xf32>
        %mul3A_1364 = arith.mulf %get3A_1362, %mul3A_1363 : vector<16xf32>
        %swap3A_1365 = arith.index_cast %add3A_1292 : i32 to index
        %swap3A_1366 = arith.constant 96 : index
        %swap3A_1367 = tpu.vector_load %arg10[%swap3A_1365, %swap3A_1366] {strides = array<i32>} : memref<128x128xf32, #tpu.memory_space<vmem>>, vector<1x16xf32>,
        %swap3A_1368 = vector.shape_cast %swap3A_1367 : vector<1x16xf32> to vector<16xf32>
        %swap3A_1369 = vector.shape_cast %mul3A_1364 : vector<16xf32> to vector<1x16xf32>
        tpu.vector_store %arg10[%swap3A_1365, %swap3A_1366], %swap3A_1369 {strides = array<i32>} : memref<128x128xf32, #tpu.memory_space<vmem>>, vector<1x16xf32>,
        %get3A_1370 = arith.index_cast %add3A_1292 : i32 to index
        %get3A_1371 = arith.constant 112 : index
        %get3A_1372 = tpu.vector_load %arg10[%get3A_1370, %get3A_1371] {strides = array<i32>} : memref<128x128xf32, #tpu.memory_space<vmem>>, vector<1x16xf32>,
        %get3A_1373 = vector.shape_cast %get3A_1372 : vector<1x16xf32> to vector<16xf32>
        %mul3A_1374 = vector.broadcast %squeeze3A_1288 : f32 to vector<16xf32>
        %mul3A_1375 = arith.mulf %get3A_1373, %mul3A_1374 : vector<16xf32>
        %swap3A_1376 = arith.index_cast %add3A_1292 : i32 to index
        %swap3A_1377 = arith.constant 112 : index
        %swap3A_1378 = tpu.vector_load %arg10[%swap3A_1376, %swap3A_1377] {strides = array<i32>} : memref<128x128xf32, #tpu.memory_space<vmem>>, vector<1x16xf32>,
        %swap3A_1379 = vector.shape_cast %swap3A_1378 : vector<1x16xf32> to vector<16xf32>
        %swap3A_1380 = vector.shape_cast %mul3A_1375 : vector<16xf32> to vector<1x16xf32>
        tpu.vector_store %arg10[%swap3A_1376, %swap3A_1377], %swap3A_1380 {strides = array<i32>} : memref<128x128xf32, #tpu.memory_space<vmem>>, vector<1x16xf32>,
        %slice3A_1381 = vector.extract_strided_slice %get3A_161 {offsets = [13], sizes = [1], strides = [1]} : vector<16xf32> to vector<1xf32>
        %squeeze3A_1382 = vector.extract %slice3A_1381[0] : f32 from vector<1xf32>
        %mul3A_1383 = arith.constant 16 : i32
        %mul3A_1384 = arith.muli %scan3A_157, %mul3A_1383 : i32
        %add3A_1385 = arith.constant 13 : i32
        %add3A_1386 = arith.addi %mul3A_1384, %add3A_1385 : i32
        %get3A_1387 = arith.index_cast %add3A_1386 : i32 to index
        %get3A_1388 = arith.constant 0 : index
        %get3A_1389 = tpu.vector_load %arg10[%get3A_1387, %get3A_1388] {strides = array<i32>} : memref<128x128xf32, #tpu.memory_space<vmem>>, vector<1x16xf32>,
        %get3A_1390 = vector.shape_cast %get3A_1389 : vector<1x16xf32> to vector<16xf32>
        %mul3A_1391 = vector.broadcast %squeeze3A_1382 : f32 to vector<16xf32>
        %mul3A_1392 = arith.mulf %get3A_1390, %mul3A_1391 : vector<16xf32>
        %swap3A_1393 = arith.index_cast %add3A_1386 : i32 to index
        %swap3A_1394 = arith.constant 0 : index
        %swap3A_1395 = tpu.vector_load %arg10[%swap3A_1393, %swap3A_1394] {strides = array<i32>} : memref<128x128xf32, #tpu.memory_space<vmem>>, vector<1x16xf32>,
        %swap3A_1396 = vector.shape_cast %swap3A_1395 : vector<1x16xf32> to vector<16xf32>
        %swap3A_1397 = vector.shape_cast %mul3A_1392 : vector<16xf32> to vector<1x16xf32>
        tpu.vector_store %arg10[%swap3A_1393, %swap3A_1394], %swap3A_1397 {strides = array<i32>} : memref<128x128xf32, #tpu.memory_space<vmem>>, vector<1x16xf32>,
        %get3A_1398 = arith.index_cast %add3A_1386 : i32 to index
        %get3A_1399 = arith.constant 16 : index
        %get3A_1400 = tpu.vector_load %arg10[%get3A_1398, %get3A_1399] {strides = array<i32>} : memref<128x128xf32, #tpu.memory_space<vmem>>, vector<1x16xf32>,
        %get3A_1401 = vector.shape_cast %get3A_1400 : vector<1x16xf32> to vector<16xf32>
        %mul3A_1402 = vector.broadcast %squeeze3A_1382 : f32 to vector<16xf32>
        %mul3A_1403 = arith.mulf %get3A_1401, %mul3A_1402 : vector<16xf32>
        %swap3A_1404 = arith.index_cast %add3A_1386 : i32 to index
        %swap3A_1405 = arith.constant 16 : index
        %swap3A_1406 = tpu.vector_load %arg10[%swap3A_1404, %swap3A_1405] {strides = array<i32>} : memref<128x128xf32, #tpu.memory_space<vmem>>, vector<1x16xf32>,
        %swap3A_1407 = vector.shape_cast %swap3A_1406 : vector<1x16xf32> to vector<16xf32>
        %swap3A_1408 = vector.shape_cast %mul3A_1403 : vector<16xf32> to vector<1x16xf32>
        tpu.vector_store %arg10[%swap3A_1404, %swap3A_1405], %swap3A_1408 {strides = array<i32>} : memref<128x128xf32, #tpu.memory_space<vmem>>, vector<1x16xf32>,
        %get3A_1409 = arith.index_cast %add3A_1386 : i32 to index
        %get3A_1410 = arith.constant 32 : index
        %get3A_1411 = tpu.vector_load %arg10[%get3A_1409, %get3A_1410] {strides = array<i32>} : memref<128x128xf32, #tpu.memory_space<vmem>>, vector<1x16xf32>,
        %get3A_1412 = vector.shape_cast %get3A_1411 : vector<1x16xf32> to vector<16xf32>
        %mul3A_1413 = vector.broadcast %squeeze3A_1382 : f32 to vector<16xf32>
        %mul3A_1414 = arith.mulf %get3A_1412, %mul3A_1413 : vector<16xf32>
        %swap3A_1415 = arith.index_cast %add3A_1386 : i32 to index
        %swap3A_1416 = arith.constant 32 : index
        %swap3A_1417 = tpu.vector_load %arg10[%swap3A_1415, %swap3A_1416] {strides = array<i32>} : memref<128x128xf32, #tpu.memory_space<vmem>>, vector<1x16xf32>,
        %swap3A_1418 = vector.shape_cast %swap3A_1417 : vector<1x16xf32> to vector<16xf32>
        %swap3A_1419 = vector.shape_cast %mul3A_1414 : vector<16xf32> to vector<1x16xf32>
        tpu.vector_store %arg10[%swap3A_1415, %swap3A_1416], %swap3A_1419 {strides = array<i32>} : memref<128x128xf32, #tpu.memory_space<vmem>>, vector<1x16xf32>,
        %get3A_1420 = arith.index_cast %add3A_1386 : i32 to index
        %get3A_1421 = arith.constant 48 : index
        %get3A_1422 = tpu.vector_load %arg10[%get3A_1420, %get3A_1421] {strides = array<i32>} : memref<128x128xf32, #tpu.memory_space<vmem>>, vector<1x16xf32>,
        %get3A_1423 = vector.shape_cast %get3A_1422 : vector<1x16xf32> to vector<16xf32>
        %mul3A_1424 = vector.broadcast %squeeze3A_1382 : f32 to vector<16xf32>
        %mul3A_1425 = arith.mulf %get3A_1423, %mul3A_1424 : vector<16xf32>
        %swap3A_1426 = arith.index_cast %add3A_1386 : i32 to index
        %swap3A_1427 = arith.constant 48 : index
        %swap3A_1428 = tpu.vector_load %arg10[%swap3A_1426, %swap3A_1427] {strides = array<i32>} : memref<128x128xf32, #tpu.memory_space<vmem>>, vector<1x16xf32>,
        %swap3A_1429 = vector.shape_cast %swap3A_1428 : vector<1x16xf32> to vector<16xf32>
        %swap3A_1430 = vector.shape_cast %mul3A_1425 : vector<16xf32> to vector<1x16xf32>
        tpu.vector_store %arg10[%swap3A_1426, %swap3A_1427], %swap3A_1430 {strides = array<i32>} : memref<128x128xf32, #tpu.memory_space<vmem>>, vector<1x16xf32>,
        %get3A_1431 = arith.index_cast %add3A_1386 : i32 to index
        %get3A_1432 = arith.constant 64 : index
        %get3A_1433 = tpu.vector_load %arg10[%get3A_1431, %get3A_1432] {strides = array<i32>} : memref<128x128xf32, #tpu.memory_space<vmem>>, vector<1x16xf32>,
        %get3A_1434 = vector.shape_cast %get3A_1433 : vector<1x16xf32> to vector<16xf32>
        %mul3A_1435 = vector.broadcast %squeeze3A_1382 : f32 to vector<16xf32>
        %mul3A_1436 = arith.mulf %get3A_1434, %mul3A_1435 : vector<16xf32>
        %swap3A_1437 = arith.index_cast %add3A_1386 : i32 to index
        %swap3A_1438 = arith.constant 64 : index
        %swap3A_1439 = tpu.vector_load %arg10[%swap3A_1437, %swap3A_1438] {strides = array<i32>} : memref<128x128xf32, #tpu.memory_space<vmem>>, vector<1x16xf32>,
        %swap3A_1440 = vector.shape_cast %swap3A_1439 : vector<1x16xf32> to vector<16xf32>
        %swap3A_1441 = vector.shape_cast %mul3A_1436 : vector<16xf32> to vector<1x16xf32>
        tpu.vector_store %arg10[%swap3A_1437, %swap3A_1438], %swap3A_1441 {strides = array<i32>} : memref<128x128xf32, #tpu.memory_space<vmem>>, vector<1x16xf32>,
        %get3A_1442 = arith.index_cast %add3A_1386 : i32 to index
        %get3A_1443 = arith.constant 80 : index
        %get3A_1444 = tpu.vector_load %arg10[%get3A_1442, %get3A_1443] {strides = array<i32>} : memref<128x128xf32, #tpu.memory_space<vmem>>, vector<1x16xf32>,
        %get3A_1445 = vector.shape_cast %get3A_1444 : vector<1x16xf32> to vector<16xf32>
        %mul3A_1446 = vector.broadcast %squeeze3A_1382 : f32 to vector<16xf32>
        %mul3A_1447 = arith.mulf %get3A_1445, %mul3A_1446 : vector<16xf32>
        %swap3A_1448 = arith.index_cast %add3A_1386 : i32 to index
        %swap3A_1449 = arith.constant 80 : index
        %swap3A_1450 = tpu.vector_load %arg10[%swap3A_1448, %swap3A_1449] {strides = array<i32>} : memref<128x128xf32, #tpu.memory_space<vmem>>, vector<1x16xf32>,
        %swap3A_1451 = vector.shape_cast %swap3A_1450 : vector<1x16xf32> to vector<16xf32>
        %swap3A_1452 = vector.shape_cast %mul3A_1447 : vector<16xf32> to vector<1x16xf32>
        tpu.vector_store %arg10[%swap3A_1448, %swap3A_1449], %swap3A_1452 {strides = array<i32>} : memref<128x128xf32, #tpu.memory_space<vmem>>, vector<1x16xf32>,
        %get3A_1453 = arith.index_cast %add3A_1386 : i32 to index
        %get3A_1454 = arith.constant 96 : index
        %get3A_1455 = tpu.vector_load %arg10[%get3A_1453, %get3A_1454] {strides = array<i32>} : memref<128x128xf32, #tpu.memory_space<vmem>>, vector<1x16xf32>,
        %get3A_1456 = vector.shape_cast %get3A_1455 : vector<1x16xf32> to vector<16xf32>
        %mul3A_1457 = vector.broadcast %squeeze3A_1382 : f32 to vector<16xf32>
        %mul3A_1458 = arith.mulf %get3A_1456, %mul3A_1457 : vector<16xf32>
        %swap3A_1459 = arith.index_cast %add3A_1386 : i32 to index
        %swap3A_1460 = arith.constant 96 : index
        %swap3A_1461 = tpu.vector_load %arg10[%swap3A_1459, %swap3A_1460] {strides = array<i32>} : memref<128x128xf32, #tpu.memory_space<vmem>>, vector<1x16xf32>,
        %swap3A_1462 = vector.shape_cast %swap3A_1461 : vector<1x16xf32> to vector<16xf32>
        %swap3A_1463 = vector.shape_cast %mul3A_1458 : vector<16xf32> to vector<1x16xf32>
        tpu.vector_store %arg10[%swap3A_1459, %swap3A_1460], %swap3A_1463 {strides = array<i32>} : memref<128x128xf32, #tpu.memory_space<vmem>>, vector<1x16xf32>,
        %get3A_1464 = arith.index_cast %add3A_1386 : i32 to index
        %get3A_1465 = arith.constant 112 : index
        %get3A_1466 = tpu.vector_load %arg10[%get3A_1464, %get3A_1465] {strides = array<i32>} : memref<128x128xf32, #tpu.memory_space<vmem>>, vector<1x16xf32>,
        %get3A_1467 = vector.shape_cast %get3A_1466 : vector<1x16xf32> to vector<16xf32>
        %mul3A_1468 = vector.broadcast %squeeze3A_1382 : f32 to vector<16xf32>
        %mul3A_1469 = arith.mulf %get3A_1467, %mul3A_1468 : vector<16xf32>
        %swap3A_1470 = arith.index_cast %add3A_1386 : i32 to index
        %swap3A_1471 = arith.constant 112 : index
        %swap3A_1472 = tpu.vector_load %arg10[%swap3A_1470, %swap3A_1471] {strides = array<i32>} : memref<128x128xf32, #tpu.memory_space<vmem>>, vector<1x16xf32>,
        %swap3A_1473 = vector.shape_cast %swap3A_1472 : vector<1x16xf32> to vector<16xf32>
        %swap3A_1474 = vector.shape_cast %mul3A_1469 : vector<16xf32> to vector<1x16xf32>
        tpu.vector_store %arg10[%swap3A_1470, %swap3A_1471], %swap3A_1474 {strides = array<i32>} : memref<128x128xf32, #tpu.memory_space<vmem>>, vector<1x16xf32>,
        %slice3A_1475 = vector.extract_strided_slice %get3A_161 {offsets = [14], sizes = [1], strides = [1]} : vector<16xf32> to vector<1xf32>
        %squeeze3A_1476 = vector.extract %slice3A_1475[0] : f32 from vector<1xf32>
        %mul3A_1477 = arith.constant 16 : i32
        %mul3A_1478 = arith.muli %scan3A_157, %mul3A_1477 : i32
        %add3A_1479 = arith.constant 14 : i32
        %add3A_1480 = arith.addi %mul3A_1478, %add3A_1479 : i32
        %get3A_1481 = arith.index_cast %add3A_1480 : i32 to index
        %get3A_1482 = arith.constant 0 : index
        %get3A_1483 = tpu.vector_load %arg10[%get3A_1481, %get3A_1482] {strides = array<i32>} : memref<128x128xf32, #tpu.memory_space<vmem>>, vector<1x16xf32>,
        %get3A_1484 = vector.shape_cast %get3A_1483 : vector<1x16xf32> to vector<16xf32>
        %mul3A_1485 = vector.broadcast %squeeze3A_1476 : f32 to vector<16xf32>
        %mul3A_1486 = arith.mulf %get3A_1484, %mul3A_1485 : vector<16xf32>
        %swap3A_1487 = arith.index_cast %add3A_1480 : i32 to index
        %swap3A_1488 = arith.constant 0 : index
        %swap3A_1489 = tpu.vector_load %arg10[%swap3A_1487, %swap3A_1488] {strides = array<i32>} : memref<128x128xf32, #tpu.memory_space<vmem>>, vector<1x16xf32>,
        %swap3A_1490 = vector.shape_cast %swap3A_1489 : vector<1x16xf32> to vector<16xf32>
        %swap3A_1491 = vector.shape_cast %mul3A_1486 : vector<16xf32> to vector<1x16xf32>
        tpu.vector_store %arg10[%swap3A_1487, %swap3A_1488], %swap3A_1491 {strides = array<i32>} : memref<128x128xf32, #tpu.memory_space<vmem>>, vector<1x16xf32>,
        %get3A_1492 = arith.index_cast %add3A_1480 : i32 to index
        %get3A_1493 = arith.constant 16 : index
        %get3A_1494 = tpu.vector_load %arg10[%get3A_1492, %get3A_1493] {strides = array<i32>} : memref<128x128xf32, #tpu.memory_space<vmem>>, vector<1x16xf32>,
        %get3A_1495 = vector.shape_cast %get3A_1494 : vector<1x16xf32> to vector<16xf32>
        %mul3A_1496 = vector.broadcast %squeeze3A_1476 : f32 to vector<16xf32>
        %mul3A_1497 = arith.mulf %get3A_1495, %mul3A_1496 : vector<16xf32>
        %swap3A_1498 = arith.index_cast %add3A_1480 : i32 to index
        %swap3A_1499 = arith.constant 16 : index
        %swap3A_1500 = tpu.vector_load %arg10[%swap3A_1498, %swap3A_1499] {strides = array<i32>} : memref<128x128xf32, #tpu.memory_space<vmem>>, vector<1x16xf32>,
        %swap3A_1501 = vector.shape_cast %swap3A_1500 : vector<1x16xf32> to vector<16xf32>
        %swap3A_1502 = vector.shape_cast %mul3A_1497 : vector<16xf32> to vector<1x16xf32>
        tpu.vector_store %arg10[%swap3A_1498, %swap3A_1499], %swap3A_1502 {strides = array<i32>} : memref<128x128xf32, #tpu.memory_space<vmem>>, vector<1x16xf32>,
        %get3A_1503 = arith.index_cast %add3A_1480 : i32 to index
        %get3A_1504 = arith.constant 32 : index
        %get3A_1505 = tpu.vector_load %arg10[%get3A_1503, %get3A_1504] {strides = array<i32>} : memref<128x128xf32, #tpu.memory_space<vmem>>, vector<1x16xf32>,
        %get3A_1506 = vector.shape_cast %get3A_1505 : vector<1x16xf32> to vector<16xf32>
        %mul3A_1507 = vector.broadcast %squeeze3A_1476 : f32 to vector<16xf32>
        %mul3A_1508 = arith.mulf %get3A_1506, %mul3A_1507 : vector<16xf32>
        %swap3A_1509 = arith.index_cast %add3A_1480 : i32 to index
        %swap3A_1510 = arith.constant 32 : index
        %swap3A_1511 = tpu.vector_load %arg10[%swap3A_1509, %swap3A_1510] {strides = array<i32>} : memref<128x128xf32, #tpu.memory_space<vmem>>, vector<1x16xf32>,
        %swap3A_1512 = vector.shape_cast %swap3A_1511 : vector<1x16xf32> to vector<16xf32>
        %swap3A_1513 = vector.shape_cast %mul3A_1508 : vector<16xf32> to vector<1x16xf32>
        tpu.vector_store %arg10[%swap3A_1509, %swap3A_1510], %swap3A_1513 {strides = array<i32>} : memref<128x128xf32, #tpu.memory_space<vmem>>, vector<1x16xf32>,
        %get3A_1514 = arith.index_cast %add3A_1480 : i32 to index
        %get3A_1515 = arith.constant 48 : index
        %get3A_1516 = tpu.vector_load %arg10[%get3A_1514, %get3A_1515] {strides = array<i32>} : memref<128x128xf32, #tpu.memory_space<vmem>>, vector<1x16xf32>,
        %get3A_1517 = vector.shape_cast %get3A_1516 : vector<1x16xf32> to vector<16xf32>
        %mul3A_1518 = vector.broadcast %squeeze3A_1476 : f32 to vector<16xf32>
        %mul3A_1519 = arith.mulf %get3A_1517, %mul3A_1518 : vector<16xf32>
        %swap3A_1520 = arith.index_cast %add3A_1480 : i32 to index
        %swap3A_1521 = arith.constant 48 : index
        %swap3A_1522 = tpu.vector_load %arg10[%swap3A_1520, %swap3A_1521] {strides = array<i32>} : memref<128x128xf32, #tpu.memory_space<vmem>>, vector<1x16xf32>,
        %swap3A_1523 = vector.shape_cast %swap3A_1522 : vector<1x16xf32> to vector<16xf32>
        %swap3A_1524 = vector.shape_cast %mul3A_1519 : vector<16xf32> to vector<1x16xf32>
        tpu.vector_store %arg10[%swap3A_1520, %swap3A_1521], %swap3A_1524 {strides = array<i32>} : memref<128x128xf32, #tpu.memory_space<vmem>>, vector<1x16xf32>,
        %get3A_1525 = arith.index_cast %add3A_1480 : i32 to index
        %get3A_1526 = arith.constant 64 : index
        %get3A_1527 = tpu.vector_load %arg10[%get3A_1525, %get3A_1526] {strides = array<i32>} : memref<128x128xf32, #tpu.memory_space<vmem>>, vector<1x16xf32>,
        %get3A_1528 = vector.shape_cast %get3A_1527 : vector<1x16xf32> to vector<16xf32>
        %mul3A_1529 = vector.broadcast %squeeze3A_1476 : f32 to vector<16xf32>
        %mul3A_1530 = arith.mulf %get3A_1528, %mul3A_1529 : vector<16xf32>
        %swap3A_1531 = arith.index_cast %add3A_1480 : i32 to index
        %swap3A_1532 = arith.constant 64 : index
        %swap3A_1533 = tpu.vector_load %arg10[%swap3A_1531, %swap3A_1532] {strides = array<i32>} : memref<128x128xf32, #tpu.memory_space<vmem>>, vector<1x16xf32>,
        %swap3A_1534 = vector.shape_cast %swap3A_1533 : vector<1x16xf32> to vector<16xf32>
        %swap3A_1535 = vector.shape_cast %mul3A_1530 : vector<16xf32> to vector<1x16xf32>
        tpu.vector_store %arg10[%swap3A_1531, %swap3A_1532], %swap3A_1535 {strides = array<i32>} : memref<128x128xf32, #tpu.memory_space<vmem>>, vector<1x16xf32>,
        %get3A_1536 = arith.index_cast %add3A_1480 : i32 to index
        %get3A_1537 = arith.constant 80 : index
        %get3A_1538 = tpu.vector_load %arg10[%get3A_1536, %get3A_1537] {strides = array<i32>} : memref<128x128xf32, #tpu.memory_space<vmem>>, vector<1x16xf32>,
        %get3A_1539 = vector.shape_cast %get3A_1538 : vector<1x16xf32> to vector<16xf32>
        %mul3A_1540 = vector.broadcast %squeeze3A_1476 : f32 to vector<16xf32>
        %mul3A_1541 = arith.mulf %get3A_1539, %mul3A_1540 : vector<16xf32>
        %swap3A_1542 = arith.index_cast %add3A_1480 : i32 to index
        %swap3A_1543 = arith.constant 80 : index
        %swap3A_1544 = tpu.vector_load %arg10[%swap3A_1542, %swap3A_1543] {strides = array<i32>} : memref<128x128xf32, #tpu.memory_space<vmem>>, vector<1x16xf32>,
        %swap3A_1545 = vector.shape_cast %swap3A_1544 : vector<1x16xf32> to vector<16xf32>
        %swap3A_1546 = vector.shape_cast %mul3A_1541 : vector<16xf32> to vector<1x16xf32>
        tpu.vector_store %arg10[%swap3A_1542, %swap3A_1543], %swap3A_1546 {strides = array<i32>} : memref<128x128xf32, #tpu.memory_space<vmem>>, vector<1x16xf32>,
        %get3A_1547 = arith.index_cast %add3A_1480 : i32 to index
        %get3A_1548 = arith.constant 96 : index
        %get3A_1549 = tpu.vector_load %arg10[%get3A_1547, %get3A_1548] {strides = array<i32>} : memref<128x128xf32, #tpu.memory_space<vmem>>, vector<1x16xf32>,
        %get3A_1550 = vector.shape_cast %get3A_1549 : vector<1x16xf32> to vector<16xf32>
        %mul3A_1551 = vector.broadcast %squeeze3A_1476 : f32 to vector<16xf32>
        %mul3A_1552 = arith.mulf %get3A_1550, %mul3A_1551 : vector<16xf32>
        %swap3A_1553 = arith.index_cast %add3A_1480 : i32 to index
        %swap3A_1554 = arith.constant 96 : index
        %swap3A_1555 = tpu.vector_load %arg10[%swap3A_1553, %swap3A_1554] {strides = array<i32>} : memref<128x128xf32, #tpu.memory_space<vmem>>, vector<1x16xf32>,
        %swap3A_1556 = vector.shape_cast %swap3A_1555 : vector<1x16xf32> to vector<16xf32>
        %swap3A_1557 = vector.shape_cast %mul3A_1552 : vector<16xf32> to vector<1x16xf32>
        tpu.vector_store %arg10[%swap3A_1553, %swap3A_1554], %swap3A_1557 {strides = array<i32>} : memref<128x128xf32, #tpu.memory_space<vmem>>, vector<1x16xf32>,
        %get3A_1558 = arith.index_cast %add3A_1480 : i32 to index
        %get3A_1559 = arith.constant 112 : index
        %get3A_1560 = tpu.vector_load %arg10[%get3A_1558, %get3A_1559] {strides = array<i32>} : memref<128x128xf32, #tpu.memory_space<vmem>>, vector<1x16xf32>,
        %get3A_1561 = vector.shape_cast %get3A_1560 : vector<1x16xf32> to vector<16xf32>
        %mul3A_1562 = vector.broadcast %squeeze3A_1476 : f32 to vector<16xf32>
        %mul3A_1563 = arith.mulf %get3A_1561, %mul3A_1562 : vector<16xf32>
        %swap3A_1564 = arith.index_cast %add3A_1480 : i32 to index
        %swap3A_1565 = arith.constant 112 : index
        %swap3A_1566 = tpu.vector_load %arg10[%swap3A_1564, %swap3A_1565] {strides = array<i32>} : memref<128x128xf32, #tpu.memory_space<vmem>>, vector<1x16xf32>,
        %swap3A_1567 = vector.shape_cast %swap3A_1566 : vector<1x16xf32> to vector<16xf32>
        %swap3A_1568 = vector.shape_cast %mul3A_1563 : vector<16xf32> to vector<1x16xf32>
        tpu.vector_store %arg10[%swap3A_1564, %swap3A_1565], %swap3A_1568 {strides = array<i32>} : memref<128x128xf32, #tpu.memory_space<vmem>>, vector<1x16xf32>,
        %slice3A_1569 = vector.extract_strided_slice %get3A_161 {offsets = [15], sizes = [1], strides = [1]} : vector<16xf32> to vector<1xf32>
        %squeeze3A_1570 = vector.extract %slice3A_1569[0] : f32 from vector<1xf32>
        %mul3A_1571 = arith.constant 16 : i32
        %mul3A_1572 = arith.muli %scan3A_157, %mul3A_1571 : i32
        %add3A_1573 = arith.constant 15 : i32
        %add3A_1574 = arith.addi %mul3A_1572, %add3A_1573 : i32
        %get3A_1575 = arith.index_cast %add3A_1574 : i32 to index
        %get3A_1576 = arith.constant 0 : index
        %get3A_1577 = tpu.vector_load %arg10[%get3A_1575, %get3A_1576] {strides = array<i32>} : memref<128x128xf32, #tpu.memory_space<vmem>>, vector<1x16xf32>,
        %get3A_1578 = vector.shape_cast %get3A_1577 : vector<1x16xf32> to vector<16xf32>
        %mul3A_1579 = vector.broadcast %squeeze3A_1570 : f32 to vector<16xf32>
        %mul3A_1580 = arith.mulf %get3A_1578, %mul3A_1579 : vector<16xf32>
        %swap3A_1581 = arith.index_cast %add3A_1574 : i32 to index
        %swap3A_1582 = arith.constant 0 : index
        %swap3A_1583 = tpu.vector_load %arg10[%swap3A_1581, %swap3A_1582] {strides = array<i32>} : memref<128x128xf32, #tpu.memory_space<vmem>>, vector<1x16xf32>,
        %swap3A_1584 = vector.shape_cast %swap3A_1583 : vector<1x16xf32> to vector<16xf32>
        %swap3A_1585 = vector.shape_cast %mul3A_1580 : vector<16xf32> to vector<1x16xf32>
        tpu.vector_store %arg10[%swap3A_1581, %swap3A_1582], %swap3A_1585 {strides = array<i32>} : memref<128x128xf32, #tpu.memory_space<vmem>>, vector<1x16xf32>,
        %get3A_1586 = arith.index_cast %add3A_1574 : i32 to index
        %get3A_1587 = arith.constant 16 : index
        %get3A_1588 = tpu.vector_load %arg10[%get3A_1586, %get3A_1587] {strides = array<i32>} : memref<128x128xf32, #tpu.memory_space<vmem>>, vector<1x16xf32>,
        %get3A_1589 = vector.shape_cast %get3A_1588 : vector<1x16xf32> to vector<16xf32>
        %mul3A_1590 = vector.broadcast %squeeze3A_1570 : f32 to vector<16xf32>
        %mul3A_1591 = arith.mulf %get3A_1589, %mul3A_1590 : vector<16xf32>
        %swap3A_1592 = arith.index_cast %add3A_1574 : i32 to index
        %swap3A_1593 = arith.constant 16 : index
        %swap3A_1594 = tpu.vector_load %arg10[%swap3A_1592, %swap3A_1593] {strides = array<i32>} : memref<128x128xf32, #tpu.memory_space<vmem>>, vector<1x16xf32>,
        %swap3A_1595 = vector.shape_cast %swap3A_1594 : vector<1x16xf32> to vector<16xf32>
        %swap3A_1596 = vector.shape_cast %mul3A_1591 : vector<16xf32> to vector<1x16xf32>
        tpu.vector_store %arg10[%swap3A_1592, %swap3A_1593], %swap3A_1596 {strides = array<i32>} : memref<128x128xf32, #tpu.memory_space<vmem>>, vector<1x16xf32>,
        %get3A_1597 = arith.index_cast %add3A_1574 : i32 to index
        %get3A_1598 = arith.constant 32 : index
        %get3A_1599 = tpu.vector_load %arg10[%get3A_1597, %get3A_1598] {strides = array<i32>} : memref<128x128xf32, #tpu.memory_space<vmem>>, vector<1x16xf32>,
        %get3A_1600 = vector.shape_cast %get3A_1599 : vector<1x16xf32> to vector<16xf32>
        %mul3A_1601 = vector.broadcast %squeeze3A_1570 : f32 to vector<16xf32>
        %mul3A_1602 = arith.mulf %get3A_1600, %mul3A_1601 : vector<16xf32>
        %swap3A_1603 = arith.index_cast %add3A_1574 : i32 to index
        %swap3A_1604 = arith.constant 32 : index
        %swap3A_1605 = tpu.vector_load %arg10[%swap3A_1603, %swap3A_1604] {strides = array<i32>} : memref<128x128xf32, #tpu.memory_space<vmem>>, vector<1x16xf32>,
        %swap3A_1606 = vector.shape_cast %swap3A_1605 : vector<1x16xf32> to vector<16xf32>
        %swap3A_1607 = vector.shape_cast %mul3A_1602 : vector<16xf32> to vector<1x16xf32>
        tpu.vector_store %arg10[%swap3A_1603, %swap3A_1604], %swap3A_1607 {strides = array<i32>} : memref<128x128xf32, #tpu.memory_space<vmem>>, vector<1x16xf32>,
        %get3A_1608 = arith.index_cast %add3A_1574 : i32 to index
        %get3A_1609 = arith.constant 48 : index
        %get3A_1610 = tpu.vector_load %arg10[%get3A_1608, %get3A_1609] {strides = array<i32>} : memref<128x128xf32, #tpu.memory_space<vmem>>, vector<1x16xf32>,
        %get3A_1611 = vector.shape_cast %get3A_1610 : vector<1x16xf32> to vector<16xf32>
        %mul3A_1612 = vector.broadcast %squeeze3A_1570 : f32 to vector<16xf32>
        %mul3A_1613 = arith.mulf %get3A_1611, %mul3A_1612 : vector<16xf32>
        %swap3A_1614 = arith.index_cast %add3A_1574 : i32 to index
        %swap3A_1615 = arith.constant 48 : index
        %swap3A_1616 = tpu.vector_load %arg10[%swap3A_1614, %swap3A_1615] {strides = array<i32>} : memref<128x128xf32, #tpu.memory_space<vmem>>, vector<1x16xf32>,
        %swap3A_1617 = vector.shape_cast %swap3A_1616 : vector<1x16xf32> to vector<16xf32>
        %swap3A_1618 = vector.shape_cast %mul3A_1613 : vector<16xf32> to vector<1x16xf32>
        tpu.vector_store %arg10[%swap3A_1614, %swap3A_1615], %swap3A_1618 {strides = array<i32>} : memref<128x128xf32, #tpu.memory_space<vmem>>, vector<1x16xf32>,
        %get3A_1619 = arith.index_cast %add3A_1574 : i32 to index
        %get3A_1620 = arith.constant 64 : index
        %get3A_1621 = tpu.vector_load %arg10[%get3A_1619, %get3A_1620] {strides = array<i32>} : memref<128x128xf32, #tpu.memory_space<vmem>>, vector<1x16xf32>,
        %get3A_1622 = vector.shape_cast %get3A_1621 : vector<1x16xf32> to vector<16xf32>
        %mul3A_1623 = vector.broadcast %squeeze3A_1570 : f32 to vector<16xf32>
        %mul3A_1624 = arith.mulf %get3A_1622, %mul3A_1623 : vector<16xf32>
        %swap3A_1625 = arith.index_cast %add3A_1574 : i32 to index
        %swap3A_1626 = arith.constant 64 : index
        %swap3A_1627 = tpu.vector_load %arg10[%swap3A_1625, %swap3A_1626] {strides = array<i32>} : memref<128x128xf32, #tpu.memory_space<vmem>>, vector<1x16xf32>,
        %swap3A_1628 = vector.shape_cast %swap3A_1627 : vector<1x16xf32> to vector<16xf32>
        %swap3A_1629 = vector.shape_cast %mul3A_1624 : vector<16xf32> to vector<1x16xf32>
        tpu.vector_store %arg10[%swap3A_1625, %swap3A_1626], %swap3A_1629 {strides = array<i32>} : memref<128x128xf32, #tpu.memory_space<vmem>>, vector<1x16xf32>,
        %get3A_1630 = arith.index_cast %add3A_1574 : i32 to index
        %get3A_1631 = arith.constant 80 : index
        %get3A_1632 = tpu.vector_load %arg10[%get3A_1630, %get3A_1631] {strides = array<i32>} : memref<128x128xf32, #tpu.memory_space<vmem>>, vector<1x16xf32>,
        %get3A_1633 = vector.shape_cast %get3A_1632 : vector<1x16xf32> to vector<16xf32>
        %mul3A_1634 = vector.broadcast %squeeze3A_1570 : f32 to vector<16xf32>
        %mul3A_1635 = arith.mulf %get3A_1633, %mul3A_1634 : vector<16xf32>
        %swap3A_1636 = arith.index_cast %add3A_1574 : i32 to index
        %swap3A_1637 = arith.constant 80 : index
        %swap3A_1638 = tpu.vector_load %arg10[%swap3A_1636, %swap3A_1637] {strides = array<i32>} : memref<128x128xf32, #tpu.memory_space<vmem>>, vector<1x16xf32>,
        %swap3A_1639 = vector.shape_cast %swap3A_1638 : vector<1x16xf32> to vector<16xf32>
        %swap3A_1640 = vector.shape_cast %mul3A_1635 : vector<16xf32> to vector<1x16xf32>
        tpu.vector_store %arg10[%swap3A_1636, %swap3A_1637], %swap3A_1640 {strides = array<i32>} : memref<128x128xf32, #tpu.memory_space<vmem>>, vector<1x16xf32>,
        %get3A_1641 = arith.index_cast %add3A_1574 : i32 to index
        %get3A_1642 = arith.constant 96 : index
        %get3A_1643 = tpu.vector_load %arg10[%get3A_1641, %get3A_1642] {strides = array<i32>} : memref<128x128xf32, #tpu.memory_space<vmem>>, vector<1x16xf32>,
        %get3A_1644 = vector.shape_cast %get3A_1643 : vector<1x16xf32> to vector<16xf32>
        %mul3A_1645 = vector.broadcast %squeeze3A_1570 : f32 to vector<16xf32>
        %mul3A_1646 = arith.mulf %get3A_1644, %mul3A_1645 : vector<16xf32>
        %swap3A_1647 = arith.index_cast %add3A_1574 : i32 to index
        %swap3A_1648 = arith.constant 96 : index
        %swap3A_1649 = tpu.vector_load %arg10[%swap3A_1647, %swap3A_1648] {strides = array<i32>} : memref<128x128xf32, #tpu.memory_space<vmem>>, vector<1x16xf32>,
        %swap3A_1650 = vector.shape_cast %swap3A_1649 : vector<1x16xf32> to vector<16xf32>
        %swap3A_1651 = vector.shape_cast %mul3A_1646 : vector<16xf32> to vector<1x16xf32>
        tpu.vector_store %arg10[%swap3A_1647, %swap3A_1648], %swap3A_1651 {strides = array<i32>} : memref<128x128xf32, #tpu.memory_space<vmem>>, vector<1x16xf32>,
        %get3A_1652 = arith.index_cast %add3A_1574 : i32 to index
        %get3A_1653 = arith.constant 112 : index
        %get3A_1654 = tpu.vector_load %arg10[%get3A_1652, %get3A_1653] {strides = array<i32>} : memref<128x128xf32, #tpu.memory_space<vmem>>, vector<1x16xf32>,
        %get3A_1655 = vector.shape_cast %get3A_1654 : vector<1x16xf32> to vector<16xf32>
        %mul3A_1656 = vector.broadcast %squeeze3A_1570 : f32 to vector<16xf32>
        %mul3A_1657 = arith.mulf %get3A_1655, %mul3A_1656 : vector<16xf32>
        %swap3A_1658 = arith.index_cast %add3A_1574 : i32 to index
        %swap3A_1659 = arith.constant 112 : index
        %swap3A_1660 = tpu.vector_load %arg10[%swap3A_1658, %swap3A_1659] {strides = array<i32>} : memref<128x128xf32, #tpu.memory_space<vmem>>, vector<1x16xf32>,
        %swap3A_1661 = vector.shape_cast %swap3A_1660 : vector<1x16xf32> to vector<16xf32>
        %swap3A_1662 = vector.shape_cast %mul3A_1657 : vector<16xf32> to vector<1x16xf32>
        tpu.vector_store %arg10[%swap3A_1658, %swap3A_1659], %swap3A_1662 {strides = array<i32>} : memref<128x128xf32, #tpu.memory_space<vmem>>, vector<1x16xf32>,
      }
      %scan3A_145 = arith.constant 8 : i32
      %dma_start3A_146 = arith.constant 0 : i32
      %dma_start3A_147 = arith.constant 0 : i32
      %dma_start3A_148 = tpu.memref_slice %arg11[%dma_start3A_146, %dma_start3A_147] : memref<10112x128xf32, #tpu.memory_space<vmem_shared>> -> memref<10112x128xf32, #tpu.memory_space<vmem_shared>>
      tpu.enqueue_indirect_dma source(%arg10 : memref<128x128xf32, #tpu.memory_space<vmem>>) target(%dma_start3A_148 : memref<10112x128xf32, #tpu.memory_space<vmem_shared>>) offsets(%arg8 : memref<128xi32, #tpu.memory_space<vmem>>) semaphore(%arg12 : memref<!tpu.dma_semaphore, #tpu.memory_space<semaphore_mem>>) {add = true}
      %add3A_149 = arith.constant 1 : i32
      %add3A_150 = arith.addi %scan3A_134, %add3A_149 : i32
      %min3A = arith.constant 78 : i32
      %min3A_151 = arith.minsi %add3A_150, %min3A : i32
      %add3A_152 = arith.addi %mul3A_23, %min3A_151 : i32
      "tpu.region"() ({
        %run_scoped3A = tpu.sem_alloc : memref<!tpu.dma_semaphore, #tpu.memory_space<semaphore_mem>>
        %dma_start3A_157 = arith.constant 0 : i32
        %dma_start3A_158 = tpu.memref_slice %arg3[%add3A_152, %dma_start3A_157] : memref<5056x128xi32, #tpu.memory_space<hbm>> -> memref<1x128xi32, #tpu.memory_space<hbm>>
        %dma_start3A_159 = tpu.memref_squeeze %dma_start3A_158 : memref<1x128xi32, #tpu.memory_space<hbm>> -> memref<128xi32, #tpu.memory_space<hbm>>
        %dma_start3A_160 = arith.constant 0 : i32
        %dma_start3A_161 = tpu.memref_slice %arg3[%add3A_152, %dma_start3A_160] : memref<5056x128xi32, #tpu.memory_space<hbm>> -> memref<1x128xi32, #tpu.memory_space<hbm>>
        %dma_start3A_162 = tpu.memref_squeeze %dma_start3A_161 : memref<1x128xi32, #tpu.memory_space<hbm>> -> memref<128xi32, #tpu.memory_space<hbm>>
        tpu.enqueue_dma source(%dma_start3A_162 : memref<128xi32, #tpu.memory_space<hbm>>) target(%arg7 : memref<128xi32, #tpu.memory_space<vmem>>) target_semaphore(%run_scoped3A : memref<!tpu.dma_semaphore, #tpu.memory_space<semaphore_mem>>)
        %dma_wait3A_163 = arith.constant 0 : i32
        %dma_wait3A_164 = tpu.memref_slice %arg3[%add3A_152, %dma_wait3A_163] : memref<5056x128xi32, #tpu.memory_space<hbm>> -> memref<1x128xi32, #tpu.memory_space<hbm>>
        %dma_wait3A_165 = tpu.memref_squeeze %dma_wait3A_164 : memref<1x128xi32, #tpu.memory_space<hbm>> -> memref<128xi32, #tpu.memory_space<hbm>>
        %dma_wait3A_166 = arith.constant 0 : i32
        %dma_wait3A_167 = tpu.memref_slice %arg3[%add3A_152, %dma_wait3A_166] : memref<5056x128xi32, #tpu.memory_space<hbm>> -> memref<1x128xi32, #tpu.memory_space<hbm>>
        %dma_wait3A_168 = tpu.memref_squeeze %dma_wait3A_167 : memref<1x128xi32, #tpu.memory_space<hbm>> -> memref<128xi32, #tpu.memory_space<hbm>>
        tpu.wait_dma2 semaphore(%run_scoped3A : memref<!tpu.dma_semaphore, #tpu.memory_space<semaphore_mem>>) src(%dma_wait3A_168 : memref<128xi32, #tpu.memory_space<hbm>>) dst(%arg7 : memref<128xi32, #tpu.memory_space<vmem>>)
        tpu.yield
      }) : () -> ()
      %add3A_153 = arith.addi %mul3A_23, %min3A_151 : i32
      "tpu.region"() ({
        %run_scoped3A = tpu.sem_alloc : memref<!tpu.dma_semaphore, #tpu.memory_space<semaphore_mem>>
        %dma_start3A_157 = arith.constant 0 : i32
        %dma_start3A_158 = tpu.memref_slice %arg5[%add3A_153, %dma_start3A_157] : memref<5056x128xf32, #tpu.memory_space<hbm>> -> memref<1x128xf32, #tpu.memory_space<hbm>>
        %dma_start3A_159 = tpu.memref_squeeze %dma_start3A_158 : memref<1x128xf32, #tpu.memory_space<hbm>> -> memref<128xf32, #tpu.memory_space<hbm>>
        %dma_start3A_160 = arith.constant 0 : i32
        %dma_start3A_161 = tpu.memref_slice %arg5[%add3A_153, %dma_start3A_160] : memref<5056x128xf32, #tpu.memory_space<hbm>> -> memref<1x128xf32, #tpu.memory_space<hbm>>
        %dma_start3A_162 = tpu.memref_squeeze %dma_start3A_161 : memref<1x128xf32, #tpu.memory_space<hbm>> -> memref<128xf32, #tpu.memory_space<hbm>>
        tpu.enqueue_dma source(%dma_start3A_162 : memref<128xf32, #tpu.memory_space<hbm>>) target(%arg9 : memref<128xf32, #tpu.memory_space<vmem>>) target_semaphore(%run_scoped3A : memref<!tpu.dma_semaphore, #tpu.memory_space<semaphore_mem>>)
        %dma_wait3A_163 = arith.constant 0 : i32
        %dma_wait3A_164 = tpu.memref_slice %arg5[%add3A_153, %dma_wait3A_163] : memref<5056x128xf32, #tpu.memory_space<hbm>> -> memref<1x128xf32, #tpu.memory_space<hbm>>
        %dma_wait3A_165 = tpu.memref_squeeze %dma_wait3A_164 : memref<1x128xf32, #tpu.memory_space<hbm>> -> memref<128xf32, #tpu.memory_space<hbm>>
        %dma_wait3A_166 = arith.constant 0 : i32
        %dma_wait3A_167 = tpu.memref_slice %arg5[%add3A_153, %dma_wait3A_166] : memref<5056x128xf32, #tpu.memory_space<hbm>> -> memref<1x128xf32, #tpu.memory_space<hbm>>
        %dma_wait3A_168 = tpu.memref_squeeze %dma_wait3A_167 : memref<1x128xf32, #tpu.memory_space<hbm>> -> memref<128xf32, #tpu.memory_space<hbm>>
        tpu.wait_dma2 semaphore(%run_scoped3A : memref<!tpu.dma_semaphore, #tpu.memory_space<semaphore_mem>>) src(%dma_wait3A_168 : memref<128xf32, #tpu.memory_space<hbm>>) dst(%arg9 : memref<128xf32, #tpu.memory_space<vmem>>)
        tpu.yield
      }) : () -> ()
      %dma_wait3A_154 = arith.constant 0 : i32
      %dma_wait3A_155 = arith.constant 0 : i32
      %dma_wait3A_156 = tpu.memref_slice %arg11[%dma_wait3A_154, %dma_wait3A_155] : memref<10112x128xf32, #tpu.memory_space<vmem_shared>> -> memref<10112x128xf32, #tpu.memory_space<vmem_shared>>
      tpu.wait_indirect_dma semaphore(%arg12 : memref<!tpu.dma_semaphore, #tpu.memory_space<semaphore_mem>>) src(%arg10 : memref<128x128xf32, #tpu.memory_space<vmem>>) dst(%dma_wait3A_156 : memref<10112x128xf32, #tpu.memory_space<vmem_shared>>)
    }
    %scan3A_29 = arith.constant 79 : i32
    %barrier3A_30 = arith.constant 0 : index
    tpu.barrier barrier_id(%barrier3A_30)
    %add3A_31 = arith.constant 0 : i32
    %add3A_32 = arith.addi %mul3A_0, %add3A_31 : i32
    %mul3A_33 = arith.constant 10112 : i32
    %mul3A_34 = arith.muli %add3A_3, %mul3A_33 : i32
    %add3A_35 = arith.addi %mul3A_34, %mul3A_0 : i32
    %add3A_36 = arith.constant 0 : i32
    %add3A_37 = arith.addi %add3A_35, %add3A_36 : i32
    "tpu.region"() ({
      %run_scoped3A = tpu.sem_alloc : memref<!tpu.dma_semaphore, #tpu.memory_space<semaphore_mem>>
      %dma_start3A = arith.constant 0 : i32
      %dma_start3A_134 = tpu.memref_slice %arg6[%add3A_37, %dma_start3A] : memref<40448x128xf32, #tpu.memory_space<hbm>> -> memref<128x128xf32, #tpu.memory_space<hbm>>
      %dma_start3A_135 = arith.constant 0 : i32
      %dma_start3A_136 = tpu.memref_slice %arg11[%add3A_32, %dma_start3A_135] : memref<10112x128xf32, #tpu.memory_space<vmem_shared>> -> memref<128x128xf32, #tpu.memory_space<vmem_shared>>
      tpu.enqueue_dma source(%dma_start3A_136 : memref<128x128xf32, #tpu.memory_space<vmem_shared>>) target(%dma_start3A_134 : memref<128x128xf32, #tpu.memory_space<hbm>>) target_semaphore(%run_scoped3A : memref<!tpu.dma_semaphore, #tpu.memory_space<semaphore_mem>>)
      %dma_wait3A = arith.constant 0 : i32
      %dma_wait3A_137 = tpu.memref_slice %arg6[%add3A_37, %dma_wait3A] : memref<40448x128xf32, #tpu.memory_space<hbm>> -> memref<128x128xf32, #tpu.memory_space<hbm>>
      %dma_wait3A_138 = arith.constant 0 : i32
      %dma_wait3A_139 = tpu.memref_slice %arg11[%add3A_32, %dma_wait3A_138] : memref<10112x128xf32, #tpu.memory_space<vmem_shared>> -> memref<128x128xf32, #tpu.memory_space<vmem_shared>>
      tpu.wait_dma2 semaphore(%run_scoped3A : memref<!tpu.dma_semaphore, #tpu.memory_space<semaphore_mem>>) src(%dma_wait3A_139 : memref<128x128xf32, #tpu.memory_space<vmem_shared>>) dst(%dma_wait3A_137 : memref<128x128xf32, #tpu.memory_space<hbm>>)
      tpu.yield
    }) : () -> ()
    %add3A_38 = arith.constant 128 : i32
    %add3A_39 = arith.addi %mul3A_0, %add3A_38 : i32
    %mul3A_40 = arith.constant 10112 : i32
    %mul3A_41 = arith.muli %add3A_3, %mul3A_40 : i32
    %add3A_42 = arith.addi %mul3A_41, %mul3A_0 : i32
    %add3A_43 = arith.constant 128 : i32
    %add3A_44 = arith.addi %add3A_42, %add3A_43 : i32
    "tpu.region"() ({
      %run_scoped3A = tpu.sem_alloc : memref<!tpu.dma_semaphore, #tpu.memory_space<semaphore_mem>>
      %dma_start3A = arith.constant 0 : i32
      %dma_start3A_134 = tpu.memref_slice %arg6[%add3A_44, %dma_start3A] : memref<40448x128xf32, #tpu.memory_space<hbm>> -> memref<128x128xf32, #tpu.memory_space<hbm>>
      %dma_start3A_135 = arith.constant 0 : i32
      %dma_start3A_136 = tpu.memref_slice %arg11[%add3A_39, %dma_start3A_135] : memref<10112x128xf32, #tpu.memory_space<vmem_shared>> -> memref<128x128xf32, #tpu.memory_space<vmem_shared>>
      tpu.enqueue_dma source(%dma_start3A_136 : memref<128x128xf32, #tpu.memory_space<vmem_shared>>) target(%dma_start3A_134 : memref<128x128xf32, #tpu.memory_space<hbm>>) target_semaphore(%run_scoped3A : memref<!tpu.dma_semaphore, #tpu.memory_space<semaphore_mem>>)
      %dma_wait3A = arith.constant 0 : i32
      %dma_wait3A_137 = tpu.memref_slice %arg6[%add3A_44, %dma_wait3A] : memref<40448x128xf32, #tpu.memory_space<hbm>> -> memref<128x128xf32, #tpu.memory_space<hbm>>
      %dma_wait3A_138 = arith.constant 0 : i32
      %dma_wait3A_139 = tpu.memref_slice %arg11[%add3A_39, %dma_wait3A_138] : memref<10112x128xf32, #tpu.memory_space<vmem_shared>> -> memref<128x128xf32, #tpu.memory_space<vmem_shared>>
      tpu.wait_dma2 semaphore(%run_scoped3A : memref<!tpu.dma_semaphore, #tpu.memory_space<semaphore_mem>>) src(%dma_wait3A_139 : memref<128x128xf32, #tpu.memory_space<vmem_shared>>) dst(%dma_wait3A_137 : memref<128x128xf32, #tpu.memory_space<hbm>>)
      tpu.yield
    }) : () -> ()
    %add3A_45 = arith.constant 256 : i32
    %add3A_46 = arith.addi %mul3A_0, %add3A_45 : i32
    %mul3A_47 = arith.constant 10112 : i32
    %mul3A_48 = arith.muli %add3A_3, %mul3A_47 : i32
    %add3A_49 = arith.addi %mul3A_48, %mul3A_0 : i32
    %add3A_50 = arith.constant 256 : i32
    %add3A_51 = arith.addi %add3A_49, %add3A_50 : i32
    "tpu.region"() ({
      %run_scoped3A = tpu.sem_alloc : memref<!tpu.dma_semaphore, #tpu.memory_space<semaphore_mem>>
      %dma_start3A = arith.constant 0 : i32
      %dma_start3A_134 = tpu.memref_slice %arg6[%add3A_51, %dma_start3A] : memref<40448x128xf32, #tpu.memory_space<hbm>> -> memref<128x128xf32, #tpu.memory_space<hbm>>
      %dma_start3A_135 = arith.constant 0 : i32
      %dma_start3A_136 = tpu.memref_slice %arg11[%add3A_46, %dma_start3A_135] : memref<10112x128xf32, #tpu.memory_space<vmem_shared>> -> memref<128x128xf32, #tpu.memory_space<vmem_shared>>
      tpu.enqueue_dma source(%dma_start3A_136 : memref<128x128xf32, #tpu.memory_space<vmem_shared>>) target(%dma_start3A_134 : memref<128x128xf32, #tpu.memory_space<hbm>>) target_semaphore(%run_scoped3A : memref<!tpu.dma_semaphore, #tpu.memory_space<semaphore_mem>>)
      %dma_wait3A = arith.constant 0 : i32
      %dma_wait3A_137 = tpu.memref_slice %arg6[%add3A_51, %dma_wait3A] : memref<40448x128xf32, #tpu.memory_space<hbm>> -> memref<128x128xf32, #tpu.memory_space<hbm>>
      %dma_wait3A_138 = arith.constant 0 : i32
      %dma_wait3A_139 = tpu.memref_slice %arg11[%add3A_46, %dma_wait3A_138] : memref<10112x128xf32, #tpu.memory_space<vmem_shared>> -> memref<128x128xf32, #tpu.memory_space<vmem_shared>>
      tpu.wait_dma2 semaphore(%run_scoped3A : memref<!tpu.dma_semaphore, #tpu.memory_space<semaphore_mem>>) src(%dma_wait3A_139 : memref<128x128xf32, #tpu.memory_space<vmem_shared>>) dst(%dma_wait3A_137 : memref<128x128xf32, #tpu.memory_space<hbm>>)
      tpu.yield
    }) : () -> ()
    %add3A_52 = arith.constant 384 : i32
    %add3A_53 = arith.addi %mul3A_0, %add3A_52 : i32
    %mul3A_54 = arith.constant 10112 : i32
    %mul3A_55 = arith.muli %add3A_3, %mul3A_54 : i32
    %add3A_56 = arith.addi %mul3A_55, %mul3A_0 : i32
    %add3A_57 = arith.constant 384 : i32
    %add3A_58 = arith.addi %add3A_56, %add3A_57 : i32
    "tpu.region"() ({
      %run_scoped3A = tpu.sem_alloc : memref<!tpu.dma_semaphore, #tpu.memory_space<semaphore_mem>>
      %dma_start3A = arith.constant 0 : i32
      %dma_start3A_134 = tpu.memref_slice %arg6[%add3A_58, %dma_start3A] : memref<40448x128xf32, #tpu.memory_space<hbm>> -> memref<128x128xf32, #tpu.memory_space<hbm>>
      %dma_start3A_135 = arith.constant 0 : i32
      %dma_start3A_136 = tpu.memref_slice %arg11[%add3A_53, %dma_start3A_135] : memref<10112x128xf32, #tpu.memory_space<vmem_shared>> -> memref<128x128xf32, #tpu.memory_space<vmem_shared>>
      tpu.enqueue_dma source(%dma_start3A_136 : memref<128x128xf32, #tpu.memory_space<vmem_shared>>) target(%dma_start3A_134 : memref<128x128xf32, #tpu.memory_space<hbm>>) target_semaphore(%run_scoped3A : memref<!tpu.dma_semaphore, #tpu.memory_space<semaphore_mem>>)
      %dma_wait3A = arith.constant 0 : i32
      %dma_wait3A_137 = tpu.memref_slice %arg6[%add3A_58, %dma_wait3A] : memref<40448x128xf32, #tpu.memory_space<hbm>> -> memref<128x128xf32, #tpu.memory_space<hbm>>
      %dma_wait3A_138 = arith.constant 0 : i32
      %dma_wait3A_139 = tpu.memref_slice %arg11[%add3A_53, %dma_wait3A_138] : memref<10112x128xf32, #tpu.memory_space<vmem_shared>> -> memref<128x128xf32, #tpu.memory_space<vmem_shared>>
      tpu.wait_dma2 semaphore(%run_scoped3A : memref<!tpu.dma_semaphore, #tpu.memory_space<semaphore_mem>>) src(%dma_wait3A_139 : memref<128x128xf32, #tpu.memory_space<vmem_shared>>) dst(%dma_wait3A_137 : memref<128x128xf32, #tpu.memory_space<hbm>>)
      tpu.yield
    }) : () -> ()
    %add3A_59 = arith.constant 512 : i32
    %add3A_60 = arith.addi %mul3A_0, %add3A_59 : i32
    %mul3A_61 = arith.constant 10112 : i32
    %mul3A_62 = arith.muli %add3A_3, %mul3A_61 : i32
    %add3A_63 = arith.addi %mul3A_62, %mul3A_0 : i32
    %add3A_64 = arith.constant 512 : i32
    %add3A_65 = arith.addi %add3A_63, %add3A_64 : i32
    "tpu.region"() ({
      %run_scoped3A = tpu.sem_alloc : memref<!tpu.dma_semaphore, #tpu.memory_space<semaphore_mem>>
      %dma_start3A = arith.constant 0 : i32
      %dma_start3A_134 = tpu.memref_slice %arg6[%add3A_65, %dma_start3A] : memref<40448x128xf32, #tpu.memory_space<hbm>> -> memref<120x128xf32, #tpu.memory_space<hbm>>
      %dma_start3A_135 = arith.constant 0 : i32
      %dma_start3A_136 = tpu.memref_slice %arg11[%add3A_60, %dma_start3A_135] : memref<10112x128xf32, #tpu.memory_space<vmem_shared>> -> memref<120x128xf32, #tpu.memory_space<vmem_shared>>
      tpu.enqueue_dma source(%dma_start3A_136 : memref<120x128xf32, #tpu.memory_space<vmem_shared>>) target(%dma_start3A_134 : memref<120x128xf32, #tpu.memory_space<hbm>>) target_semaphore(%run_scoped3A : memref<!tpu.dma_semaphore, #tpu.memory_space<semaphore_mem>>)
      %dma_wait3A = arith.constant 0 : i32
      %dma_wait3A_137 = tpu.memref_slice %arg6[%add3A_65, %dma_wait3A] : memref<40448x128xf32, #tpu.memory_space<hbm>> -> memref<120x128xf32, #tpu.memory_space<hbm>>
      %dma_wait3A_138 = arith.constant 0 : i32
      %dma_wait3A_139 = tpu.memref_slice %arg11[%add3A_60, %dma_wait3A_138] : memref<10112x128xf32, #tpu.memory_space<vmem_shared>> -> memref<120x128xf32, #tpu.memory_space<vmem_shared>>
      tpu.wait_dma2 semaphore(%run_scoped3A : memref<!tpu.dma_semaphore, #tpu.memory_space<semaphore_mem>>) src(%dma_wait3A_139 : memref<120x128xf32, #tpu.memory_space<vmem_shared>>) dst(%dma_wait3A_137 : memref<120x128xf32, #tpu.memory_space<hbm>>)
      tpu.yield
    }) : () -> ()
    %mul3A_66 = arith.constant 2 : i32
    %mul3A_67 = arith.muli %arg0, %mul3A_66 : i32
    %add3A_68 = arith.constant 1 : i32
    %add3A_69 = arith.addi %mul3A_67, %add3A_68 : i32
    %scan3A_70 = arith.constant 0 : i32
    %scan3A_71 = arith.constant 0 : i32
    %scan3A_72 = arith.constant 128 : i32
    %scan3A_73 = arith.addi %scan3A_71, %scan3A_72 : i32
    %scan3A_74 = arith.constant 1 : i32
    scf.for %scan3A_134 = %scan3A_71 to %scan3A_73 step %scan3A_74  : i32 {
      %broadcast_in_dim3A = arith.constant 0.000000e+00 : f32
      %broadcast_in_dim3A_135 = vector.broadcast %broadcast_in_dim3A : f32 to vector<16xf32>
      %swap3A = arith.index_cast %scan3A_134 : i32 to index
      %swap3A_136 = arith.constant 0 : index
      %swap3A_137 = tpu.vector_load %arg10[%swap3A, %swap3A_136] {strides = array<i32>} : memref<128x128xf32, #tpu.memory_space<vmem>>, vector<1x16xf32>,
      %swap3A_138 = vector.shape_cast %swap3A_137 : vector<1x16xf32> to vector<16xf32>
      %swap3A_139 = vector.shape_cast %broadcast_in_dim3A_135 : vector<16xf32> to vector<1x16xf32>
      tpu.vector_store %arg10[%swap3A, %swap3A_136], %swap3A_139 {strides = array<i32>} : memref<128x128xf32, #tpu.memory_space<vmem>>, vector<1x16xf32>,
      %swap3A_140 = arith.index_cast %scan3A_134 : i32 to index
      %swap3A_141 = arith.constant 16 : index
      %swap3A_142 = tpu.vector_load %arg10[%swap3A_140, %swap3A_141] {strides = array<i32>} : memref<128x128xf32, #tpu.memory_space<vmem>>, vector<1x16xf32>,
      %swap3A_143 = vector.shape_cast %swap3A_142 : vector<1x16xf32> to vector<16xf32>
      %swap3A_144 = vector.shape_cast %broadcast_in_dim3A_135 : vector<16xf32> to vector<1x16xf32>
      tpu.vector_store %arg10[%swap3A_140, %swap3A_141], %swap3A_144 {strides = array<i32>} : memref<128x128xf32, #tpu.memory_space<vmem>>, vector<1x16xf32>,
      %swap3A_145 = arith.index_cast %scan3A_134 : i32 to index
      %swap3A_146 = arith.constant 32 : index
      %swap3A_147 = tpu.vector_load %arg10[%swap3A_145, %swap3A_146] {strides = array<i32>} : memref<128x128xf32, #tpu.memory_space<vmem>>, vector<1x16xf32>,
      %swap3A_148 = vector.shape_cast %swap3A_147 : vector<1x16xf32> to vector<16xf32>
      %swap3A_149 = vector.shape_cast %broadcast_in_dim3A_135 : vector<16xf32> to vector<1x16xf32>
      tpu.vector_store %arg10[%swap3A_145, %swap3A_146], %swap3A_149 {strides = array<i32>} : memref<128x128xf32, #tpu.memory_space<vmem>>, vector<1x16xf32>,
      %swap3A_150 = arith.index_cast %scan3A_134 : i32 to index
      %swap3A_151 = arith.constant 48 : index
      %swap3A_152 = tpu.vector_load %arg10[%swap3A_150, %swap3A_151] {strides = array<i32>} : memref<128x128xf32, #tpu.memory_space<vmem>>, vector<1x16xf32>,
      %swap3A_153 = vector.shape_cast %swap3A_152 : vector<1x16xf32> to vector<16xf32>
      %swap3A_154 = vector.shape_cast %broadcast_in_dim3A_135 : vector<16xf32> to vector<1x16xf32>
      tpu.vector_store %arg10[%swap3A_150, %swap3A_151], %swap3A_154 {strides = array<i32>} : memref<128x128xf32, #tpu.memory_space<vmem>>, vector<1x16xf32>,
      %swap3A_155 = arith.index_cast %scan3A_134 : i32 to index
      %swap3A_156 = arith.constant 64 : index
      %swap3A_157 = tpu.vector_load %arg10[%swap3A_155, %swap3A_156] {strides = array<i32>} : memref<128x128xf32, #tpu.memory_space<vmem>>, vector<1x16xf32>,
      %swap3A_158 = vector.shape_cast %swap3A_157 : vector<1x16xf32> to vector<16xf32>
      %swap3A_159 = vector.shape_cast %broadcast_in_dim3A_135 : vector<16xf32> to vector<1x16xf32>
      tpu.vector_store %arg10[%swap3A_155, %swap3A_156], %swap3A_159 {strides = array<i32>} : memref<128x128xf32, #tpu.memory_space<vmem>>, vector<1x16xf32>,
      %swap3A_160 = arith.index_cast %scan3A_134 : i32 to index
      %swap3A_161 = arith.constant 80 : index
      %swap3A_162 = tpu.vector_load %arg10[%swap3A_160, %swap3A_161] {strides = array<i32>} : memref<128x128xf32, #tpu.memory_space<vmem>>, vector<1x16xf32>,
      %swap3A_163 = vector.shape_cast %swap3A_162 : vector<1x16xf32> to vector<16xf32>
      %swap3A_164 = vector.shape_cast %broadcast_in_dim3A_135 : vector<16xf32> to vector<1x16xf32>
      tpu.vector_store %arg10[%swap3A_160, %swap3A_161], %swap3A_164 {strides = array<i32>} : memref<128x128xf32, #tpu.memory_space<vmem>>, vector<1x16xf32>,
      %swap3A_165 = arith.index_cast %scan3A_134 : i32 to index
      %swap3A_166 = arith.constant 96 : index
      %swap3A_167 = tpu.vector_load %arg10[%swap3A_165, %swap3A_166] {strides = array<i32>} : memref<128x128xf32, #tpu.memory_space<vmem>>, vector<1x16xf32>,
      %swap3A_168 = vector.shape_cast %swap3A_167 : vector<1x16xf32> to vector<16xf32>
      %swap3A_169 = vector.shape_cast %broadcast_in_dim3A_135 : vector<16xf32> to vector<1x16xf32>
      tpu.vector_store %arg10[%swap3A_165, %swap3A_166], %swap3A_169 {strides = array<i32>} : memref<128x128xf32, #tpu.memory_space<vmem>>, vector<1x16xf32>,
      %swap3A_170 = arith.index_cast %scan3A_134 : i32 to index
      %swap3A_171 = arith.constant 112 : index
      %swap3A_172 = tpu.vector_load %arg10[%swap3A_170, %swap3A_171] {strides = array<i32>} : memref<128x128xf32, #tpu.memory_space<vmem>>, vector<1x16xf32>,
      %swap3A_173 = vector.shape_cast %swap3A_172 : vector<1x16xf32> to vector<16xf32>
      %swap3A_174 = vector.shape_cast %broadcast_in_dim3A_135 : vector<16xf32> to vector<1x16xf32>
      tpu.vector_store %arg10[%swap3A_170, %swap3A_171], %swap3A_174 {strides = array<i32>} : memref<128x128xf32, #tpu.memory_space<vmem>>, vector<1x16xf32>,
    }
    %scan3A_75 = arith.constant 128 : i32
    %add3A_76 = arith.constant 0 : i32
    %add3A_77 = arith.addi %mul3A_0, %add3A_76 : i32
    "tpu.region"() ({
      %run_scoped3A = tpu.sem_alloc : memref<!tpu.dma_semaphore, #tpu.memory_space<semaphore_mem>>
      %dma_start3A = arith.constant 0 : i32
      %dma_start3A_134 = arith.constant 0 : i32
      %dma_start3A_135 = tpu.memref_slice %arg10[%dma_start3A, %dma_start3A_134] : memref<128x128xf32, #tpu.memory_space<vmem>> -> memref<128x128xf32, #tpu.memory_space<vmem>>
      %dma_start3A_136 = arith.constant 0 : i32
      %dma_start3A_137 = tpu.memref_slice %arg11[%add3A_77, %dma_start3A_136] : memref<10112x128xf32, #tpu.memory_space<vmem_shared>> -> memref<128x128xf32, #tpu.memory_space<vmem_shared>>
      %dma_start3A_138 = arith.constant 0 : i32
      %dma_start3A_139 = tpu.memref_slice %arg11[%add3A_77, %dma_start3A_138] : memref<10112x128xf32, #tpu.memory_space<vmem_shared>> -> memref<128x128xf32, #tpu.memory_space<vmem_shared>>
      %dma_start3A_140 = arith.constant 0 : i32
      %dma_start3A_141 = arith.constant 0 : i32
      %dma_start3A_142 = tpu.memref_slice %arg10[%dma_start3A_140, %dma_start3A_141] : memref<128x128xf32, #tpu.memory_space<vmem>> -> memref<128x128xf32, #tpu.memory_space<vmem>>
      tpu.enqueue_dma source(%dma_start3A_142 : memref<128x128xf32, #tpu.memory_space<vmem>>) target(%dma_start3A_139 : memref<128x128xf32, #tpu.memory_space<vmem_shared>>) target_semaphore(%run_scoped3A : memref<!tpu.dma_semaphore, #tpu.memory_space<semaphore_mem>>)
      %dma_wait3A = arith.constant 0 : i32
      %dma_wait3A_143 = arith.constant 0 : i32
      %dma_wait3A_144 = tpu.memref_slice %arg10[%dma_wait3A, %dma_wait3A_143] : memref<128x128xf32, #tpu.memory_space<vmem>> -> memref<128x128xf32, #tpu.memory_space<vmem>>
      %dma_wait3A_145 = arith.constant 0 : i32
      %dma_wait3A_146 = tpu.memref_slice %arg11[%add3A_77, %dma_wait3A_145] : memref<10112x128xf32, #tpu.memory_space<vmem_shared>> -> memref<128x128xf32, #tpu.memory_space<vmem_shared>>
      %dma_wait3A_147 = arith.constant 0 : i32
      %dma_wait3A_148 = tpu.memref_slice %arg11[%add3A_77, %dma_wait3A_147] : memref<10112x128xf32, #tpu.memory_space<vmem_shared>> -> memref<128x128xf32, #tpu.memory_space<vmem_shared>>
      %dma_wait3A_149 = arith.constant 0 : i32
      %dma_wait3A_150 = arith.constant 0 : i32
      %dma_wait3A_151 = tpu.memref_slice %arg10[%dma_wait3A_149, %dma_wait3A_150] : memref<128x128xf32, #tpu.memory_space<vmem>> -> memref<128x128xf32, #tpu.memory_space<vmem>>
      tpu.wait_dma2 semaphore(%run_scoped3A : memref<!tpu.dma_semaphore, #tpu.memory_space<semaphore_mem>>) src(%dma_wait3A_151 : memref<128x128xf32, #tpu.memory_space<vmem>>) dst(%dma_wait3A_148 : memref<128x128xf32, #tpu.memory_space<vmem_shared>>)
      tpu.yield
    }) : () -> ()
    %add3A_78 = arith.constant 128 : i32
    %add3A_79 = arith.addi %mul3A_0, %add3A_78 : i32
    "tpu.region"() ({
      %run_scoped3A = tpu.sem_alloc : memref<!tpu.dma_semaphore, #tpu.memory_space<semaphore_mem>>
      %dma_start3A = arith.constant 0 : i32
      %dma_start3A_134 = arith.constant 0 : i32
      %dma_start3A_135 = tpu.memref_slice %arg10[%dma_start3A, %dma_start3A_134] : memref<128x128xf32, #tpu.memory_space<vmem>> -> memref<128x128xf32, #tpu.memory_space<vmem>>
      %dma_start3A_136 = arith.constant 0 : i32
      %dma_start3A_137 = tpu.memref_slice %arg11[%add3A_79, %dma_start3A_136] : memref<10112x128xf32, #tpu.memory_space<vmem_shared>> -> memref<128x128xf32, #tpu.memory_space<vmem_shared>>
      %dma_start3A_138 = arith.constant 0 : i32
      %dma_start3A_139 = tpu.memref_slice %arg11[%add3A_79, %dma_start3A_138] : memref<10112x128xf32, #tpu.memory_space<vmem_shared>> -> memref<128x128xf32, #tpu.memory_space<vmem_shared>>
      %dma_start3A_140 = arith.constant 0 : i32
      %dma_start3A_141 = arith.constant 0 : i32
      %dma_start3A_142 = tpu.memref_slice %arg10[%dma_start3A_140, %dma_start3A_141] : memref<128x128xf32, #tpu.memory_space<vmem>> -> memref<128x128xf32, #tpu.memory_space<vmem>>
      tpu.enqueue_dma source(%dma_start3A_142 : memref<128x128xf32, #tpu.memory_space<vmem>>) target(%dma_start3A_139 : memref<128x128xf32, #tpu.memory_space<vmem_shared>>) target_semaphore(%run_scoped3A : memref<!tpu.dma_semaphore, #tpu.memory_space<semaphore_mem>>)
      %dma_wait3A = arith.constant 0 : i32
      %dma_wait3A_143 = arith.constant 0 : i32
      %dma_wait3A_144 = tpu.memref_slice %arg10[%dma_wait3A, %dma_wait3A_143] : memref<128x128xf32, #tpu.memory_space<vmem>> -> memref<128x128xf32, #tpu.memory_space<vmem>>
      %dma_wait3A_145 = arith.constant 0 : i32
      %dma_wait3A_146 = tpu.memref_slice %arg11[%add3A_79, %dma_wait3A_145] : memref<10112x128xf32, #tpu.memory_space<vmem_shared>> -> memref<128x128xf32, #tpu.memory_space<vmem_shared>>
      %dma_wait3A_147 = arith.constant 0 : i32
      %dma_wait3A_148 = tpu.memref_slice %arg11[%add3A_79, %dma_wait3A_147] : memref<10112x128xf32, #tpu.memory_space<vmem_shared>> -> memref<128x128xf32, #tpu.memory_space<vmem_shared>>
      %dma_wait3A_149 = arith.constant 0 : i32
      %dma_wait3A_150 = arith.constant 0 : i32
      %dma_wait3A_151 = tpu.memref_slice %arg10[%dma_wait3A_149, %dma_wait3A_150] : memref<128x128xf32, #tpu.memory_space<vmem>> -> memref<128x128xf32, #tpu.memory_space<vmem>>
      tpu.wait_dma2 semaphore(%run_scoped3A : memref<!tpu.dma_semaphore, #tpu.memory_space<semaphore_mem>>) src(%dma_wait3A_151 : memref<128x128xf32, #tpu.memory_space<vmem>>) dst(%dma_wait3A_148 : memref<128x128xf32, #tpu.memory_space<vmem_shared>>)
      tpu.yield
    }) : () -> ()
    %add3A_80 = arith.constant 256 : i32
    %add3A_81 = arith.addi %mul3A_0, %add3A_80 : i32
    "tpu.region"() ({
      %run_scoped3A = tpu.sem_alloc : memref<!tpu.dma_semaphore, #tpu.memory_space<semaphore_mem>>
      %dma_start3A = arith.constant 0 : i32
      %dma_start3A_134 = arith.constant 0 : i32
      %dma_start3A_135 = tpu.memref_slice %arg10[%dma_start3A, %dma_start3A_134] : memref<128x128xf32, #tpu.memory_space<vmem>> -> memref<128x128xf32, #tpu.memory_space<vmem>>
      %dma_start3A_136 = arith.constant 0 : i32
      %dma_start3A_137 = tpu.memref_slice %arg11[%add3A_81, %dma_start3A_136] : memref<10112x128xf32, #tpu.memory_space<vmem_shared>> -> memref<128x128xf32, #tpu.memory_space<vmem_shared>>
      %dma_start3A_138 = arith.constant 0 : i32
      %dma_start3A_139 = tpu.memref_slice %arg11[%add3A_81, %dma_start3A_138] : memref<10112x128xf32, #tpu.memory_space<vmem_shared>> -> memref<128x128xf32, #tpu.memory_space<vmem_shared>>
      %dma_start3A_140 = arith.constant 0 : i32
      %dma_start3A_141 = arith.constant 0 : i32
      %dma_start3A_142 = tpu.memref_slice %arg10[%dma_start3A_140, %dma_start3A_141] : memref<128x128xf32, #tpu.memory_space<vmem>> -> memref<128x128xf32, #tpu.memory_space<vmem>>
      tpu.enqueue_dma source(%dma_start3A_142 : memref<128x128xf32, #tpu.memory_space<vmem>>) target(%dma_start3A_139 : memref<128x128xf32, #tpu.memory_space<vmem_shared>>) target_semaphore(%run_scoped3A : memref<!tpu.dma_semaphore, #tpu.memory_space<semaphore_mem>>)
      %dma_wait3A = arith.constant 0 : i32
      %dma_wait3A_143 = arith.constant 0 : i32
      %dma_wait3A_144 = tpu.memref_slice %arg10[%dma_wait3A, %dma_wait3A_143] : memref<128x128xf32, #tpu.memory_space<vmem>> -> memref<128x128xf32, #tpu.memory_space<vmem>>
      %dma_wait3A_145 = arith.constant 0 : i32
      %dma_wait3A_146 = tpu.memref_slice %arg11[%add3A_81, %dma_wait3A_145] : memref<10112x128xf32, #tpu.memory_space<vmem_shared>> -> memref<128x128xf32, #tpu.memory_space<vmem_shared>>
      %dma_wait3A_147 = arith.constant 0 : i32
      %dma_wait3A_148 = tpu.memref_slice %arg11[%add3A_81, %dma_wait3A_147] : memref<10112x128xf32, #tpu.memory_space<vmem_shared>> -> memref<128x128xf32, #tpu.memory_space<vmem_shared>>
      %dma_wait3A_149 = arith.constant 0 : i32
      %dma_wait3A_150 = arith.constant 0 : i32
      %dma_wait3A_151 = tpu.memref_slice %arg10[%dma_wait3A_149, %dma_wait3A_150] : memref<128x128xf32, #tpu.memory_space<vmem>> -> memref<128x128xf32, #tpu.memory_space<vmem>>
      tpu.wait_dma2 semaphore(%run_scoped3A : memref<!tpu.dma_semaphore, #tpu.memory_space<semaphore_mem>>) src(%dma_wait3A_151 : memref<128x128xf32, #tpu.memory_space<vmem>>) dst(%dma_wait3A_148 : memref<128x128xf32, #tpu.memory_space<vmem_shared>>)
      tpu.yield
    }) : () -> ()
    %add3A_82 = arith.constant 384 : i32
    %add3A_83 = arith.addi %mul3A_0, %add3A_82 : i32
    "tpu.region"() ({
      %run_scoped3A = tpu.sem_alloc : memref<!tpu.dma_semaphore, #tpu.memory_space<semaphore_mem>>
      %dma_start3A = arith.constant 0 : i32
      %dma_start3A_134 = arith.constant 0 : i32
      %dma_start3A_135 = tpu.memref_slice %arg10[%dma_start3A, %dma_start3A_134] : memref<128x128xf32, #tpu.memory_space<vmem>> -> memref<128x128xf32, #tpu.memory_space<vmem>>
      %dma_start3A_136 = arith.constant 0 : i32
      %dma_start3A_137 = tpu.memref_slice %arg11[%add3A_83, %dma_start3A_136] : memref<10112x128xf32, #tpu.memory_space<vmem_shared>> -> memref<128x128xf32, #tpu.memory_space<vmem_shared>>
      %dma_start3A_138 = arith.constant 0 : i32
      %dma_start3A_139 = tpu.memref_slice %arg11[%add3A_83, %dma_start3A_138] : memref<10112x128xf32, #tpu.memory_space<vmem_shared>> -> memref<128x128xf32, #tpu.memory_space<vmem_shared>>
      %dma_start3A_140 = arith.constant 0 : i32
      %dma_start3A_141 = arith.constant 0 : i32
      %dma_start3A_142 = tpu.memref_slice %arg10[%dma_start3A_140, %dma_start3A_141] : memref<128x128xf32, #tpu.memory_space<vmem>> -> memref<128x128xf32, #tpu.memory_space<vmem>>
      tpu.enqueue_dma source(%dma_start3A_142 : memref<128x128xf32, #tpu.memory_space<vmem>>) target(%dma_start3A_139 : memref<128x128xf32, #tpu.memory_space<vmem_shared>>) target_semaphore(%run_scoped3A : memref<!tpu.dma_semaphore, #tpu.memory_space<semaphore_mem>>)
      %dma_wait3A = arith.constant 0 : i32
      %dma_wait3A_143 = arith.constant 0 : i32
      %dma_wait3A_144 = tpu.memref_slice %arg10[%dma_wait3A, %dma_wait3A_143] : memref<128x128xf32, #tpu.memory_space<vmem>> -> memref<128x128xf32, #tpu.memory_space<vmem>>
      %dma_wait3A_145 = arith.constant 0 : i32
      %dma_wait3A_146 = tpu.memref_slice %arg11[%add3A_83, %dma_wait3A_145] : memref<10112x128xf32, #tpu.memory_space<vmem_shared>> -> memref<128x128xf32, #tpu.memory_space<vmem_shared>>
      %dma_wait3A_147 = arith.constant 0 : i32
      %dma_wait3A_148 = tpu.memref_slice %arg11[%add3A_83, %dma_wait3A_147] : memref<10112x128xf32, #tpu.memory_space<vmem_shared>> -> memref<128x128xf32, #tpu.memory_space<vmem_shared>>
      %dma_wait3A_149 = arith.constant 0 : i32
      %dma_wait3A_150 = arith.constant 0 : i32
      %dma_wait3A_151 = tpu.memref_slice %arg10[%dma_wait3A_149, %dma_wait3A_150] : memref<128x128xf32, #tpu.memory_space<vmem>> -> memref<128x128xf32, #tpu.memory_space<vmem>>
      tpu.wait_dma2 semaphore(%run_scoped3A : memref<!tpu.dma_semaphore, #tpu.memory_space<semaphore_mem>>) src(%dma_wait3A_151 : memref<128x128xf32, #tpu.memory_space<vmem>>) dst(%dma_wait3A_148 : memref<128x128xf32, #tpu.memory_space<vmem_shared>>)
      tpu.yield
    }) : () -> ()
    %add3A_84 = arith.constant 512 : i32
    %add3A_85 = arith.addi %mul3A_0, %add3A_84 : i32
    "tpu.region"() ({
      %run_scoped3A = tpu.sem_alloc : memref<!tpu.dma_semaphore, #tpu.memory_space<semaphore_mem>>
      %dma_start3A = arith.constant 0 : i32
      %dma_start3A_134 = arith.constant 0 : i32
      %dma_start3A_135 = tpu.memref_slice %arg10[%dma_start3A, %dma_start3A_134] : memref<128x128xf32, #tpu.memory_space<vmem>> -> memref<120x128xf32, #tpu.memory_space<vmem>>
      %dma_start3A_136 = arith.constant 0 : i32
      %dma_start3A_137 = tpu.memref_slice %arg11[%add3A_85, %dma_start3A_136] : memref<10112x128xf32, #tpu.memory_space<vmem_shared>> -> memref<120x128xf32, #tpu.memory_space<vmem_shared>>
      %dma_start3A_138 = arith.constant 0 : i32
      %dma_start3A_139 = tpu.memref_slice %arg11[%add3A_85, %dma_start3A_138] : memref<10112x128xf32, #tpu.memory_space<vmem_shared>> -> memref<120x128xf32, #tpu.memory_space<vmem_shared>>
      %dma_start3A_140 = arith.constant 0 : i32
      %dma_start3A_141 = arith.constant 0 : i32
      %dma_start3A_142 = tpu.memref_slice %arg10[%dma_start3A_140, %dma_start3A_141] : memref<128x128xf32, #tpu.memory_space<vmem>> -> memref<120x128xf32, #tpu.memory_space<vmem>>
      tpu.enqueue_dma source(%dma_start3A_142 : memref<120x128xf32, #tpu.memory_space<vmem>>) target(%dma_start3A_139 : memref<120x128xf32, #tpu.memory_space<vmem_shared>>) target_semaphore(%run_scoped3A : memref<!tpu.dma_semaphore, #tpu.memory_space<semaphore_mem>>)
      %dma_wait3A = arith.constant 0 : i32
      %dma_wait3A_143 = arith.constant 0 : i32
      %dma_wait3A_144 = tpu.memref_slice %arg10[%dma_wait3A, %dma_wait3A_143] : memref<128x128xf32, #tpu.memory_space<vmem>> -> memref<120x128xf32, #tpu.memory_space<vmem>>
      %dma_wait3A_145 = arith.constant 0 : i32
      %dma_wait3A_146 = tpu.memref_slice %arg11[%add3A_85, %dma_wait3A_145] : memref<10112x128xf32, #tpu.memory_space<vmem_shared>> -> memref<120x128xf32, #tpu.memory_space<vmem_shared>>
      %dma_wait3A_147 = arith.constant 0 : i32
      %dma_wait3A_148 = tpu.memref_slice %arg11[%add3A_85, %dma_wait3A_147] : memref<10112x128xf32, #tpu.memory_space<vmem_shared>> -> memref<120x128xf32, #tpu.memory_space<vmem_shared>>
      %dma_wait3A_149 = arith.constant 0 : i32
      %dma_wait3A_150 = arith.constant 0 : i32
      %dma_wait3A_151 = tpu.memref_slice %arg10[%dma_wait3A_149, %dma_wait3A_150] : memref<128x128xf32, #tpu.memory_space<vmem>> -> memref<120x128xf32, #tpu.memory_space<vmem>>
      tpu.wait_dma2 semaphore(%run_scoped3A : memref<!tpu.dma_semaphore, #tpu.memory_space<semaphore_mem>>) src(%dma_wait3A_151 : memref<120x128xf32, #tpu.memory_space<vmem>>) dst(%dma_wait3A_148 : memref<120x128xf32, #tpu.memory_space<vmem_shared>>)
      tpu.yield
    }) : () -> ()
    %barrier3A_86 = arith.constant 0 : index
    tpu.barrier barrier_id(%barrier3A_86)
    %mul3A_87 = arith.constant 16 : i32
    %mul3A_88 = arith.muli %add3A_69, %mul3A_87 : i32
    %add3A_89 = arith.addi %mul3A_88, %arg1 : i32
    %mul3A_90 = arith.constant 79 : i32
    %mul3A_91 = arith.muli %add3A_89, %mul3A_90 : i32
    "tpu.region"() ({
      %run_scoped3A = tpu.sem_alloc : memref<!tpu.dma_semaphore, #tpu.memory_space<semaphore_mem>>
      %dma_start3A = arith.constant 0 : i32
      %dma_start3A_134 = tpu.memref_slice %arg3[%mul3A_91, %dma_start3A] : memref<5056x128xi32, #tpu.memory_space<hbm>> -> memref<1x128xi32, #tpu.memory_space<hbm>>
      %dma_start3A_135 = tpu.memref_squeeze %dma_start3A_134 : memref<1x128xi32, #tpu.memory_space<hbm>> -> memref<128xi32, #tpu.memory_space<hbm>>
      %dma_start3A_136 = arith.constant 0 : i32
      %dma_start3A_137 = tpu.memref_slice %arg3[%mul3A_91, %dma_start3A_136] : memref<5056x128xi32, #tpu.memory_space<hbm>> -> memref<1x128xi32, #tpu.memory_space<hbm>>
      %dma_start3A_138 = tpu.memref_squeeze %dma_start3A_137 : memref<1x128xi32, #tpu.memory_space<hbm>> -> memref<128xi32, #tpu.memory_space<hbm>>
      tpu.enqueue_dma source(%dma_start3A_138 : memref<128xi32, #tpu.memory_space<hbm>>) target(%arg7 : memref<128xi32, #tpu.memory_space<vmem>>) target_semaphore(%run_scoped3A : memref<!tpu.dma_semaphore, #tpu.memory_space<semaphore_mem>>)
      %dma_wait3A = arith.constant 0 : i32
      %dma_wait3A_139 = tpu.memref_slice %arg3[%mul3A_91, %dma_wait3A] : memref<5056x128xi32, #tpu.memory_space<hbm>> -> memref<1x128xi32, #tpu.memory_space<hbm>>
      %dma_wait3A_140 = tpu.memref_squeeze %dma_wait3A_139 : memref<1x128xi32, #tpu.memory_space<hbm>> -> memref<128xi32, #tpu.memory_space<hbm>>
      %dma_wait3A_141 = arith.constant 0 : i32
      %dma_wait3A_142 = tpu.memref_slice %arg3[%mul3A_91, %dma_wait3A_141] : memref<5056x128xi32, #tpu.memory_space<hbm>> -> memref<1x128xi32, #tpu.memory_space<hbm>>
      %dma_wait3A_143 = tpu.memref_squeeze %dma_wait3A_142 : memref<1x128xi32, #tpu.memory_space<hbm>> -> memref<128xi32, #tpu.memory_space<hbm>>
      tpu.wait_dma2 semaphore(%run_scoped3A : memref<!tpu.dma_semaphore, #tpu.memory_space<semaphore_mem>>) src(%dma_wait3A_143 : memref<128xi32, #tpu.memory_space<hbm>>) dst(%arg7 : memref<128xi32, #tpu.memory_space<vmem>>)
      tpu.yield
    }) : () -> ()
    "tpu.region"() ({
      %run_scoped3A = tpu.sem_alloc : memref<!tpu.dma_semaphore, #tpu.memory_space<semaphore_mem>>
      %dma_start3A = arith.constant 0 : i32
      %dma_start3A_134 = tpu.memref_slice %arg5[%mul3A_91, %dma_start3A] : memref<5056x128xf32, #tpu.memory_space<hbm>> -> memref<1x128xf32, #tpu.memory_space<hbm>>
      %dma_start3A_135 = tpu.memref_squeeze %dma_start3A_134 : memref<1x128xf32, #tpu.memory_space<hbm>> -> memref<128xf32, #tpu.memory_space<hbm>>
      %dma_start3A_136 = arith.constant 0 : i32
      %dma_start3A_137 = tpu.memref_slice %arg5[%mul3A_91, %dma_start3A_136] : memref<5056x128xf32, #tpu.memory_space<hbm>> -> memref<1x128xf32, #tpu.memory_space<hbm>>
      %dma_start3A_138 = tpu.memref_squeeze %dma_start3A_137 : memref<1x128xf32, #tpu.memory_space<hbm>> -> memref<128xf32, #tpu.memory_space<hbm>>
      tpu.enqueue_dma source(%dma_start3A_138 : memref<128xf32, #tpu.memory_space<hbm>>) target(%arg9 : memref<128xf32, #tpu.memory_space<vmem>>) target_semaphore(%run_scoped3A : memref<!tpu.dma_semaphore, #tpu.memory_space<semaphore_mem>>)
      %dma_wait3A = arith.constant 0 : i32
      %dma_wait3A_139 = tpu.memref_slice %arg5[%mul3A_91, %dma_wait3A] : memref<5056x128xf32, #tpu.memory_space<hbm>> -> memref<1x128xf32, #tpu.memory_space<hbm>>
      %dma_wait3A_140 = tpu.memref_squeeze %dma_wait3A_139 : memref<1x128xf32, #tpu.memory_space<hbm>> -> memref<128xf32, #tpu.memory_space<hbm>>
      %dma_wait3A_141 = arith.constant 0 : i32
      %dma_wait3A_142 = tpu.memref_slice %arg5[%mul3A_91, %dma_wait3A_141] : memref<5056x128xf32, #tpu.memory_space<hbm>> -> memref<1x128xf32, #tpu.memory_space<hbm>>
      %dma_wait3A_143 = tpu.memref_squeeze %dma_wait3A_142 : memref<1x128xf32, #tpu.memory_space<hbm>> -> memref<128xf32, #tpu.memory_space<hbm>>
      tpu.wait_dma2 semaphore(%run_scoped3A : memref<!tpu.dma_semaphore, #tpu.memory_space<semaphore_mem>>) src(%dma_wait3A_143 : memref<128xf32, #tpu.memory_space<hbm>>) dst(%arg9 : memref<128xf32, #tpu.memory_space<vmem>>)
      tpu.yield
    }) : () -> ()
    %scan3A_92 = arith.constant 0 : i32
    %scan3A_93 = arith.constant 0 : i32
    %scan3A_94 = arith.constant 79 : i32
    %scan3A_95 = arith.addi %scan3A_93, %scan3A_94 : i32
    %scan3A_96 = arith.constant 1 : i32
    scf.for %scan3A_134 = %scan3A_93 to %scan3A_95 step %scan3A_96  : i32 {
      %dma_start3A = arith.constant 0 : i32
      %dma_start3A_135 = arith.constant 0 : i32
      %dma_start3A_136 = tpu.memref_slice %arg2[%dma_start3A, %dma_start3A_135] : memref<10000x128xf32, #tpu.memory_space<hbm>> -> memref<10000x128xf32, #tpu.memory_space<hbm>>
      tpu.enqueue_indirect_dma source(%dma_start3A_136 : memref<10000x128xf32, #tpu.memory_space<hbm>>) target(%arg10 : memref<128x128xf32, #tpu.memory_space<vmem>>) offsets(%arg7 : memref<128xi32, #tpu.memory_space<vmem>>) semaphore(%arg12 : memref<!tpu.dma_semaphore, #tpu.memory_space<semaphore_mem>>)
      %add3A_137 = arith.addi %mul3A_91, %scan3A_134 : i32
      "tpu.region"() ({
        %run_scoped3A = tpu.sem_alloc : memref<!tpu.dma_semaphore, #tpu.memory_space<semaphore_mem>>
        %dma_start3A_157 = arith.constant 0 : i32
        %dma_start3A_158 = tpu.memref_slice %arg4[%add3A_137, %dma_start3A_157] : memref<5056x128xi32, #tpu.memory_space<hbm>> -> memref<1x128xi32, #tpu.memory_space<hbm>>
        %dma_start3A_159 = tpu.memref_squeeze %dma_start3A_158 : memref<1x128xi32, #tpu.memory_space<hbm>> -> memref<128xi32, #tpu.memory_space<hbm>>
        %dma_start3A_160 = arith.constant 0 : i32
        %dma_start3A_161 = tpu.memref_slice %arg4[%add3A_137, %dma_start3A_160] : memref<5056x128xi32, #tpu.memory_space<hbm>> -> memref<1x128xi32, #tpu.memory_space<hbm>>
        %dma_start3A_162 = tpu.memref_squeeze %dma_start3A_161 : memref<1x128xi32, #tpu.memory_space<hbm>> -> memref<128xi32, #tpu.memory_space<hbm>>
        tpu.enqueue_dma source(%dma_start3A_162 : memref<128xi32, #tpu.memory_space<hbm>>) target(%arg8 : memref<128xi32, #tpu.memory_space<vmem>>) target_semaphore(%run_scoped3A : memref<!tpu.dma_semaphore, #tpu.memory_space<semaphore_mem>>)
        %dma_wait3A_163 = arith.constant 0 : i32
        %dma_wait3A_164 = tpu.memref_slice %arg4[%add3A_137, %dma_wait3A_163] : memref<5056x128xi32, #tpu.memory_space<hbm>> -> memref<1x128xi32, #tpu.memory_space<hbm>>
        %dma_wait3A_165 = tpu.memref_squeeze %dma_wait3A_164 : memref<1x128xi32, #tpu.memory_space<hbm>> -> memref<128xi32, #tpu.memory_space<hbm>>
        %dma_wait3A_166 = arith.constant 0 : i32
        %dma_wait3A_167 = tpu.memref_slice %arg4[%add3A_137, %dma_wait3A_166] : memref<5056x128xi32, #tpu.memory_space<hbm>> -> memref<1x128xi32, #tpu.memory_space<hbm>>
        %dma_wait3A_168 = tpu.memref_squeeze %dma_wait3A_167 : memref<1x128xi32, #tpu.memory_space<hbm>> -> memref<128xi32, #tpu.memory_space<hbm>>
        tpu.wait_dma2 semaphore(%run_scoped3A : memref<!tpu.dma_semaphore, #tpu.memory_space<semaphore_mem>>) src(%dma_wait3A_168 : memref<128xi32, #tpu.memory_space<hbm>>) dst(%arg8 : memref<128xi32, #tpu.memory_space<vmem>>)
        tpu.yield
      }) : () -> ()
      %dma_wait3A = arith.constant 0 : i32
      %dma_wait3A_138 = arith.constant 0 : i32
      %dma_wait3A_139 = tpu.memref_slice %arg2[%dma_wait3A, %dma_wait3A_138] : memref<10000x128xf32, #tpu.memory_space<hbm>> -> memref<10000x128xf32, #tpu.memory_space<hbm>>
      tpu.wait_indirect_dma semaphore(%arg12 : memref<!tpu.dma_semaphore, #tpu.memory_space<semaphore_mem>>) src(%dma_wait3A_139 : memref<10000x128xf32, #tpu.memory_space<hbm>>) dst(%arg10 : memref<128x128xf32, #tpu.memory_space<vmem>>)
      %scan3A_140 = arith.constant 0 : i32
      %scan3A_141 = arith.constant 0 : i32
      %scan3A_142 = arith.constant 8 : i32
      %scan3A_143 = arith.addi %scan3A_141, %scan3A_142 : i32
      %scan3A_144 = arith.constant 1 : i32
      scf.for %scan3A_157 = %scan3A_141 to %scan3A_143 step %scan3A_144  : i32 {
        %mul3A_158 = arith.constant 16 : i32
        %mul3A_159 = arith.muli %scan3A_157, %mul3A_158 : i32
        %get3A = arith.index_cast %mul3A_159 : i32 to index
        %get3A_160 = tpu.vector_load %arg9[%get3A] {strides = array<i32>} : memref<128xf32, #tpu.memory_space<vmem>>, vector<16xf32>,
        %get3A_161 = vector.shape_cast %get3A_160 : vector<16xf32> to vector<16xf32>
        %slice3A = vector.extract_strided_slice %get3A_161 {offsets = [0], sizes = [1], strides = [1]} : vector<16xf32> to vector<1xf32>
        %squeeze3A = vector.extract %slice3A[0] : f32 from vector<1xf32>
        %mul3A_162 = arith.constant 16 : i32
        %mul3A_163 = arith.muli %scan3A_157, %mul3A_162 : i32
        %add3A_164 = arith.constant 0 : i32
        %add3A_165 = arith.addi %mul3A_163, %add3A_164 : i32
        %get3A_166 = arith.index_cast %add3A_165 : i32 to index
        %get3A_167 = arith.constant 0 : index
        %get3A_168 = tpu.vector_load %arg10[%get3A_166, %get3A_167] {strides = array<i32>} : memref<128x128xf32, #tpu.memory_space<vmem>>, vector<1x16xf32>,
        %get3A_169 = vector.shape_cast %get3A_168 : vector<1x16xf32> to vector<16xf32>
        %mul3A_170 = vector.broadcast %squeeze3A : f32 to vector<16xf32>
        %mul3A_171 = arith.mulf %get3A_169, %mul3A_170 : vector<16xf32>
        %swap3A = arith.index_cast %add3A_165 : i32 to index
        %swap3A_172 = arith.constant 0 : index
        %swap3A_173 = tpu.vector_load %arg10[%swap3A, %swap3A_172] {strides = array<i32>} : memref<128x128xf32, #tpu.memory_space<vmem>>, vector<1x16xf32>,
        %swap3A_174 = vector.shape_cast %swap3A_173 : vector<1x16xf32> to vector<16xf32>
        %swap3A_175 = vector.shape_cast %mul3A_171 : vector<16xf32> to vector<1x16xf32>
        tpu.vector_store %arg10[%swap3A, %swap3A_172], %swap3A_175 {strides = array<i32>} : memref<128x128xf32, #tpu.memory_space<vmem>>, vector<1x16xf32>,
        %get3A_176 = arith.index_cast %add3A_165 : i32 to index
        %get3A_177 = arith.constant 16 : index
        %get3A_178 = tpu.vector_load %arg10[%get3A_176, %get3A_177] {strides = array<i32>} : memref<128x128xf32, #tpu.memory_space<vmem>>, vector<1x16xf32>,
        %get3A_179 = vector.shape_cast %get3A_178 : vector<1x16xf32> to vector<16xf32>
        %mul3A_180 = vector.broadcast %squeeze3A : f32 to vector<16xf32>
        %mul3A_181 = arith.mulf %get3A_179, %mul3A_180 : vector<16xf32>
        %swap3A_182 = arith.index_cast %add3A_165 : i32 to index
        %swap3A_183 = arith.constant 16 : index
        %swap3A_184 = tpu.vector_load %arg10[%swap3A_182, %swap3A_183] {strides = array<i32>} : memref<128x128xf32, #tpu.memory_space<vmem>>, vector<1x16xf32>,
        %swap3A_185 = vector.shape_cast %swap3A_184 : vector<1x16xf32> to vector<16xf32>
        %swap3A_186 = vector.shape_cast %mul3A_181 : vector<16xf32> to vector<1x16xf32>
        tpu.vector_store %arg10[%swap3A_182, %swap3A_183], %swap3A_186 {strides = array<i32>} : memref<128x128xf32, #tpu.memory_space<vmem>>, vector<1x16xf32>,
        %get3A_187 = arith.index_cast %add3A_165 : i32 to index
        %get3A_188 = arith.constant 32 : index
        %get3A_189 = tpu.vector_load %arg10[%get3A_187, %get3A_188] {strides = array<i32>} : memref<128x128xf32, #tpu.memory_space<vmem>>, vector<1x16xf32>,
        %get3A_190 = vector.shape_cast %get3A_189 : vector<1x16xf32> to vector<16xf32>
        %mul3A_191 = vector.broadcast %squeeze3A : f32 to vector<16xf32>
        %mul3A_192 = arith.mulf %get3A_190, %mul3A_191 : vector<16xf32>
        %swap3A_193 = arith.index_cast %add3A_165 : i32 to index
        %swap3A_194 = arith.constant 32 : index
        %swap3A_195 = tpu.vector_load %arg10[%swap3A_193, %swap3A_194] {strides = array<i32>} : memref<128x128xf32, #tpu.memory_space<vmem>>, vector<1x16xf32>,
        %swap3A_196 = vector.shape_cast %swap3A_195 : vector<1x16xf32> to vector<16xf32>
        %swap3A_197 = vector.shape_cast %mul3A_192 : vector<16xf32> to vector<1x16xf32>
        tpu.vector_store %arg10[%swap3A_193, %swap3A_194], %swap3A_197 {strides = array<i32>} : memref<128x128xf32, #tpu.memory_space<vmem>>, vector<1x16xf32>,
        %get3A_198 = arith.index_cast %add3A_165 : i32 to index
        %get3A_199 = arith.constant 48 : index
        %get3A_200 = tpu.vector_load %arg10[%get3A_198, %get3A_199] {strides = array<i32>} : memref<128x128xf32, #tpu.memory_space<vmem>>, vector<1x16xf32>,
        %get3A_201 = vector.shape_cast %get3A_200 : vector<1x16xf32> to vector<16xf32>
        %mul3A_202 = vector.broadcast %squeeze3A : f32 to vector<16xf32>
        %mul3A_203 = arith.mulf %get3A_201, %mul3A_202 : vector<16xf32>
        %swap3A_204 = arith.index_cast %add3A_165 : i32 to index
        %swap3A_205 = arith.constant 48 : index
        %swap3A_206 = tpu.vector_load %arg10[%swap3A_204, %swap3A_205] {strides = array<i32>} : memref<128x128xf32, #tpu.memory_space<vmem>>, vector<1x16xf32>,
        %swap3A_207 = vector.shape_cast %swap3A_206 : vector<1x16xf32> to vector<16xf32>
        %swap3A_208 = vector.shape_cast %mul3A_203 : vector<16xf32> to vector<1x16xf32>
        tpu.vector_store %arg10[%swap3A_204, %swap3A_205], %swap3A_208 {strides = array<i32>} : memref<128x128xf32, #tpu.memory_space<vmem>>, vector<1x16xf32>,
        %get3A_209 = arith.index_cast %add3A_165 : i32 to index
        %get3A_210 = arith.constant 64 : index
        %get3A_211 = tpu.vector_load %arg10[%get3A_209, %get3A_210] {strides = array<i32>} : memref<128x128xf32, #tpu.memory_space<vmem>>, vector<1x16xf32>,
        %get3A_212 = vector.shape_cast %get3A_211 : vector<1x16xf32> to vector<16xf32>
        %mul3A_213 = vector.broadcast %squeeze3A : f32 to vector<16xf32>
        %mul3A_214 = arith.mulf %get3A_212, %mul3A_213 : vector<16xf32>
        %swap3A_215 = arith.index_cast %add3A_165 : i32 to index
        %swap3A_216 = arith.constant 64 : index
        %swap3A_217 = tpu.vector_load %arg10[%swap3A_215, %swap3A_216] {strides = array<i32>} : memref<128x128xf32, #tpu.memory_space<vmem>>, vector<1x16xf32>,
        %swap3A_218 = vector.shape_cast %swap3A_217 : vector<1x16xf32> to vector<16xf32>
        %swap3A_219 = vector.shape_cast %mul3A_214 : vector<16xf32> to vector<1x16xf32>
        tpu.vector_store %arg10[%swap3A_215, %swap3A_216], %swap3A_219 {strides = array<i32>} : memref<128x128xf32, #tpu.memory_space<vmem>>, vector<1x16xf32>,
        %get3A_220 = arith.index_cast %add3A_165 : i32 to index
        %get3A_221 = arith.constant 80 : index
        %get3A_222 = tpu.vector_load %arg10[%get3A_220, %get3A_221] {strides = array<i32>} : memref<128x128xf32, #tpu.memory_space<vmem>>, vector<1x16xf32>,
        %get3A_223 = vector.shape_cast %get3A_222 : vector<1x16xf32> to vector<16xf32>
        %mul3A_224 = vector.broadcast %squeeze3A : f32 to vector<16xf32>
        %mul3A_225 = arith.mulf %get3A_223, %mul3A_224 : vector<16xf32>
        %swap3A_226 = arith.index_cast %add3A_165 : i32 to index
        %swap3A_227 = arith.constant 80 : index
        %swap3A_228 = tpu.vector_load %arg10[%swap3A_226, %swap3A_227] {strides = array<i32>} : memref<128x128xf32, #tpu.memory_space<vmem>>, vector<1x16xf32>,
        %swap3A_229 = vector.shape_cast %swap3A_228 : vector<1x16xf32> to vector<16xf32>
        %swap3A_230 = vector.shape_cast %mul3A_225 : vector<16xf32> to vector<1x16xf32>
        tpu.vector_store %arg10[%swap3A_226, %swap3A_227], %swap3A_230 {strides = array<i32>} : memref<128x128xf32, #tpu.memory_space<vmem>>, vector<1x16xf32>,
        %get3A_231 = arith.index_cast %add3A_165 : i32 to index
        %get3A_232 = arith.constant 96 : index
        %get3A_233 = tpu.vector_load %arg10[%get3A_231, %get3A_232] {strides = array<i32>} : memref<128x128xf32, #tpu.memory_space<vmem>>, vector<1x16xf32>,
        %get3A_234 = vector.shape_cast %get3A_233 : vector<1x16xf32> to vector<16xf32>
        %mul3A_235 = vector.broadcast %squeeze3A : f32 to vector<16xf32>
        %mul3A_236 = arith.mulf %get3A_234, %mul3A_235 : vector<16xf32>
        %swap3A_237 = arith.index_cast %add3A_165 : i32 to index
        %swap3A_238 = arith.constant 96 : index
        %swap3A_239 = tpu.vector_load %arg10[%swap3A_237, %swap3A_238] {strides = array<i32>} : memref<128x128xf32, #tpu.memory_space<vmem>>, vector<1x16xf32>,
        %swap3A_240 = vector.shape_cast %swap3A_239 : vector<1x16xf32> to vector<16xf32>
        %swap3A_241 = vector.shape_cast %mul3A_236 : vector<16xf32> to vector<1x16xf32>
        tpu.vector_store %arg10[%swap3A_237, %swap3A_238], %swap3A_241 {strides = array<i32>} : memref<128x128xf32, #tpu.memory_space<vmem>>, vector<1x16xf32>,
        %get3A_242 = arith.index_cast %add3A_165 : i32 to index
        %get3A_243 = arith.constant 112 : index
        %get3A_244 = tpu.vector_load %arg10[%get3A_242, %get3A_243] {strides = array<i32>} : memref<128x128xf32, #tpu.memory_space<vmem>>, vector<1x16xf32>,
        %get3A_245 = vector.shape_cast %get3A_244 : vector<1x16xf32> to vector<16xf32>
        %mul3A_246 = vector.broadcast %squeeze3A : f32 to vector<16xf32>
        %mul3A_247 = arith.mulf %get3A_245, %mul3A_246 : vector<16xf32>
        %swap3A_248 = arith.index_cast %add3A_165 : i32 to index
        %swap3A_249 = arith.constant 112 : index
        %swap3A_250 = tpu.vector_load %arg10[%swap3A_248, %swap3A_249] {strides = array<i32>} : memref<128x128xf32, #tpu.memory_space<vmem>>, vector<1x16xf32>,
        %swap3A_251 = vector.shape_cast %swap3A_250 : vector<1x16xf32> to vector<16xf32>
        %swap3A_252 = vector.shape_cast %mul3A_247 : vector<16xf32> to vector<1x16xf32>
        tpu.vector_store %arg10[%swap3A_248, %swap3A_249], %swap3A_252 {strides = array<i32>} : memref<128x128xf32, #tpu.memory_space<vmem>>, vector<1x16xf32>,
        %slice3A_253 = vector.extract_strided_slice %get3A_161 {offsets = [1], sizes = [1], strides = [1]} : vector<16xf32> to vector<1xf32>
        %squeeze3A_254 = vector.extract %slice3A_253[0] : f32 from vector<1xf32>
        %mul3A_255 = arith.constant 16 : i32
        %mul3A_256 = arith.muli %scan3A_157, %mul3A_255 : i32
        %add3A_257 = arith.constant 1 : i32
        %add3A_258 = arith.addi %mul3A_256, %add3A_257 : i32
        %get3A_259 = arith.index_cast %add3A_258 : i32 to index
        %get3A_260 = arith.constant 0 : index
        %get3A_261 = tpu.vector_load %arg10[%get3A_259, %get3A_260] {strides = array<i32>} : memref<128x128xf32, #tpu.memory_space<vmem>>, vector<1x16xf32>,
        %get3A_262 = vector.shape_cast %get3A_261 : vector<1x16xf32> to vector<16xf32>
        %mul3A_263 = vector.broadcast %squeeze3A_254 : f32 to vector<16xf32>
        %mul3A_264 = arith.mulf %get3A_262, %mul3A_263 : vector<16xf32>
        %swap3A_265 = arith.index_cast %add3A_258 : i32 to index
        %swap3A_266 = arith.constant 0 : index
        %swap3A_267 = tpu.vector_load %arg10[%swap3A_265, %swap3A_266] {strides = array<i32>} : memref<128x128xf32, #tpu.memory_space<vmem>>, vector<1x16xf32>,
        %swap3A_268 = vector.shape_cast %swap3A_267 : vector<1x16xf32> to vector<16xf32>
        %swap3A_269 = vector.shape_cast %mul3A_264 : vector<16xf32> to vector<1x16xf32>
        tpu.vector_store %arg10[%swap3A_265, %swap3A_266], %swap3A_269 {strides = array<i32>} : memref<128x128xf32, #tpu.memory_space<vmem>>, vector<1x16xf32>,
        %get3A_270 = arith.index_cast %add3A_258 : i32 to index
        %get3A_271 = arith.constant 16 : index
        %get3A_272 = tpu.vector_load %arg10[%get3A_270, %get3A_271] {strides = array<i32>} : memref<128x128xf32, #tpu.memory_space<vmem>>, vector<1x16xf32>,
        %get3A_273 = vector.shape_cast %get3A_272 : vector<1x16xf32> to vector<16xf32>
        %mul3A_274 = vector.broadcast %squeeze3A_254 : f32 to vector<16xf32>
        %mul3A_275 = arith.mulf %get3A_273, %mul3A_274 : vector<16xf32>
        %swap3A_276 = arith.index_cast %add3A_258 : i32 to index
        %swap3A_277 = arith.constant 16 : index
        %swap3A_278 = tpu.vector_load %arg10[%swap3A_276, %swap3A_277] {strides = array<i32>} : memref<128x128xf32, #tpu.memory_space<vmem>>, vector<1x16xf32>,
        %swap3A_279 = vector.shape_cast %swap3A_278 : vector<1x16xf32> to vector<16xf32>
        %swap3A_280 = vector.shape_cast %mul3A_275 : vector<16xf32> to vector<1x16xf32>
        tpu.vector_store %arg10[%swap3A_276, %swap3A_277], %swap3A_280 {strides = array<i32>} : memref<128x128xf32, #tpu.memory_space<vmem>>, vector<1x16xf32>,
        %get3A_281 = arith.index_cast %add3A_258 : i32 to index
        %get3A_282 = arith.constant 32 : index
        %get3A_283 = tpu.vector_load %arg10[%get3A_281, %get3A_282] {strides = array<i32>} : memref<128x128xf32, #tpu.memory_space<vmem>>, vector<1x16xf32>,
        %get3A_284 = vector.shape_cast %get3A_283 : vector<1x16xf32> to vector<16xf32>
        %mul3A_285 = vector.broadcast %squeeze3A_254 : f32 to vector<16xf32>
        %mul3A_286 = arith.mulf %get3A_284, %mul3A_285 : vector<16xf32>
        %swap3A_287 = arith.index_cast %add3A_258 : i32 to index
        %swap3A_288 = arith.constant 32 : index
        %swap3A_289 = tpu.vector_load %arg10[%swap3A_287, %swap3A_288] {strides = array<i32>} : memref<128x128xf32, #tpu.memory_space<vmem>>, vector<1x16xf32>,
        %swap3A_290 = vector.shape_cast %swap3A_289 : vector<1x16xf32> to vector<16xf32>
        %swap3A_291 = vector.shape_cast %mul3A_286 : vector<16xf32> to vector<1x16xf32>
        tpu.vector_store %arg10[%swap3A_287, %swap3A_288], %swap3A_291 {strides = array<i32>} : memref<128x128xf32, #tpu.memory_space<vmem>>, vector<1x16xf32>,
        %get3A_292 = arith.index_cast %add3A_258 : i32 to index
        %get3A_293 = arith.constant 48 : index
        %get3A_294 = tpu.vector_load %arg10[%get3A_292, %get3A_293] {strides = array<i32>} : memref<128x128xf32, #tpu.memory_space<vmem>>, vector<1x16xf32>,
        %get3A_295 = vector.shape_cast %get3A_294 : vector<1x16xf32> to vector<16xf32>
        %mul3A_296 = vector.broadcast %squeeze3A_254 : f32 to vector<16xf32>
        %mul3A_297 = arith.mulf %get3A_295, %mul3A_296 : vector<16xf32>
        %swap3A_298 = arith.index_cast %add3A_258 : i32 to index
        %swap3A_299 = arith.constant 48 : index
        %swap3A_300 = tpu.vector_load %arg10[%swap3A_298, %swap3A_299] {strides = array<i32>} : memref<128x128xf32, #tpu.memory_space<vmem>>, vector<1x16xf32>,
        %swap3A_301 = vector.shape_cast %swap3A_300 : vector<1x16xf32> to vector<16xf32>
        %swap3A_302 = vector.shape_cast %mul3A_297 : vector<16xf32> to vector<1x16xf32>
        tpu.vector_store %arg10[%swap3A_298, %swap3A_299], %swap3A_302 {strides = array<i32>} : memref<128x128xf32, #tpu.memory_space<vmem>>, vector<1x16xf32>,
        %get3A_303 = arith.index_cast %add3A_258 : i32 to index
        %get3A_304 = arith.constant 64 : index
        %get3A_305 = tpu.vector_load %arg10[%get3A_303, %get3A_304] {strides = array<i32>} : memref<128x128xf32, #tpu.memory_space<vmem>>, vector<1x16xf32>,
        %get3A_306 = vector.shape_cast %get3A_305 : vector<1x16xf32> to vector<16xf32>
        %mul3A_307 = vector.broadcast %squeeze3A_254 : f32 to vector<16xf32>
        %mul3A_308 = arith.mulf %get3A_306, %mul3A_307 : vector<16xf32>
        %swap3A_309 = arith.index_cast %add3A_258 : i32 to index
        %swap3A_310 = arith.constant 64 : index
        %swap3A_311 = tpu.vector_load %arg10[%swap3A_309, %swap3A_310] {strides = array<i32>} : memref<128x128xf32, #tpu.memory_space<vmem>>, vector<1x16xf32>,
        %swap3A_312 = vector.shape_cast %swap3A_311 : vector<1x16xf32> to vector<16xf32>
        %swap3A_313 = vector.shape_cast %mul3A_308 : vector<16xf32> to vector<1x16xf32>
        tpu.vector_store %arg10[%swap3A_309, %swap3A_310], %swap3A_313 {strides = array<i32>} : memref<128x128xf32, #tpu.memory_space<vmem>>, vector<1x16xf32>,
        %get3A_314 = arith.index_cast %add3A_258 : i32 to index
        %get3A_315 = arith.constant 80 : index
        %get3A_316 = tpu.vector_load %arg10[%get3A_314, %get3A_315] {strides = array<i32>} : memref<128x128xf32, #tpu.memory_space<vmem>>, vector<1x16xf32>,
        %get3A_317 = vector.shape_cast %get3A_316 : vector<1x16xf32> to vector<16xf32>
        %mul3A_318 = vector.broadcast %squeeze3A_254 : f32 to vector<16xf32>
        %mul3A_319 = arith.mulf %get3A_317, %mul3A_318 : vector<16xf32>
        %swap3A_320 = arith.index_cast %add3A_258 : i32 to index
        %swap3A_321 = arith.constant 80 : index
        %swap3A_322 = tpu.vector_load %arg10[%swap3A_320, %swap3A_321] {strides = array<i32>} : memref<128x128xf32, #tpu.memory_space<vmem>>, vector<1x16xf32>,
        %swap3A_323 = vector.shape_cast %swap3A_322 : vector<1x16xf32> to vector<16xf32>
        %swap3A_324 = vector.shape_cast %mul3A_319 : vector<16xf32> to vector<1x16xf32>
        tpu.vector_store %arg10[%swap3A_320, %swap3A_321], %swap3A_324 {strides = array<i32>} : memref<128x128xf32, #tpu.memory_space<vmem>>, vector<1x16xf32>,
        %get3A_325 = arith.index_cast %add3A_258 : i32 to index
        %get3A_326 = arith.constant 96 : index
        %get3A_327 = tpu.vector_load %arg10[%get3A_325, %get3A_326] {strides = array<i32>} : memref<128x128xf32, #tpu.memory_space<vmem>>, vector<1x16xf32>,
        %get3A_328 = vector.shape_cast %get3A_327 : vector<1x16xf32> to vector<16xf32>
        %mul3A_329 = vector.broadcast %squeeze3A_254 : f32 to vector<16xf32>
        %mul3A_330 = arith.mulf %get3A_328, %mul3A_329 : vector<16xf32>
        %swap3A_331 = arith.index_cast %add3A_258 : i32 to index
        %swap3A_332 = arith.constant 96 : index
        %swap3A_333 = tpu.vector_load %arg10[%swap3A_331, %swap3A_332] {strides = array<i32>} : memref<128x128xf32, #tpu.memory_space<vmem>>, vector<1x16xf32>,
        %swap3A_334 = vector.shape_cast %swap3A_333 : vector<1x16xf32> to vector<16xf32>
        %swap3A_335 = vector.shape_cast %mul3A_330 : vector<16xf32> to vector<1x16xf32>
        tpu.vector_store %arg10[%swap3A_331, %swap3A_332], %swap3A_335 {strides = array<i32>} : memref<128x128xf32, #tpu.memory_space<vmem>>, vector<1x16xf32>,
        %get3A_336 = arith.index_cast %add3A_258 : i32 to index
        %get3A_337 = arith.constant 112 : index
        %get3A_338 = tpu.vector_load %arg10[%get3A_336, %get3A_337] {strides = array<i32>} : memref<128x128xf32, #tpu.memory_space<vmem>>, vector<1x16xf32>,
        %get3A_339 = vector.shape_cast %get3A_338 : vector<1x16xf32> to vector<16xf32>
        %mul3A_340 = vector.broadcast %squeeze3A_254 : f32 to vector<16xf32>
        %mul3A_341 = arith.mulf %get3A_339, %mul3A_340 : vector<16xf32>
        %swap3A_342 = arith.index_cast %add3A_258 : i32 to index
        %swap3A_343 = arith.constant 112 : index
        %swap3A_344 = tpu.vector_load %arg10[%swap3A_342, %swap3A_343] {strides = array<i32>} : memref<128x128xf32, #tpu.memory_space<vmem>>, vector<1x16xf32>,
        %swap3A_345 = vector.shape_cast %swap3A_344 : vector<1x16xf32> to vector<16xf32>
        %swap3A_346 = vector.shape_cast %mul3A_341 : vector<16xf32> to vector<1x16xf32>
        tpu.vector_store %arg10[%swap3A_342, %swap3A_343], %swap3A_346 {strides = array<i32>} : memref<128x128xf32, #tpu.memory_space<vmem>>, vector<1x16xf32>,
        %slice3A_347 = vector.extract_strided_slice %get3A_161 {offsets = [2], sizes = [1], strides = [1]} : vector<16xf32> to vector<1xf32>
        %squeeze3A_348 = vector.extract %slice3A_347[0] : f32 from vector<1xf32>
        %mul3A_349 = arith.constant 16 : i32
        %mul3A_350 = arith.muli %scan3A_157, %mul3A_349 : i32
        %add3A_351 = arith.constant 2 : i32
        %add3A_352 = arith.addi %mul3A_350, %add3A_351 : i32
        %get3A_353 = arith.index_cast %add3A_352 : i32 to index
        %get3A_354 = arith.constant 0 : index
        %get3A_355 = tpu.vector_load %arg10[%get3A_353, %get3A_354] {strides = array<i32>} : memref<128x128xf32, #tpu.memory_space<vmem>>, vector<1x16xf32>,
        %get3A_356 = vector.shape_cast %get3A_355 : vector<1x16xf32> to vector<16xf32>
        %mul3A_357 = vector.broadcast %squeeze3A_348 : f32 to vector<16xf32>
        %mul3A_358 = arith.mulf %get3A_356, %mul3A_357 : vector<16xf32>
        %swap3A_359 = arith.index_cast %add3A_352 : i32 to index
        %swap3A_360 = arith.constant 0 : index
        %swap3A_361 = tpu.vector_load %arg10[%swap3A_359, %swap3A_360] {strides = array<i32>} : memref<128x128xf32, #tpu.memory_space<vmem>>, vector<1x16xf32>,
        %swap3A_362 = vector.shape_cast %swap3A_361 : vector<1x16xf32> to vector<16xf32>
        %swap3A_363 = vector.shape_cast %mul3A_358 : vector<16xf32> to vector<1x16xf32>
        tpu.vector_store %arg10[%swap3A_359, %swap3A_360], %swap3A_363 {strides = array<i32>} : memref<128x128xf32, #tpu.memory_space<vmem>>, vector<1x16xf32>,
        %get3A_364 = arith.index_cast %add3A_352 : i32 to index
        %get3A_365 = arith.constant 16 : index
        %get3A_366 = tpu.vector_load %arg10[%get3A_364, %get3A_365] {strides = array<i32>} : memref<128x128xf32, #tpu.memory_space<vmem>>, vector<1x16xf32>,
        %get3A_367 = vector.shape_cast %get3A_366 : vector<1x16xf32> to vector<16xf32>
        %mul3A_368 = vector.broadcast %squeeze3A_348 : f32 to vector<16xf32>
        %mul3A_369 = arith.mulf %get3A_367, %mul3A_368 : vector<16xf32>
        %swap3A_370 = arith.index_cast %add3A_352 : i32 to index
        %swap3A_371 = arith.constant 16 : index
        %swap3A_372 = tpu.vector_load %arg10[%swap3A_370, %swap3A_371] {strides = array<i32>} : memref<128x128xf32, #tpu.memory_space<vmem>>, vector<1x16xf32>,
        %swap3A_373 = vector.shape_cast %swap3A_372 : vector<1x16xf32> to vector<16xf32>
        %swap3A_374 = vector.shape_cast %mul3A_369 : vector<16xf32> to vector<1x16xf32>
        tpu.vector_store %arg10[%swap3A_370, %swap3A_371], %swap3A_374 {strides = array<i32>} : memref<128x128xf32, #tpu.memory_space<vmem>>, vector<1x16xf32>,
        %get3A_375 = arith.index_cast %add3A_352 : i32 to index
        %get3A_376 = arith.constant 32 : index
        %get3A_377 = tpu.vector_load %arg10[%get3A_375, %get3A_376] {strides = array<i32>} : memref<128x128xf32, #tpu.memory_space<vmem>>, vector<1x16xf32>,
        %get3A_378 = vector.shape_cast %get3A_377 : vector<1x16xf32> to vector<16xf32>
        %mul3A_379 = vector.broadcast %squeeze3A_348 : f32 to vector<16xf32>
        %mul3A_380 = arith.mulf %get3A_378, %mul3A_379 : vector<16xf32>
        %swap3A_381 = arith.index_cast %add3A_352 : i32 to index
        %swap3A_382 = arith.constant 32 : index
        %swap3A_383 = tpu.vector_load %arg10[%swap3A_381, %swap3A_382] {strides = array<i32>} : memref<128x128xf32, #tpu.memory_space<vmem>>, vector<1x16xf32>,
        %swap3A_384 = vector.shape_cast %swap3A_383 : vector<1x16xf32> to vector<16xf32>
        %swap3A_385 = vector.shape_cast %mul3A_380 : vector<16xf32> to vector<1x16xf32>
        tpu.vector_store %arg10[%swap3A_381, %swap3A_382], %swap3A_385 {strides = array<i32>} : memref<128x128xf32, #tpu.memory_space<vmem>>, vector<1x16xf32>,
        %get3A_386 = arith.index_cast %add3A_352 : i32 to index
        %get3A_387 = arith.constant 48 : index
        %get3A_388 = tpu.vector_load %arg10[%get3A_386, %get3A_387] {strides = array<i32>} : memref<128x128xf32, #tpu.memory_space<vmem>>, vector<1x16xf32>,
        %get3A_389 = vector.shape_cast %get3A_388 : vector<1x16xf32> to vector<16xf32>
        %mul3A_390 = vector.broadcast %squeeze3A_348 : f32 to vector<16xf32>
        %mul3A_391 = arith.mulf %get3A_389, %mul3A_390 : vector<16xf32>
        %swap3A_392 = arith.index_cast %add3A_352 : i32 to index
        %swap3A_393 = arith.constant 48 : index
        %swap3A_394 = tpu.vector_load %arg10[%swap3A_392, %swap3A_393] {strides = array<i32>} : memref<128x128xf32, #tpu.memory_space<vmem>>, vector<1x16xf32>,
        %swap3A_395 = vector.shape_cast %swap3A_394 : vector<1x16xf32> to vector<16xf32>
        %swap3A_396 = vector.shape_cast %mul3A_391 : vector<16xf32> to vector<1x16xf32>
        tpu.vector_store %arg10[%swap3A_392, %swap3A_393], %swap3A_396 {strides = array<i32>} : memref<128x128xf32, #tpu.memory_space<vmem>>, vector<1x16xf32>,
        %get3A_397 = arith.index_cast %add3A_352 : i32 to index
        %get3A_398 = arith.constant 64 : index
        %get3A_399 = tpu.vector_load %arg10[%get3A_397, %get3A_398] {strides = array<i32>} : memref<128x128xf32, #tpu.memory_space<vmem>>, vector<1x16xf32>,
        %get3A_400 = vector.shape_cast %get3A_399 : vector<1x16xf32> to vector<16xf32>
        %mul3A_401 = vector.broadcast %squeeze3A_348 : f32 to vector<16xf32>
        %mul3A_402 = arith.mulf %get3A_400, %mul3A_401 : vector<16xf32>
        %swap3A_403 = arith.index_cast %add3A_352 : i32 to index
        %swap3A_404 = arith.constant 64 : index
        %swap3A_405 = tpu.vector_load %arg10[%swap3A_403, %swap3A_404] {strides = array<i32>} : memref<128x128xf32, #tpu.memory_space<vmem>>, vector<1x16xf32>,
        %swap3A_406 = vector.shape_cast %swap3A_405 : vector<1x16xf32> to vector<16xf32>
        %swap3A_407 = vector.shape_cast %mul3A_402 : vector<16xf32> to vector<1x16xf32>
        tpu.vector_store %arg10[%swap3A_403, %swap3A_404], %swap3A_407 {strides = array<i32>} : memref<128x128xf32, #tpu.memory_space<vmem>>, vector<1x16xf32>,
        %get3A_408 = arith.index_cast %add3A_352 : i32 to index
        %get3A_409 = arith.constant 80 : index
        %get3A_410 = tpu.vector_load %arg10[%get3A_408, %get3A_409] {strides = array<i32>} : memref<128x128xf32, #tpu.memory_space<vmem>>, vector<1x16xf32>,
        %get3A_411 = vector.shape_cast %get3A_410 : vector<1x16xf32> to vector<16xf32>
        %mul3A_412 = vector.broadcast %squeeze3A_348 : f32 to vector<16xf32>
        %mul3A_413 = arith.mulf %get3A_411, %mul3A_412 : vector<16xf32>
        %swap3A_414 = arith.index_cast %add3A_352 : i32 to index
        %swap3A_415 = arith.constant 80 : index
        %swap3A_416 = tpu.vector_load %arg10[%swap3A_414, %swap3A_415] {strides = array<i32>} : memref<128x128xf32, #tpu.memory_space<vmem>>, vector<1x16xf32>,
        %swap3A_417 = vector.shape_cast %swap3A_416 : vector<1x16xf32> to vector<16xf32>
        %swap3A_418 = vector.shape_cast %mul3A_413 : vector<16xf32> to vector<1x16xf32>
        tpu.vector_store %arg10[%swap3A_414, %swap3A_415], %swap3A_418 {strides = array<i32>} : memref<128x128xf32, #tpu.memory_space<vmem>>, vector<1x16xf32>,
        %get3A_419 = arith.index_cast %add3A_352 : i32 to index
        %get3A_420 = arith.constant 96 : index
        %get3A_421 = tpu.vector_load %arg10[%get3A_419, %get3A_420] {strides = array<i32>} : memref<128x128xf32, #tpu.memory_space<vmem>>, vector<1x16xf32>,
        %get3A_422 = vector.shape_cast %get3A_421 : vector<1x16xf32> to vector<16xf32>
        %mul3A_423 = vector.broadcast %squeeze3A_348 : f32 to vector<16xf32>
        %mul3A_424 = arith.mulf %get3A_422, %mul3A_423 : vector<16xf32>
        %swap3A_425 = arith.index_cast %add3A_352 : i32 to index
        %swap3A_426 = arith.constant 96 : index
        %swap3A_427 = tpu.vector_load %arg10[%swap3A_425, %swap3A_426] {strides = array<i32>} : memref<128x128xf32, #tpu.memory_space<vmem>>, vector<1x16xf32>,
        %swap3A_428 = vector.shape_cast %swap3A_427 : vector<1x16xf32> to vector<16xf32>
        %swap3A_429 = vector.shape_cast %mul3A_424 : vector<16xf32> to vector<1x16xf32>
        tpu.vector_store %arg10[%swap3A_425, %swap3A_426], %swap3A_429 {strides = array<i32>} : memref<128x128xf32, #tpu.memory_space<vmem>>, vector<1x16xf32>,
        %get3A_430 = arith.index_cast %add3A_352 : i32 to index
        %get3A_431 = arith.constant 112 : index
        %get3A_432 = tpu.vector_load %arg10[%get3A_430, %get3A_431] {strides = array<i32>} : memref<128x128xf32, #tpu.memory_space<vmem>>, vector<1x16xf32>,
        %get3A_433 = vector.shape_cast %get3A_432 : vector<1x16xf32> to vector<16xf32>
        %mul3A_434 = vector.broadcast %squeeze3A_348 : f32 to vector<16xf32>
        %mul3A_435 = arith.mulf %get3A_433, %mul3A_434 : vector<16xf32>
        %swap3A_436 = arith.index_cast %add3A_352 : i32 to index
        %swap3A_437 = arith.constant 112 : index
        %swap3A_438 = tpu.vector_load %arg10[%swap3A_436, %swap3A_437] {strides = array<i32>} : memref<128x128xf32, #tpu.memory_space<vmem>>, vector<1x16xf32>,
        %swap3A_439 = vector.shape_cast %swap3A_438 : vector<1x16xf32> to vector<16xf32>
        %swap3A_440 = vector.shape_cast %mul3A_435 : vector<16xf32> to vector<1x16xf32>
        tpu.vector_store %arg10[%swap3A_436, %swap3A_437], %swap3A_440 {strides = array<i32>} : memref<128x128xf32, #tpu.memory_space<vmem>>, vector<1x16xf32>,
        %slice3A_441 = vector.extract_strided_slice %get3A_161 {offsets = [3], sizes = [1], strides = [1]} : vector<16xf32> to vector<1xf32>
        %squeeze3A_442 = vector.extract %slice3A_441[0] : f32 from vector<1xf32>
        %mul3A_443 = arith.constant 16 : i32
        %mul3A_444 = arith.muli %scan3A_157, %mul3A_443 : i32
        %add3A_445 = arith.constant 3 : i32
        %add3A_446 = arith.addi %mul3A_444, %add3A_445 : i32
        %get3A_447 = arith.index_cast %add3A_446 : i32 to index
        %get3A_448 = arith.constant 0 : index
        %get3A_449 = tpu.vector_load %arg10[%get3A_447, %get3A_448] {strides = array<i32>} : memref<128x128xf32, #tpu.memory_space<vmem>>, vector<1x16xf32>,
        %get3A_450 = vector.shape_cast %get3A_449 : vector<1x16xf32> to vector<16xf32>
        %mul3A_451 = vector.broadcast %squeeze3A_442 : f32 to vector<16xf32>
        %mul3A_452 = arith.mulf %get3A_450, %mul3A_451 : vector<16xf32>
        %swap3A_453 = arith.index_cast %add3A_446 : i32 to index
        %swap3A_454 = arith.constant 0 : index
        %swap3A_455 = tpu.vector_load %arg10[%swap3A_453, %swap3A_454] {strides = array<i32>} : memref<128x128xf32, #tpu.memory_space<vmem>>, vector<1x16xf32>,
        %swap3A_456 = vector.shape_cast %swap3A_455 : vector<1x16xf32> to vector<16xf32>
        %swap3A_457 = vector.shape_cast %mul3A_452 : vector<16xf32> to vector<1x16xf32>
        tpu.vector_store %arg10[%swap3A_453, %swap3A_454], %swap3A_457 {strides = array<i32>} : memref<128x128xf32, #tpu.memory_space<vmem>>, vector<1x16xf32>,
        %get3A_458 = arith.index_cast %add3A_446 : i32 to index
        %get3A_459 = arith.constant 16 : index
        %get3A_460 = tpu.vector_load %arg10[%get3A_458, %get3A_459] {strides = array<i32>} : memref<128x128xf32, #tpu.memory_space<vmem>>, vector<1x16xf32>,
        %get3A_461 = vector.shape_cast %get3A_460 : vector<1x16xf32> to vector<16xf32>
        %mul3A_462 = vector.broadcast %squeeze3A_442 : f32 to vector<16xf32>
        %mul3A_463 = arith.mulf %get3A_461, %mul3A_462 : vector<16xf32>
        %swap3A_464 = arith.index_cast %add3A_446 : i32 to index
        %swap3A_465 = arith.constant 16 : index
        %swap3A_466 = tpu.vector_load %arg10[%swap3A_464, %swap3A_465] {strides = array<i32>} : memref<128x128xf32, #tpu.memory_space<vmem>>, vector<1x16xf32>,
        %swap3A_467 = vector.shape_cast %swap3A_466 : vector<1x16xf32> to vector<16xf32>
        %swap3A_468 = vector.shape_cast %mul3A_463 : vector<16xf32> to vector<1x16xf32>
        tpu.vector_store %arg10[%swap3A_464, %swap3A_465], %swap3A_468 {strides = array<i32>} : memref<128x128xf32, #tpu.memory_space<vmem>>, vector<1x16xf32>,
        %get3A_469 = arith.index_cast %add3A_446 : i32 to index
        %get3A_470 = arith.constant 32 : index
        %get3A_471 = tpu.vector_load %arg10[%get3A_469, %get3A_470] {strides = array<i32>} : memref<128x128xf32, #tpu.memory_space<vmem>>, vector<1x16xf32>,
        %get3A_472 = vector.shape_cast %get3A_471 : vector<1x16xf32> to vector<16xf32>
        %mul3A_473 = vector.broadcast %squeeze3A_442 : f32 to vector<16xf32>
        %mul3A_474 = arith.mulf %get3A_472, %mul3A_473 : vector<16xf32>
        %swap3A_475 = arith.index_cast %add3A_446 : i32 to index
        %swap3A_476 = arith.constant 32 : index
        %swap3A_477 = tpu.vector_load %arg10[%swap3A_475, %swap3A_476] {strides = array<i32>} : memref<128x128xf32, #tpu.memory_space<vmem>>, vector<1x16xf32>,
        %swap3A_478 = vector.shape_cast %swap3A_477 : vector<1x16xf32> to vector<16xf32>
        %swap3A_479 = vector.shape_cast %mul3A_474 : vector<16xf32> to vector<1x16xf32>
        tpu.vector_store %arg10[%swap3A_475, %swap3A_476], %swap3A_479 {strides = array<i32>} : memref<128x128xf32, #tpu.memory_space<vmem>>, vector<1x16xf32>,
        %get3A_480 = arith.index_cast %add3A_446 : i32 to index
        %get3A_481 = arith.constant 48 : index
        %get3A_482 = tpu.vector_load %arg10[%get3A_480, %get3A_481] {strides = array<i32>} : memref<128x128xf32, #tpu.memory_space<vmem>>, vector<1x16xf32>,
        %get3A_483 = vector.shape_cast %get3A_482 : vector<1x16xf32> to vector<16xf32>
        %mul3A_484 = vector.broadcast %squeeze3A_442 : f32 to vector<16xf32>
        %mul3A_485 = arith.mulf %get3A_483, %mul3A_484 : vector<16xf32>
        %swap3A_486 = arith.index_cast %add3A_446 : i32 to index
        %swap3A_487 = arith.constant 48 : index
        %swap3A_488 = tpu.vector_load %arg10[%swap3A_486, %swap3A_487] {strides = array<i32>} : memref<128x128xf32, #tpu.memory_space<vmem>>, vector<1x16xf32>,
        %swap3A_489 = vector.shape_cast %swap3A_488 : vector<1x16xf32> to vector<16xf32>
        %swap3A_490 = vector.shape_cast %mul3A_485 : vector<16xf32> to vector<1x16xf32>
        tpu.vector_store %arg10[%swap3A_486, %swap3A_487], %swap3A_490 {strides = array<i32>} : memref<128x128xf32, #tpu.memory_space<vmem>>, vector<1x16xf32>,
        %get3A_491 = arith.index_cast %add3A_446 : i32 to index
        %get3A_492 = arith.constant 64 : index
        %get3A_493 = tpu.vector_load %arg10[%get3A_491, %get3A_492] {strides = array<i32>} : memref<128x128xf32, #tpu.memory_space<vmem>>, vector<1x16xf32>,
        %get3A_494 = vector.shape_cast %get3A_493 : vector<1x16xf32> to vector<16xf32>
        %mul3A_495 = vector.broadcast %squeeze3A_442 : f32 to vector<16xf32>
        %mul3A_496 = arith.mulf %get3A_494, %mul3A_495 : vector<16xf32>
        %swap3A_497 = arith.index_cast %add3A_446 : i32 to index
        %swap3A_498 = arith.constant 64 : index
        %swap3A_499 = tpu.vector_load %arg10[%swap3A_497, %swap3A_498] {strides = array<i32>} : memref<128x128xf32, #tpu.memory_space<vmem>>, vector<1x16xf32>,
        %swap3A_500 = vector.shape_cast %swap3A_499 : vector<1x16xf32> to vector<16xf32>
        %swap3A_501 = vector.shape_cast %mul3A_496 : vector<16xf32> to vector<1x16xf32>
        tpu.vector_store %arg10[%swap3A_497, %swap3A_498], %swap3A_501 {strides = array<i32>} : memref<128x128xf32, #tpu.memory_space<vmem>>, vector<1x16xf32>,
        %get3A_502 = arith.index_cast %add3A_446 : i32 to index
        %get3A_503 = arith.constant 80 : index
        %get3A_504 = tpu.vector_load %arg10[%get3A_502, %get3A_503] {strides = array<i32>} : memref<128x128xf32, #tpu.memory_space<vmem>>, vector<1x16xf32>,
        %get3A_505 = vector.shape_cast %get3A_504 : vector<1x16xf32> to vector<16xf32>
        %mul3A_506 = vector.broadcast %squeeze3A_442 : f32 to vector<16xf32>
        %mul3A_507 = arith.mulf %get3A_505, %mul3A_506 : vector<16xf32>
        %swap3A_508 = arith.index_cast %add3A_446 : i32 to index
        %swap3A_509 = arith.constant 80 : index
        %swap3A_510 = tpu.vector_load %arg10[%swap3A_508, %swap3A_509] {strides = array<i32>} : memref<128x128xf32, #tpu.memory_space<vmem>>, vector<1x16xf32>,
        %swap3A_511 = vector.shape_cast %swap3A_510 : vector<1x16xf32> to vector<16xf32>
        %swap3A_512 = vector.shape_cast %mul3A_507 : vector<16xf32> to vector<1x16xf32>
        tpu.vector_store %arg10[%swap3A_508, %swap3A_509], %swap3A_512 {strides = array<i32>} : memref<128x128xf32, #tpu.memory_space<vmem>>, vector<1x16xf32>,
        %get3A_513 = arith.index_cast %add3A_446 : i32 to index
        %get3A_514 = arith.constant 96 : index
        %get3A_515 = tpu.vector_load %arg10[%get3A_513, %get3A_514] {strides = array<i32>} : memref<128x128xf32, #tpu.memory_space<vmem>>, vector<1x16xf32>,
        %get3A_516 = vector.shape_cast %get3A_515 : vector<1x16xf32> to vector<16xf32>
        %mul3A_517 = vector.broadcast %squeeze3A_442 : f32 to vector<16xf32>
        %mul3A_518 = arith.mulf %get3A_516, %mul3A_517 : vector<16xf32>
        %swap3A_519 = arith.index_cast %add3A_446 : i32 to index
        %swap3A_520 = arith.constant 96 : index
        %swap3A_521 = tpu.vector_load %arg10[%swap3A_519, %swap3A_520] {strides = array<i32>} : memref<128x128xf32, #tpu.memory_space<vmem>>, vector<1x16xf32>,
        %swap3A_522 = vector.shape_cast %swap3A_521 : vector<1x16xf32> to vector<16xf32>
        %swap3A_523 = vector.shape_cast %mul3A_518 : vector<16xf32> to vector<1x16xf32>
        tpu.vector_store %arg10[%swap3A_519, %swap3A_520], %swap3A_523 {strides = array<i32>} : memref<128x128xf32, #tpu.memory_space<vmem>>, vector<1x16xf32>,
        %get3A_524 = arith.index_cast %add3A_446 : i32 to index
        %get3A_525 = arith.constant 112 : index
        %get3A_526 = tpu.vector_load %arg10[%get3A_524, %get3A_525] {strides = array<i32>} : memref<128x128xf32, #tpu.memory_space<vmem>>, vector<1x16xf32>,
        %get3A_527 = vector.shape_cast %get3A_526 : vector<1x16xf32> to vector<16xf32>
        %mul3A_528 = vector.broadcast %squeeze3A_442 : f32 to vector<16xf32>
        %mul3A_529 = arith.mulf %get3A_527, %mul3A_528 : vector<16xf32>
        %swap3A_530 = arith.index_cast %add3A_446 : i32 to index
        %swap3A_531 = arith.constant 112 : index
        %swap3A_532 = tpu.vector_load %arg10[%swap3A_530, %swap3A_531] {strides = array<i32>} : memref<128x128xf32, #tpu.memory_space<vmem>>, vector<1x16xf32>,
        %swap3A_533 = vector.shape_cast %swap3A_532 : vector<1x16xf32> to vector<16xf32>
        %swap3A_534 = vector.shape_cast %mul3A_529 : vector<16xf32> to vector<1x16xf32>
        tpu.vector_store %arg10[%swap3A_530, %swap3A_531], %swap3A_534 {strides = array<i32>} : memref<128x128xf32, #tpu.memory_space<vmem>>, vector<1x16xf32>,
        %slice3A_535 = vector.extract_strided_slice %get3A_161 {offsets = [4], sizes = [1], strides = [1]} : vector<16xf32> to vector<1xf32>
        %squeeze3A_536 = vector.extract %slice3A_535[0] : f32 from vector<1xf32>
        %mul3A_537 = arith.constant 16 : i32
        %mul3A_538 = arith.muli %scan3A_157, %mul3A_537 : i32
        %add3A_539 = arith.constant 4 : i32
        %add3A_540 = arith.addi %mul3A_538, %add3A_539 : i32
        %get3A_541 = arith.index_cast %add3A_540 : i32 to index
        %get3A_542 = arith.constant 0 : index
        %get3A_543 = tpu.vector_load %arg10[%get3A_541, %get3A_542] {strides = array<i32>} : memref<128x128xf32, #tpu.memory_space<vmem>>, vector<1x16xf32>,
        %get3A_544 = vector.shape_cast %get3A_543 : vector<1x16xf32> to vector<16xf32>
        %mul3A_545 = vector.broadcast %squeeze3A_536 : f32 to vector<16xf32>
        %mul3A_546 = arith.mulf %get3A_544, %mul3A_545 : vector<16xf32>
        %swap3A_547 = arith.index_cast %add3A_540 : i32 to index
        %swap3A_548 = arith.constant 0 : index
        %swap3A_549 = tpu.vector_load %arg10[%swap3A_547, %swap3A_548] {strides = array<i32>} : memref<128x128xf32, #tpu.memory_space<vmem>>, vector<1x16xf32>,
        %swap3A_550 = vector.shape_cast %swap3A_549 : vector<1x16xf32> to vector<16xf32>
        %swap3A_551 = vector.shape_cast %mul3A_546 : vector<16xf32> to vector<1x16xf32>
        tpu.vector_store %arg10[%swap3A_547, %swap3A_548], %swap3A_551 {strides = array<i32>} : memref<128x128xf32, #tpu.memory_space<vmem>>, vector<1x16xf32>,
        %get3A_552 = arith.index_cast %add3A_540 : i32 to index
        %get3A_553 = arith.constant 16 : index
        %get3A_554 = tpu.vector_load %arg10[%get3A_552, %get3A_553] {strides = array<i32>} : memref<128x128xf32, #tpu.memory_space<vmem>>, vector<1x16xf32>,
        %get3A_555 = vector.shape_cast %get3A_554 : vector<1x16xf32> to vector<16xf32>
        %mul3A_556 = vector.broadcast %squeeze3A_536 : f32 to vector<16xf32>
        %mul3A_557 = arith.mulf %get3A_555, %mul3A_556 : vector<16xf32>
        %swap3A_558 = arith.index_cast %add3A_540 : i32 to index
        %swap3A_559 = arith.constant 16 : index
        %swap3A_560 = tpu.vector_load %arg10[%swap3A_558, %swap3A_559] {strides = array<i32>} : memref<128x128xf32, #tpu.memory_space<vmem>>, vector<1x16xf32>,
        %swap3A_561 = vector.shape_cast %swap3A_560 : vector<1x16xf32> to vector<16xf32>
        %swap3A_562 = vector.shape_cast %mul3A_557 : vector<16xf32> to vector<1x16xf32>
        tpu.vector_store %arg10[%swap3A_558, %swap3A_559], %swap3A_562 {strides = array<i32>} : memref<128x128xf32, #tpu.memory_space<vmem>>, vector<1x16xf32>,
        %get3A_563 = arith.index_cast %add3A_540 : i32 to index
        %get3A_564 = arith.constant 32 : index
        %get3A_565 = tpu.vector_load %arg10[%get3A_563, %get3A_564] {strides = array<i32>} : memref<128x128xf32, #tpu.memory_space<vmem>>, vector<1x16xf32>,
        %get3A_566 = vector.shape_cast %get3A_565 : vector<1x16xf32> to vector<16xf32>
        %mul3A_567 = vector.broadcast %squeeze3A_536 : f32 to vector<16xf32>
        %mul3A_568 = arith.mulf %get3A_566, %mul3A_567 : vector<16xf32>
        %swap3A_569 = arith.index_cast %add3A_540 : i32 to index
        %swap3A_570 = arith.constant 32 : index
        %swap3A_571 = tpu.vector_load %arg10[%swap3A_569, %swap3A_570] {strides = array<i32>} : memref<128x128xf32, #tpu.memory_space<vmem>>, vector<1x16xf32>,
        %swap3A_572 = vector.shape_cast %swap3A_571 : vector<1x16xf32> to vector<16xf32>
        %swap3A_573 = vector.shape_cast %mul3A_568 : vector<16xf32> to vector<1x16xf32>
        tpu.vector_store %arg10[%swap3A_569, %swap3A_570], %swap3A_573 {strides = array<i32>} : memref<128x128xf32, #tpu.memory_space<vmem>>, vector<1x16xf32>,
        %get3A_574 = arith.index_cast %add3A_540 : i32 to index
        %get3A_575 = arith.constant 48 : index
        %get3A_576 = tpu.vector_load %arg10[%get3A_574, %get3A_575] {strides = array<i32>} : memref<128x128xf32, #tpu.memory_space<vmem>>, vector<1x16xf32>,
        %get3A_577 = vector.shape_cast %get3A_576 : vector<1x16xf32> to vector<16xf32>
        %mul3A_578 = vector.broadcast %squeeze3A_536 : f32 to vector<16xf32>
        %mul3A_579 = arith.mulf %get3A_577, %mul3A_578 : vector<16xf32>
        %swap3A_580 = arith.index_cast %add3A_540 : i32 to index
        %swap3A_581 = arith.constant 48 : index
        %swap3A_582 = tpu.vector_load %arg10[%swap3A_580, %swap3A_581] {strides = array<i32>} : memref<128x128xf32, #tpu.memory_space<vmem>>, vector<1x16xf32>,
        %swap3A_583 = vector.shape_cast %swap3A_582 : vector<1x16xf32> to vector<16xf32>
        %swap3A_584 = vector.shape_cast %mul3A_579 : vector<16xf32> to vector<1x16xf32>
        tpu.vector_store %arg10[%swap3A_580, %swap3A_581], %swap3A_584 {strides = array<i32>} : memref<128x128xf32, #tpu.memory_space<vmem>>, vector<1x16xf32>,
        %get3A_585 = arith.index_cast %add3A_540 : i32 to index
        %get3A_586 = arith.constant 64 : index
        %get3A_587 = tpu.vector_load %arg10[%get3A_585, %get3A_586] {strides = array<i32>} : memref<128x128xf32, #tpu.memory_space<vmem>>, vector<1x16xf32>,
        %get3A_588 = vector.shape_cast %get3A_587 : vector<1x16xf32> to vector<16xf32>
        %mul3A_589 = vector.broadcast %squeeze3A_536 : f32 to vector<16xf32>
        %mul3A_590 = arith.mulf %get3A_588, %mul3A_589 : vector<16xf32>
        %swap3A_591 = arith.index_cast %add3A_540 : i32 to index
        %swap3A_592 = arith.constant 64 : index
        %swap3A_593 = tpu.vector_load %arg10[%swap3A_591, %swap3A_592] {strides = array<i32>} : memref<128x128xf32, #tpu.memory_space<vmem>>, vector<1x16xf32>,
        %swap3A_594 = vector.shape_cast %swap3A_593 : vector<1x16xf32> to vector<16xf32>
        %swap3A_595 = vector.shape_cast %mul3A_590 : vector<16xf32> to vector<1x16xf32>
        tpu.vector_store %arg10[%swap3A_591, %swap3A_592], %swap3A_595 {strides = array<i32>} : memref<128x128xf32, #tpu.memory_space<vmem>>, vector<1x16xf32>,
        %get3A_596 = arith.index_cast %add3A_540 : i32 to index
        %get3A_597 = arith.constant 80 : index
        %get3A_598 = tpu.vector_load %arg10[%get3A_596, %get3A_597] {strides = array<i32>} : memref<128x128xf32, #tpu.memory_space<vmem>>, vector<1x16xf32>,
        %get3A_599 = vector.shape_cast %get3A_598 : vector<1x16xf32> to vector<16xf32>
        %mul3A_600 = vector.broadcast %squeeze3A_536 : f32 to vector<16xf32>
        %mul3A_601 = arith.mulf %get3A_599, %mul3A_600 : vector<16xf32>
        %swap3A_602 = arith.index_cast %add3A_540 : i32 to index
        %swap3A_603 = arith.constant 80 : index
        %swap3A_604 = tpu.vector_load %arg10[%swap3A_602, %swap3A_603] {strides = array<i32>} : memref<128x128xf32, #tpu.memory_space<vmem>>, vector<1x16xf32>,
        %swap3A_605 = vector.shape_cast %swap3A_604 : vector<1x16xf32> to vector<16xf32>
        %swap3A_606 = vector.shape_cast %mul3A_601 : vector<16xf32> to vector<1x16xf32>
        tpu.vector_store %arg10[%swap3A_602, %swap3A_603], %swap3A_606 {strides = array<i32>} : memref<128x128xf32, #tpu.memory_space<vmem>>, vector<1x16xf32>,
        %get3A_607 = arith.index_cast %add3A_540 : i32 to index
        %get3A_608 = arith.constant 96 : index
        %get3A_609 = tpu.vector_load %arg10[%get3A_607, %get3A_608] {strides = array<i32>} : memref<128x128xf32, #tpu.memory_space<vmem>>, vector<1x16xf32>,
        %get3A_610 = vector.shape_cast %get3A_609 : vector<1x16xf32> to vector<16xf32>
        %mul3A_611 = vector.broadcast %squeeze3A_536 : f32 to vector<16xf32>
        %mul3A_612 = arith.mulf %get3A_610, %mul3A_611 : vector<16xf32>
        %swap3A_613 = arith.index_cast %add3A_540 : i32 to index
        %swap3A_614 = arith.constant 96 : index
        %swap3A_615 = tpu.vector_load %arg10[%swap3A_613, %swap3A_614] {strides = array<i32>} : memref<128x128xf32, #tpu.memory_space<vmem>>, vector<1x16xf32>,
        %swap3A_616 = vector.shape_cast %swap3A_615 : vector<1x16xf32> to vector<16xf32>
        %swap3A_617 = vector.shape_cast %mul3A_612 : vector<16xf32> to vector<1x16xf32>
        tpu.vector_store %arg10[%swap3A_613, %swap3A_614], %swap3A_617 {strides = array<i32>} : memref<128x128xf32, #tpu.memory_space<vmem>>, vector<1x16xf32>,
        %get3A_618 = arith.index_cast %add3A_540 : i32 to index
        %get3A_619 = arith.constant 112 : index
        %get3A_620 = tpu.vector_load %arg10[%get3A_618, %get3A_619] {strides = array<i32>} : memref<128x128xf32, #tpu.memory_space<vmem>>, vector<1x16xf32>,
        %get3A_621 = vector.shape_cast %get3A_620 : vector<1x16xf32> to vector<16xf32>
        %mul3A_622 = vector.broadcast %squeeze3A_536 : f32 to vector<16xf32>
        %mul3A_623 = arith.mulf %get3A_621, %mul3A_622 : vector<16xf32>
        %swap3A_624 = arith.index_cast %add3A_540 : i32 to index
        %swap3A_625 = arith.constant 112 : index
        %swap3A_626 = tpu.vector_load %arg10[%swap3A_624, %swap3A_625] {strides = array<i32>} : memref<128x128xf32, #tpu.memory_space<vmem>>, vector<1x16xf32>,
        %swap3A_627 = vector.shape_cast %swap3A_626 : vector<1x16xf32> to vector<16xf32>
        %swap3A_628 = vector.shape_cast %mul3A_623 : vector<16xf32> to vector<1x16xf32>
        tpu.vector_store %arg10[%swap3A_624, %swap3A_625], %swap3A_628 {strides = array<i32>} : memref<128x128xf32, #tpu.memory_space<vmem>>, vector<1x16xf32>,
        %slice3A_629 = vector.extract_strided_slice %get3A_161 {offsets = [5], sizes = [1], strides = [1]} : vector<16xf32> to vector<1xf32>
        %squeeze3A_630 = vector.extract %slice3A_629[0] : f32 from vector<1xf32>
        %mul3A_631 = arith.constant 16 : i32
        %mul3A_632 = arith.muli %scan3A_157, %mul3A_631 : i32
        %add3A_633 = arith.constant 5 : i32
        %add3A_634 = arith.addi %mul3A_632, %add3A_633 : i32
        %get3A_635 = arith.index_cast %add3A_634 : i32 to index
        %get3A_636 = arith.constant 0 : index
        %get3A_637 = tpu.vector_load %arg10[%get3A_635, %get3A_636] {strides = array<i32>} : memref<128x128xf32, #tpu.memory_space<vmem>>, vector<1x16xf32>,
        %get3A_638 = vector.shape_cast %get3A_637 : vector<1x16xf32> to vector<16xf32>
        %mul3A_639 = vector.broadcast %squeeze3A_630 : f32 to vector<16xf32>
        %mul3A_640 = arith.mulf %get3A_638, %mul3A_639 : vector<16xf32>
        %swap3A_641 = arith.index_cast %add3A_634 : i32 to index
        %swap3A_642 = arith.constant 0 : index
        %swap3A_643 = tpu.vector_load %arg10[%swap3A_641, %swap3A_642] {strides = array<i32>} : memref<128x128xf32, #tpu.memory_space<vmem>>, vector<1x16xf32>,
        %swap3A_644 = vector.shape_cast %swap3A_643 : vector<1x16xf32> to vector<16xf32>
        %swap3A_645 = vector.shape_cast %mul3A_640 : vector<16xf32> to vector<1x16xf32>
        tpu.vector_store %arg10[%swap3A_641, %swap3A_642], %swap3A_645 {strides = array<i32>} : memref<128x128xf32, #tpu.memory_space<vmem>>, vector<1x16xf32>,
        %get3A_646 = arith.index_cast %add3A_634 : i32 to index
        %get3A_647 = arith.constant 16 : index
        %get3A_648 = tpu.vector_load %arg10[%get3A_646, %get3A_647] {strides = array<i32>} : memref<128x128xf32, #tpu.memory_space<vmem>>, vector<1x16xf32>,
        %get3A_649 = vector.shape_cast %get3A_648 : vector<1x16xf32> to vector<16xf32>
        %mul3A_650 = vector.broadcast %squeeze3A_630 : f32 to vector<16xf32>
        %mul3A_651 = arith.mulf %get3A_649, %mul3A_650 : vector<16xf32>
        %swap3A_652 = arith.index_cast %add3A_634 : i32 to index
        %swap3A_653 = arith.constant 16 : index
        %swap3A_654 = tpu.vector_load %arg10[%swap3A_652, %swap3A_653] {strides = array<i32>} : memref<128x128xf32, #tpu.memory_space<vmem>>, vector<1x16xf32>,
        %swap3A_655 = vector.shape_cast %swap3A_654 : vector<1x16xf32> to vector<16xf32>
        %swap3A_656 = vector.shape_cast %mul3A_651 : vector<16xf32> to vector<1x16xf32>
        tpu.vector_store %arg10[%swap3A_652, %swap3A_653], %swap3A_656 {strides = array<i32>} : memref<128x128xf32, #tpu.memory_space<vmem>>, vector<1x16xf32>,
        %get3A_657 = arith.index_cast %add3A_634 : i32 to index
        %get3A_658 = arith.constant 32 : index
        %get3A_659 = tpu.vector_load %arg10[%get3A_657, %get3A_658] {strides = array<i32>} : memref<128x128xf32, #tpu.memory_space<vmem>>, vector<1x16xf32>,
        %get3A_660 = vector.shape_cast %get3A_659 : vector<1x16xf32> to vector<16xf32>
        %mul3A_661 = vector.broadcast %squeeze3A_630 : f32 to vector<16xf32>
        %mul3A_662 = arith.mulf %get3A_660, %mul3A_661 : vector<16xf32>
        %swap3A_663 = arith.index_cast %add3A_634 : i32 to index
        %swap3A_664 = arith.constant 32 : index
        %swap3A_665 = tpu.vector_load %arg10[%swap3A_663, %swap3A_664] {strides = array<i32>} : memref<128x128xf32, #tpu.memory_space<vmem>>, vector<1x16xf32>,
        %swap3A_666 = vector.shape_cast %swap3A_665 : vector<1x16xf32> to vector<16xf32>
        %swap3A_667 = vector.shape_cast %mul3A_662 : vector<16xf32> to vector<1x16xf32>
        tpu.vector_store %arg10[%swap3A_663, %swap3A_664], %swap3A_667 {strides = array<i32>} : memref<128x128xf32, #tpu.memory_space<vmem>>, vector<1x16xf32>,
        %get3A_668 = arith.index_cast %add3A_634 : i32 to index
        %get3A_669 = arith.constant 48 : index
        %get3A_670 = tpu.vector_load %arg10[%get3A_668, %get3A_669] {strides = array<i32>} : memref<128x128xf32, #tpu.memory_space<vmem>>, vector<1x16xf32>,
        %get3A_671 = vector.shape_cast %get3A_670 : vector<1x16xf32> to vector<16xf32>
        %mul3A_672 = vector.broadcast %squeeze3A_630 : f32 to vector<16xf32>
        %mul3A_673 = arith.mulf %get3A_671, %mul3A_672 : vector<16xf32>
        %swap3A_674 = arith.index_cast %add3A_634 : i32 to index
        %swap3A_675 = arith.constant 48 : index
        %swap3A_676 = tpu.vector_load %arg10[%swap3A_674, %swap3A_675] {strides = array<i32>} : memref<128x128xf32, #tpu.memory_space<vmem>>, vector<1x16xf32>,
        %swap3A_677 = vector.shape_cast %swap3A_676 : vector<1x16xf32> to vector<16xf32>
        %swap3A_678 = vector.shape_cast %mul3A_673 : vector<16xf32> to vector<1x16xf32>
        tpu.vector_store %arg10[%swap3A_674, %swap3A_675], %swap3A_678 {strides = array<i32>} : memref<128x128xf32, #tpu.memory_space<vmem>>, vector<1x16xf32>,
        %get3A_679 = arith.index_cast %add3A_634 : i32 to index
        %get3A_680 = arith.constant 64 : index
        %get3A_681 = tpu.vector_load %arg10[%get3A_679, %get3A_680] {strides = array<i32>} : memref<128x128xf32, #tpu.memory_space<vmem>>, vector<1x16xf32>,
        %get3A_682 = vector.shape_cast %get3A_681 : vector<1x16xf32> to vector<16xf32>
        %mul3A_683 = vector.broadcast %squeeze3A_630 : f32 to vector<16xf32>
        %mul3A_684 = arith.mulf %get3A_682, %mul3A_683 : vector<16xf32>
        %swap3A_685 = arith.index_cast %add3A_634 : i32 to index
        %swap3A_686 = arith.constant 64 : index
        %swap3A_687 = tpu.vector_load %arg10[%swap3A_685, %swap3A_686] {strides = array<i32>} : memref<128x128xf32, #tpu.memory_space<vmem>>, vector<1x16xf32>,
        %swap3A_688 = vector.shape_cast %swap3A_687 : vector<1x16xf32> to vector<16xf32>
        %swap3A_689 = vector.shape_cast %mul3A_684 : vector<16xf32> to vector<1x16xf32>
        tpu.vector_store %arg10[%swap3A_685, %swap3A_686], %swap3A_689 {strides = array<i32>} : memref<128x128xf32, #tpu.memory_space<vmem>>, vector<1x16xf32>,
        %get3A_690 = arith.index_cast %add3A_634 : i32 to index
        %get3A_691 = arith.constant 80 : index
        %get3A_692 = tpu.vector_load %arg10[%get3A_690, %get3A_691] {strides = array<i32>} : memref<128x128xf32, #tpu.memory_space<vmem>>, vector<1x16xf32>,
        %get3A_693 = vector.shape_cast %get3A_692 : vector<1x16xf32> to vector<16xf32>
        %mul3A_694 = vector.broadcast %squeeze3A_630 : f32 to vector<16xf32>
        %mul3A_695 = arith.mulf %get3A_693, %mul3A_694 : vector<16xf32>
        %swap3A_696 = arith.index_cast %add3A_634 : i32 to index
        %swap3A_697 = arith.constant 80 : index
        %swap3A_698 = tpu.vector_load %arg10[%swap3A_696, %swap3A_697] {strides = array<i32>} : memref<128x128xf32, #tpu.memory_space<vmem>>, vector<1x16xf32>,
        %swap3A_699 = vector.shape_cast %swap3A_698 : vector<1x16xf32> to vector<16xf32>
        %swap3A_700 = vector.shape_cast %mul3A_695 : vector<16xf32> to vector<1x16xf32>
        tpu.vector_store %arg10[%swap3A_696, %swap3A_697], %swap3A_700 {strides = array<i32>} : memref<128x128xf32, #tpu.memory_space<vmem>>, vector<1x16xf32>,
        %get3A_701 = arith.index_cast %add3A_634 : i32 to index
        %get3A_702 = arith.constant 96 : index
        %get3A_703 = tpu.vector_load %arg10[%get3A_701, %get3A_702] {strides = array<i32>} : memref<128x128xf32, #tpu.memory_space<vmem>>, vector<1x16xf32>,
        %get3A_704 = vector.shape_cast %get3A_703 : vector<1x16xf32> to vector<16xf32>
        %mul3A_705 = vector.broadcast %squeeze3A_630 : f32 to vector<16xf32>
        %mul3A_706 = arith.mulf %get3A_704, %mul3A_705 : vector<16xf32>
        %swap3A_707 = arith.index_cast %add3A_634 : i32 to index
        %swap3A_708 = arith.constant 96 : index
        %swap3A_709 = tpu.vector_load %arg10[%swap3A_707, %swap3A_708] {strides = array<i32>} : memref<128x128xf32, #tpu.memory_space<vmem>>, vector<1x16xf32>,
        %swap3A_710 = vector.shape_cast %swap3A_709 : vector<1x16xf32> to vector<16xf32>
        %swap3A_711 = vector.shape_cast %mul3A_706 : vector<16xf32> to vector<1x16xf32>
        tpu.vector_store %arg10[%swap3A_707, %swap3A_708], %swap3A_711 {strides = array<i32>} : memref<128x128xf32, #tpu.memory_space<vmem>>, vector<1x16xf32>,
        %get3A_712 = arith.index_cast %add3A_634 : i32 to index
        %get3A_713 = arith.constant 112 : index
        %get3A_714 = tpu.vector_load %arg10[%get3A_712, %get3A_713] {strides = array<i32>} : memref<128x128xf32, #tpu.memory_space<vmem>>, vector<1x16xf32>,
        %get3A_715 = vector.shape_cast %get3A_714 : vector<1x16xf32> to vector<16xf32>
        %mul3A_716 = vector.broadcast %squeeze3A_630 : f32 to vector<16xf32>
        %mul3A_717 = arith.mulf %get3A_715, %mul3A_716 : vector<16xf32>
        %swap3A_718 = arith.index_cast %add3A_634 : i32 to index
        %swap3A_719 = arith.constant 112 : index
        %swap3A_720 = tpu.vector_load %arg10[%swap3A_718, %swap3A_719] {strides = array<i32>} : memref<128x128xf32, #tpu.memory_space<vmem>>, vector<1x16xf32>,
        %swap3A_721 = vector.shape_cast %swap3A_720 : vector<1x16xf32> to vector<16xf32>
        %swap3A_722 = vector.shape_cast %mul3A_717 : vector<16xf32> to vector<1x16xf32>
        tpu.vector_store %arg10[%swap3A_718, %swap3A_719], %swap3A_722 {strides = array<i32>} : memref<128x128xf32, #tpu.memory_space<vmem>>, vector<1x16xf32>,
        %slice3A_723 = vector.extract_strided_slice %get3A_161 {offsets = [6], sizes = [1], strides = [1]} : vector<16xf32> to vector<1xf32>
        %squeeze3A_724 = vector.extract %slice3A_723[0] : f32 from vector<1xf32>
        %mul3A_725 = arith.constant 16 : i32
        %mul3A_726 = arith.muli %scan3A_157, %mul3A_725 : i32
        %add3A_727 = arith.constant 6 : i32
        %add3A_728 = arith.addi %mul3A_726, %add3A_727 : i32
        %get3A_729 = arith.index_cast %add3A_728 : i32 to index
        %get3A_730 = arith.constant 0 : index
        %get3A_731 = tpu.vector_load %arg10[%get3A_729, %get3A_730] {strides = array<i32>} : memref<128x128xf32, #tpu.memory_space<vmem>>, vector<1x16xf32>,
        %get3A_732 = vector.shape_cast %get3A_731 : vector<1x16xf32> to vector<16xf32>
        %mul3A_733 = vector.broadcast %squeeze3A_724 : f32 to vector<16xf32>
        %mul3A_734 = arith.mulf %get3A_732, %mul3A_733 : vector<16xf32>
        %swap3A_735 = arith.index_cast %add3A_728 : i32 to index
        %swap3A_736 = arith.constant 0 : index
        %swap3A_737 = tpu.vector_load %arg10[%swap3A_735, %swap3A_736] {strides = array<i32>} : memref<128x128xf32, #tpu.memory_space<vmem>>, vector<1x16xf32>,
        %swap3A_738 = vector.shape_cast %swap3A_737 : vector<1x16xf32> to vector<16xf32>
        %swap3A_739 = vector.shape_cast %mul3A_734 : vector<16xf32> to vector<1x16xf32>
        tpu.vector_store %arg10[%swap3A_735, %swap3A_736], %swap3A_739 {strides = array<i32>} : memref<128x128xf32, #tpu.memory_space<vmem>>, vector<1x16xf32>,
        %get3A_740 = arith.index_cast %add3A_728 : i32 to index
        %get3A_741 = arith.constant 16 : index
        %get3A_742 = tpu.vector_load %arg10[%get3A_740, %get3A_741] {strides = array<i32>} : memref<128x128xf32, #tpu.memory_space<vmem>>, vector<1x16xf32>,
        %get3A_743 = vector.shape_cast %get3A_742 : vector<1x16xf32> to vector<16xf32>
        %mul3A_744 = vector.broadcast %squeeze3A_724 : f32 to vector<16xf32>
        %mul3A_745 = arith.mulf %get3A_743, %mul3A_744 : vector<16xf32>
        %swap3A_746 = arith.index_cast %add3A_728 : i32 to index
        %swap3A_747 = arith.constant 16 : index
        %swap3A_748 = tpu.vector_load %arg10[%swap3A_746, %swap3A_747] {strides = array<i32>} : memref<128x128xf32, #tpu.memory_space<vmem>>, vector<1x16xf32>,
        %swap3A_749 = vector.shape_cast %swap3A_748 : vector<1x16xf32> to vector<16xf32>
        %swap3A_750 = vector.shape_cast %mul3A_745 : vector<16xf32> to vector<1x16xf32>
        tpu.vector_store %arg10[%swap3A_746, %swap3A_747], %swap3A_750 {strides = array<i32>} : memref<128x128xf32, #tpu.memory_space<vmem>>, vector<1x16xf32>,
        %get3A_751 = arith.index_cast %add3A_728 : i32 to index
        %get3A_752 = arith.constant 32 : index
        %get3A_753 = tpu.vector_load %arg10[%get3A_751, %get3A_752] {strides = array<i32>} : memref<128x128xf32, #tpu.memory_space<vmem>>, vector<1x16xf32>,
        %get3A_754 = vector.shape_cast %get3A_753 : vector<1x16xf32> to vector<16xf32>
        %mul3A_755 = vector.broadcast %squeeze3A_724 : f32 to vector<16xf32>
        %mul3A_756 = arith.mulf %get3A_754, %mul3A_755 : vector<16xf32>
        %swap3A_757 = arith.index_cast %add3A_728 : i32 to index
        %swap3A_758 = arith.constant 32 : index
        %swap3A_759 = tpu.vector_load %arg10[%swap3A_757, %swap3A_758] {strides = array<i32>} : memref<128x128xf32, #tpu.memory_space<vmem>>, vector<1x16xf32>,
        %swap3A_760 = vector.shape_cast %swap3A_759 : vector<1x16xf32> to vector<16xf32>
        %swap3A_761 = vector.shape_cast %mul3A_756 : vector<16xf32> to vector<1x16xf32>
        tpu.vector_store %arg10[%swap3A_757, %swap3A_758], %swap3A_761 {strides = array<i32>} : memref<128x128xf32, #tpu.memory_space<vmem>>, vector<1x16xf32>,
        %get3A_762 = arith.index_cast %add3A_728 : i32 to index
        %get3A_763 = arith.constant 48 : index
        %get3A_764 = tpu.vector_load %arg10[%get3A_762, %get3A_763] {strides = array<i32>} : memref<128x128xf32, #tpu.memory_space<vmem>>, vector<1x16xf32>,
        %get3A_765 = vector.shape_cast %get3A_764 : vector<1x16xf32> to vector<16xf32>
        %mul3A_766 = vector.broadcast %squeeze3A_724 : f32 to vector<16xf32>
        %mul3A_767 = arith.mulf %get3A_765, %mul3A_766 : vector<16xf32>
        %swap3A_768 = arith.index_cast %add3A_728 : i32 to index
        %swap3A_769 = arith.constant 48 : index
        %swap3A_770 = tpu.vector_load %arg10[%swap3A_768, %swap3A_769] {strides = array<i32>} : memref<128x128xf32, #tpu.memory_space<vmem>>, vector<1x16xf32>,
        %swap3A_771 = vector.shape_cast %swap3A_770 : vector<1x16xf32> to vector<16xf32>
        %swap3A_772 = vector.shape_cast %mul3A_767 : vector<16xf32> to vector<1x16xf32>
        tpu.vector_store %arg10[%swap3A_768, %swap3A_769], %swap3A_772 {strides = array<i32>} : memref<128x128xf32, #tpu.memory_space<vmem>>, vector<1x16xf32>,
        %get3A_773 = arith.index_cast %add3A_728 : i32 to index
        %get3A_774 = arith.constant 64 : index
        %get3A_775 = tpu.vector_load %arg10[%get3A_773, %get3A_774] {strides = array<i32>} : memref<128x128xf32, #tpu.memory_space<vmem>>, vector<1x16xf32>,
        %get3A_776 = vector.shape_cast %get3A_775 : vector<1x16xf32> to vector<16xf32>
        %mul3A_777 = vector.broadcast %squeeze3A_724 : f32 to vector<16xf32>
        %mul3A_778 = arith.mulf %get3A_776, %mul3A_777 : vector<16xf32>
        %swap3A_779 = arith.index_cast %add3A_728 : i32 to index
        %swap3A_780 = arith.constant 64 : index
        %swap3A_781 = tpu.vector_load %arg10[%swap3A_779, %swap3A_780] {strides = array<i32>} : memref<128x128xf32, #tpu.memory_space<vmem>>, vector<1x16xf32>,
        %swap3A_782 = vector.shape_cast %swap3A_781 : vector<1x16xf32> to vector<16xf32>
        %swap3A_783 = vector.shape_cast %mul3A_778 : vector<16xf32> to vector<1x16xf32>
        tpu.vector_store %arg10[%swap3A_779, %swap3A_780], %swap3A_783 {strides = array<i32>} : memref<128x128xf32, #tpu.memory_space<vmem>>, vector<1x16xf32>,
        %get3A_784 = arith.index_cast %add3A_728 : i32 to index
        %get3A_785 = arith.constant 80 : index
        %get3A_786 = tpu.vector_load %arg10[%get3A_784, %get3A_785] {strides = array<i32>} : memref<128x128xf32, #tpu.memory_space<vmem>>, vector<1x16xf32>,
        %get3A_787 = vector.shape_cast %get3A_786 : vector<1x16xf32> to vector<16xf32>
        %mul3A_788 = vector.broadcast %squeeze3A_724 : f32 to vector<16xf32>
        %mul3A_789 = arith.mulf %get3A_787, %mul3A_788 : vector<16xf32>
        %swap3A_790 = arith.index_cast %add3A_728 : i32 to index
        %swap3A_791 = arith.constant 80 : index
        %swap3A_792 = tpu.vector_load %arg10[%swap3A_790, %swap3A_791] {strides = array<i32>} : memref<128x128xf32, #tpu.memory_space<vmem>>, vector<1x16xf32>,
        %swap3A_793 = vector.shape_cast %swap3A_792 : vector<1x16xf32> to vector<16xf32>
        %swap3A_794 = vector.shape_cast %mul3A_789 : vector<16xf32> to vector<1x16xf32>
        tpu.vector_store %arg10[%swap3A_790, %swap3A_791], %swap3A_794 {strides = array<i32>} : memref<128x128xf32, #tpu.memory_space<vmem>>, vector<1x16xf32>,
        %get3A_795 = arith.index_cast %add3A_728 : i32 to index
        %get3A_796 = arith.constant 96 : index
        %get3A_797 = tpu.vector_load %arg10[%get3A_795, %get3A_796] {strides = array<i32>} : memref<128x128xf32, #tpu.memory_space<vmem>>, vector<1x16xf32>,
        %get3A_798 = vector.shape_cast %get3A_797 : vector<1x16xf32> to vector<16xf32>
        %mul3A_799 = vector.broadcast %squeeze3A_724 : f32 to vector<16xf32>
        %mul3A_800 = arith.mulf %get3A_798, %mul3A_799 : vector<16xf32>
        %swap3A_801 = arith.index_cast %add3A_728 : i32 to index
        %swap3A_802 = arith.constant 96 : index
        %swap3A_803 = tpu.vector_load %arg10[%swap3A_801, %swap3A_802] {strides = array<i32>} : memref<128x128xf32, #tpu.memory_space<vmem>>, vector<1x16xf32>,
        %swap3A_804 = vector.shape_cast %swap3A_803 : vector<1x16xf32> to vector<16xf32>
        %swap3A_805 = vector.shape_cast %mul3A_800 : vector<16xf32> to vector<1x16xf32>
        tpu.vector_store %arg10[%swap3A_801, %swap3A_802], %swap3A_805 {strides = array<i32>} : memref<128x128xf32, #tpu.memory_space<vmem>>, vector<1x16xf32>,
        %get3A_806 = arith.index_cast %add3A_728 : i32 to index
        %get3A_807 = arith.constant 112 : index
        %get3A_808 = tpu.vector_load %arg10[%get3A_806, %get3A_807] {strides = array<i32>} : memref<128x128xf32, #tpu.memory_space<vmem>>, vector<1x16xf32>,
        %get3A_809 = vector.shape_cast %get3A_808 : vector<1x16xf32> to vector<16xf32>
        %mul3A_810 = vector.broadcast %squeeze3A_724 : f32 to vector<16xf32>
        %mul3A_811 = arith.mulf %get3A_809, %mul3A_810 : vector<16xf32>
        %swap3A_812 = arith.index_cast %add3A_728 : i32 to index
        %swap3A_813 = arith.constant 112 : index
        %swap3A_814 = tpu.vector_load %arg10[%swap3A_812, %swap3A_813] {strides = array<i32>} : memref<128x128xf32, #tpu.memory_space<vmem>>, vector<1x16xf32>,
        %swap3A_815 = vector.shape_cast %swap3A_814 : vector<1x16xf32> to vector<16xf32>
        %swap3A_816 = vector.shape_cast %mul3A_811 : vector<16xf32> to vector<1x16xf32>
        tpu.vector_store %arg10[%swap3A_812, %swap3A_813], %swap3A_816 {strides = array<i32>} : memref<128x128xf32, #tpu.memory_space<vmem>>, vector<1x16xf32>,
        %slice3A_817 = vector.extract_strided_slice %get3A_161 {offsets = [7], sizes = [1], strides = [1]} : vector<16xf32> to vector<1xf32>
        %squeeze3A_818 = vector.extract %slice3A_817[0] : f32 from vector<1xf32>
        %mul3A_819 = arith.constant 16 : i32
        %mul3A_820 = arith.muli %scan3A_157, %mul3A_819 : i32
        %add3A_821 = arith.constant 7 : i32
        %add3A_822 = arith.addi %mul3A_820, %add3A_821 : i32
        %get3A_823 = arith.index_cast %add3A_822 : i32 to index
        %get3A_824 = arith.constant 0 : index
        %get3A_825 = tpu.vector_load %arg10[%get3A_823, %get3A_824] {strides = array<i32>} : memref<128x128xf32, #tpu.memory_space<vmem>>, vector<1x16xf32>,
        %get3A_826 = vector.shape_cast %get3A_825 : vector<1x16xf32> to vector<16xf32>
        %mul3A_827 = vector.broadcast %squeeze3A_818 : f32 to vector<16xf32>
        %mul3A_828 = arith.mulf %get3A_826, %mul3A_827 : vector<16xf32>
        %swap3A_829 = arith.index_cast %add3A_822 : i32 to index
        %swap3A_830 = arith.constant 0 : index
        %swap3A_831 = tpu.vector_load %arg10[%swap3A_829, %swap3A_830] {strides = array<i32>} : memref<128x128xf32, #tpu.memory_space<vmem>>, vector<1x16xf32>,
        %swap3A_832 = vector.shape_cast %swap3A_831 : vector<1x16xf32> to vector<16xf32>
        %swap3A_833 = vector.shape_cast %mul3A_828 : vector<16xf32> to vector<1x16xf32>
        tpu.vector_store %arg10[%swap3A_829, %swap3A_830], %swap3A_833 {strides = array<i32>} : memref<128x128xf32, #tpu.memory_space<vmem>>, vector<1x16xf32>,
        %get3A_834 = arith.index_cast %add3A_822 : i32 to index
        %get3A_835 = arith.constant 16 : index
        %get3A_836 = tpu.vector_load %arg10[%get3A_834, %get3A_835] {strides = array<i32>} : memref<128x128xf32, #tpu.memory_space<vmem>>, vector<1x16xf32>,
        %get3A_837 = vector.shape_cast %get3A_836 : vector<1x16xf32> to vector<16xf32>
        %mul3A_838 = vector.broadcast %squeeze3A_818 : f32 to vector<16xf32>
        %mul3A_839 = arith.mulf %get3A_837, %mul3A_838 : vector<16xf32>
        %swap3A_840 = arith.index_cast %add3A_822 : i32 to index
        %swap3A_841 = arith.constant 16 : index
        %swap3A_842 = tpu.vector_load %arg10[%swap3A_840, %swap3A_841] {strides = array<i32>} : memref<128x128xf32, #tpu.memory_space<vmem>>, vector<1x16xf32>,
        %swap3A_843 = vector.shape_cast %swap3A_842 : vector<1x16xf32> to vector<16xf32>
        %swap3A_844 = vector.shape_cast %mul3A_839 : vector<16xf32> to vector<1x16xf32>
        tpu.vector_store %arg10[%swap3A_840, %swap3A_841], %swap3A_844 {strides = array<i32>} : memref<128x128xf32, #tpu.memory_space<vmem>>, vector<1x16xf32>,
        %get3A_845 = arith.index_cast %add3A_822 : i32 to index
        %get3A_846 = arith.constant 32 : index
        %get3A_847 = tpu.vector_load %arg10[%get3A_845, %get3A_846] {strides = array<i32>} : memref<128x128xf32, #tpu.memory_space<vmem>>, vector<1x16xf32>,
        %get3A_848 = vector.shape_cast %get3A_847 : vector<1x16xf32> to vector<16xf32>
        %mul3A_849 = vector.broadcast %squeeze3A_818 : f32 to vector<16xf32>
        %mul3A_850 = arith.mulf %get3A_848, %mul3A_849 : vector<16xf32>
        %swap3A_851 = arith.index_cast %add3A_822 : i32 to index
        %swap3A_852 = arith.constant 32 : index
        %swap3A_853 = tpu.vector_load %arg10[%swap3A_851, %swap3A_852] {strides = array<i32>} : memref<128x128xf32, #tpu.memory_space<vmem>>, vector<1x16xf32>,
        %swap3A_854 = vector.shape_cast %swap3A_853 : vector<1x16xf32> to vector<16xf32>
        %swap3A_855 = vector.shape_cast %mul3A_850 : vector<16xf32> to vector<1x16xf32>
        tpu.vector_store %arg10[%swap3A_851, %swap3A_852], %swap3A_855 {strides = array<i32>} : memref<128x128xf32, #tpu.memory_space<vmem>>, vector<1x16xf32>,
        %get3A_856 = arith.index_cast %add3A_822 : i32 to index
        %get3A_857 = arith.constant 48 : index
        %get3A_858 = tpu.vector_load %arg10[%get3A_856, %get3A_857] {strides = array<i32>} : memref<128x128xf32, #tpu.memory_space<vmem>>, vector<1x16xf32>,
        %get3A_859 = vector.shape_cast %get3A_858 : vector<1x16xf32> to vector<16xf32>
        %mul3A_860 = vector.broadcast %squeeze3A_818 : f32 to vector<16xf32>
        %mul3A_861 = arith.mulf %get3A_859, %mul3A_860 : vector<16xf32>
        %swap3A_862 = arith.index_cast %add3A_822 : i32 to index
        %swap3A_863 = arith.constant 48 : index
        %swap3A_864 = tpu.vector_load %arg10[%swap3A_862, %swap3A_863] {strides = array<i32>} : memref<128x128xf32, #tpu.memory_space<vmem>>, vector<1x16xf32>,
        %swap3A_865 = vector.shape_cast %swap3A_864 : vector<1x16xf32> to vector<16xf32>
        %swap3A_866 = vector.shape_cast %mul3A_861 : vector<16xf32> to vector<1x16xf32>
        tpu.vector_store %arg10[%swap3A_862, %swap3A_863], %swap3A_866 {strides = array<i32>} : memref<128x128xf32, #tpu.memory_space<vmem>>, vector<1x16xf32>,
        %get3A_867 = arith.index_cast %add3A_822 : i32 to index
        %get3A_868 = arith.constant 64 : index
        %get3A_869 = tpu.vector_load %arg10[%get3A_867, %get3A_868] {strides = array<i32>} : memref<128x128xf32, #tpu.memory_space<vmem>>, vector<1x16xf32>,
        %get3A_870 = vector.shape_cast %get3A_869 : vector<1x16xf32> to vector<16xf32>
        %mul3A_871 = vector.broadcast %squeeze3A_818 : f32 to vector<16xf32>
        %mul3A_872 = arith.mulf %get3A_870, %mul3A_871 : vector<16xf32>
        %swap3A_873 = arith.index_cast %add3A_822 : i32 to index
        %swap3A_874 = arith.constant 64 : index
        %swap3A_875 = tpu.vector_load %arg10[%swap3A_873, %swap3A_874] {strides = array<i32>} : memref<128x128xf32, #tpu.memory_space<vmem>>, vector<1x16xf32>,
        %swap3A_876 = vector.shape_cast %swap3A_875 : vector<1x16xf32> to vector<16xf32>
        %swap3A_877 = vector.shape_cast %mul3A_872 : vector<16xf32> to vector<1x16xf32>
        tpu.vector_store %arg10[%swap3A_873, %swap3A_874], %swap3A_877 {strides = array<i32>} : memref<128x128xf32, #tpu.memory_space<vmem>>, vector<1x16xf32>,
        %get3A_878 = arith.index_cast %add3A_822 : i32 to index
        %get3A_879 = arith.constant 80 : index
        %get3A_880 = tpu.vector_load %arg10[%get3A_878, %get3A_879] {strides = array<i32>} : memref<128x128xf32, #tpu.memory_space<vmem>>, vector<1x16xf32>,
        %get3A_881 = vector.shape_cast %get3A_880 : vector<1x16xf32> to vector<16xf32>
        %mul3A_882 = vector.broadcast %squeeze3A_818 : f32 to vector<16xf32>
        %mul3A_883 = arith.mulf %get3A_881, %mul3A_882 : vector<16xf32>
        %swap3A_884 = arith.index_cast %add3A_822 : i32 to index
        %swap3A_885 = arith.constant 80 : index
        %swap3A_886 = tpu.vector_load %arg10[%swap3A_884, %swap3A_885] {strides = array<i32>} : memref<128x128xf32, #tpu.memory_space<vmem>>, vector<1x16xf32>,
        %swap3A_887 = vector.shape_cast %swap3A_886 : vector<1x16xf32> to vector<16xf32>
        %swap3A_888 = vector.shape_cast %mul3A_883 : vector<16xf32> to vector<1x16xf32>
        tpu.vector_store %arg10[%swap3A_884, %swap3A_885], %swap3A_888 {strides = array<i32>} : memref<128x128xf32, #tpu.memory_space<vmem>>, vector<1x16xf32>,
        %get3A_889 = arith.index_cast %add3A_822 : i32 to index
        %get3A_890 = arith.constant 96 : index
        %get3A_891 = tpu.vector_load %arg10[%get3A_889, %get3A_890] {strides = array<i32>} : memref<128x128xf32, #tpu.memory_space<vmem>>, vector<1x16xf32>,
        %get3A_892 = vector.shape_cast %get3A_891 : vector<1x16xf32> to vector<16xf32>
        %mul3A_893 = vector.broadcast %squeeze3A_818 : f32 to vector<16xf32>
        %mul3A_894 = arith.mulf %get3A_892, %mul3A_893 : vector<16xf32>
        %swap3A_895 = arith.index_cast %add3A_822 : i32 to index
        %swap3A_896 = arith.constant 96 : index
        %swap3A_897 = tpu.vector_load %arg10[%swap3A_895, %swap3A_896] {strides = array<i32>} : memref<128x128xf32, #tpu.memory_space<vmem>>, vector<1x16xf32>,
        %swap3A_898 = vector.shape_cast %swap3A_897 : vector<1x16xf32> to vector<16xf32>
        %swap3A_899 = vector.shape_cast %mul3A_894 : vector<16xf32> to vector<1x16xf32>
        tpu.vector_store %arg10[%swap3A_895, %swap3A_896], %swap3A_899 {strides = array<i32>} : memref<128x128xf32, #tpu.memory_space<vmem>>, vector<1x16xf32>,
        %get3A_900 = arith.index_cast %add3A_822 : i32 to index
        %get3A_901 = arith.constant 112 : index
        %get3A_902 = tpu.vector_load %arg10[%get3A_900, %get3A_901] {strides = array<i32>} : memref<128x128xf32, #tpu.memory_space<vmem>>, vector<1x16xf32>,
        %get3A_903 = vector.shape_cast %get3A_902 : vector<1x16xf32> to vector<16xf32>
        %mul3A_904 = vector.broadcast %squeeze3A_818 : f32 to vector<16xf32>
        %mul3A_905 = arith.mulf %get3A_903, %mul3A_904 : vector<16xf32>
        %swap3A_906 = arith.index_cast %add3A_822 : i32 to index
        %swap3A_907 = arith.constant 112 : index
        %swap3A_908 = tpu.vector_load %arg10[%swap3A_906, %swap3A_907] {strides = array<i32>} : memref<128x128xf32, #tpu.memory_space<vmem>>, vector<1x16xf32>,
        %swap3A_909 = vector.shape_cast %swap3A_908 : vector<1x16xf32> to vector<16xf32>
        %swap3A_910 = vector.shape_cast %mul3A_905 : vector<16xf32> to vector<1x16xf32>
        tpu.vector_store %arg10[%swap3A_906, %swap3A_907], %swap3A_910 {strides = array<i32>} : memref<128x128xf32, #tpu.memory_space<vmem>>, vector<1x16xf32>,
        %slice3A_911 = vector.extract_strided_slice %get3A_161 {offsets = [8], sizes = [1], strides = [1]} : vector<16xf32> to vector<1xf32>
        %squeeze3A_912 = vector.extract %slice3A_911[0] : f32 from vector<1xf32>
        %mul3A_913 = arith.constant 16 : i32
        %mul3A_914 = arith.muli %scan3A_157, %mul3A_913 : i32
        %add3A_915 = arith.constant 8 : i32
        %add3A_916 = arith.addi %mul3A_914, %add3A_915 : i32
        %get3A_917 = arith.index_cast %add3A_916 : i32 to index
        %get3A_918 = arith.constant 0 : index
        %get3A_919 = tpu.vector_load %arg10[%get3A_917, %get3A_918] {strides = array<i32>} : memref<128x128xf32, #tpu.memory_space<vmem>>, vector<1x16xf32>,
        %get3A_920 = vector.shape_cast %get3A_919 : vector<1x16xf32> to vector<16xf32>
        %mul3A_921 = vector.broadcast %squeeze3A_912 : f32 to vector<16xf32>
        %mul3A_922 = arith.mulf %get3A_920, %mul3A_921 : vector<16xf32>
        %swap3A_923 = arith.index_cast %add3A_916 : i32 to index
        %swap3A_924 = arith.constant 0 : index
        %swap3A_925 = tpu.vector_load %arg10[%swap3A_923, %swap3A_924] {strides = array<i32>} : memref<128x128xf32, #tpu.memory_space<vmem>>, vector<1x16xf32>,
        %swap3A_926 = vector.shape_cast %swap3A_925 : vector<1x16xf32> to vector<16xf32>
        %swap3A_927 = vector.shape_cast %mul3A_922 : vector<16xf32> to vector<1x16xf32>
        tpu.vector_store %arg10[%swap3A_923, %swap3A_924], %swap3A_927 {strides = array<i32>} : memref<128x128xf32, #tpu.memory_space<vmem>>, vector<1x16xf32>,
        %get3A_928 = arith.index_cast %add3A_916 : i32 to index
        %get3A_929 = arith.constant 16 : index
        %get3A_930 = tpu.vector_load %arg10[%get3A_928, %get3A_929] {strides = array<i32>} : memref<128x128xf32, #tpu.memory_space<vmem>>, vector<1x16xf32>,
        %get3A_931 = vector.shape_cast %get3A_930 : vector<1x16xf32> to vector<16xf32>
        %mul3A_932 = vector.broadcast %squeeze3A_912 : f32 to vector<16xf32>
        %mul3A_933 = arith.mulf %get3A_931, %mul3A_932 : vector<16xf32>
        %swap3A_934 = arith.index_cast %add3A_916 : i32 to index
        %swap3A_935 = arith.constant 16 : index
        %swap3A_936 = tpu.vector_load %arg10[%swap3A_934, %swap3A_935] {strides = array<i32>} : memref<128x128xf32, #tpu.memory_space<vmem>>, vector<1x16xf32>,
        %swap3A_937 = vector.shape_cast %swap3A_936 : vector<1x16xf32> to vector<16xf32>
        %swap3A_938 = vector.shape_cast %mul3A_933 : vector<16xf32> to vector<1x16xf32>
        tpu.vector_store %arg10[%swap3A_934, %swap3A_935], %swap3A_938 {strides = array<i32>} : memref<128x128xf32, #tpu.memory_space<vmem>>, vector<1x16xf32>,
        %get3A_939 = arith.index_cast %add3A_916 : i32 to index
        %get3A_940 = arith.constant 32 : index
        %get3A_941 = tpu.vector_load %arg10[%get3A_939, %get3A_940] {strides = array<i32>} : memref<128x128xf32, #tpu.memory_space<vmem>>, vector<1x16xf32>,
        %get3A_942 = vector.shape_cast %get3A_941 : vector<1x16xf32> to vector<16xf32>
        %mul3A_943 = vector.broadcast %squeeze3A_912 : f32 to vector<16xf32>
        %mul3A_944 = arith.mulf %get3A_942, %mul3A_943 : vector<16xf32>
        %swap3A_945 = arith.index_cast %add3A_916 : i32 to index
        %swap3A_946 = arith.constant 32 : index
        %swap3A_947 = tpu.vector_load %arg10[%swap3A_945, %swap3A_946] {strides = array<i32>} : memref<128x128xf32, #tpu.memory_space<vmem>>, vector<1x16xf32>,
        %swap3A_948 = vector.shape_cast %swap3A_947 : vector<1x16xf32> to vector<16xf32>
        %swap3A_949 = vector.shape_cast %mul3A_944 : vector<16xf32> to vector<1x16xf32>
        tpu.vector_store %arg10[%swap3A_945, %swap3A_946], %swap3A_949 {strides = array<i32>} : memref<128x128xf32, #tpu.memory_space<vmem>>, vector<1x16xf32>,
        %get3A_950 = arith.index_cast %add3A_916 : i32 to index
        %get3A_951 = arith.constant 48 : index
        %get3A_952 = tpu.vector_load %arg10[%get3A_950, %get3A_951] {strides = array<i32>} : memref<128x128xf32, #tpu.memory_space<vmem>>, vector<1x16xf32>,
        %get3A_953 = vector.shape_cast %get3A_952 : vector<1x16xf32> to vector<16xf32>
        %mul3A_954 = vector.broadcast %squeeze3A_912 : f32 to vector<16xf32>
        %mul3A_955 = arith.mulf %get3A_953, %mul3A_954 : vector<16xf32>
        %swap3A_956 = arith.index_cast %add3A_916 : i32 to index
        %swap3A_957 = arith.constant 48 : index
        %swap3A_958 = tpu.vector_load %arg10[%swap3A_956, %swap3A_957] {strides = array<i32>} : memref<128x128xf32, #tpu.memory_space<vmem>>, vector<1x16xf32>,
        %swap3A_959 = vector.shape_cast %swap3A_958 : vector<1x16xf32> to vector<16xf32>
        %swap3A_960 = vector.shape_cast %mul3A_955 : vector<16xf32> to vector<1x16xf32>
        tpu.vector_store %arg10[%swap3A_956, %swap3A_957], %swap3A_960 {strides = array<i32>} : memref<128x128xf32, #tpu.memory_space<vmem>>, vector<1x16xf32>,
        %get3A_961 = arith.index_cast %add3A_916 : i32 to index
        %get3A_962 = arith.constant 64 : index
        %get3A_963 = tpu.vector_load %arg10[%get3A_961, %get3A_962] {strides = array<i32>} : memref<128x128xf32, #tpu.memory_space<vmem>>, vector<1x16xf32>,
        %get3A_964 = vector.shape_cast %get3A_963 : vector<1x16xf32> to vector<16xf32>
        %mul3A_965 = vector.broadcast %squeeze3A_912 : f32 to vector<16xf32>
        %mul3A_966 = arith.mulf %get3A_964, %mul3A_965 : vector<16xf32>
        %swap3A_967 = arith.index_cast %add3A_916 : i32 to index
        %swap3A_968 = arith.constant 64 : index
        %swap3A_969 = tpu.vector_load %arg10[%swap3A_967, %swap3A_968] {strides = array<i32>} : memref<128x128xf32, #tpu.memory_space<vmem>>, vector<1x16xf32>,
        %swap3A_970 = vector.shape_cast %swap3A_969 : vector<1x16xf32> to vector<16xf32>
        %swap3A_971 = vector.shape_cast %mul3A_966 : vector<16xf32> to vector<1x16xf32>
        tpu.vector_store %arg10[%swap3A_967, %swap3A_968], %swap3A_971 {strides = array<i32>} : memref<128x128xf32, #tpu.memory_space<vmem>>, vector<1x16xf32>,
        %get3A_972 = arith.index_cast %add3A_916 : i32 to index
        %get3A_973 = arith.constant 80 : index
        %get3A_974 = tpu.vector_load %arg10[%get3A_972, %get3A_973] {strides = array<i32>} : memref<128x128xf32, #tpu.memory_space<vmem>>, vector<1x16xf32>,
        %get3A_975 = vector.shape_cast %get3A_974 : vector<1x16xf32> to vector<16xf32>
        %mul3A_976 = vector.broadcast %squeeze3A_912 : f32 to vector<16xf32>
        %mul3A_977 = arith.mulf %get3A_975, %mul3A_976 : vector<16xf32>
        %swap3A_978 = arith.index_cast %add3A_916 : i32 to index
        %swap3A_979 = arith.constant 80 : index
        %swap3A_980 = tpu.vector_load %arg10[%swap3A_978, %swap3A_979] {strides = array<i32>} : memref<128x128xf32, #tpu.memory_space<vmem>>, vector<1x16xf32>,
        %swap3A_981 = vector.shape_cast %swap3A_980 : vector<1x16xf32> to vector<16xf32>
        %swap3A_982 = vector.shape_cast %mul3A_977 : vector<16xf32> to vector<1x16xf32>
        tpu.vector_store %arg10[%swap3A_978, %swap3A_979], %swap3A_982 {strides = array<i32>} : memref<128x128xf32, #tpu.memory_space<vmem>>, vector<1x16xf32>,
        %get3A_983 = arith.index_cast %add3A_916 : i32 to index
        %get3A_984 = arith.constant 96 : index
        %get3A_985 = tpu.vector_load %arg10[%get3A_983, %get3A_984] {strides = array<i32>} : memref<128x128xf32, #tpu.memory_space<vmem>>, vector<1x16xf32>,
        %get3A_986 = vector.shape_cast %get3A_985 : vector<1x16xf32> to vector<16xf32>
        %mul3A_987 = vector.broadcast %squeeze3A_912 : f32 to vector<16xf32>
        %mul3A_988 = arith.mulf %get3A_986, %mul3A_987 : vector<16xf32>
        %swap3A_989 = arith.index_cast %add3A_916 : i32 to index
        %swap3A_990 = arith.constant 96 : index
        %swap3A_991 = tpu.vector_load %arg10[%swap3A_989, %swap3A_990] {strides = array<i32>} : memref<128x128xf32, #tpu.memory_space<vmem>>, vector<1x16xf32>,
        %swap3A_992 = vector.shape_cast %swap3A_991 : vector<1x16xf32> to vector<16xf32>
        %swap3A_993 = vector.shape_cast %mul3A_988 : vector<16xf32> to vector<1x16xf32>
        tpu.vector_store %arg10[%swap3A_989, %swap3A_990], %swap3A_993 {strides = array<i32>} : memref<128x128xf32, #tpu.memory_space<vmem>>, vector<1x16xf32>,
        %get3A_994 = arith.index_cast %add3A_916 : i32 to index
        %get3A_995 = arith.constant 112 : index
        %get3A_996 = tpu.vector_load %arg10[%get3A_994, %get3A_995] {strides = array<i32>} : memref<128x128xf32, #tpu.memory_space<vmem>>, vector<1x16xf32>,
        %get3A_997 = vector.shape_cast %get3A_996 : vector<1x16xf32> to vector<16xf32>
        %mul3A_998 = vector.broadcast %squeeze3A_912 : f32 to vector<16xf32>
        %mul3A_999 = arith.mulf %get3A_997, %mul3A_998 : vector<16xf32>
        %swap3A_1000 = arith.index_cast %add3A_916 : i32 to index
        %swap3A_1001 = arith.constant 112 : index
        %swap3A_1002 = tpu.vector_load %arg10[%swap3A_1000, %swap3A_1001] {strides = array<i32>} : memref<128x128xf32, #tpu.memory_space<vmem>>, vector<1x16xf32>,
        %swap3A_1003 = vector.shape_cast %swap3A_1002 : vector<1x16xf32> to vector<16xf32>
        %swap3A_1004 = vector.shape_cast %mul3A_999 : vector<16xf32> to vector<1x16xf32>
        tpu.vector_store %arg10[%swap3A_1000, %swap3A_1001], %swap3A_1004 {strides = array<i32>} : memref<128x128xf32, #tpu.memory_space<vmem>>, vector<1x16xf32>,
        %slice3A_1005 = vector.extract_strided_slice %get3A_161 {offsets = [9], sizes = [1], strides = [1]} : vector<16xf32> to vector<1xf32>
        %squeeze3A_1006 = vector.extract %slice3A_1005[0] : f32 from vector<1xf32>
        %mul3A_1007 = arith.constant 16 : i32
        %mul3A_1008 = arith.muli %scan3A_157, %mul3A_1007 : i32
        %add3A_1009 = arith.constant 9 : i32
        %add3A_1010 = arith.addi %mul3A_1008, %add3A_1009 : i32
        %get3A_1011 = arith.index_cast %add3A_1010 : i32 to index
        %get3A_1012 = arith.constant 0 : index
        %get3A_1013 = tpu.vector_load %arg10[%get3A_1011, %get3A_1012] {strides = array<i32>} : memref<128x128xf32, #tpu.memory_space<vmem>>, vector<1x16xf32>,
        %get3A_1014 = vector.shape_cast %get3A_1013 : vector<1x16xf32> to vector<16xf32>
        %mul3A_1015 = vector.broadcast %squeeze3A_1006 : f32 to vector<16xf32>
        %mul3A_1016 = arith.mulf %get3A_1014, %mul3A_1015 : vector<16xf32>
        %swap3A_1017 = arith.index_cast %add3A_1010 : i32 to index
        %swap3A_1018 = arith.constant 0 : index
        %swap3A_1019 = tpu.vector_load %arg10[%swap3A_1017, %swap3A_1018] {strides = array<i32>} : memref<128x128xf32, #tpu.memory_space<vmem>>, vector<1x16xf32>,
        %swap3A_1020 = vector.shape_cast %swap3A_1019 : vector<1x16xf32> to vector<16xf32>
        %swap3A_1021 = vector.shape_cast %mul3A_1016 : vector<16xf32> to vector<1x16xf32>
        tpu.vector_store %arg10[%swap3A_1017, %swap3A_1018], %swap3A_1021 {strides = array<i32>} : memref<128x128xf32, #tpu.memory_space<vmem>>, vector<1x16xf32>,
        %get3A_1022 = arith.index_cast %add3A_1010 : i32 to index
        %get3A_1023 = arith.constant 16 : index
        %get3A_1024 = tpu.vector_load %arg10[%get3A_1022, %get3A_1023] {strides = array<i32>} : memref<128x128xf32, #tpu.memory_space<vmem>>, vector<1x16xf32>,
        %get3A_1025 = vector.shape_cast %get3A_1024 : vector<1x16xf32> to vector<16xf32>
        %mul3A_1026 = vector.broadcast %squeeze3A_1006 : f32 to vector<16xf32>
        %mul3A_1027 = arith.mulf %get3A_1025, %mul3A_1026 : vector<16xf32>
        %swap3A_1028 = arith.index_cast %add3A_1010 : i32 to index
        %swap3A_1029 = arith.constant 16 : index
        %swap3A_1030 = tpu.vector_load %arg10[%swap3A_1028, %swap3A_1029] {strides = array<i32>} : memref<128x128xf32, #tpu.memory_space<vmem>>, vector<1x16xf32>,
        %swap3A_1031 = vector.shape_cast %swap3A_1030 : vector<1x16xf32> to vector<16xf32>
        %swap3A_1032 = vector.shape_cast %mul3A_1027 : vector<16xf32> to vector<1x16xf32>
        tpu.vector_store %arg10[%swap3A_1028, %swap3A_1029], %swap3A_1032 {strides = array<i32>} : memref<128x128xf32, #tpu.memory_space<vmem>>, vector<1x16xf32>,
        %get3A_1033 = arith.index_cast %add3A_1010 : i32 to index
        %get3A_1034 = arith.constant 32 : index
        %get3A_1035 = tpu.vector_load %arg10[%get3A_1033, %get3A_1034] {strides = array<i32>} : memref<128x128xf32, #tpu.memory_space<vmem>>, vector<1x16xf32>,
        %get3A_1036 = vector.shape_cast %get3A_1035 : vector<1x16xf32> to vector<16xf32>
        %mul3A_1037 = vector.broadcast %squeeze3A_1006 : f32 to vector<16xf32>
        %mul3A_1038 = arith.mulf %get3A_1036, %mul3A_1037 : vector<16xf32>
        %swap3A_1039 = arith.index_cast %add3A_1010 : i32 to index
        %swap3A_1040 = arith.constant 32 : index
        %swap3A_1041 = tpu.vector_load %arg10[%swap3A_1039, %swap3A_1040] {strides = array<i32>} : memref<128x128xf32, #tpu.memory_space<vmem>>, vector<1x16xf32>,
        %swap3A_1042 = vector.shape_cast %swap3A_1041 : vector<1x16xf32> to vector<16xf32>
        %swap3A_1043 = vector.shape_cast %mul3A_1038 : vector<16xf32> to vector<1x16xf32>
        tpu.vector_store %arg10[%swap3A_1039, %swap3A_1040], %swap3A_1043 {strides = array<i32>} : memref<128x128xf32, #tpu.memory_space<vmem>>, vector<1x16xf32>,
        %get3A_1044 = arith.index_cast %add3A_1010 : i32 to index
        %get3A_1045 = arith.constant 48 : index
        %get3A_1046 = tpu.vector_load %arg10[%get3A_1044, %get3A_1045] {strides = array<i32>} : memref<128x128xf32, #tpu.memory_space<vmem>>, vector<1x16xf32>,
        %get3A_1047 = vector.shape_cast %get3A_1046 : vector<1x16xf32> to vector<16xf32>
        %mul3A_1048 = vector.broadcast %squeeze3A_1006 : f32 to vector<16xf32>
        %mul3A_1049 = arith.mulf %get3A_1047, %mul3A_1048 : vector<16xf32>
        %swap3A_1050 = arith.index_cast %add3A_1010 : i32 to index
        %swap3A_1051 = arith.constant 48 : index
        %swap3A_1052 = tpu.vector_load %arg10[%swap3A_1050, %swap3A_1051] {strides = array<i32>} : memref<128x128xf32, #tpu.memory_space<vmem>>, vector<1x16xf32>,
        %swap3A_1053 = vector.shape_cast %swap3A_1052 : vector<1x16xf32> to vector<16xf32>
        %swap3A_1054 = vector.shape_cast %mul3A_1049 : vector<16xf32> to vector<1x16xf32>
        tpu.vector_store %arg10[%swap3A_1050, %swap3A_1051], %swap3A_1054 {strides = array<i32>} : memref<128x128xf32, #tpu.memory_space<vmem>>, vector<1x16xf32>,
        %get3A_1055 = arith.index_cast %add3A_1010 : i32 to index
        %get3A_1056 = arith.constant 64 : index
        %get3A_1057 = tpu.vector_load %arg10[%get3A_1055, %get3A_1056] {strides = array<i32>} : memref<128x128xf32, #tpu.memory_space<vmem>>, vector<1x16xf32>,
        %get3A_1058 = vector.shape_cast %get3A_1057 : vector<1x16xf32> to vector<16xf32>
        %mul3A_1059 = vector.broadcast %squeeze3A_1006 : f32 to vector<16xf32>
        %mul3A_1060 = arith.mulf %get3A_1058, %mul3A_1059 : vector<16xf32>
        %swap3A_1061 = arith.index_cast %add3A_1010 : i32 to index
        %swap3A_1062 = arith.constant 64 : index
        %swap3A_1063 = tpu.vector_load %arg10[%swap3A_1061, %swap3A_1062] {strides = array<i32>} : memref<128x128xf32, #tpu.memory_space<vmem>>, vector<1x16xf32>,
        %swap3A_1064 = vector.shape_cast %swap3A_1063 : vector<1x16xf32> to vector<16xf32>
        %swap3A_1065 = vector.shape_cast %mul3A_1060 : vector<16xf32> to vector<1x16xf32>
        tpu.vector_store %arg10[%swap3A_1061, %swap3A_1062], %swap3A_1065 {strides = array<i32>} : memref<128x128xf32, #tpu.memory_space<vmem>>, vector<1x16xf32>,
        %get3A_1066 = arith.index_cast %add3A_1010 : i32 to index
        %get3A_1067 = arith.constant 80 : index
        %get3A_1068 = tpu.vector_load %arg10[%get3A_1066, %get3A_1067] {strides = array<i32>} : memref<128x128xf32, #tpu.memory_space<vmem>>, vector<1x16xf32>,
        %get3A_1069 = vector.shape_cast %get3A_1068 : vector<1x16xf32> to vector<16xf32>
        %mul3A_1070 = vector.broadcast %squeeze3A_1006 : f32 to vector<16xf32>
        %mul3A_1071 = arith.mulf %get3A_1069, %mul3A_1070 : vector<16xf32>
        %swap3A_1072 = arith.index_cast %add3A_1010 : i32 to index
        %swap3A_1073 = arith.constant 80 : index
        %swap3A_1074 = tpu.vector_load %arg10[%swap3A_1072, %swap3A_1073] {strides = array<i32>} : memref<128x128xf32, #tpu.memory_space<vmem>>, vector<1x16xf32>,
        %swap3A_1075 = vector.shape_cast %swap3A_1074 : vector<1x16xf32> to vector<16xf32>
        %swap3A_1076 = vector.shape_cast %mul3A_1071 : vector<16xf32> to vector<1x16xf32>
        tpu.vector_store %arg10[%swap3A_1072, %swap3A_1073], %swap3A_1076 {strides = array<i32>} : memref<128x128xf32, #tpu.memory_space<vmem>>, vector<1x16xf32>,
        %get3A_1077 = arith.index_cast %add3A_1010 : i32 to index
        %get3A_1078 = arith.constant 96 : index
        %get3A_1079 = tpu.vector_load %arg10[%get3A_1077, %get3A_1078] {strides = array<i32>} : memref<128x128xf32, #tpu.memory_space<vmem>>, vector<1x16xf32>,
        %get3A_1080 = vector.shape_cast %get3A_1079 : vector<1x16xf32> to vector<16xf32>
        %mul3A_1081 = vector.broadcast %squeeze3A_1006 : f32 to vector<16xf32>
        %mul3A_1082 = arith.mulf %get3A_1080, %mul3A_1081 : vector<16xf32>
        %swap3A_1083 = arith.index_cast %add3A_1010 : i32 to index
        %swap3A_1084 = arith.constant 96 : index
        %swap3A_1085 = tpu.vector_load %arg10[%swap3A_1083, %swap3A_1084] {strides = array<i32>} : memref<128x128xf32, #tpu.memory_space<vmem>>, vector<1x16xf32>,
        %swap3A_1086 = vector.shape_cast %swap3A_1085 : vector<1x16xf32> to vector<16xf32>
        %swap3A_1087 = vector.shape_cast %mul3A_1082 : vector<16xf32> to vector<1x16xf32>
        tpu.vector_store %arg10[%swap3A_1083, %swap3A_1084], %swap3A_1087 {strides = array<i32>} : memref<128x128xf32, #tpu.memory_space<vmem>>, vector<1x16xf32>,
        %get3A_1088 = arith.index_cast %add3A_1010 : i32 to index
        %get3A_1089 = arith.constant 112 : index
        %get3A_1090 = tpu.vector_load %arg10[%get3A_1088, %get3A_1089] {strides = array<i32>} : memref<128x128xf32, #tpu.memory_space<vmem>>, vector<1x16xf32>,
        %get3A_1091 = vector.shape_cast %get3A_1090 : vector<1x16xf32> to vector<16xf32>
        %mul3A_1092 = vector.broadcast %squeeze3A_1006 : f32 to vector<16xf32>
        %mul3A_1093 = arith.mulf %get3A_1091, %mul3A_1092 : vector<16xf32>
        %swap3A_1094 = arith.index_cast %add3A_1010 : i32 to index
        %swap3A_1095 = arith.constant 112 : index
        %swap3A_1096 = tpu.vector_load %arg10[%swap3A_1094, %swap3A_1095] {strides = array<i32>} : memref<128x128xf32, #tpu.memory_space<vmem>>, vector<1x16xf32>,
        %swap3A_1097 = vector.shape_cast %swap3A_1096 : vector<1x16xf32> to vector<16xf32>
        %swap3A_1098 = vector.shape_cast %mul3A_1093 : vector<16xf32> to vector<1x16xf32>
        tpu.vector_store %arg10[%swap3A_1094, %swap3A_1095], %swap3A_1098 {strides = array<i32>} : memref<128x128xf32, #tpu.memory_space<vmem>>, vector<1x16xf32>,
        %slice3A_1099 = vector.extract_strided_slice %get3A_161 {offsets = [10], sizes = [1], strides = [1]} : vector<16xf32> to vector<1xf32>
        %squeeze3A_1100 = vector.extract %slice3A_1099[0] : f32 from vector<1xf32>
        %mul3A_1101 = arith.constant 16 : i32
        %mul3A_1102 = arith.muli %scan3A_157, %mul3A_1101 : i32
        %add3A_1103 = arith.constant 10 : i32
        %add3A_1104 = arith.addi %mul3A_1102, %add3A_1103 : i32
        %get3A_1105 = arith.index_cast %add3A_1104 : i32 to index
        %get3A_1106 = arith.constant 0 : index
        %get3A_1107 = tpu.vector_load %arg10[%get3A_1105, %get3A_1106] {strides = array<i32>} : memref<128x128xf32, #tpu.memory_space<vmem>>, vector<1x16xf32>,
        %get3A_1108 = vector.shape_cast %get3A_1107 : vector<1x16xf32> to vector<16xf32>
        %mul3A_1109 = vector.broadcast %squeeze3A_1100 : f32 to vector<16xf32>
        %mul3A_1110 = arith.mulf %get3A_1108, %mul3A_1109 : vector<16xf32>
        %swap3A_1111 = arith.index_cast %add3A_1104 : i32 to index
        %swap3A_1112 = arith.constant 0 : index
        %swap3A_1113 = tpu.vector_load %arg10[%swap3A_1111, %swap3A_1112] {strides = array<i32>} : memref<128x128xf32, #tpu.memory_space<vmem>>, vector<1x16xf32>,
        %swap3A_1114 = vector.shape_cast %swap3A_1113 : vector<1x16xf32> to vector<16xf32>
        %swap3A_1115 = vector.shape_cast %mul3A_1110 : vector<16xf32> to vector<1x16xf32>
        tpu.vector_store %arg10[%swap3A_1111, %swap3A_1112], %swap3A_1115 {strides = array<i32>} : memref<128x128xf32, #tpu.memory_space<vmem>>, vector<1x16xf32>,
        %get3A_1116 = arith.index_cast %add3A_1104 : i32 to index
        %get3A_1117 = arith.constant 16 : index
        %get3A_1118 = tpu.vector_load %arg10[%get3A_1116, %get3A_1117] {strides = array<i32>} : memref<128x128xf32, #tpu.memory_space<vmem>>, vector<1x16xf32>,
        %get3A_1119 = vector.shape_cast %get3A_1118 : vector<1x16xf32> to vector<16xf32>
        %mul3A_1120 = vector.broadcast %squeeze3A_1100 : f32 to vector<16xf32>
        %mul3A_1121 = arith.mulf %get3A_1119, %mul3A_1120 : vector<16xf32>
        %swap3A_1122 = arith.index_cast %add3A_1104 : i32 to index
        %swap3A_1123 = arith.constant 16 : index
        %swap3A_1124 = tpu.vector_load %arg10[%swap3A_1122, %swap3A_1123] {strides = array<i32>} : memref<128x128xf32, #tpu.memory_space<vmem>>, vector<1x16xf32>,
        %swap3A_1125 = vector.shape_cast %swap3A_1124 : vector<1x16xf32> to vector<16xf32>
        %swap3A_1126 = vector.shape_cast %mul3A_1121 : vector<16xf32> to vector<1x16xf32>
        tpu.vector_store %arg10[%swap3A_1122, %swap3A_1123], %swap3A_1126 {strides = array<i32>} : memref<128x128xf32, #tpu.memory_space<vmem>>, vector<1x16xf32>,
        %get3A_1127 = arith.index_cast %add3A_1104 : i32 to index
        %get3A_1128 = arith.constant 32 : index
        %get3A_1129 = tpu.vector_load %arg10[%get3A_1127, %get3A_1128] {strides = array<i32>} : memref<128x128xf32, #tpu.memory_space<vmem>>, vector<1x16xf32>,
        %get3A_1130 = vector.shape_cast %get3A_1129 : vector<1x16xf32> to vector<16xf32>
        %mul3A_1131 = vector.broadcast %squeeze3A_1100 : f32 to vector<16xf32>
        %mul3A_1132 = arith.mulf %get3A_1130, %mul3A_1131 : vector<16xf32>
        %swap3A_1133 = arith.index_cast %add3A_1104 : i32 to index
        %swap3A_1134 = arith.constant 32 : index
        %swap3A_1135 = tpu.vector_load %arg10[%swap3A_1133, %swap3A_1134] {strides = array<i32>} : memref<128x128xf32, #tpu.memory_space<vmem>>, vector<1x16xf32>,
        %swap3A_1136 = vector.shape_cast %swap3A_1135 : vector<1x16xf32> to vector<16xf32>
        %swap3A_1137 = vector.shape_cast %mul3A_1132 : vector<16xf32> to vector<1x16xf32>
        tpu.vector_store %arg10[%swap3A_1133, %swap3A_1134], %swap3A_1137 {strides = array<i32>} : memref<128x128xf32, #tpu.memory_space<vmem>>, vector<1x16xf32>,
        %get3A_1138 = arith.index_cast %add3A_1104 : i32 to index
        %get3A_1139 = arith.constant 48 : index
        %get3A_1140 = tpu.vector_load %arg10[%get3A_1138, %get3A_1139] {strides = array<i32>} : memref<128x128xf32, #tpu.memory_space<vmem>>, vector<1x16xf32>,
        %get3A_1141 = vector.shape_cast %get3A_1140 : vector<1x16xf32> to vector<16xf32>
        %mul3A_1142 = vector.broadcast %squeeze3A_1100 : f32 to vector<16xf32>
        %mul3A_1143 = arith.mulf %get3A_1141, %mul3A_1142 : vector<16xf32>
        %swap3A_1144 = arith.index_cast %add3A_1104 : i32 to index
        %swap3A_1145 = arith.constant 48 : index
        %swap3A_1146 = tpu.vector_load %arg10[%swap3A_1144, %swap3A_1145] {strides = array<i32>} : memref<128x128xf32, #tpu.memory_space<vmem>>, vector<1x16xf32>,
        %swap3A_1147 = vector.shape_cast %swap3A_1146 : vector<1x16xf32> to vector<16xf32>
        %swap3A_1148 = vector.shape_cast %mul3A_1143 : vector<16xf32> to vector<1x16xf32>
        tpu.vector_store %arg10[%swap3A_1144, %swap3A_1145], %swap3A_1148 {strides = array<i32>} : memref<128x128xf32, #tpu.memory_space<vmem>>, vector<1x16xf32>,
        %get3A_1149 = arith.index_cast %add3A_1104 : i32 to index
        %get3A_1150 = arith.constant 64 : index
        %get3A_1151 = tpu.vector_load %arg10[%get3A_1149, %get3A_1150] {strides = array<i32>} : memref<128x128xf32, #tpu.memory_space<vmem>>, vector<1x16xf32>,
        %get3A_1152 = vector.shape_cast %get3A_1151 : vector<1x16xf32> to vector<16xf32>
        %mul3A_1153 = vector.broadcast %squeeze3A_1100 : f32 to vector<16xf32>
        %mul3A_1154 = arith.mulf %get3A_1152, %mul3A_1153 : vector<16xf32>
        %swap3A_1155 = arith.index_cast %add3A_1104 : i32 to index
        %swap3A_1156 = arith.constant 64 : index
        %swap3A_1157 = tpu.vector_load %arg10[%swap3A_1155, %swap3A_1156] {strides = array<i32>} : memref<128x128xf32, #tpu.memory_space<vmem>>, vector<1x16xf32>,
        %swap3A_1158 = vector.shape_cast %swap3A_1157 : vector<1x16xf32> to vector<16xf32>
        %swap3A_1159 = vector.shape_cast %mul3A_1154 : vector<16xf32> to vector<1x16xf32>
        tpu.vector_store %arg10[%swap3A_1155, %swap3A_1156], %swap3A_1159 {strides = array<i32>} : memref<128x128xf32, #tpu.memory_space<vmem>>, vector<1x16xf32>,
        %get3A_1160 = arith.index_cast %add3A_1104 : i32 to index
        %get3A_1161 = arith.constant 80 : index
        %get3A_1162 = tpu.vector_load %arg10[%get3A_1160, %get3A_1161] {strides = array<i32>} : memref<128x128xf32, #tpu.memory_space<vmem>>, vector<1x16xf32>,
        %get3A_1163 = vector.shape_cast %get3A_1162 : vector<1x16xf32> to vector<16xf32>
        %mul3A_1164 = vector.broadcast %squeeze3A_1100 : f32 to vector<16xf32>
        %mul3A_1165 = arith.mulf %get3A_1163, %mul3A_1164 : vector<16xf32>
        %swap3A_1166 = arith.index_cast %add3A_1104 : i32 to index
        %swap3A_1167 = arith.constant 80 : index
        %swap3A_1168 = tpu.vector_load %arg10[%swap3A_1166, %swap3A_1167] {strides = array<i32>} : memref<128x128xf32, #tpu.memory_space<vmem>>, vector<1x16xf32>,
        %swap3A_1169 = vector.shape_cast %swap3A_1168 : vector<1x16xf32> to vector<16xf32>
        %swap3A_1170 = vector.shape_cast %mul3A_1165 : vector<16xf32> to vector<1x16xf32>
        tpu.vector_store %arg10[%swap3A_1166, %swap3A_1167], %swap3A_1170 {strides = array<i32>} : memref<128x128xf32, #tpu.memory_space<vmem>>, vector<1x16xf32>,
        %get3A_1171 = arith.index_cast %add3A_1104 : i32 to index
        %get3A_1172 = arith.constant 96 : index
        %get3A_1173 = tpu.vector_load %arg10[%get3A_1171, %get3A_1172] {strides = array<i32>} : memref<128x128xf32, #tpu.memory_space<vmem>>, vector<1x16xf32>,
        %get3A_1174 = vector.shape_cast %get3A_1173 : vector<1x16xf32> to vector<16xf32>
        %mul3A_1175 = vector.broadcast %squeeze3A_1100 : f32 to vector<16xf32>
        %mul3A_1176 = arith.mulf %get3A_1174, %mul3A_1175 : vector<16xf32>
        %swap3A_1177 = arith.index_cast %add3A_1104 : i32 to index
        %swap3A_1178 = arith.constant 96 : index
        %swap3A_1179 = tpu.vector_load %arg10[%swap3A_1177, %swap3A_1178] {strides = array<i32>} : memref<128x128xf32, #tpu.memory_space<vmem>>, vector<1x16xf32>,
        %swap3A_1180 = vector.shape_cast %swap3A_1179 : vector<1x16xf32> to vector<16xf32>
        %swap3A_1181 = vector.shape_cast %mul3A_1176 : vector<16xf32> to vector<1x16xf32>
        tpu.vector_store %arg10[%swap3A_1177, %swap3A_1178], %swap3A_1181 {strides = array<i32>} : memref<128x128xf32, #tpu.memory_space<vmem>>, vector<1x16xf32>,
        %get3A_1182 = arith.index_cast %add3A_1104 : i32 to index
        %get3A_1183 = arith.constant 112 : index
        %get3A_1184 = tpu.vector_load %arg10[%get3A_1182, %get3A_1183] {strides = array<i32>} : memref<128x128xf32, #tpu.memory_space<vmem>>, vector<1x16xf32>,
        %get3A_1185 = vector.shape_cast %get3A_1184 : vector<1x16xf32> to vector<16xf32>
        %mul3A_1186 = vector.broadcast %squeeze3A_1100 : f32 to vector<16xf32>
        %mul3A_1187 = arith.mulf %get3A_1185, %mul3A_1186 : vector<16xf32>
        %swap3A_1188 = arith.index_cast %add3A_1104 : i32 to index
        %swap3A_1189 = arith.constant 112 : index
        %swap3A_1190 = tpu.vector_load %arg10[%swap3A_1188, %swap3A_1189] {strides = array<i32>} : memref<128x128xf32, #tpu.memory_space<vmem>>, vector<1x16xf32>,
        %swap3A_1191 = vector.shape_cast %swap3A_1190 : vector<1x16xf32> to vector<16xf32>
        %swap3A_1192 = vector.shape_cast %mul3A_1187 : vector<16xf32> to vector<1x16xf32>
        tpu.vector_store %arg10[%swap3A_1188, %swap3A_1189], %swap3A_1192 {strides = array<i32>} : memref<128x128xf32, #tpu.memory_space<vmem>>, vector<1x16xf32>,
        %slice3A_1193 = vector.extract_strided_slice %get3A_161 {offsets = [11], sizes = [1], strides = [1]} : vector<16xf32> to vector<1xf32>
        %squeeze3A_1194 = vector.extract %slice3A_1193[0] : f32 from vector<1xf32>
        %mul3A_1195 = arith.constant 16 : i32
        %mul3A_1196 = arith.muli %scan3A_157, %mul3A_1195 : i32
        %add3A_1197 = arith.constant 11 : i32
        %add3A_1198 = arith.addi %mul3A_1196, %add3A_1197 : i32
        %get3A_1199 = arith.index_cast %add3A_1198 : i32 to index
        %get3A_1200 = arith.constant 0 : index
        %get3A_1201 = tpu.vector_load %arg10[%get3A_1199, %get3A_1200] {strides = array<i32>} : memref<128x128xf32, #tpu.memory_space<vmem>>, vector<1x16xf32>,
        %get3A_1202 = vector.shape_cast %get3A_1201 : vector<1x16xf32> to vector<16xf32>
        %mul3A_1203 = vector.broadcast %squeeze3A_1194 : f32 to vector<16xf32>
        %mul3A_1204 = arith.mulf %get3A_1202, %mul3A_1203 : vector<16xf32>
        %swap3A_1205 = arith.index_cast %add3A_1198 : i32 to index
        %swap3A_1206 = arith.constant 0 : index
        %swap3A_1207 = tpu.vector_load %arg10[%swap3A_1205, %swap3A_1206] {strides = array<i32>} : memref<128x128xf32, #tpu.memory_space<vmem>>, vector<1x16xf32>,
        %swap3A_1208 = vector.shape_cast %swap3A_1207 : vector<1x16xf32> to vector<16xf32>
        %swap3A_1209 = vector.shape_cast %mul3A_1204 : vector<16xf32> to vector<1x16xf32>
        tpu.vector_store %arg10[%swap3A_1205, %swap3A_1206], %swap3A_1209 {strides = array<i32>} : memref<128x128xf32, #tpu.memory_space<vmem>>, vector<1x16xf32>,
        %get3A_1210 = arith.index_cast %add3A_1198 : i32 to index
        %get3A_1211 = arith.constant 16 : index
        %get3A_1212 = tpu.vector_load %arg10[%get3A_1210, %get3A_1211] {strides = array<i32>} : memref<128x128xf32, #tpu.memory_space<vmem>>, vector<1x16xf32>,
        %get3A_1213 = vector.shape_cast %get3A_1212 : vector<1x16xf32> to vector<16xf32>
        %mul3A_1214 = vector.broadcast %squeeze3A_1194 : f32 to vector<16xf32>
        %mul3A_1215 = arith.mulf %get3A_1213, %mul3A_1214 : vector<16xf32>
        %swap3A_1216 = arith.index_cast %add3A_1198 : i32 to index
        %swap3A_1217 = arith.constant 16 : index
        %swap3A_1218 = tpu.vector_load %arg10[%swap3A_1216, %swap3A_1217] {strides = array<i32>} : memref<128x128xf32, #tpu.memory_space<vmem>>, vector<1x16xf32>,
        %swap3A_1219 = vector.shape_cast %swap3A_1218 : vector<1x16xf32> to vector<16xf32>
        %swap3A_1220 = vector.shape_cast %mul3A_1215 : vector<16xf32> to vector<1x16xf32>
        tpu.vector_store %arg10[%swap3A_1216, %swap3A_1217], %swap3A_1220 {strides = array<i32>} : memref<128x128xf32, #tpu.memory_space<vmem>>, vector<1x16xf32>,
        %get3A_1221 = arith.index_cast %add3A_1198 : i32 to index
        %get3A_1222 = arith.constant 32 : index
        %get3A_1223 = tpu.vector_load %arg10[%get3A_1221, %get3A_1222] {strides = array<i32>} : memref<128x128xf32, #tpu.memory_space<vmem>>, vector<1x16xf32>,
        %get3A_1224 = vector.shape_cast %get3A_1223 : vector<1x16xf32> to vector<16xf32>
        %mul3A_1225 = vector.broadcast %squeeze3A_1194 : f32 to vector<16xf32>
        %mul3A_1226 = arith.mulf %get3A_1224, %mul3A_1225 : vector<16xf32>
        %swap3A_1227 = arith.index_cast %add3A_1198 : i32 to index
        %swap3A_1228 = arith.constant 32 : index
        %swap3A_1229 = tpu.vector_load %arg10[%swap3A_1227, %swap3A_1228] {strides = array<i32>} : memref<128x128xf32, #tpu.memory_space<vmem>>, vector<1x16xf32>,
        %swap3A_1230 = vector.shape_cast %swap3A_1229 : vector<1x16xf32> to vector<16xf32>
        %swap3A_1231 = vector.shape_cast %mul3A_1226 : vector<16xf32> to vector<1x16xf32>
        tpu.vector_store %arg10[%swap3A_1227, %swap3A_1228], %swap3A_1231 {strides = array<i32>} : memref<128x128xf32, #tpu.memory_space<vmem>>, vector<1x16xf32>,
        %get3A_1232 = arith.index_cast %add3A_1198 : i32 to index
        %get3A_1233 = arith.constant 48 : index
        %get3A_1234 = tpu.vector_load %arg10[%get3A_1232, %get3A_1233] {strides = array<i32>} : memref<128x128xf32, #tpu.memory_space<vmem>>, vector<1x16xf32>,
        %get3A_1235 = vector.shape_cast %get3A_1234 : vector<1x16xf32> to vector<16xf32>
        %mul3A_1236 = vector.broadcast %squeeze3A_1194 : f32 to vector<16xf32>
        %mul3A_1237 = arith.mulf %get3A_1235, %mul3A_1236 : vector<16xf32>
        %swap3A_1238 = arith.index_cast %add3A_1198 : i32 to index
        %swap3A_1239 = arith.constant 48 : index
        %swap3A_1240 = tpu.vector_load %arg10[%swap3A_1238, %swap3A_1239] {strides = array<i32>} : memref<128x128xf32, #tpu.memory_space<vmem>>, vector<1x16xf32>,
        %swap3A_1241 = vector.shape_cast %swap3A_1240 : vector<1x16xf32> to vector<16xf32>
        %swap3A_1242 = vector.shape_cast %mul3A_1237 : vector<16xf32> to vector<1x16xf32>
        tpu.vector_store %arg10[%swap3A_1238, %swap3A_1239], %swap3A_1242 {strides = array<i32>} : memref<128x128xf32, #tpu.memory_space<vmem>>, vector<1x16xf32>,
        %get3A_1243 = arith.index_cast %add3A_1198 : i32 to index
        %get3A_1244 = arith.constant 64 : index
        %get3A_1245 = tpu.vector_load %arg10[%get3A_1243, %get3A_1244] {strides = array<i32>} : memref<128x128xf32, #tpu.memory_space<vmem>>, vector<1x16xf32>,
        %get3A_1246 = vector.shape_cast %get3A_1245 : vector<1x16xf32> to vector<16xf32>
        %mul3A_1247 = vector.broadcast %squeeze3A_1194 : f32 to vector<16xf32>
        %mul3A_1248 = arith.mulf %get3A_1246, %mul3A_1247 : vector<16xf32>
        %swap3A_1249 = arith.index_cast %add3A_1198 : i32 to index
        %swap3A_1250 = arith.constant 64 : index
        %swap3A_1251 = tpu.vector_load %arg10[%swap3A_1249, %swap3A_1250] {strides = array<i32>} : memref<128x128xf32, #tpu.memory_space<vmem>>, vector<1x16xf32>,
        %swap3A_1252 = vector.shape_cast %swap3A_1251 : vector<1x16xf32> to vector<16xf32>
        %swap3A_1253 = vector.shape_cast %mul3A_1248 : vector<16xf32> to vector<1x16xf32>
        tpu.vector_store %arg10[%swap3A_1249, %swap3A_1250], %swap3A_1253 {strides = array<i32>} : memref<128x128xf32, #tpu.memory_space<vmem>>, vector<1x16xf32>,
        %get3A_1254 = arith.index_cast %add3A_1198 : i32 to index
        %get3A_1255 = arith.constant 80 : index
        %get3A_1256 = tpu.vector_load %arg10[%get3A_1254, %get3A_1255] {strides = array<i32>} : memref<128x128xf32, #tpu.memory_space<vmem>>, vector<1x16xf32>,
        %get3A_1257 = vector.shape_cast %get3A_1256 : vector<1x16xf32> to vector<16xf32>
        %mul3A_1258 = vector.broadcast %squeeze3A_1194 : f32 to vector<16xf32>
        %mul3A_1259 = arith.mulf %get3A_1257, %mul3A_1258 : vector<16xf32>
        %swap3A_1260 = arith.index_cast %add3A_1198 : i32 to index
        %swap3A_1261 = arith.constant 80 : index
        %swap3A_1262 = tpu.vector_load %arg10[%swap3A_1260, %swap3A_1261] {strides = array<i32>} : memref<128x128xf32, #tpu.memory_space<vmem>>, vector<1x16xf32>,
        %swap3A_1263 = vector.shape_cast %swap3A_1262 : vector<1x16xf32> to vector<16xf32>
        %swap3A_1264 = vector.shape_cast %mul3A_1259 : vector<16xf32> to vector<1x16xf32>
        tpu.vector_store %arg10[%swap3A_1260, %swap3A_1261], %swap3A_1264 {strides = array<i32>} : memref<128x128xf32, #tpu.memory_space<vmem>>, vector<1x16xf32>,
        %get3A_1265 = arith.index_cast %add3A_1198 : i32 to index
        %get3A_1266 = arith.constant 96 : index
        %get3A_1267 = tpu.vector_load %arg10[%get3A_1265, %get3A_1266] {strides = array<i32>} : memref<128x128xf32, #tpu.memory_space<vmem>>, vector<1x16xf32>,
        %get3A_1268 = vector.shape_cast %get3A_1267 : vector<1x16xf32> to vector<16xf32>
        %mul3A_1269 = vector.broadcast %squeeze3A_1194 : f32 to vector<16xf32>
        %mul3A_1270 = arith.mulf %get3A_1268, %mul3A_1269 : vector<16xf32>
        %swap3A_1271 = arith.index_cast %add3A_1198 : i32 to index
        %swap3A_1272 = arith.constant 96 : index
        %swap3A_1273 = tpu.vector_load %arg10[%swap3A_1271, %swap3A_1272] {strides = array<i32>} : memref<128x128xf32, #tpu.memory_space<vmem>>, vector<1x16xf32>,
        %swap3A_1274 = vector.shape_cast %swap3A_1273 : vector<1x16xf32> to vector<16xf32>
        %swap3A_1275 = vector.shape_cast %mul3A_1270 : vector<16xf32> to vector<1x16xf32>
        tpu.vector_store %arg10[%swap3A_1271, %swap3A_1272], %swap3A_1275 {strides = array<i32>} : memref<128x128xf32, #tpu.memory_space<vmem>>, vector<1x16xf32>,
        %get3A_1276 = arith.index_cast %add3A_1198 : i32 to index
        %get3A_1277 = arith.constant 112 : index
        %get3A_1278 = tpu.vector_load %arg10[%get3A_1276, %get3A_1277] {strides = array<i32>} : memref<128x128xf32, #tpu.memory_space<vmem>>, vector<1x16xf32>,
        %get3A_1279 = vector.shape_cast %get3A_1278 : vector<1x16xf32> to vector<16xf32>
        %mul3A_1280 = vector.broadcast %squeeze3A_1194 : f32 to vector<16xf32>
        %mul3A_1281 = arith.mulf %get3A_1279, %mul3A_1280 : vector<16xf32>
        %swap3A_1282 = arith.index_cast %add3A_1198 : i32 to index
        %swap3A_1283 = arith.constant 112 : index
        %swap3A_1284 = tpu.vector_load %arg10[%swap3A_1282, %swap3A_1283] {strides = array<i32>} : memref<128x128xf32, #tpu.memory_space<vmem>>, vector<1x16xf32>,
        %swap3A_1285 = vector.shape_cast %swap3A_1284 : vector<1x16xf32> to vector<16xf32>
        %swap3A_1286 = vector.shape_cast %mul3A_1281 : vector<16xf32> to vector<1x16xf32>
        tpu.vector_store %arg10[%swap3A_1282, %swap3A_1283], %swap3A_1286 {strides = array<i32>} : memref<128x128xf32, #tpu.memory_space<vmem>>, vector<1x16xf32>,
        %slice3A_1287 = vector.extract_strided_slice %get3A_161 {offsets = [12], sizes = [1], strides = [1]} : vector<16xf32> to vector<1xf32>
        %squeeze3A_1288 = vector.extract %slice3A_1287[0] : f32 from vector<1xf32>
        %mul3A_1289 = arith.constant 16 : i32
        %mul3A_1290 = arith.muli %scan3A_157, %mul3A_1289 : i32
        %add3A_1291 = arith.constant 12 : i32
        %add3A_1292 = arith.addi %mul3A_1290, %add3A_1291 : i32
        %get3A_1293 = arith.index_cast %add3A_1292 : i32 to index
        %get3A_1294 = arith.constant 0 : index
        %get3A_1295 = tpu.vector_load %arg10[%get3A_1293, %get3A_1294] {strides = array<i32>} : memref<128x128xf32, #tpu.memory_space<vmem>>, vector<1x16xf32>,
        %get3A_1296 = vector.shape_cast %get3A_1295 : vector<1x16xf32> to vector<16xf32>
        %mul3A_1297 = vector.broadcast %squeeze3A_1288 : f32 to vector<16xf32>
        %mul3A_1298 = arith.mulf %get3A_1296, %mul3A_1297 : vector<16xf32>
        %swap3A_1299 = arith.index_cast %add3A_1292 : i32 to index
        %swap3A_1300 = arith.constant 0 : index
        %swap3A_1301 = tpu.vector_load %arg10[%swap3A_1299, %swap3A_1300] {strides = array<i32>} : memref<128x128xf32, #tpu.memory_space<vmem>>, vector<1x16xf32>,
        %swap3A_1302 = vector.shape_cast %swap3A_1301 : vector<1x16xf32> to vector<16xf32>
        %swap3A_1303 = vector.shape_cast %mul3A_1298 : vector<16xf32> to vector<1x16xf32>
        tpu.vector_store %arg10[%swap3A_1299, %swap3A_1300], %swap3A_1303 {strides = array<i32>} : memref<128x128xf32, #tpu.memory_space<vmem>>, vector<1x16xf32>,
        %get3A_1304 = arith.index_cast %add3A_1292 : i32 to index
        %get3A_1305 = arith.constant 16 : index
        %get3A_1306 = tpu.vector_load %arg10[%get3A_1304, %get3A_1305] {strides = array<i32>} : memref<128x128xf32, #tpu.memory_space<vmem>>, vector<1x16xf32>,
        %get3A_1307 = vector.shape_cast %get3A_1306 : vector<1x16xf32> to vector<16xf32>
        %mul3A_1308 = vector.broadcast %squeeze3A_1288 : f32 to vector<16xf32>
        %mul3A_1309 = arith.mulf %get3A_1307, %mul3A_1308 : vector<16xf32>
        %swap3A_1310 = arith.index_cast %add3A_1292 : i32 to index
        %swap3A_1311 = arith.constant 16 : index
        %swap3A_1312 = tpu.vector_load %arg10[%swap3A_1310, %swap3A_1311] {strides = array<i32>} : memref<128x128xf32, #tpu.memory_space<vmem>>, vector<1x16xf32>,
        %swap3A_1313 = vector.shape_cast %swap3A_1312 : vector<1x16xf32> to vector<16xf32>
        %swap3A_1314 = vector.shape_cast %mul3A_1309 : vector<16xf32> to vector<1x16xf32>
        tpu.vector_store %arg10[%swap3A_1310, %swap3A_1311], %swap3A_1314 {strides = array<i32>} : memref<128x128xf32, #tpu.memory_space<vmem>>, vector<1x16xf32>,
        %get3A_1315 = arith.index_cast %add3A_1292 : i32 to index
        %get3A_1316 = arith.constant 32 : index
        %get3A_1317 = tpu.vector_load %arg10[%get3A_1315, %get3A_1316] {strides = array<i32>} : memref<128x128xf32, #tpu.memory_space<vmem>>, vector<1x16xf32>,
        %get3A_1318 = vector.shape_cast %get3A_1317 : vector<1x16xf32> to vector<16xf32>
        %mul3A_1319 = vector.broadcast %squeeze3A_1288 : f32 to vector<16xf32>
        %mul3A_1320 = arith.mulf %get3A_1318, %mul3A_1319 : vector<16xf32>
        %swap3A_1321 = arith.index_cast %add3A_1292 : i32 to index
        %swap3A_1322 = arith.constant 32 : index
        %swap3A_1323 = tpu.vector_load %arg10[%swap3A_1321, %swap3A_1322] {strides = array<i32>} : memref<128x128xf32, #tpu.memory_space<vmem>>, vector<1x16xf32>,
        %swap3A_1324 = vector.shape_cast %swap3A_1323 : vector<1x16xf32> to vector<16xf32>
        %swap3A_1325 = vector.shape_cast %mul3A_1320 : vector<16xf32> to vector<1x16xf32>
        tpu.vector_store %arg10[%swap3A_1321, %swap3A_1322], %swap3A_1325 {strides = array<i32>} : memref<128x128xf32, #tpu.memory_space<vmem>>, vector<1x16xf32>,
        %get3A_1326 = arith.index_cast %add3A_1292 : i32 to index
        %get3A_1327 = arith.constant 48 : index
        %get3A_1328 = tpu.vector_load %arg10[%get3A_1326, %get3A_1327] {strides = array<i32>} : memref<128x128xf32, #tpu.memory_space<vmem>>, vector<1x16xf32>,
        %get3A_1329 = vector.shape_cast %get3A_1328 : vector<1x16xf32> to vector<16xf32>
        %mul3A_1330 = vector.broadcast %squeeze3A_1288 : f32 to vector<16xf32>
        %mul3A_1331 = arith.mulf %get3A_1329, %mul3A_1330 : vector<16xf32>
        %swap3A_1332 = arith.index_cast %add3A_1292 : i32 to index
        %swap3A_1333 = arith.constant 48 : index
        %swap3A_1334 = tpu.vector_load %arg10[%swap3A_1332, %swap3A_1333] {strides = array<i32>} : memref<128x128xf32, #tpu.memory_space<vmem>>, vector<1x16xf32>,
        %swap3A_1335 = vector.shape_cast %swap3A_1334 : vector<1x16xf32> to vector<16xf32>
        %swap3A_1336 = vector.shape_cast %mul3A_1331 : vector<16xf32> to vector<1x16xf32>
        tpu.vector_store %arg10[%swap3A_1332, %swap3A_1333], %swap3A_1336 {strides = array<i32>} : memref<128x128xf32, #tpu.memory_space<vmem>>, vector<1x16xf32>,
        %get3A_1337 = arith.index_cast %add3A_1292 : i32 to index
        %get3A_1338 = arith.constant 64 : index
        %get3A_1339 = tpu.vector_load %arg10[%get3A_1337, %get3A_1338] {strides = array<i32>} : memref<128x128xf32, #tpu.memory_space<vmem>>, vector<1x16xf32>,
        %get3A_1340 = vector.shape_cast %get3A_1339 : vector<1x16xf32> to vector<16xf32>
        %mul3A_1341 = vector.broadcast %squeeze3A_1288 : f32 to vector<16xf32>
        %mul3A_1342 = arith.mulf %get3A_1340, %mul3A_1341 : vector<16xf32>
        %swap3A_1343 = arith.index_cast %add3A_1292 : i32 to index
        %swap3A_1344 = arith.constant 64 : index
        %swap3A_1345 = tpu.vector_load %arg10[%swap3A_1343, %swap3A_1344] {strides = array<i32>} : memref<128x128xf32, #tpu.memory_space<vmem>>, vector<1x16xf32>,
        %swap3A_1346 = vector.shape_cast %swap3A_1345 : vector<1x16xf32> to vector<16xf32>
        %swap3A_1347 = vector.shape_cast %mul3A_1342 : vector<16xf32> to vector<1x16xf32>
        tpu.vector_store %arg10[%swap3A_1343, %swap3A_1344], %swap3A_1347 {strides = array<i32>} : memref<128x128xf32, #tpu.memory_space<vmem>>, vector<1x16xf32>,
        %get3A_1348 = arith.index_cast %add3A_1292 : i32 to index
        %get3A_1349 = arith.constant 80 : index
        %get3A_1350 = tpu.vector_load %arg10[%get3A_1348, %get3A_1349] {strides = array<i32>} : memref<128x128xf32, #tpu.memory_space<vmem>>, vector<1x16xf32>,
        %get3A_1351 = vector.shape_cast %get3A_1350 : vector<1x16xf32> to vector<16xf32>
        %mul3A_1352 = vector.broadcast %squeeze3A_1288 : f32 to vector<16xf32>
        %mul3A_1353 = arith.mulf %get3A_1351, %mul3A_1352 : vector<16xf32>
        %swap3A_1354 = arith.index_cast %add3A_1292 : i32 to index
        %swap3A_1355 = arith.constant 80 : index
        %swap3A_1356 = tpu.vector_load %arg10[%swap3A_1354, %swap3A_1355] {strides = array<i32>} : memref<128x128xf32, #tpu.memory_space<vmem>>, vector<1x16xf32>,
        %swap3A_1357 = vector.shape_cast %swap3A_1356 : vector<1x16xf32> to vector<16xf32>
        %swap3A_1358 = vector.shape_cast %mul3A_1353 : vector<16xf32> to vector<1x16xf32>
        tpu.vector_store %arg10[%swap3A_1354, %swap3A_1355], %swap3A_1358 {strides = array<i32>} : memref<128x128xf32, #tpu.memory_space<vmem>>, vector<1x16xf32>,
        %get3A_1359 = arith.index_cast %add3A_1292 : i32 to index
        %get3A_1360 = arith.constant 96 : index
        %get3A_1361 = tpu.vector_load %arg10[%get3A_1359, %get3A_1360] {strides = array<i32>} : memref<128x128xf32, #tpu.memory_space<vmem>>, vector<1x16xf32>,
        %get3A_1362 = vector.shape_cast %get3A_1361 : vector<1x16xf32> to vector<16xf32>
        %mul3A_1363 = vector.broadcast %squeeze3A_1288 : f32 to vector<16xf32>
        %mul3A_1364 = arith.mulf %get3A_1362, %mul3A_1363 : vector<16xf32>
        %swap3A_1365 = arith.index_cast %add3A_1292 : i32 to index
        %swap3A_1366 = arith.constant 96 : index
        %swap3A_1367 = tpu.vector_load %arg10[%swap3A_1365, %swap3A_1366] {strides = array<i32>} : memref<128x128xf32, #tpu.memory_space<vmem>>, vector<1x16xf32>,
        %swap3A_1368 = vector.shape_cast %swap3A_1367 : vector<1x16xf32> to vector<16xf32>
        %swap3A_1369 = vector.shape_cast %mul3A_1364 : vector<16xf32> to vector<1x16xf32>
        tpu.vector_store %arg10[%swap3A_1365, %swap3A_1366], %swap3A_1369 {strides = array<i32>} : memref<128x128xf32, #tpu.memory_space<vmem>>, vector<1x16xf32>,
        %get3A_1370 = arith.index_cast %add3A_1292 : i32 to index
        %get3A_1371 = arith.constant 112 : index
        %get3A_1372 = tpu.vector_load %arg10[%get3A_1370, %get3A_1371] {strides = array<i32>} : memref<128x128xf32, #tpu.memory_space<vmem>>, vector<1x16xf32>,
        %get3A_1373 = vector.shape_cast %get3A_1372 : vector<1x16xf32> to vector<16xf32>
        %mul3A_1374 = vector.broadcast %squeeze3A_1288 : f32 to vector<16xf32>
        %mul3A_1375 = arith.mulf %get3A_1373, %mul3A_1374 : vector<16xf32>
        %swap3A_1376 = arith.index_cast %add3A_1292 : i32 to index
        %swap3A_1377 = arith.constant 112 : index
        %swap3A_1378 = tpu.vector_load %arg10[%swap3A_1376, %swap3A_1377] {strides = array<i32>} : memref<128x128xf32, #tpu.memory_space<vmem>>, vector<1x16xf32>,
        %swap3A_1379 = vector.shape_cast %swap3A_1378 : vector<1x16xf32> to vector<16xf32>
        %swap3A_1380 = vector.shape_cast %mul3A_1375 : vector<16xf32> to vector<1x16xf32>
        tpu.vector_store %arg10[%swap3A_1376, %swap3A_1377], %swap3A_1380 {strides = array<i32>} : memref<128x128xf32, #tpu.memory_space<vmem>>, vector<1x16xf32>,
        %slice3A_1381 = vector.extract_strided_slice %get3A_161 {offsets = [13], sizes = [1], strides = [1]} : vector<16xf32> to vector<1xf32>
        %squeeze3A_1382 = vector.extract %slice3A_1381[0] : f32 from vector<1xf32>
        %mul3A_1383 = arith.constant 16 : i32
        %mul3A_1384 = arith.muli %scan3A_157, %mul3A_1383 : i32
        %add3A_1385 = arith.constant 13 : i32
        %add3A_1386 = arith.addi %mul3A_1384, %add3A_1385 : i32
        %get3A_1387 = arith.index_cast %add3A_1386 : i32 to index
        %get3A_1388 = arith.constant 0 : index
        %get3A_1389 = tpu.vector_load %arg10[%get3A_1387, %get3A_1388] {strides = array<i32>} : memref<128x128xf32, #tpu.memory_space<vmem>>, vector<1x16xf32>,
        %get3A_1390 = vector.shape_cast %get3A_1389 : vector<1x16xf32> to vector<16xf32>
        %mul3A_1391 = vector.broadcast %squeeze3A_1382 : f32 to vector<16xf32>
        %mul3A_1392 = arith.mulf %get3A_1390, %mul3A_1391 : vector<16xf32>
        %swap3A_1393 = arith.index_cast %add3A_1386 : i32 to index
        %swap3A_1394 = arith.constant 0 : index
        %swap3A_1395 = tpu.vector_load %arg10[%swap3A_1393, %swap3A_1394] {strides = array<i32>} : memref<128x128xf32, #tpu.memory_space<vmem>>, vector<1x16xf32>,
        %swap3A_1396 = vector.shape_cast %swap3A_1395 : vector<1x16xf32> to vector<16xf32>
        %swap3A_1397 = vector.shape_cast %mul3A_1392 : vector<16xf32> to vector<1x16xf32>
        tpu.vector_store %arg10[%swap3A_1393, %swap3A_1394], %swap3A_1397 {strides = array<i32>} : memref<128x128xf32, #tpu.memory_space<vmem>>, vector<1x16xf32>,
        %get3A_1398 = arith.index_cast %add3A_1386 : i32 to index
        %get3A_1399 = arith.constant 16 : index
        %get3A_1400 = tpu.vector_load %arg10[%get3A_1398, %get3A_1399] {strides = array<i32>} : memref<128x128xf32, #tpu.memory_space<vmem>>, vector<1x16xf32>,
        %get3A_1401 = vector.shape_cast %get3A_1400 : vector<1x16xf32> to vector<16xf32>
        %mul3A_1402 = vector.broadcast %squeeze3A_1382 : f32 to vector<16xf32>
        %mul3A_1403 = arith.mulf %get3A_1401, %mul3A_1402 : vector<16xf32>
        %swap3A_1404 = arith.index_cast %add3A_1386 : i32 to index
        %swap3A_1405 = arith.constant 16 : index
        %swap3A_1406 = tpu.vector_load %arg10[%swap3A_1404, %swap3A_1405] {strides = array<i32>} : memref<128x128xf32, #tpu.memory_space<vmem>>, vector<1x16xf32>,
        %swap3A_1407 = vector.shape_cast %swap3A_1406 : vector<1x16xf32> to vector<16xf32>
        %swap3A_1408 = vector.shape_cast %mul3A_1403 : vector<16xf32> to vector<1x16xf32>
        tpu.vector_store %arg10[%swap3A_1404, %swap3A_1405], %swap3A_1408 {strides = array<i32>} : memref<128x128xf32, #tpu.memory_space<vmem>>, vector<1x16xf32>,
        %get3A_1409 = arith.index_cast %add3A_1386 : i32 to index
        %get3A_1410 = arith.constant 32 : index
        %get3A_1411 = tpu.vector_load %arg10[%get3A_1409, %get3A_1410] {strides = array<i32>} : memref<128x128xf32, #tpu.memory_space<vmem>>, vector<1x16xf32>,
        %get3A_1412 = vector.shape_cast %get3A_1411 : vector<1x16xf32> to vector<16xf32>
        %mul3A_1413 = vector.broadcast %squeeze3A_1382 : f32 to vector<16xf32>
        %mul3A_1414 = arith.mulf %get3A_1412, %mul3A_1413 : vector<16xf32>
        %swap3A_1415 = arith.index_cast %add3A_1386 : i32 to index
        %swap3A_1416 = arith.constant 32 : index
        %swap3A_1417 = tpu.vector_load %arg10[%swap3A_1415, %swap3A_1416] {strides = array<i32>} : memref<128x128xf32, #tpu.memory_space<vmem>>, vector<1x16xf32>,
        %swap3A_1418 = vector.shape_cast %swap3A_1417 : vector<1x16xf32> to vector<16xf32>
        %swap3A_1419 = vector.shape_cast %mul3A_1414 : vector<16xf32> to vector<1x16xf32>
        tpu.vector_store %arg10[%swap3A_1415, %swap3A_1416], %swap3A_1419 {strides = array<i32>} : memref<128x128xf32, #tpu.memory_space<vmem>>, vector<1x16xf32>,
        %get3A_1420 = arith.index_cast %add3A_1386 : i32 to index
        %get3A_1421 = arith.constant 48 : index
        %get3A_1422 = tpu.vector_load %arg10[%get3A_1420, %get3A_1421] {strides = array<i32>} : memref<128x128xf32, #tpu.memory_space<vmem>>, vector<1x16xf32>,
        %get3A_1423 = vector.shape_cast %get3A_1422 : vector<1x16xf32> to vector<16xf32>
        %mul3A_1424 = vector.broadcast %squeeze3A_1382 : f32 to vector<16xf32>
        %mul3A_1425 = arith.mulf %get3A_1423, %mul3A_1424 : vector<16xf32>
        %swap3A_1426 = arith.index_cast %add3A_1386 : i32 to index
        %swap3A_1427 = arith.constant 48 : index
        %swap3A_1428 = tpu.vector_load %arg10[%swap3A_1426, %swap3A_1427] {strides = array<i32>} : memref<128x128xf32, #tpu.memory_space<vmem>>, vector<1x16xf32>,
        %swap3A_1429 = vector.shape_cast %swap3A_1428 : vector<1x16xf32> to vector<16xf32>
        %swap3A_1430 = vector.shape_cast %mul3A_1425 : vector<16xf32> to vector<1x16xf32>
        tpu.vector_store %arg10[%swap3A_1426, %swap3A_1427], %swap3A_1430 {strides = array<i32>} : memref<128x128xf32, #tpu.memory_space<vmem>>, vector<1x16xf32>,
        %get3A_1431 = arith.index_cast %add3A_1386 : i32 to index
        %get3A_1432 = arith.constant 64 : index
        %get3A_1433 = tpu.vector_load %arg10[%get3A_1431, %get3A_1432] {strides = array<i32>} : memref<128x128xf32, #tpu.memory_space<vmem>>, vector<1x16xf32>,
        %get3A_1434 = vector.shape_cast %get3A_1433 : vector<1x16xf32> to vector<16xf32>
        %mul3A_1435 = vector.broadcast %squeeze3A_1382 : f32 to vector<16xf32>
        %mul3A_1436 = arith.mulf %get3A_1434, %mul3A_1435 : vector<16xf32>
        %swap3A_1437 = arith.index_cast %add3A_1386 : i32 to index
        %swap3A_1438 = arith.constant 64 : index
        %swap3A_1439 = tpu.vector_load %arg10[%swap3A_1437, %swap3A_1438] {strides = array<i32>} : memref<128x128xf32, #tpu.memory_space<vmem>>, vector<1x16xf32>,
        %swap3A_1440 = vector.shape_cast %swap3A_1439 : vector<1x16xf32> to vector<16xf32>
        %swap3A_1441 = vector.shape_cast %mul3A_1436 : vector<16xf32> to vector<1x16xf32>
        tpu.vector_store %arg10[%swap3A_1437, %swap3A_1438], %swap3A_1441 {strides = array<i32>} : memref<128x128xf32, #tpu.memory_space<vmem>>, vector<1x16xf32>,
        %get3A_1442 = arith.index_cast %add3A_1386 : i32 to index
        %get3A_1443 = arith.constant 80 : index
        %get3A_1444 = tpu.vector_load %arg10[%get3A_1442, %get3A_1443] {strides = array<i32>} : memref<128x128xf32, #tpu.memory_space<vmem>>, vector<1x16xf32>,
        %get3A_1445 = vector.shape_cast %get3A_1444 : vector<1x16xf32> to vector<16xf32>
        %mul3A_1446 = vector.broadcast %squeeze3A_1382 : f32 to vector<16xf32>
        %mul3A_1447 = arith.mulf %get3A_1445, %mul3A_1446 : vector<16xf32>
        %swap3A_1448 = arith.index_cast %add3A_1386 : i32 to index
        %swap3A_1449 = arith.constant 80 : index
        %swap3A_1450 = tpu.vector_load %arg10[%swap3A_1448, %swap3A_1449] {strides = array<i32>} : memref<128x128xf32, #tpu.memory_space<vmem>>, vector<1x16xf32>,
        %swap3A_1451 = vector.shape_cast %swap3A_1450 : vector<1x16xf32> to vector<16xf32>
        %swap3A_1452 = vector.shape_cast %mul3A_1447 : vector<16xf32> to vector<1x16xf32>
        tpu.vector_store %arg10[%swap3A_1448, %swap3A_1449], %swap3A_1452 {strides = array<i32>} : memref<128x128xf32, #tpu.memory_space<vmem>>, vector<1x16xf32>,
        %get3A_1453 = arith.index_cast %add3A_1386 : i32 to index
        %get3A_1454 = arith.constant 96 : index
        %get3A_1455 = tpu.vector_load %arg10[%get3A_1453, %get3A_1454] {strides = array<i32>} : memref<128x128xf32, #tpu.memory_space<vmem>>, vector<1x16xf32>,
        %get3A_1456 = vector.shape_cast %get3A_1455 : vector<1x16xf32> to vector<16xf32>
        %mul3A_1457 = vector.broadcast %squeeze3A_1382 : f32 to vector<16xf32>
        %mul3A_1458 = arith.mulf %get3A_1456, %mul3A_1457 : vector<16xf32>
        %swap3A_1459 = arith.index_cast %add3A_1386 : i32 to index
        %swap3A_1460 = arith.constant 96 : index
        %swap3A_1461 = tpu.vector_load %arg10[%swap3A_1459, %swap3A_1460] {strides = array<i32>} : memref<128x128xf32, #tpu.memory_space<vmem>>, vector<1x16xf32>,
        %swap3A_1462 = vector.shape_cast %swap3A_1461 : vector<1x16xf32> to vector<16xf32>
        %swap3A_1463 = vector.shape_cast %mul3A_1458 : vector<16xf32> to vector<1x16xf32>
        tpu.vector_store %arg10[%swap3A_1459, %swap3A_1460], %swap3A_1463 {strides = array<i32>} : memref<128x128xf32, #tpu.memory_space<vmem>>, vector<1x16xf32>,
        %get3A_1464 = arith.index_cast %add3A_1386 : i32 to index
        %get3A_1465 = arith.constant 112 : index
        %get3A_1466 = tpu.vector_load %arg10[%get3A_1464, %get3A_1465] {strides = array<i32>} : memref<128x128xf32, #tpu.memory_space<vmem>>, vector<1x16xf32>,
        %get3A_1467 = vector.shape_cast %get3A_1466 : vector<1x16xf32> to vector<16xf32>
        %mul3A_1468 = vector.broadcast %squeeze3A_1382 : f32 to vector<16xf32>
        %mul3A_1469 = arith.mulf %get3A_1467, %mul3A_1468 : vector<16xf32>
        %swap3A_1470 = arith.index_cast %add3A_1386 : i32 to index
        %swap3A_1471 = arith.constant 112 : index
        %swap3A_1472 = tpu.vector_load %arg10[%swap3A_1470, %swap3A_1471] {strides = array<i32>} : memref<128x128xf32, #tpu.memory_space<vmem>>, vector<1x16xf32>,
        %swap3A_1473 = vector.shape_cast %swap3A_1472 : vector<1x16xf32> to vector<16xf32>
        %swap3A_1474 = vector.shape_cast %mul3A_1469 : vector<16xf32> to vector<1x16xf32>
        tpu.vector_store %arg10[%swap3A_1470, %swap3A_1471], %swap3A_1474 {strides = array<i32>} : memref<128x128xf32, #tpu.memory_space<vmem>>, vector<1x16xf32>,
        %slice3A_1475 = vector.extract_strided_slice %get3A_161 {offsets = [14], sizes = [1], strides = [1]} : vector<16xf32> to vector<1xf32>
        %squeeze3A_1476 = vector.extract %slice3A_1475[0] : f32 from vector<1xf32>
        %mul3A_1477 = arith.constant 16 : i32
        %mul3A_1478 = arith.muli %scan3A_157, %mul3A_1477 : i32
        %add3A_1479 = arith.constant 14 : i32
        %add3A_1480 = arith.addi %mul3A_1478, %add3A_1479 : i32
        %get3A_1481 = arith.index_cast %add3A_1480 : i32 to index
        %get3A_1482 = arith.constant 0 : index
        %get3A_1483 = tpu.vector_load %arg10[%get3A_1481, %get3A_1482] {strides = array<i32>} : memref<128x128xf32, #tpu.memory_space<vmem>>, vector<1x16xf32>,
        %get3A_1484 = vector.shape_cast %get3A_1483 : vector<1x16xf32> to vector<16xf32>
        %mul3A_1485 = vector.broadcast %squeeze3A_1476 : f32 to vector<16xf32>
        %mul3A_1486 = arith.mulf %get3A_1484, %mul3A_1485 : vector<16xf32>
        %swap3A_1487 = arith.index_cast %add3A_1480 : i32 to index
        %swap3A_1488 = arith.constant 0 : index
        %swap3A_1489 = tpu.vector_load %arg10[%swap3A_1487, %swap3A_1488] {strides = array<i32>} : memref<128x128xf32, #tpu.memory_space<vmem>>, vector<1x16xf32>,
        %swap3A_1490 = vector.shape_cast %swap3A_1489 : vector<1x16xf32> to vector<16xf32>
        %swap3A_1491 = vector.shape_cast %mul3A_1486 : vector<16xf32> to vector<1x16xf32>
        tpu.vector_store %arg10[%swap3A_1487, %swap3A_1488], %swap3A_1491 {strides = array<i32>} : memref<128x128xf32, #tpu.memory_space<vmem>>, vector<1x16xf32>,
        %get3A_1492 = arith.index_cast %add3A_1480 : i32 to index
        %get3A_1493 = arith.constant 16 : index
        %get3A_1494 = tpu.vector_load %arg10[%get3A_1492, %get3A_1493] {strides = array<i32>} : memref<128x128xf32, #tpu.memory_space<vmem>>, vector<1x16xf32>,
        %get3A_1495 = vector.shape_cast %get3A_1494 : vector<1x16xf32> to vector<16xf32>
        %mul3A_1496 = vector.broadcast %squeeze3A_1476 : f32 to vector<16xf32>
        %mul3A_1497 = arith.mulf %get3A_1495, %mul3A_1496 : vector<16xf32>
        %swap3A_1498 = arith.index_cast %add3A_1480 : i32 to index
        %swap3A_1499 = arith.constant 16 : index
        %swap3A_1500 = tpu.vector_load %arg10[%swap3A_1498, %swap3A_1499] {strides = array<i32>} : memref<128x128xf32, #tpu.memory_space<vmem>>, vector<1x16xf32>,
        %swap3A_1501 = vector.shape_cast %swap3A_1500 : vector<1x16xf32> to vector<16xf32>
        %swap3A_1502 = vector.shape_cast %mul3A_1497 : vector<16xf32> to vector<1x16xf32>
        tpu.vector_store %arg10[%swap3A_1498, %swap3A_1499], %swap3A_1502 {strides = array<i32>} : memref<128x128xf32, #tpu.memory_space<vmem>>, vector<1x16xf32>,
        %get3A_1503 = arith.index_cast %add3A_1480 : i32 to index
        %get3A_1504 = arith.constant 32 : index
        %get3A_1505 = tpu.vector_load %arg10[%get3A_1503, %get3A_1504] {strides = array<i32>} : memref<128x128xf32, #tpu.memory_space<vmem>>, vector<1x16xf32>,
        %get3A_1506 = vector.shape_cast %get3A_1505 : vector<1x16xf32> to vector<16xf32>
        %mul3A_1507 = vector.broadcast %squeeze3A_1476 : f32 to vector<16xf32>
        %mul3A_1508 = arith.mulf %get3A_1506, %mul3A_1507 : vector<16xf32>
        %swap3A_1509 = arith.index_cast %add3A_1480 : i32 to index
        %swap3A_1510 = arith.constant 32 : index
        %swap3A_1511 = tpu.vector_load %arg10[%swap3A_1509, %swap3A_1510] {strides = array<i32>} : memref<128x128xf32, #tpu.memory_space<vmem>>, vector<1x16xf32>,
        %swap3A_1512 = vector.shape_cast %swap3A_1511 : vector<1x16xf32> to vector<16xf32>
        %swap3A_1513 = vector.shape_cast %mul3A_1508 : vector<16xf32> to vector<1x16xf32>
        tpu.vector_store %arg10[%swap3A_1509, %swap3A_1510], %swap3A_1513 {strides = array<i32>} : memref<128x128xf32, #tpu.memory_space<vmem>>, vector<1x16xf32>,
        %get3A_1514 = arith.index_cast %add3A_1480 : i32 to index
        %get3A_1515 = arith.constant 48 : index
        %get3A_1516 = tpu.vector_load %arg10[%get3A_1514, %get3A_1515] {strides = array<i32>} : memref<128x128xf32, #tpu.memory_space<vmem>>, vector<1x16xf32>,
        %get3A_1517 = vector.shape_cast %get3A_1516 : vector<1x16xf32> to vector<16xf32>
        %mul3A_1518 = vector.broadcast %squeeze3A_1476 : f32 to vector<16xf32>
        %mul3A_1519 = arith.mulf %get3A_1517, %mul3A_1518 : vector<16xf32>
        %swap3A_1520 = arith.index_cast %add3A_1480 : i32 to index
        %swap3A_1521 = arith.constant 48 : index
        %swap3A_1522 = tpu.vector_load %arg10[%swap3A_1520, %swap3A_1521] {strides = array<i32>} : memref<128x128xf32, #tpu.memory_space<vmem>>, vector<1x16xf32>,
        %swap3A_1523 = vector.shape_cast %swap3A_1522 : vector<1x16xf32> to vector<16xf32>
        %swap3A_1524 = vector.shape_cast %mul3A_1519 : vector<16xf32> to vector<1x16xf32>
        tpu.vector_store %arg10[%swap3A_1520, %swap3A_1521], %swap3A_1524 {strides = array<i32>} : memref<128x128xf32, #tpu.memory_space<vmem>>, vector<1x16xf32>,
        %get3A_1525 = arith.index_cast %add3A_1480 : i32 to index
        %get3A_1526 = arith.constant 64 : index
        %get3A_1527 = tpu.vector_load %arg10[%get3A_1525, %get3A_1526] {strides = array<i32>} : memref<128x128xf32, #tpu.memory_space<vmem>>, vector<1x16xf32>,
        %get3A_1528 = vector.shape_cast %get3A_1527 : vector<1x16xf32> to vector<16xf32>
        %mul3A_1529 = vector.broadcast %squeeze3A_1476 : f32 to vector<16xf32>
        %mul3A_1530 = arith.mulf %get3A_1528, %mul3A_1529 : vector<16xf32>
        %swap3A_1531 = arith.index_cast %add3A_1480 : i32 to index
        %swap3A_1532 = arith.constant 64 : index
        %swap3A_1533 = tpu.vector_load %arg10[%swap3A_1531, %swap3A_1532] {strides = array<i32>} : memref<128x128xf32, #tpu.memory_space<vmem>>, vector<1x16xf32>,
        %swap3A_1534 = vector.shape_cast %swap3A_1533 : vector<1x16xf32> to vector<16xf32>
        %swap3A_1535 = vector.shape_cast %mul3A_1530 : vector<16xf32> to vector<1x16xf32>
        tpu.vector_store %arg10[%swap3A_1531, %swap3A_1532], %swap3A_1535 {strides = array<i32>} : memref<128x128xf32, #tpu.memory_space<vmem>>, vector<1x16xf32>,
        %get3A_1536 = arith.index_cast %add3A_1480 : i32 to index
        %get3A_1537 = arith.constant 80 : index
        %get3A_1538 = tpu.vector_load %arg10[%get3A_1536, %get3A_1537] {strides = array<i32>} : memref<128x128xf32, #tpu.memory_space<vmem>>, vector<1x16xf32>,
        %get3A_1539 = vector.shape_cast %get3A_1538 : vector<1x16xf32> to vector<16xf32>
        %mul3A_1540 = vector.broadcast %squeeze3A_1476 : f32 to vector<16xf32>
        %mul3A_1541 = arith.mulf %get3A_1539, %mul3A_1540 : vector<16xf32>
        %swap3A_1542 = arith.index_cast %add3A_1480 : i32 to index
        %swap3A_1543 = arith.constant 80 : index
        %swap3A_1544 = tpu.vector_load %arg10[%swap3A_1542, %swap3A_1543] {strides = array<i32>} : memref<128x128xf32, #tpu.memory_space<vmem>>, vector<1x16xf32>,
        %swap3A_1545 = vector.shape_cast %swap3A_1544 : vector<1x16xf32> to vector<16xf32>
        %swap3A_1546 = vector.shape_cast %mul3A_1541 : vector<16xf32> to vector<1x16xf32>
        tpu.vector_store %arg10[%swap3A_1542, %swap3A_1543], %swap3A_1546 {strides = array<i32>} : memref<128x128xf32, #tpu.memory_space<vmem>>, vector<1x16xf32>,
        %get3A_1547 = arith.index_cast %add3A_1480 : i32 to index
        %get3A_1548 = arith.constant 96 : index
        %get3A_1549 = tpu.vector_load %arg10[%get3A_1547, %get3A_1548] {strides = array<i32>} : memref<128x128xf32, #tpu.memory_space<vmem>>, vector<1x16xf32>,
        %get3A_1550 = vector.shape_cast %get3A_1549 : vector<1x16xf32> to vector<16xf32>
        %mul3A_1551 = vector.broadcast %squeeze3A_1476 : f32 to vector<16xf32>
        %mul3A_1552 = arith.mulf %get3A_1550, %mul3A_1551 : vector<16xf32>
        %swap3A_1553 = arith.index_cast %add3A_1480 : i32 to index
        %swap3A_1554 = arith.constant 96 : index
        %swap3A_1555 = tpu.vector_load %arg10[%swap3A_1553, %swap3A_1554] {strides = array<i32>} : memref<128x128xf32, #tpu.memory_space<vmem>>, vector<1x16xf32>,
        %swap3A_1556 = vector.shape_cast %swap3A_1555 : vector<1x16xf32> to vector<16xf32>
        %swap3A_1557 = vector.shape_cast %mul3A_1552 : vector<16xf32> to vector<1x16xf32>
        tpu.vector_store %arg10[%swap3A_1553, %swap3A_1554], %swap3A_1557 {strides = array<i32>} : memref<128x128xf32, #tpu.memory_space<vmem>>, vector<1x16xf32>,
        %get3A_1558 = arith.index_cast %add3A_1480 : i32 to index
        %get3A_1559 = arith.constant 112 : index
        %get3A_1560 = tpu.vector_load %arg10[%get3A_1558, %get3A_1559] {strides = array<i32>} : memref<128x128xf32, #tpu.memory_space<vmem>>, vector<1x16xf32>,
        %get3A_1561 = vector.shape_cast %get3A_1560 : vector<1x16xf32> to vector<16xf32>
        %mul3A_1562 = vector.broadcast %squeeze3A_1476 : f32 to vector<16xf32>
        %mul3A_1563 = arith.mulf %get3A_1561, %mul3A_1562 : vector<16xf32>
        %swap3A_1564 = arith.index_cast %add3A_1480 : i32 to index
        %swap3A_1565 = arith.constant 112 : index
        %swap3A_1566 = tpu.vector_load %arg10[%swap3A_1564, %swap3A_1565] {strides = array<i32>} : memref<128x128xf32, #tpu.memory_space<vmem>>, vector<1x16xf32>,
        %swap3A_1567 = vector.shape_cast %swap3A_1566 : vector<1x16xf32> to vector<16xf32>
        %swap3A_1568 = vector.shape_cast %mul3A_1563 : vector<16xf32> to vector<1x16xf32>
        tpu.vector_store %arg10[%swap3A_1564, %swap3A_1565], %swap3A_1568 {strides = array<i32>} : memref<128x128xf32, #tpu.memory_space<vmem>>, vector<1x16xf32>,
        %slice3A_1569 = vector.extract_strided_slice %get3A_161 {offsets = [15], sizes = [1], strides = [1]} : vector<16xf32> to vector<1xf32>
        %squeeze3A_1570 = vector.extract %slice3A_1569[0] : f32 from vector<1xf32>
        %mul3A_1571 = arith.constant 16 : i32
        %mul3A_1572 = arith.muli %scan3A_157, %mul3A_1571 : i32
        %add3A_1573 = arith.constant 15 : i32
        %add3A_1574 = arith.addi %mul3A_1572, %add3A_1573 : i32
        %get3A_1575 = arith.index_cast %add3A_1574 : i32 to index
        %get3A_1576 = arith.constant 0 : index
        %get3A_1577 = tpu.vector_load %arg10[%get3A_1575, %get3A_1576] {strides = array<i32>} : memref<128x128xf32, #tpu.memory_space<vmem>>, vector<1x16xf32>,
        %get3A_1578 = vector.shape_cast %get3A_1577 : vector<1x16xf32> to vector<16xf32>
        %mul3A_1579 = vector.broadcast %squeeze3A_1570 : f32 to vector<16xf32>
        %mul3A_1580 = arith.mulf %get3A_1578, %mul3A_1579 : vector<16xf32>
        %swap3A_1581 = arith.index_cast %add3A_1574 : i32 to index
        %swap3A_1582 = arith.constant 0 : index
        %swap3A_1583 = tpu.vector_load %arg10[%swap3A_1581, %swap3A_1582] {strides = array<i32>} : memref<128x128xf32, #tpu.memory_space<vmem>>, vector<1x16xf32>,
        %swap3A_1584 = vector.shape_cast %swap3A_1583 : vector<1x16xf32> to vector<16xf32>
        %swap3A_1585 = vector.shape_cast %mul3A_1580 : vector<16xf32> to vector<1x16xf32>
        tpu.vector_store %arg10[%swap3A_1581, %swap3A_1582], %swap3A_1585 {strides = array<i32>} : memref<128x128xf32, #tpu.memory_space<vmem>>, vector<1x16xf32>,
        %get3A_1586 = arith.index_cast %add3A_1574 : i32 to index
        %get3A_1587 = arith.constant 16 : index
        %get3A_1588 = tpu.vector_load %arg10[%get3A_1586, %get3A_1587] {strides = array<i32>} : memref<128x128xf32, #tpu.memory_space<vmem>>, vector<1x16xf32>,
        %get3A_1589 = vector.shape_cast %get3A_1588 : vector<1x16xf32> to vector<16xf32>
        %mul3A_1590 = vector.broadcast %squeeze3A_1570 : f32 to vector<16xf32>
        %mul3A_1591 = arith.mulf %get3A_1589, %mul3A_1590 : vector<16xf32>
        %swap3A_1592 = arith.index_cast %add3A_1574 : i32 to index
        %swap3A_1593 = arith.constant 16 : index
        %swap3A_1594 = tpu.vector_load %arg10[%swap3A_1592, %swap3A_1593] {strides = array<i32>} : memref<128x128xf32, #tpu.memory_space<vmem>>, vector<1x16xf32>,
        %swap3A_1595 = vector.shape_cast %swap3A_1594 : vector<1x16xf32> to vector<16xf32>
        %swap3A_1596 = vector.shape_cast %mul3A_1591 : vector<16xf32> to vector<1x16xf32>
        tpu.vector_store %arg10[%swap3A_1592, %swap3A_1593], %swap3A_1596 {strides = array<i32>} : memref<128x128xf32, #tpu.memory_space<vmem>>, vector<1x16xf32>,
        %get3A_1597 = arith.index_cast %add3A_1574 : i32 to index
        %get3A_1598 = arith.constant 32 : index
        %get3A_1599 = tpu.vector_load %arg10[%get3A_1597, %get3A_1598] {strides = array<i32>} : memref<128x128xf32, #tpu.memory_space<vmem>>, vector<1x16xf32>,
        %get3A_1600 = vector.shape_cast %get3A_1599 : vector<1x16xf32> to vector<16xf32>
        %mul3A_1601 = vector.broadcast %squeeze3A_1570 : f32 to vector<16xf32>
        %mul3A_1602 = arith.mulf %get3A_1600, %mul3A_1601 : vector<16xf32>
        %swap3A_1603 = arith.index_cast %add3A_1574 : i32 to index
        %swap3A_1604 = arith.constant 32 : index
        %swap3A_1605 = tpu.vector_load %arg10[%swap3A_1603, %swap3A_1604] {strides = array<i32>} : memref<128x128xf32, #tpu.memory_space<vmem>>, vector<1x16xf32>,
        %swap3A_1606 = vector.shape_cast %swap3A_1605 : vector<1x16xf32> to vector<16xf32>
        %swap3A_1607 = vector.shape_cast %mul3A_1602 : vector<16xf32> to vector<1x16xf32>
        tpu.vector_store %arg10[%swap3A_1603, %swap3A_1604], %swap3A_1607 {strides = array<i32>} : memref<128x128xf32, #tpu.memory_space<vmem>>, vector<1x16xf32>,
        %get3A_1608 = arith.index_cast %add3A_1574 : i32 to index
        %get3A_1609 = arith.constant 48 : index
        %get3A_1610 = tpu.vector_load %arg10[%get3A_1608, %get3A_1609] {strides = array<i32>} : memref<128x128xf32, #tpu.memory_space<vmem>>, vector<1x16xf32>,
        %get3A_1611 = vector.shape_cast %get3A_1610 : vector<1x16xf32> to vector<16xf32>
        %mul3A_1612 = vector.broadcast %squeeze3A_1570 : f32 to vector<16xf32>
        %mul3A_1613 = arith.mulf %get3A_1611, %mul3A_1612 : vector<16xf32>
        %swap3A_1614 = arith.index_cast %add3A_1574 : i32 to index
        %swap3A_1615 = arith.constant 48 : index
        %swap3A_1616 = tpu.vector_load %arg10[%swap3A_1614, %swap3A_1615] {strides = array<i32>} : memref<128x128xf32, #tpu.memory_space<vmem>>, vector<1x16xf32>,
        %swap3A_1617 = vector.shape_cast %swap3A_1616 : vector<1x16xf32> to vector<16xf32>
        %swap3A_1618 = vector.shape_cast %mul3A_1613 : vector<16xf32> to vector<1x16xf32>
        tpu.vector_store %arg10[%swap3A_1614, %swap3A_1615], %swap3A_1618 {strides = array<i32>} : memref<128x128xf32, #tpu.memory_space<vmem>>, vector<1x16xf32>,
        %get3A_1619 = arith.index_cast %add3A_1574 : i32 to index
        %get3A_1620 = arith.constant 64 : index
        %get3A_1621 = tpu.vector_load %arg10[%get3A_1619, %get3A_1620] {strides = array<i32>} : memref<128x128xf32, #tpu.memory_space<vmem>>, vector<1x16xf32>,
        %get3A_1622 = vector.shape_cast %get3A_1621 : vector<1x16xf32> to vector<16xf32>
        %mul3A_1623 = vector.broadcast %squeeze3A_1570 : f32 to vector<16xf32>
        %mul3A_1624 = arith.mulf %get3A_1622, %mul3A_1623 : vector<16xf32>
        %swap3A_1625 = arith.index_cast %add3A_1574 : i32 to index
        %swap3A_1626 = arith.constant 64 : index
        %swap3A_1627 = tpu.vector_load %arg10[%swap3A_1625, %swap3A_1626] {strides = array<i32>} : memref<128x128xf32, #tpu.memory_space<vmem>>, vector<1x16xf32>,
        %swap3A_1628 = vector.shape_cast %swap3A_1627 : vector<1x16xf32> to vector<16xf32>
        %swap3A_1629 = vector.shape_cast %mul3A_1624 : vector<16xf32> to vector<1x16xf32>
        tpu.vector_store %arg10[%swap3A_1625, %swap3A_1626], %swap3A_1629 {strides = array<i32>} : memref<128x128xf32, #tpu.memory_space<vmem>>, vector<1x16xf32>,
        %get3A_1630 = arith.index_cast %add3A_1574 : i32 to index
        %get3A_1631 = arith.constant 80 : index
        %get3A_1632 = tpu.vector_load %arg10[%get3A_1630, %get3A_1631] {strides = array<i32>} : memref<128x128xf32, #tpu.memory_space<vmem>>, vector<1x16xf32>,
        %get3A_1633 = vector.shape_cast %get3A_1632 : vector<1x16xf32> to vector<16xf32>
        %mul3A_1634 = vector.broadcast %squeeze3A_1570 : f32 to vector<16xf32>
        %mul3A_1635 = arith.mulf %get3A_1633, %mul3A_1634 : vector<16xf32>
        %swap3A_1636 = arith.index_cast %add3A_1574 : i32 to index
        %swap3A_1637 = arith.constant 80 : index
        %swap3A_1638 = tpu.vector_load %arg10[%swap3A_1636, %swap3A_1637] {strides = array<i32>} : memref<128x128xf32, #tpu.memory_space<vmem>>, vector<1x16xf32>,
        %swap3A_1639 = vector.shape_cast %swap3A_1638 : vector<1x16xf32> to vector<16xf32>
        %swap3A_1640 = vector.shape_cast %mul3A_1635 : vector<16xf32> to vector<1x16xf32>
        tpu.vector_store %arg10[%swap3A_1636, %swap3A_1637], %swap3A_1640 {strides = array<i32>} : memref<128x128xf32, #tpu.memory_space<vmem>>, vector<1x16xf32>,
        %get3A_1641 = arith.index_cast %add3A_1574 : i32 to index
        %get3A_1642 = arith.constant 96 : index
        %get3A_1643 = tpu.vector_load %arg10[%get3A_1641, %get3A_1642] {strides = array<i32>} : memref<128x128xf32, #tpu.memory_space<vmem>>, vector<1x16xf32>,
        %get3A_1644 = vector.shape_cast %get3A_1643 : vector<1x16xf32> to vector<16xf32>
        %mul3A_1645 = vector.broadcast %squeeze3A_1570 : f32 to vector<16xf32>
        %mul3A_1646 = arith.mulf %get3A_1644, %mul3A_1645 : vector<16xf32>
        %swap3A_1647 = arith.index_cast %add3A_1574 : i32 to index
        %swap3A_1648 = arith.constant 96 : index
        %swap3A_1649 = tpu.vector_load %arg10[%swap3A_1647, %swap3A_1648] {strides = array<i32>} : memref<128x128xf32, #tpu.memory_space<vmem>>, vector<1x16xf32>,
        %swap3A_1650 = vector.shape_cast %swap3A_1649 : vector<1x16xf32> to vector<16xf32>
        %swap3A_1651 = vector.shape_cast %mul3A_1646 : vector<16xf32> to vector<1x16xf32>
        tpu.vector_store %arg10[%swap3A_1647, %swap3A_1648], %swap3A_1651 {strides = array<i32>} : memref<128x128xf32, #tpu.memory_space<vmem>>, vector<1x16xf32>,
        %get3A_1652 = arith.index_cast %add3A_1574 : i32 to index
        %get3A_1653 = arith.constant 112 : index
        %get3A_1654 = tpu.vector_load %arg10[%get3A_1652, %get3A_1653] {strides = array<i32>} : memref<128x128xf32, #tpu.memory_space<vmem>>, vector<1x16xf32>,
        %get3A_1655 = vector.shape_cast %get3A_1654 : vector<1x16xf32> to vector<16xf32>
        %mul3A_1656 = vector.broadcast %squeeze3A_1570 : f32 to vector<16xf32>
        %mul3A_1657 = arith.mulf %get3A_1655, %mul3A_1656 : vector<16xf32>
        %swap3A_1658 = arith.index_cast %add3A_1574 : i32 to index
        %swap3A_1659 = arith.constant 112 : index
        %swap3A_1660 = tpu.vector_load %arg10[%swap3A_1658, %swap3A_1659] {strides = array<i32>} : memref<128x128xf32, #tpu.memory_space<vmem>>, vector<1x16xf32>,
        %swap3A_1661 = vector.shape_cast %swap3A_1660 : vector<1x16xf32> to vector<16xf32>
        %swap3A_1662 = vector.shape_cast %mul3A_1657 : vector<16xf32> to vector<1x16xf32>
        tpu.vector_store %arg10[%swap3A_1658, %swap3A_1659], %swap3A_1662 {strides = array<i32>} : memref<128x128xf32, #tpu.memory_space<vmem>>, vector<1x16xf32>,
      }
      %scan3A_145 = arith.constant 8 : i32
      %dma_start3A_146 = arith.constant 0 : i32
      %dma_start3A_147 = arith.constant 0 : i32
      %dma_start3A_148 = tpu.memref_slice %arg11[%dma_start3A_146, %dma_start3A_147] : memref<10112x128xf32, #tpu.memory_space<vmem_shared>> -> memref<10112x128xf32, #tpu.memory_space<vmem_shared>>
      tpu.enqueue_indirect_dma source(%arg10 : memref<128x128xf32, #tpu.memory_space<vmem>>) target(%dma_start3A_148 : memref<10112x128xf32, #tpu.memory_space<vmem_shared>>) offsets(%arg8 : memref<128xi32, #tpu.memory_space<vmem>>) semaphore(%arg12 : memref<!tpu.dma_semaphore, #tpu.memory_space<semaphore_mem>>) {add = true}
      %add3A_149 = arith.constant 1 : i32
      %add3A_150 = arith.addi %scan3A_134, %add3A_149 : i32
      %min3A = arith.constant 78 : i32
      %min3A_151 = arith.minsi %add3A_150, %min3A : i32
      %add3A_152 = arith.addi %mul3A_91, %min3A_151 : i32
      "tpu.region"() ({
        %run_scoped3A = tpu.sem_alloc : memref<!tpu.dma_semaphore, #tpu.memory_space<semaphore_mem>>
        %dma_start3A_157 = arith.constant 0 : i32
        %dma_start3A_158 = tpu.memref_slice %arg3[%add3A_152, %dma_start3A_157] : memref<5056x128xi32, #tpu.memory_space<hbm>> -> memref<1x128xi32, #tpu.memory_space<hbm>>
        %dma_start3A_159 = tpu.memref_squeeze %dma_start3A_158 : memref<1x128xi32, #tpu.memory_space<hbm>> -> memref<128xi32, #tpu.memory_space<hbm>>
        %dma_start3A_160 = arith.constant 0 : i32
        %dma_start3A_161 = tpu.memref_slice %arg3[%add3A_152, %dma_start3A_160] : memref<5056x128xi32, #tpu.memory_space<hbm>> -> memref<1x128xi32, #tpu.memory_space<hbm>>
        %dma_start3A_162 = tpu.memref_squeeze %dma_start3A_161 : memref<1x128xi32, #tpu.memory_space<hbm>> -> memref<128xi32, #tpu.memory_space<hbm>>
        tpu.enqueue_dma source(%dma_start3A_162 : memref<128xi32, #tpu.memory_space<hbm>>) target(%arg7 : memref<128xi32, #tpu.memory_space<vmem>>) target_semaphore(%run_scoped3A : memref<!tpu.dma_semaphore, #tpu.memory_space<semaphore_mem>>)
        %dma_wait3A_163 = arith.constant 0 : i32
        %dma_wait3A_164 = tpu.memref_slice %arg3[%add3A_152, %dma_wait3A_163] : memref<5056x128xi32, #tpu.memory_space<hbm>> -> memref<1x128xi32, #tpu.memory_space<hbm>>
        %dma_wait3A_165 = tpu.memref_squeeze %dma_wait3A_164 : memref<1x128xi32, #tpu.memory_space<hbm>> -> memref<128xi32, #tpu.memory_space<hbm>>
        %dma_wait3A_166 = arith.constant 0 : i32
        %dma_wait3A_167 = tpu.memref_slice %arg3[%add3A_152, %dma_wait3A_166] : memref<5056x128xi32, #tpu.memory_space<hbm>> -> memref<1x128xi32, #tpu.memory_space<hbm>>
        %dma_wait3A_168 = tpu.memref_squeeze %dma_wait3A_167 : memref<1x128xi32, #tpu.memory_space<hbm>> -> memref<128xi32, #tpu.memory_space<hbm>>
        tpu.wait_dma2 semaphore(%run_scoped3A : memref<!tpu.dma_semaphore, #tpu.memory_space<semaphore_mem>>) src(%dma_wait3A_168 : memref<128xi32, #tpu.memory_space<hbm>>) dst(%arg7 : memref<128xi32, #tpu.memory_space<vmem>>)
        tpu.yield
      }) : () -> ()
      %add3A_153 = arith.addi %mul3A_91, %min3A_151 : i32
      "tpu.region"() ({
        %run_scoped3A = tpu.sem_alloc : memref<!tpu.dma_semaphore, #tpu.memory_space<semaphore_mem>>
        %dma_start3A_157 = arith.constant 0 : i32
        %dma_start3A_158 = tpu.memref_slice %arg5[%add3A_153, %dma_start3A_157] : memref<5056x128xf32, #tpu.memory_space<hbm>> -> memref<1x128xf32, #tpu.memory_space<hbm>>
        %dma_start3A_159 = tpu.memref_squeeze %dma_start3A_158 : memref<1x128xf32, #tpu.memory_space<hbm>> -> memref<128xf32, #tpu.memory_space<hbm>>
        %dma_start3A_160 = arith.constant 0 : i32
        %dma_start3A_161 = tpu.memref_slice %arg5[%add3A_153, %dma_start3A_160] : memref<5056x128xf32, #tpu.memory_space<hbm>> -> memref<1x128xf32, #tpu.memory_space<hbm>>
        %dma_start3A_162 = tpu.memref_squeeze %dma_start3A_161 : memref<1x128xf32, #tpu.memory_space<hbm>> -> memref<128xf32, #tpu.memory_space<hbm>>
        tpu.enqueue_dma source(%dma_start3A_162 : memref<128xf32, #tpu.memory_space<hbm>>) target(%arg9 : memref<128xf32, #tpu.memory_space<vmem>>) target_semaphore(%run_scoped3A : memref<!tpu.dma_semaphore, #tpu.memory_space<semaphore_mem>>)
        %dma_wait3A_163 = arith.constant 0 : i32
        %dma_wait3A_164 = tpu.memref_slice %arg5[%add3A_153, %dma_wait3A_163] : memref<5056x128xf32, #tpu.memory_space<hbm>> -> memref<1x128xf32, #tpu.memory_space<hbm>>
        %dma_wait3A_165 = tpu.memref_squeeze %dma_wait3A_164 : memref<1x128xf32, #tpu.memory_space<hbm>> -> memref<128xf32, #tpu.memory_space<hbm>>
        %dma_wait3A_166 = arith.constant 0 : i32
        %dma_wait3A_167 = tpu.memref_slice %arg5[%add3A_153, %dma_wait3A_166] : memref<5056x128xf32, #tpu.memory_space<hbm>> -> memref<1x128xf32, #tpu.memory_space<hbm>>
        %dma_wait3A_168 = tpu.memref_squeeze %dma_wait3A_167 : memref<1x128xf32, #tpu.memory_space<hbm>> -> memref<128xf32, #tpu.memory_space<hbm>>
        tpu.wait_dma2 semaphore(%run_scoped3A : memref<!tpu.dma_semaphore, #tpu.memory_space<semaphore_mem>>) src(%dma_wait3A_168 : memref<128xf32, #tpu.memory_space<hbm>>) dst(%arg9 : memref<128xf32, #tpu.memory_space<vmem>>)
        tpu.yield
      }) : () -> ()
      %dma_wait3A_154 = arith.constant 0 : i32
      %dma_wait3A_155 = arith.constant 0 : i32
      %dma_wait3A_156 = tpu.memref_slice %arg11[%dma_wait3A_154, %dma_wait3A_155] : memref<10112x128xf32, #tpu.memory_space<vmem_shared>> -> memref<10112x128xf32, #tpu.memory_space<vmem_shared>>
      tpu.wait_indirect_dma semaphore(%arg12 : memref<!tpu.dma_semaphore, #tpu.memory_space<semaphore_mem>>) src(%arg10 : memref<128x128xf32, #tpu.memory_space<vmem>>) dst(%dma_wait3A_156 : memref<10112x128xf32, #tpu.memory_space<vmem_shared>>)
    }
    %scan3A_97 = arith.constant 79 : i32
    %barrier3A_98 = arith.constant 0 : index
    tpu.barrier barrier_id(%barrier3A_98)
    %add3A_99 = arith.constant 0 : i32
    %add3A_100 = arith.addi %mul3A_0, %add3A_99 : i32
    %mul3A_101 = arith.constant 10112 : i32
    %mul3A_102 = arith.muli %add3A_69, %mul3A_101 : i32
    %add3A_103 = arith.addi %mul3A_102, %mul3A_0 : i32
    %add3A_104 = arith.constant 0 : i32
    %add3A_105 = arith.addi %add3A_103, %add3A_104 : i32
    "tpu.region"() ({
      %run_scoped3A = tpu.sem_alloc : memref<!tpu.dma_semaphore, #tpu.memory_space<semaphore_mem>>
      %dma_start3A = arith.constant 0 : i32
      %dma_start3A_134 = tpu.memref_slice %arg6[%add3A_105, %dma_start3A] : memref<40448x128xf32, #tpu.memory_space<hbm>> -> memref<128x128xf32, #tpu.memory_space<hbm>>
      %dma_start3A_135 = arith.constant 0 : i32
      %dma_start3A_136 = tpu.memref_slice %arg11[%add3A_100, %dma_start3A_135] : memref<10112x128xf32, #tpu.memory_space<vmem_shared>> -> memref<128x128xf32, #tpu.memory_space<vmem_shared>>
      tpu.enqueue_dma source(%dma_start3A_136 : memref<128x128xf32, #tpu.memory_space<vmem_shared>>) target(%dma_start3A_134 : memref<128x128xf32, #tpu.memory_space<hbm>>) target_semaphore(%run_scoped3A : memref<!tpu.dma_semaphore, #tpu.memory_space<semaphore_mem>>)
      %dma_wait3A = arith.constant 0 : i32
      %dma_wait3A_137 = tpu.memref_slice %arg6[%add3A_105, %dma_wait3A] : memref<40448x128xf32, #tpu.memory_space<hbm>> -> memref<128x128xf32, #tpu.memory_space<hbm>>
      %dma_wait3A_138 = arith.constant 0 : i32
      %dma_wait3A_139 = tpu.memref_slice %arg11[%add3A_100, %dma_wait3A_138] : memref<10112x128xf32, #tpu.memory_space<vmem_shared>> -> memref<128x128xf32, #tpu.memory_space<vmem_shared>>
      tpu.wait_dma2 semaphore(%run_scoped3A : memref<!tpu.dma_semaphore, #tpu.memory_space<semaphore_mem>>) src(%dma_wait3A_139 : memref<128x128xf32, #tpu.memory_space<vmem_shared>>) dst(%dma_wait3A_137 : memref<128x128xf32, #tpu.memory_space<hbm>>)
      tpu.yield
    }) : () -> ()
    %add3A_106 = arith.constant 128 : i32
    %add3A_107 = arith.addi %mul3A_0, %add3A_106 : i32
    %mul3A_108 = arith.constant 10112 : i32
    %mul3A_109 = arith.muli %add3A_69, %mul3A_108 : i32
    %add3A_110 = arith.addi %mul3A_109, %mul3A_0 : i32
    %add3A_111 = arith.constant 128 : i32
    %add3A_112 = arith.addi %add3A_110, %add3A_111 : i32
    "tpu.region"() ({
      %run_scoped3A = tpu.sem_alloc : memref<!tpu.dma_semaphore, #tpu.memory_space<semaphore_mem>>
      %dma_start3A = arith.constant 0 : i32
      %dma_start3A_134 = tpu.memref_slice %arg6[%add3A_112, %dma_start3A] : memref<40448x128xf32, #tpu.memory_space<hbm>> -> memref<128x128xf32, #tpu.memory_space<hbm>>
      %dma_start3A_135 = arith.constant 0 : i32
      %dma_start3A_136 = tpu.memref_slice %arg11[%add3A_107, %dma_start3A_135] : memref<10112x128xf32, #tpu.memory_space<vmem_shared>> -> memref<128x128xf32, #tpu.memory_space<vmem_shared>>
      tpu.enqueue_dma source(%dma_start3A_136 : memref<128x128xf32, #tpu.memory_space<vmem_shared>>) target(%dma_start3A_134 : memref<128x128xf32, #tpu.memory_space<hbm>>) target_semaphore(%run_scoped3A : memref<!tpu.dma_semaphore, #tpu.memory_space<semaphore_mem>>)
      %dma_wait3A = arith.constant 0 : i32
      %dma_wait3A_137 = tpu.memref_slice %arg6[%add3A_112, %dma_wait3A] : memref<40448x128xf32, #tpu.memory_space<hbm>> -> memref<128x128xf32, #tpu.memory_space<hbm>>
      %dma_wait3A_138 = arith.constant 0 : i32
      %dma_wait3A_139 = tpu.memref_slice %arg11[%add3A_107, %dma_wait3A_138] : memref<10112x128xf32, #tpu.memory_space<vmem_shared>> -> memref<128x128xf32, #tpu.memory_space<vmem_shared>>
      tpu.wait_dma2 semaphore(%run_scoped3A : memref<!tpu.dma_semaphore, #tpu.memory_space<semaphore_mem>>) src(%dma_wait3A_139 : memref<128x128xf32, #tpu.memory_space<vmem_shared>>) dst(%dma_wait3A_137 : memref<128x128xf32, #tpu.memory_space<hbm>>)
      tpu.yield
    }) : () -> ()
    %add3A_113 = arith.constant 256 : i32
    %add3A_114 = arith.addi %mul3A_0, %add3A_113 : i32
    %mul3A_115 = arith.constant 10112 : i32
    %mul3A_116 = arith.muli %add3A_69, %mul3A_115 : i32
    %add3A_117 = arith.addi %mul3A_116, %mul3A_0 : i32
    %add3A_118 = arith.constant 256 : i32
    %add3A_119 = arith.addi %add3A_117, %add3A_118 : i32
    "tpu.region"() ({
      %run_scoped3A = tpu.sem_alloc : memref<!tpu.dma_semaphore, #tpu.memory_space<semaphore_mem>>
      %dma_start3A = arith.constant 0 : i32
      %dma_start3A_134 = tpu.memref_slice %arg6[%add3A_119, %dma_start3A] : memref<40448x128xf32, #tpu.memory_space<hbm>> -> memref<128x128xf32, #tpu.memory_space<hbm>>
      %dma_start3A_135 = arith.constant 0 : i32
      %dma_start3A_136 = tpu.memref_slice %arg11[%add3A_114, %dma_start3A_135] : memref<10112x128xf32, #tpu.memory_space<vmem_shared>> -> memref<128x128xf32, #tpu.memory_space<vmem_shared>>
      tpu.enqueue_dma source(%dma_start3A_136 : memref<128x128xf32, #tpu.memory_space<vmem_shared>>) target(%dma_start3A_134 : memref<128x128xf32, #tpu.memory_space<hbm>>) target_semaphore(%run_scoped3A : memref<!tpu.dma_semaphore, #tpu.memory_space<semaphore_mem>>)
      %dma_wait3A = arith.constant 0 : i32
      %dma_wait3A_137 = tpu.memref_slice %arg6[%add3A_119, %dma_wait3A] : memref<40448x128xf32, #tpu.memory_space<hbm>> -> memref<128x128xf32, #tpu.memory_space<hbm>>
      %dma_wait3A_138 = arith.constant 0 : i32
      %dma_wait3A_139 = tpu.memref_slice %arg11[%add3A_114, %dma_wait3A_138] : memref<10112x128xf32, #tpu.memory_space<vmem_shared>> -> memref<128x128xf32, #tpu.memory_space<vmem_shared>>
      tpu.wait_dma2 semaphore(%run_scoped3A : memref<!tpu.dma_semaphore, #tpu.memory_space<semaphore_mem>>) src(%dma_wait3A_139 : memref<128x128xf32, #tpu.memory_space<vmem_shared>>) dst(%dma_wait3A_137 : memref<128x128xf32, #tpu.memory_space<hbm>>)
      tpu.yield
    }) : () -> ()
    %add3A_120 = arith.constant 384 : i32
    %add3A_121 = arith.addi %mul3A_0, %add3A_120 : i32
    %mul3A_122 = arith.constant 10112 : i32
    %mul3A_123 = arith.muli %add3A_69, %mul3A_122 : i32
    %add3A_124 = arith.addi %mul3A_123, %mul3A_0 : i32
    %add3A_125 = arith.constant 384 : i32
    %add3A_126 = arith.addi %add3A_124, %add3A_125 : i32
    "tpu.region"() ({
      %run_scoped3A = tpu.sem_alloc : memref<!tpu.dma_semaphore, #tpu.memory_space<semaphore_mem>>
      %dma_start3A = arith.constant 0 : i32
      %dma_start3A_134 = tpu.memref_slice %arg6[%add3A_126, %dma_start3A] : memref<40448x128xf32, #tpu.memory_space<hbm>> -> memref<128x128xf32, #tpu.memory_space<hbm>>
      %dma_start3A_135 = arith.constant 0 : i32
      %dma_start3A_136 = tpu.memref_slice %arg11[%add3A_121, %dma_start3A_135] : memref<10112x128xf32, #tpu.memory_space<vmem_shared>> -> memref<128x128xf32, #tpu.memory_space<vmem_shared>>
      tpu.enqueue_dma source(%dma_start3A_136 : memref<128x128xf32, #tpu.memory_space<vmem_shared>>) target(%dma_start3A_134 : memref<128x128xf32, #tpu.memory_space<hbm>>) target_semaphore(%run_scoped3A : memref<!tpu.dma_semaphore, #tpu.memory_space<semaphore_mem>>)
      %dma_wait3A = arith.constant 0 : i32
      %dma_wait3A_137 = tpu.memref_slice %arg6[%add3A_126, %dma_wait3A] : memref<40448x128xf32, #tpu.memory_space<hbm>> -> memref<128x128xf32, #tpu.memory_space<hbm>>
      %dma_wait3A_138 = arith.constant 0 : i32
      %dma_wait3A_139 = tpu.memref_slice %arg11[%add3A_121, %dma_wait3A_138] : memref<10112x128xf32, #tpu.memory_space<vmem_shared>> -> memref<128x128xf32, #tpu.memory_space<vmem_shared>>
      tpu.wait_dma2 semaphore(%run_scoped3A : memref<!tpu.dma_semaphore, #tpu.memory_space<semaphore_mem>>) src(%dma_wait3A_139 : memref<128x128xf32, #tpu.memory_space<vmem_shared>>) dst(%dma_wait3A_137 : memref<128x128xf32, #tpu.memory_space<hbm>>)
      tpu.yield
    }) : () -> ()
    %add3A_127 = arith.constant 512 : i32
    %add3A_128 = arith.addi %mul3A_0, %add3A_127 : i32
    %mul3A_129 = arith.constant 10112 : i32
    %mul3A_130 = arith.muli %add3A_69, %mul3A_129 : i32
    %add3A_131 = arith.addi %mul3A_130, %mul3A_0 : i32
    %add3A_132 = arith.constant 512 : i32
    %add3A_133 = arith.addi %add3A_131, %add3A_132 : i32
    "tpu.region"() ({
      %run_scoped3A = tpu.sem_alloc : memref<!tpu.dma_semaphore, #tpu.memory_space<semaphore_mem>>
      %dma_start3A = arith.constant 0 : i32
      %dma_start3A_134 = tpu.memref_slice %arg6[%add3A_133, %dma_start3A] : memref<40448x128xf32, #tpu.memory_space<hbm>> -> memref<120x128xf32, #tpu.memory_space<hbm>>
      %dma_start3A_135 = arith.constant 0 : i32
      %dma_start3A_136 = tpu.memref_slice %arg11[%add3A_128, %dma_start3A_135] : memref<10112x128xf32, #tpu.memory_space<vmem_shared>> -> memref<120x128xf32, #tpu.memory_space<vmem_shared>>
      tpu.enqueue_dma source(%dma_start3A_136 : memref<120x128xf32, #tpu.memory_space<vmem_shared>>) target(%dma_start3A_134 : memref<120x128xf32, #tpu.memory_space<hbm>>) target_semaphore(%run_scoped3A : memref<!tpu.dma_semaphore, #tpu.memory_space<semaphore_mem>>)
      %dma_wait3A = arith.constant 0 : i32
      %dma_wait3A_137 = tpu.memref_slice %arg6[%add3A_133, %dma_wait3A] : memref<40448x128xf32, #tpu.memory_space<hbm>> -> memref<120x128xf32, #tpu.memory_space<hbm>>
      %dma_wait3A_138 = arith.constant 0 : i32
      %dma_wait3A_139 = tpu.memref_slice %arg11[%add3A_128, %dma_wait3A_138] : memref<10112x128xf32, #tpu.memory_space<vmem_shared>> -> memref<120x128xf32, #tpu.memory_space<vmem_shared>>
      tpu.wait_dma2 semaphore(%run_scoped3A : memref<!tpu.dma_semaphore, #tpu.memory_space<semaphore_mem>>) src(%dma_wait3A_139 : memref<120x128xf32, #tpu.memory_space<vmem_shared>>) dst(%dma_wait3A_137 : memref<120x128xf32, #tpu.memory_space<hbm>>)
      tpu.yield
    }) : () -> ()
    return
  }
}

module attributes {stable_mosaic.version = 14 : i64} {
  func.func @body(%arg0: i32, %arg1: memref<4x1000x128xf32, #tpu.memory_space<vmem>>, %arg2: memref<4x128x128xf32, #tpu.memory_space<vmem>>, %arg3: memref<128x128xf32, #tpu.memory_space<vmem>>, %arg4: memref<1x128xf32, #tpu.memory_space<vmem>>, %arg5: memref<1x128xf32, #tpu.memory_space<vmem>>, %arg6: memref<1x128xf32, #tpu.memory_space<vmem>>, %arg7: memref<1000x128xf32, #tpu.memory_space<vmem>>) attributes {dimension_semantics = [#tpu.dimension_semantics<arbitrary>], iteration_bounds = array<i64: 10>, scalar_prefetch = 0 : i64, scratch_operands = 0 : i64, tpu.core_type = #tpu.core_type<tc>, window_params = [{transform_indices = @transform_0, window_bounds = array<i64: 4, 1000, 128>}, {pipeline_mode = #tpu.pipeline_mode<synchronous>, transform_indices = @transform_1, window_bounds = array<i64: 4, 128, 128>}, {pipeline_mode = #tpu.pipeline_mode<synchronous>, transform_indices = @transform_2, window_bounds = array<i64: 128, 128>}, {pipeline_mode = #tpu.pipeline_mode<synchronous>, transform_indices = @transform_3, window_bounds = array<i64: 1, 128>}, {pipeline_mode = #tpu.pipeline_mode<synchronous>, transform_indices = @transform_4, window_bounds = array<i64: 1, 128>}, {pipeline_mode = #tpu.pipeline_mode<synchronous>, transform_indices = @transform_5, window_bounds = array<i64: 1, 128>}, {transform_indices = @transform_6, window_bounds = array<i64: 1000, 128>}]} {
    %get3A = arith.constant 0 : index
    %get3A_0 = arith.constant 0 : index
    %get3A_1 = arith.constant 0 : index
    %get3A_2 = vector.load %arg1[%get3A, %get3A_0, %get3A_1] : memref<4x1000x128xf32, #tpu.memory_space<vmem>>, vector<1x1000x128xf32>
    %get3A_3 = vector.shape_cast %get3A_2 : vector<1x1000x128xf32> to vector<1000x128xf32>
    %get3A_4 = arith.constant 1 : index
    %get3A_5 = arith.constant 0 : index
    %get3A_6 = arith.constant 0 : index
    %get3A_7 = vector.load %arg1[%get3A_4, %get3A_5, %get3A_6] : memref<4x1000x128xf32, #tpu.memory_space<vmem>>, vector<1x1000x128xf32>
    %get3A_8 = vector.shape_cast %get3A_7 : vector<1x1000x128xf32> to vector<1000x128xf32>
    %add3A = arith.addf %get3A_3, %get3A_8 : vector<1000x128xf32>
    %get3A_9 = arith.constant 2 : index
    %get3A_10 = arith.constant 0 : index
    %get3A_11 = arith.constant 0 : index
    %get3A_12 = vector.load %arg1[%get3A_9, %get3A_10, %get3A_11] : memref<4x1000x128xf32, #tpu.memory_space<vmem>>, vector<1x1000x128xf32>
    %get3A_13 = vector.shape_cast %get3A_12 : vector<1x1000x128xf32> to vector<1000x128xf32>
    %add3A_14 = arith.addf %add3A, %get3A_13 : vector<1000x128xf32>
    %get3A_15 = arith.constant 3 : index
    %get3A_16 = arith.constant 0 : index
    %get3A_17 = arith.constant 0 : index
    %get3A_18 = vector.load %arg1[%get3A_15, %get3A_16, %get3A_17] : memref<4x1000x128xf32, #tpu.memory_space<vmem>>, vector<1x1000x128xf32>
    %get3A_19 = vector.shape_cast %get3A_18 : vector<1x1000x128xf32> to vector<1000x128xf32>
    %add3A_20 = arith.addf %add3A_14, %get3A_19 : vector<1000x128xf32>
    %reduce_sum3A = arith.constant dense<0.000000e+00> : vector<1000xf32>
    %reduce_sum3A_21 = vector.multi_reduction <add>, %add3A_20, %reduce_sum3A [1] : vector<1000x128xf32> to vector<1000xf32>
    %broadcast_in_dim3A = vector.shape_cast %reduce_sum3A_21 : vector<1000xf32> to vector<1000x1xf32>
    %div3A = arith.constant 1.280000e+02 : f32
    %div3A_22 = vector.broadcast %div3A : f32 to vector<1000x1xf32>
    %div3A_23 = arith.divf %broadcast_in_dim3A, %div3A_22 : vector<1000x1xf32>
    %sub3A = vector.broadcast %div3A_23 : vector<1000x1xf32> to vector<1000x128xf32>
    %sub3A_24 = arith.subf %add3A_20, %sub3A : vector<1000x128xf32>
    %mul3A = arith.mulf %sub3A_24, %sub3A_24 : vector<1000x128xf32>
    %reduce_sum3A_25 = arith.constant dense<0.000000e+00> : vector<1000xf32>
    %reduce_sum3A_26 = vector.multi_reduction <add>, %mul3A, %reduce_sum3A_25 [1] : vector<1000x128xf32> to vector<1000xf32>
    %broadcast_in_dim3A_27 = vector.shape_cast %reduce_sum3A_26 : vector<1000xf32> to vector<1000x1xf32>
    %div3A_28 = arith.constant 1.280000e+02 : f32
    %div3A_29 = vector.broadcast %div3A_28 : f32 to vector<1000x1xf32>
    %div3A_30 = arith.divf %broadcast_in_dim3A_27, %div3A_29 : vector<1000x1xf32>
    %add3A_31 = arith.constant 9.99999997E-7 : f32
    %add3A_32 = vector.broadcast %add3A_31 : f32 to vector<1000x1xf32>
    %add3A_33 = arith.addf %div3A_30, %add3A_32 : vector<1000x1xf32>
    %rsqrt3A = math.rsqrt %add3A_33 : vector<1000x1xf32>
    %mul3A_34 = vector.broadcast %rsqrt3A : vector<1000x1xf32> to vector<1000x128xf32>
    %mul3A_35 = arith.mulf %sub3A_24, %mul3A_34 : vector<1000x128xf32>
    %get3A_36 = arith.constant 0 : index
    %get3A_37 = arith.constant 0 : index
    %get3A_38 = vector.load %arg5[%get3A_36, %get3A_37] : memref<1x128xf32, #tpu.memory_space<vmem>>, vector<1x128xf32>
    %mul3A_39 = vector.broadcast %get3A_38 : vector<1x128xf32> to vector<1000x128xf32>
    %mul3A_40 = arith.mulf %mul3A_35, %mul3A_39 : vector<1000x128xf32>
    %get3A_41 = arith.constant 0 : index
    %get3A_42 = arith.constant 0 : index
    %get3A_43 = vector.load %arg6[%get3A_41, %get3A_42] : memref<1x128xf32, #tpu.memory_space<vmem>>, vector<1x128xf32>
    %add3A_44 = vector.broadcast %get3A_43 : vector<1x128xf32> to vector<1000x128xf32>
    %add3A_45 = arith.addf %mul3A_40, %add3A_44 : vector<1000x128xf32>
    %get3A_46 = arith.constant 0 : index
    %get3A_47 = arith.constant 0 : index
    %get3A_48 = vector.load %arg3[%get3A_46, %get3A_47] : memref<128x128xf32, #tpu.memory_space<vmem>>, vector<128x128xf32>
    %dot_general3A = arith.constant dense<0.000000e+00> : vector<1000x128xf32>
    %dot_general3A_49 = tpu.matmul %add3A_45, %get3A_48, %dot_general3A {dimension_numbers = #tpu.dot_dimension_numbers<[1], [0], [0], [1], [0, 0, 1, 1], [], []>, transpose_lhs_hint = false} : vector<1000x128xf32>, vector<128x128xf32>, vector<1000x128xf32> -> vector<1000x128xf32>
    %get3A_50 = arith.constant 0 : index
    %get3A_51 = arith.constant 0 : index
    %get3A_52 = arith.constant 0 : index
    %get3A_53 = vector.load %arg1[%get3A_50, %get3A_51, %get3A_52] : memref<4x1000x128xf32, #tpu.memory_space<vmem>>, vector<1x1000x128xf32>
    %get3A_54 = vector.shape_cast %get3A_53 : vector<1x1000x128xf32> to vector<1000x128xf32>
    %get3A_55 = arith.constant 0 : index
    %get3A_56 = arith.constant 0 : index
    %get3A_57 = arith.constant 0 : index
    %get3A_58 = vector.load %arg2[%get3A_55, %get3A_56, %get3A_57] : memref<4x128x128xf32, #tpu.memory_space<vmem>>, vector<1x128x128xf32>
    %get3A_59 = vector.shape_cast %get3A_58 : vector<1x128x128xf32> to vector<128x128xf32>
    %dot_general3A_60 = arith.constant dense<0.000000e+00> : vector<1000x128xf32>
    %dot_general3A_61 = tpu.matmul %get3A_54, %get3A_59, %dot_general3A_60 {dimension_numbers = #tpu.dot_dimension_numbers<[1], [0], [0], [1], [0, 0, 1, 1], [], []>, transpose_lhs_hint = false} : vector<1000x128xf32>, vector<128x128xf32>, vector<1000x128xf32> -> vector<1000x128xf32>
    %add3A_62 = arith.addf %dot_general3A_49, %dot_general3A_61 : vector<1000x128xf32>
    %get3A_63 = arith.constant 1 : index
    %get3A_64 = arith.constant 0 : index
    %get3A_65 = arith.constant 0 : index
    %get3A_66 = vector.load %arg1[%get3A_63, %get3A_64, %get3A_65] : memref<4x1000x128xf32, #tpu.memory_space<vmem>>, vector<1x1000x128xf32>
    %get3A_67 = vector.shape_cast %get3A_66 : vector<1x1000x128xf32> to vector<1000x128xf32>
    %get3A_68 = arith.constant 1 : index
    %get3A_69 = arith.constant 0 : index
    %get3A_70 = arith.constant 0 : index
    %get3A_71 = vector.load %arg2[%get3A_68, %get3A_69, %get3A_70] : memref<4x128x128xf32, #tpu.memory_space<vmem>>, vector<1x128x128xf32>
    %get3A_72 = vector.shape_cast %get3A_71 : vector<1x128x128xf32> to vector<128x128xf32>
    %dot_general3A_73 = arith.constant dense<0.000000e+00> : vector<1000x128xf32>
    %dot_general3A_74 = tpu.matmul %get3A_67, %get3A_72, %dot_general3A_73 {dimension_numbers = #tpu.dot_dimension_numbers<[1], [0], [0], [1], [0, 0, 1, 1], [], []>, transpose_lhs_hint = false} : vector<1000x128xf32>, vector<128x128xf32>, vector<1000x128xf32> -> vector<1000x128xf32>
    %add3A_75 = arith.addf %add3A_62, %dot_general3A_74 : vector<1000x128xf32>
    %get3A_76 = arith.constant 2 : index
    %get3A_77 = arith.constant 0 : index
    %get3A_78 = arith.constant 0 : index
    %get3A_79 = vector.load %arg1[%get3A_76, %get3A_77, %get3A_78] : memref<4x1000x128xf32, #tpu.memory_space<vmem>>, vector<1x1000x128xf32>
    %get3A_80 = vector.shape_cast %get3A_79 : vector<1x1000x128xf32> to vector<1000x128xf32>
    %get3A_81 = arith.constant 2 : index
    %get3A_82 = arith.constant 0 : index
    %get3A_83 = arith.constant 0 : index
    %get3A_84 = vector.load %arg2[%get3A_81, %get3A_82, %get3A_83] : memref<4x128x128xf32, #tpu.memory_space<vmem>>, vector<1x128x128xf32>
    %get3A_85 = vector.shape_cast %get3A_84 : vector<1x128x128xf32> to vector<128x128xf32>
    %dot_general3A_86 = arith.constant dense<0.000000e+00> : vector<1000x128xf32>
    %dot_general3A_87 = tpu.matmul %get3A_80, %get3A_85, %dot_general3A_86 {dimension_numbers = #tpu.dot_dimension_numbers<[1], [0], [0], [1], [0, 0, 1, 1], [], []>, transpose_lhs_hint = false} : vector<1000x128xf32>, vector<128x128xf32>, vector<1000x128xf32> -> vector<1000x128xf32>
    %add3A_88 = arith.addf %add3A_75, %dot_general3A_87 : vector<1000x128xf32>
    %get3A_89 = arith.constant 3 : index
    %get3A_90 = arith.constant 0 : index
    %get3A_91 = arith.constant 0 : index
    %get3A_92 = vector.load %arg1[%get3A_89, %get3A_90, %get3A_91] : memref<4x1000x128xf32, #tpu.memory_space<vmem>>, vector<1x1000x128xf32>
    %get3A_93 = vector.shape_cast %get3A_92 : vector<1x1000x128xf32> to vector<1000x128xf32>
    %get3A_94 = arith.constant 3 : index
    %get3A_95 = arith.constant 0 : index
    %get3A_96 = arith.constant 0 : index
    %get3A_97 = vector.load %arg2[%get3A_94, %get3A_95, %get3A_96] : memref<4x128x128xf32, #tpu.memory_space<vmem>>, vector<1x128x128xf32>
    %get3A_98 = vector.shape_cast %get3A_97 : vector<1x128x128xf32> to vector<128x128xf32>
    %dot_general3A_99 = arith.constant dense<0.000000e+00> : vector<1000x128xf32>
    %dot_general3A_100 = tpu.matmul %get3A_93, %get3A_98, %dot_general3A_99 {dimension_numbers = #tpu.dot_dimension_numbers<[1], [0], [0], [1], [0, 0, 1, 1], [], []>, transpose_lhs_hint = false} : vector<1000x128xf32>, vector<128x128xf32>, vector<1000x128xf32> -> vector<1000x128xf32>
    %add3A_101 = arith.addf %add3A_88, %dot_general3A_100 : vector<1000x128xf32>
    %mul3A_102 = arith.constant 5.000000e-01 : f32
    %mul3A_103 = vector.broadcast %mul3A_102 : f32 to vector<1000x128xf32>
    %mul3A_104 = arith.mulf %add3A_101, %mul3A_103 : vector<1000x128xf32>
    %get3A_105 = arith.constant 0 : index
    %get3A_106 = arith.constant 0 : index
    %get3A_107 = vector.load %arg4[%get3A_105, %get3A_106] : memref<1x128xf32, #tpu.memory_space<vmem>>, vector<1x128xf32>
    %add3A_108 = vector.broadcast %get3A_107 : vector<1x128xf32> to vector<1000x128xf32>
    %add3A_109 = arith.addf %mul3A_104, %add3A_108 : vector<1000x128xf32>
    %swap3A = arith.constant 0 : index
    %swap3A_110 = arith.constant 0 : index
    %swap3A_111 = vector.load %arg7[%swap3A, %swap3A_110] : memref<1000x128xf32, #tpu.memory_space<vmem>>, vector<1000x128xf32>
    tpu.vector_store %arg7[%swap3A, %swap3A_110], %add3A_109 {strides = array<i32>} : memref<1000x128xf32, #tpu.memory_space<vmem>>, vector<1000x128xf32>,
    return
  }
  func.func @transform_0(%arg0: i32) -> (i32, i32, i32) {
    %c0_i32 = arith.constant 0 : i32
    %c0_i32_0 = arith.constant 0 : i32
    %c0_i32_1 = arith.constant 0 : i32
    return %c0_i32, %arg0, %c0_i32_0 : i32, i32, i32
  }
  func.func @transform_1(%arg0: i32) -> (i32, i32, i32) {
    %c0_i32 = arith.constant 0 : i32
    %c0_i32_0 = arith.constant 0 : i32
    %c0_i32_1 = arith.constant 0 : i32
    %c0_i32_2 = arith.constant 0 : i32
    return %c0_i32, %c0_i32_0, %c0_i32_1 : i32, i32, i32
  }
  func.func @transform_2(%arg0: i32) -> (i32, i32) {
    %c0_i32 = arith.constant 0 : i32
    %c0_i32_0 = arith.constant 0 : i32
    %c0_i32_1 = arith.constant 0 : i32
    return %c0_i32, %c0_i32_0 : i32, i32
  }
  func.func @transform_3(%arg0: i32) -> (i32, i32) {
    %c0_i32 = arith.constant 0 : i32
    %c0_i32_0 = arith.constant 0 : i32
    %c0_i32_1 = arith.constant 0 : i32
    return %c0_i32, %c0_i32_0 : i32, i32
  }
  func.func @transform_4(%arg0: i32) -> (i32, i32) {
    %c0_i32 = arith.constant 0 : i32
    %c0_i32_0 = arith.constant 0 : i32
    %c0_i32_1 = arith.constant 0 : i32
    return %c0_i32, %c0_i32_0 : i32, i32
  }
  func.func @transform_5(%arg0: i32) -> (i32, i32) {
    %c0_i32 = arith.constant 0 : i32
    %c0_i32_0 = arith.constant 0 : i32
    %c0_i32_1 = arith.constant 0 : i32
    return %c0_i32, %c0_i32_0 : i32, i32
  }
  func.func @transform_6(%arg0: i32) -> (i32, i32) {
    %c0_i32 = arith.constant 0 : i32
    %c0_i32_0 = arith.constant 0 : i32
    return %arg0, %c0_i32 : i32, i32
  }
}

</mosaic_0001>

<sc_bundles>
// kernel: kernel.4.cloned.1.call-start
scs
__scs_entry_jumppad:
0x0: {  	(pc) =	sbr.rel $0x88, $3  }
0x1: {  	(tag) =	ssettag $0x0;
	lr =	simm.s32 $0x1  }
0x2: {  	[smem:$0x3F99] =	sst lr;
	_ =	strace $0xD0000000  }
0x3: {  	_ = 	snop  }
0x4: {  	_ = 	snop  }
0x5: {  	_ = 	snop  }
0x6: {  	_ = 	snop  }
0x7: {  	_ = 	snop  }
__scs_overlays_trampoline_lowered:
0x8: {  	[smem:$0x3FA8] =	sst s0  }
0x9: {  	[smem:$0x3FA9] =	sst s1  }
0xa: {  	[smem:$0x3FAA] =	sst s2  }
0xb: {  	[smem:$0x3FAB] =	sst s3  }
0xc: {  	[smem:$0x3FAC] =	sst s4  }
0xd: {  	[smem:$0x3FAD] =	sst s5  }
0xe: {  	[smem:$0x3FAE] =	sst s6  }
0xf: {  	[smem:$0x3FAF] =	sst s7  }
0x10: {  	[smem:$0x3FB0] =	sst s8  }
0x11: {  	[smem:$0x3FB1] =	sst s9;
	s0 =	simm.s32 @!p0 $0x0  }
0x12: {  	s1 =	sld [smem:$0x3F97];
	s0 =	simm.s32 @p0 $0x1  }
0x13: {  	[smem:$0x3FB2] =	sst s0;
	s0 =	simm.s32 @!p1 $0x0  }
0x14: {  	s2 =	sld [smem:$0x3F96];
	s0 =	simm.s32 @p1 $0x1  }
0x15: {  	[smem:$0x3FB3] =	sst s0;
	s0 =	simm.s32 @!p2 $0x0  }
0x16: {  	s3 =	sld [smem:$0x3FDB];
	s0 =	simm.s32 @p2 $0x1  }
0x17: {  	s4 =	simm.s32 $0x1BF5;
	[smem:$0x3FB5] =	sst s0  }
0x18: {  	s0 =	sld [smem:$0x3F98];
	_ =	swait.ge [sflag:s4], $0x0  }
0x19: {  	s7 =	sld [smem:$0x3F99]  }
0x1a: {  	s8 =	sadd.s32 $0xFFFFE003, lr  }
0x1b: {  	s9 =	sadd.s32 $0xFFFFFEF7, lr;
	s5 =	simm.s32 $0xFFFFFFFF;
	p2 =	slt.u32 s8, $0xFFFFF086  }
0x1c: {  	p1 =	slt.u32 s9, $0xF7A;
	s5 =	simm.s32 @!p2 $0x0  }
0x1d: {  	s5 =	simm.s32 @p1 $0x1;
	p0 =	seq.s32 s7, s2  }
0x1e: {  	s7 =	smul.u32 @!p0 $0xF7A, s2;
	p2 =	seq.s32 @!p0 s5, $0x0  }
0x1f: {  	s9 =	smul.u32 $0xF7A, s1;
	s8 =	simm.s32 @!p0 $0x1BF5;
	p2 =	por !p2, p0  }
0x20: {  	[sflag:s8] =	ssyncset.s32 @!p0 $0xFFFFF086;
	s6 =	sadd.s32 @!p0 s3, s7;
	s7 =	simm.s32 @!p0 $0x108  }
0x21: {  	s3 =	sadd.s32 s3, s9;
	s6 =	sadd.s32 @!p0 $0x88, s6;
	s7 =	simm.s32 @p2 $0x1082  }
0x22: {  	[simem:s7], [sflag:s8] =	dma.local @!p0 [hbm:s6], $0xF7A  }
0x23: {  	s9 =	sor.u32 $0xD0000000, s2;
	s6 =	simm.s32 $0x108;
	_ =	swait.ge @!p0 [sflag:s8], $0x0  }
0x24: {  	s3 =	sadd.s32 $0x88, s3;
	s6 =	simm.s32 @!p1 $0x1082;
	[sflag:s4] =	ssyncset.s32 $0xFFFFF086  }
0x25: {  	[simem:s6], [sflag:s4] =	dma.local [hbm:s3], $0xF7A  }
0x26: {  	[smem:$0x3F99] =	sst s1;
	(tag) =	ssettag s2;
	_ =	strace s9  }
0x27: {  	s1 =	sld [smem:$0x3FA9]  }
0x28: {  	s2 =	sld [smem:$0x3FAA]  }
0x29: {  	s4 =	sld [smem:$0x3FAC]  }
0x2a: {  	p0 =	seq.s32 s5, $0x0;
	s5 =	sld [smem:$0x3FAD]  }
0x2b: {  	s6 =	sld [smem:$0x3FAE]  }
0x2c: {  	s7 =	sld [smem:$0x3FAF]  }
0x2d: {  	s3 =	simm.s32 $0x108;
	s8 =	sld [smem:$0x3FB0]  }
0x2e: {  	s3 =	simm.s32 @!p0 $0x1082;
	s9 =	sld [smem:$0x3FB1]  }
0x2f: {  	lr =	sadd.s32 s0, s3;
	s0 =	sld [smem:$0x3FA8]  }
0x30: {  	s3 =	sld [smem:$0x3FAB]  }
0x31: {  	[smem:$0x3FB4] =	sst s10  }
0x32: {  	s10 =	sld [smem:$0x3FB2];
	_ =	sdelay $0x3  }
0x33: {  	p0 =	seq.s32 s10, $0x1;
	s10 =	sld [smem:$0x3FB4];
	_ =	sdelay $0x3  }
0x34: {  	[smem:$0x3FB4] =	sst s10  }
0x35: {  	s10 =	sld [smem:$0x3FB3];
	_ =	sdelay $0x3  }
0x36: {  	p1 =	seq.s32 s10, $0x1;
	s10 =	sld [smem:$0x3FB4];
	_ =	sdelay $0x3  }
0x37: {  	[smem:$0x3FB4] =	sst s10  }
0x38: {  	s10 =	sld [smem:$0x3FB5]  }
0x39: {  	_ = 	snop;
	(pc) =	sbr.ind lr, $3  }
0x3a: {  	_ = 	snop  }
0x3b: {  	_ = 	snop  }
0x3c: {  	p2 =	seq.s32 s10, $0x1;
	s10 =	sld [smem:$0x3FB4]  }
0x3d: {  	_ =	shalt  }
0x3e: {  	_ =	shalt  }
0x3f: {  	_ =	shalt  }
0x40: {  	_ =	shalt  }
0x41: {  	_ =	shalt  }
0x42: {  	_ =	shalt  }
0x43: {  	_ =	shalt  }
0x44: {  	_ =	shalt  }
0x45: {  	_ =	shalt  }
0x46: {  	_ =	shalt  }
0x47: {  	_ =	shalt  }
0x48: {  	_ =	shalt  }
0x49: {  	_ =	shalt  }
0x4a: {  	_ =	shalt  }
0x4b: {  	_ =	shalt  }
0x4c: {  	_ =	shalt  }
0x4d: {  	_ =	shalt  }
0x4e: {  	_ =	shalt  }
0x4f: {  	_ =	shalt  }
0x50: {  	_ =	shalt  }
0x51: {  	_ =	shalt  }
0x52: {  	_ =	shalt  }
0x53: {  	_ =	shalt  }
0x54: {  	_ =	shalt  }
0x55: {  	_ =	shalt  }
0x56: {  	_ =	shalt  }
0x57: {  	_ =	shalt  }
0x58: {  	_ =	shalt  }
0x59: {  	_ =	shalt  }
0x5a: {  	_ =	shalt  }
0x5b: {  	_ =	shalt  }
0x5c: {  	_ =	shalt  }
0x5d: {  	_ =	shalt  }
0x5e: {  	_ =	shalt  }
0x5f: {  	_ =	shalt  }
0x60: {  	_ =	shalt  }
0x61: {  	_ =	shalt  }
0x62: {  	_ =	shalt  }
0x63: {  	_ =	shalt  }
0x64: {  	_ =	shalt  }
0x65: {  	_ =	shalt  }
0x66: {  	_ =	shalt  }
0x67: {  	_ =	shalt  }
0x68: {  	_ =	shalt  }
0x69: {  	_ =	shalt  }
0x6a: {  	_ =	shalt  }
0x6b: {  	_ =	shalt  }
0x6c: {  	_ =	shalt  }
0x6d: {  	_ =	shalt  }
0x6e: {  	_ =	shalt  }
0x6f: {  	_ =	shalt  }
0x70: {  	_ =	shalt  }
0x71: {  	_ =	shalt  }
0x72: {  	_ =	shalt  }
0x73: {  	_ =	shalt  }
0x74: {  	_ =	shalt  }
0x75: {  	_ =	shalt  }
0x76: {  	_ =	shalt  }
0x77: {  	_ =	shalt  }
0x78: {  	_ =	shalt  }
0x79: {  	_ =	shalt  }
0x7a: {  	_ =	shalt  }
0x7b: {  	_ =	shalt  }
0x7c: {  	_ =	shalt  }
0x7d: {  	_ =	shalt  }
0x7e: {  	_ =	shalt  }
0x7f: {  	_ =	shalt  }
0x80: {  	_ =	shalt  }
0x81: {  	_ =	shalt  }
0x82: {  	_ =	shalt  }
0x83: {  	_ =	shalt  }
0x84: {  	_ =	shalt  }
0x85: {  	_ =	shalt  }
0x86: {  	_ =	shalt  }
0x87: {  	_ =	shalt  }
.Lfunc_end0:
.L_simem_size_0:
called_computation_lowered:
.L_overlay_start_0:
0x88: {  	s2 =	sld [smem:$0x3FD9]  }
0x89: {  	s3 =	sld [smem:$0x3FFE];
	_ =	sdelay $0x1  }
0x8a: {  	s1 =	srdreg.scid  }
0x8b: {  	s0 =	sand.u32 $0x1, s1  }
0x8c: {  	s17 =	sshll.u32 s0, $0xA;
	s2 =	sadd.s32 s3, s2  }
0x8d: {  	s2 =	sadd.s32 s2, s17  }
0x8e: {  	[smem:$0x3FC0] =	sst s2  }
0x8f: {  	_ = 	snop  }
0x90: {  	s2 =	sld [smem:$0x3FC9]  }
0x91: {  	s18 =	sld [smem:$0x3FD0];
	(tm) =	ssettm $0x1  }
0x92: {  	s4 =	sld [smem:$0x3FFB];
	_ =	sdelay $0x3  }
0x93: {  	_ =	strace s4  }
0x94: {  	s4 =	sld [smem:$0x3FFC];
	_ =	sdelay $0x3  }
0x95: {  	_ =	strace s4  }
0x96: {  	s4 =	sld [smem:$0x3FFD];
	_ =	sdelay $0x3  }
0x97: {  	_ =	strace s4  }
0x98: {  	_ =	strace $0x8FFFFFFF  }
0x99: {  	s19 =	sld [smem:$0x3FDB];
	_ =	sdelay $0x1  }
0x9a: {  	s5 =	simm.s32 $_scs_section_size  }
0x9b: {  	s6 =	simm.s32 $_size__tile_overlayer_lowered;
	s7 =	simm.s32 $_tile_overlayer_lowered  }
0x9c: {  	s22 =	simm.s32 $0x1BFF;
	s21 =	sshll.u32 s7, $0x1;
	s4 =	sadd.s32 s5, s19  }
0x9d: {  	s8 =	simm.s32 $0x0;
	s20 =	sshll.u32 s6, $0x1;
	s6 =	sadd.s32 s21, s4  }
0x9e: {  	[timem:s8], [sflag:s22] =	dma.local [hbm:s6], s20  }
0x9f: {  	_ =	swait.ge [sflag:s22], s20  }
0xa0: {  	s5 =	ssub.s32 $0x0, s20;
	[sflag:s22] =	ssyncset.done $0x0  }
0xa1: {  	[sflag:s22] =	ssyncadd.s32 s5;
	_ =	sdelay $0x1  }
0xa2: {  	s23 =	simm.s32 $0x1B8B  }
0xa3: {  	_ =	swait.ge [sflag:s23], $0x1  }
0xa4: {  	[sflag:s23] =	ssyncset.done $0x0  }
0xa5: {  	s25 =	simm.s32 $0x1B8E;
	s24 =	sld [smem:$0x3FFE];
	[sflag:s23] =	ssyncadd.s32 $0xFFFFFFFF  }
0xa6: {  	s26 =	simm.s32 $execute0_lowered;
	[smem:$0x3FD2] =	sst s25  }
0xa7: {  	s6 =	sshll.u32 s26, $0x1;
	_ =	strace $0x80000046;
	[dreg:$0x1] =	wrdreg $0xFFFFFFFF  }
0xa8: {  	s28 =	simm.s32 $_size_execute0_lowered;
	s4 =	sadd.s32 s4, s6;
	[dreg:$0x0] =	wrdreg $0x0  }
0xa9: {  	s6 =	sshll.u32 s28, $0x1;
	[dreg:$0x2] =	wrdreg s4  }
0xaa: {  	[dreg:$0x3] =	wrdreg s6  }
0xab: {  	[dreg:$0x4] =	wrdreg $0xC0  }
0xac: {  	_ =	task [dreg:s8], $0x5FFFF  }
0xad: {  	[dreg:$0x1] =	wrdreg $0xFFFFFFFF  }
0xae: {  	[dreg:$0x0] =	wrdreg $0x60  }
0xaf: {  	[dreg:$0x2] =	wrdreg s2  }
0xb0: {  	[dreg:$0x3] =	wrdreg s18  }
0xb1: {  	[dreg:$0x4] =	wrdreg s24  }
0xb2: {  	[dreg:$0x5] =	wrdreg $0x41800  }
0xb3: {  	[dreg:$0x6] =	wrdreg $0x9  }
0xb4: {  	_ =	task.clear_ibuf [dreg:s8], $0x7FFFF;
	_ =	strace $0x90000046  }
0xb5: {  	s29 =	simm.s32 $0x9;
	_ =	strace $0x80000048  }
0xb6: {  	_ =	swait.ge [sflag:s29], $0x1  }
0xb7: {  	[sflag:s29] =	ssyncadd.s32 $0xFFFFFFFF  }
0xb8: {  	_ =	strace $0x90000048  }
0xb9: {  	_ =	sfence  }
0xba: {  	s30 =	sld [smem:$0x0];
	_ =	sdelay $0x2  }
0xbb: {  	s31 =	sshll.u32 s1, $0xD;
	s1 =	sshrl.u32 s1, $0x2  }
0xbc: {  	s3 =	sand.u32 $0x4000, s31;
	s1 =	sadd.s32 s1, s30  }
0xbd: {  	s0 =	sor.u32 s3, s0;
	s1 =	sshll.u32 s1, $0x11  }
0xbe: {  	s0 =	sor.u32 s1, s0  }
0xbf: {  	s0 =	sadd.s32 $0x8F2B, s0  }
0xc0: {  	[sflag:s0] =	ssyncadd.remote.s32 $0x1  }
0xc1: {  	_ =	sfence.sel $0xFFFF  }
0xc2: {  	[dreg:$0x0] =	wrdreg $0xFFFFFFFF;
	(pc) =	sbr.abs _section_cstart, $3  }
0xc3: {  	[dreg:$0x1] =	wrdreg $0xFFFFFFFF  }
0xc4: {  	_ =	task.clear_ibuf [dreg:s8], $0x2FFFF;
	_ =	strace $0x9FFFFFFF  }
0xc5: {  	(tm) =	ssettm $0x7FFFFFFF  }
tec
execute0_lowered:
.L_overlay_start_1:
0x0: {  	(tag) =	ssettag $0x1  }
0x1: {  	s1 =	rddreg [dreg:$0x0]  }
0x2: {  	s2 =	rddreg [dreg:$0x1]  }
0x3: {  	s0 =	rddreg [dreg:$0x2]  }
0x4: {  	s3 =	rddreg [dreg:$0x3];
	s4 =	simm.s32 $0x0;
	s5 =	srdreg.scid  }
0x5: {  	s20 =	stileid.u32;
	s31 =	simm.s32 $0x180;
	[smem:$0x7FF] =	sst s4  }
0x6: {  	s6 =	sadd.s32 $0x14C00, s0;
	s5 =	sand.u32 $0x1, s5;
	s8 =	smul.u32 $0x4F000, s20  }
0x7: {  	s7 =	sadd.s32 $0x1000, s0;
	s14 =	smul.u32 $0x278, s20;
	s10 =	ssub.s32 $0x2, s5  }
0x8: {  	s9 =	sshll.u32 s5, $0x5;
	s18 =	smul.u32 $0x4F00, s5;
	s5 =	sshllo.u32 s5, $0x1  }
0x9: {  	s13 =	sor.u32 s20, s9;
	s19 =	sshll.u32 s5, $0x4;
	s5 =	smul.u32 $0x2780, s5  }
0xa: {  	s0 =	sadd.s32 $0x28800, s0;
	_ =	strace $0x80000047;
	s9 =	smul.u32 $0x4F, s13  }
0xb: {  	s8 =	sshrl.u32 s8, $0x2;
	s11 =	sshrl.u32 s10, $0x1;
	s15 =	smul.u32 $0x2780, s13  }
0xc: {  	s8 =	sadd.s32 s8, s3;
	s16 =	ssub.s32 s10, s11;
	s17 =	smul.u32 $0x380, s13  }
0xd: {  	s30 =	sadd.s32 s14, s18;
	s18 =	sor.u32 s20, s19;
	s10 =	sadd.s32 $0x4000, s8  }
0xe: {  	s11 =	sadd.s32 $0x8000, s8;
	s12 =	sadd.s32 $0xC000, s8;
	s25 =	smul.u32 $0x380, s18  }
0xf: {  	s22 =	sshll.u32 s30, $0x4;
	s15 =	sand.u32 $0x7FC00, s15;
	s17 =	sand.u32 $0x380, s17  }
0x10: {  	s15 =	sor.u32 s17, s15;
	s29 =	sand.u32 $0x380, s25;
	s25 =	smax.u32 s16, $0x1  }
0x11: {  	s21 =	sshrl.u32 s15, $0x3;
	s15 =	sadd.s32 s0, s22;
	[dreg:$0xe] =	wrdreg s25  }
0x12: {  	s23 =	smul.u32 $0x2780, s18;
	s24 =	sadd.s32 s2, s21;
	[dreg:$0x6] =	wrdreg s15  }
0x13: {  	s5 =	sadd.s32 s14, s5;
	s19 =	sadd.s32 s7, s21;
	[dreg:$0x5] =	wrdreg s24  }
0x14: {  	s5 =	sshll.u32 s5, $0x4;
	s26 =	sadd.s32 $0x800, s15;
	[dreg:$0x7] =	wrdreg s19  }
0x15: {  	s17 =	sand.u32 $0xFFC00, s23;
	s28 =	sadd.s32 $0x1000, s15;
	[dreg:$0x8] =	wrdreg s26  }
0x16: {  	s22 =	sadd.s32 s0, s5;
	s30 =	sadd.s32 $0x1800, s15;
	[dreg:$0x9] =	wrdreg s28  }
0x17: {  	s17 =	sor.u32 s29, s17;
	s29 =	sadd.s32 $0x1800, s22;
	[dreg:$0xa] =	wrdreg s30  }
0x18: {  	s20 =	sshrl.u32 s17, $0x3;
	s19 =	sadd.s32 $0x2000, s15;
	[dreg:$0x11] =	wrdreg s29  }
0x19: {  	s13 =	sadd.s32 $0x10000, s8;
	s23 =	sadd.s32 s2, s20;
	[dreg:$0xb] =	wrdreg s19  }
0x1a: {  	s14 =	simm.s32 $0x80;
	s24 =	sadd.s32 s7, s20;
	[dreg:$0xc] =	wrdreg s23  }
0x1b: {  	s16 =	simm.s32 $0x1;
	s26 =	sadd.s32 $0x800, s22;
	[dreg:$0xd] =	wrdreg s24  }
0x1c: {  	s0 =	simm.s32 $0x2;
	s28 =	sadd.s32 $0x1000, s22;
	[dreg:$0xf] =	wrdreg s26  }
0x1d: {  	s5 =	simm.s32 $0x100;
	s30 =	sadd.s32 $0x2000, s22;
	[dreg:$0x10] =	wrdreg s28  }
0x1e: {  	v0 =	vimm.f32 $0.0e+00;
	s21 =	smul.u32 $0x4F, s18;
	s17 =	simm.s32 $0x0;
	[dreg:$0x12] =	wrdreg s30  }
.LBB2_1:
0x1f: {  	s18 =	simm.s32 $0x0;
	s19 =	simm.s32 $0x200  }
.LBB2_2:
0x20: {  	p0 =	sne.s32 s19, $0xFE00;
	[tilespmem:s18+$0x1F0] =	vst v0  }
0x21: {  	[tilespmem:s18+$0x180] =	vst v0  }
0x22: {  	[tilespmem:s18+$0x190] =	vst v0  }
.Ltmp0:
0x23: {  	[tilespmem:s18+$0x1A0] =	vst v0;
	(pc) =	sbr.rel @p0 .LBB2_2-.Ltmp0, $4  }
0x24: {  	[tilespmem:s18+$0x1B0] =	vst v0  }
0x25: {  	[tilespmem:s18+$0x1C0] =	vst v0  }
0x26: {  	[tilespmem:s18+$0x1D0] =	vst v0  }
0x27: {  	[tilespmem:s18+$0x1E0] =	vst v0;
	s18 =	sshra.s32 s19, $0x2;
	s19 =	sadd.s32 $0x200, s19  }
0x28: {  	[tilespmem:s18+$0x1F0] =	vst v0  }
0x29: {  	[tilespmem:s18+$0x180] =	vst v0  }
0x2a: {  	[tilespmem:s18+$0x190] =	vst v0  }
0x2b: {  	[tilespmem:s18+$0x1A0] =	vst v0  }
0x2c: {  	[tilespmem:s18+$0x1B0] =	vst v0  }
0x2d: {  	[tilespmem:s18+$0x1C0] =	vst v0  }
0x2e: {  	[tilespmem:s18+$0x1D0] =	vst v0  }
0x2f: {  	[tilespmem:s18+$0x1E0] =	vst v0  }
0x30: {  	[spmem:s8] =	stream.linear.scatter [tilespmem:s31], [sflag:$0x2], $0x4000, $0x38;
	[tilespmem:$0x17D80] =	vst v63  }
0x31: {  	_ =	swait.ge [sflag:s0], $0x4000  }
0x32: {  	[sflag:s0] =	ssyncset.done $0x0  }
0x33: {  	[sflag:s0] =	ssyncadd.s32 $0xFFFFC000  }
0x34: {  	[spmem:s10] =	stream.linear.scatter [tilespmem:s31], [sflag:$0x2], $0x4000, $0x38;
	[tilespmem:$0x17D80] =	vst v63  }
0x35: {  	_ =	swait.ge [sflag:s0], $0x4000  }
0x36: {  	[sflag:s0] =	ssyncset.done $0x0  }
0x37: {  	[sflag:s0] =	ssyncadd.s32 $0xFFFFC000  }
0x38: {  	[spmem:s11] =	stream.linear.scatter [tilespmem:s31], [sflag:$0x2], $0x4000, $0x38;
	[tilespmem:$0x17D80] =	vst v63  }
0x39: {  	_ =	swait.ge [sflag:s0], $0x4000  }
0x3a: {  	[sflag:s0] =	ssyncset.done $0x0  }
0x3b: {  	[sflag:s0] =	ssyncadd.s32 $0xFFFFC000  }
0x3c: {  	[spmem:s12] =	stream.linear.scatter [tilespmem:s31], [sflag:$0x2], $0x4000, $0x38;
	[tilespmem:$0x17D80] =	vst v63  }
0x3d: {  	_ =	swait.ge [sflag:s0], $0x4000  }
0x3e: {  	[sflag:s0] =	ssyncset.done $0x0  }
0x3f: {  	[sflag:s0] =	ssyncadd.s32 $0xFFFFC000  }
0x40: {  	[spmem:s13] =	stream.linear.scatter [tilespmem:s31], [sflag:$0x2], $0x3C00, $0x38;
	[tilespmem:$0x17D80] =	vst v63  }
0x41: {  	_ =	swait.ge [sflag:s0], $0x3C00  }
0x42: {  	[sflag:s0] =	ssyncset.done $0x0  }
0x43: {  	[sflag:s0] =	ssyncadd.s32 $0xFFFFC400  }
0x44: {  	[bflag:$0x0] =	sbarrier.arrive $0xFFFF  }
0x45: {  	s18 =	simm.s32 $0x0;
	s15 =	rddreg [dreg:$0x5]  }
0x46: {  	[tilespmem:s18], [sflag:$0x2] =	stream.linear.gather [hbm4b:s15+s18], $0x80, $0x38;
	[tilespmem:$0x17D80] =	vst v63  }
0x47: {  	_ =	swait.ge [sflag:s0], $0x80  }
0x48: {  	[sflag:s0] =	ssyncset.done $0x0  }
0x49: {  	s30 =	rddreg [dreg:$0x7];
	[sflag:s0] =	ssyncadd.s32 $0xFFFFFF80  }
0x4a: {  	[tilespmem:s5], [sflag:$0x2] =	stream.linear.gather [hbm4b:s30+s18], $0x80, $0x38;
	[tilespmem:$0x17D80] =	vst v63  }
0x4b: {  	_ =	swait.ge [sflag:s0], $0x80  }
0x4c: {  	[sflag:s0] =	ssyncset.done $0x0  }
0x4d: {  	s19 =	simm.s32 $0x0;
	[sflag:s0] =	ssyncadd.s32 $0xFFFFFF80  }
.LBB2_4:
0x4e: {  	[tilespmem:s31], [sflag:$0x1] =	stream.indirect.gather [hbm4b:s1+s14], $0x80, s18, s14, $0xb8;
	[tilespmem:$0x17D80] =	vst v63  }
0x4f: {  	s20 =	sadd.s32 s9, s19  }
0x50: {  	s20 =	sshll.u32 s20, $0x4  }
0x51: {  	s20 =	sadd.s32 s6, s20  }
0x52: {  	[tilespmem:s14], [sflag:$0x2] =	stream.linear.gather [hbm4b:s20+s18], $0x80, $0x38;
	[tilespmem:$0x17D80] =	vst v63  }
0x53: {  	_ =	swait.ge [sflag:s0], $0x80  }
0x54: {  	[sflag:s0] =	ssyncset.done $0x0  }
0x55: {  	[sflag:s0] =	ssyncadd.s32 $0xFFFFFF80  }
0x56: {  	_ =	swait.ge [sflag:s16], $0x4000  }
0x57: {  	s30 =	simm.s32 $0x0;
	[sflag:s16] =	ssyncset.done $0x0  }
0x58: {  	s20 =	sand.u32 $0x3FFFFFF0, s30;
	[sflag:s16] =	ssyncadd.s32 $0xFFFFC000  }
0x59: {  	s23 =	simm.s32 $0x0;
	v1 =	vld [tilespmem:s20+$0x100]  }
0x5a: {  	s20 =	sand.u32 $0x3FFFF800, s23  }
0x5b: {  	v3 =	vld [tilespmem:s20+$0x1A0]  }
0x5c: {  	v4 =	vld [tilespmem:s20+$0x1B0]  }
0x5d: {  	v10 =	vld [tilespmem:s20+$0x1E0]  }
0x5e: {  	v11 =	vld [tilespmem:s20+$0x1F0];
	v2 =	vbroadcast v1, $0x0  }
0x5f: {  	v12 =	vld [tilespmem:s20+$0x200]  }
0x60: {  	v13 =	vld [tilespmem:s20+$0x210];
	v3 =	vmul.f32 v3, v2  }
0x61: {  	v14 =	vld [tilespmem:s20+$0x220];
	v4 =	vmul.f32 v4, v2  }
0x62: {  	v9 =	vld [tilespmem:s20+$0x230];
	v23 =	vbroadcast v1, $0x1;
	v22 =	vmul.f32 v10, v2;
	[tilespmem:s20+$0x1A0] =	vst v3  }
0x63: {  	v7 =	vld [tilespmem:s20+$0x240];
	v11 =	vmul.f32 v11, v2;
	[tilespmem:s20+$0x1B0] =	vst v4  }
0x64: {  	v8 =	vld [tilespmem:s20+$0x250];
	v12 =	vmul.f32 v12, v23;
	[tilespmem:s20+$0x1E0] =	vst v22  }
0x65: {  	v25 =	vld [tilespmem:s20+$0x270];
	v13 =	vmul.f32 v13, v23;
	[tilespmem:s20+$0x1F0] =	vst v11  }
0x66: {  	v26 =	vld [tilespmem:s20+$0x280];
	v14 =	vmul.f32 v14, v23;
	[tilespmem:s20+$0x200] =	vst v12  }
0x67: {  	v27 =	vld [tilespmem:s20+$0x290];
	v9 =	vmul.f32 v9, v23;
	[tilespmem:s20+$0x210] =	vst v13  }
0x68: {  	v6 =	vld [tilespmem:s20+$0x6F0];
	v7 =	vmul.f32 v7, v23;
	[tilespmem:s20+$0x220] =	vst v14  }
0x69: {  	v24 =	vld [tilespmem:s20+$0x260];
	v15 =	vbroadcast v1, $0x2;
	v8 =	vmul.f32 v8, v23;
	[tilespmem:s20+$0x230] =	vst v9  }
0x6a: {  	v28 =	vld [tilespmem:s20+$0x2A0];
	v10 =	vmul.f32 v25, v23;
	[tilespmem:s20+$0x240] =	vst v7  }
0x6b: {  	v29 =	vld [tilespmem:s20+$0x2B0];
	v5 =	vbroadcast v1, $0xA;
	v32 =	vmul.f32 v26, v15;
	[tilespmem:s20+$0x250] =	vst v8  }
0x6c: {  	v30 =	vld [tilespmem:s20+$0x2C0];
	v34 =	vmul.f32 v27, v15;
	[tilespmem:s20+$0x270] =	vst v10  }
0x6d: {  	v33 =	vld [tilespmem:s20+$0x2E0];
	v3 =	vmul.f32 v6, v5;
	[tilespmem:s20+$0x280] =	vst v32  }
0x6e: {  	v35 =	vld [tilespmem:s20+$0x2F0];
	v11 =	vmul.f32 v24, v23;
	[tilespmem:s20+$0x290] =	vst v34  }
0x6f: {  	v36 =	vld [tilespmem:s20+$0x300];
	v9 =	vmul.f32 v28, v15;
	[tilespmem:s20+$0x6F0] =	vst v3  }
0x70: {  	v31 =	vld [tilespmem:s20+$0x2D0];
	v7 =	vmul.f32 v29, v15;
	[tilespmem:s20+$0x260] =	vst v11  }
0x71: {  	v37 =	vld [tilespmem:s20+$0x310];
	v8 =	vmul.f32 v30, v15;
	[tilespmem:s20+$0x2A0] =	vst v9  }
0x72: {  	v38 =	vld [tilespmem:s20+$0x320];
	v41 =	vbroadcast v1, $0x3;
	v10 =	vmul.f32 v33, v15;
	[tilespmem:s20+$0x2B0] =	vst v7  }
0x73: {  	v39 =	vld [tilespmem:s20+$0x330];
	v12 =	vmul.f32 v35, v15;
	[tilespmem:s20+$0x2C0] =	vst v8  }
0x74: {  	v42 =	vld [tilespmem:s20+$0x350];
	v13 =	vmul.f32 v36, v41;
	[tilespmem:s20+$0x2E0] =	vst v10  }
0x75: {  	v43 =	vld [tilespmem:s20+$0x360];
	v11 =	vmul.f32 v31, v15;
	[tilespmem:s20+$0x2F0] =	vst v12  }
0x76: {  	v44 =	vld [tilespmem:s20+$0x370];
	v9 =	vmul.f32 v37, v41;
	[tilespmem:s20+$0x300] =	vst v13  }
0x77: {  	v40 =	vld [tilespmem:s20+$0x340];
	v7 =	vmul.f32 v38, v41;
	[tilespmem:s20+$0x2D0] =	vst v11  }
0x78: {  	v45 =	vld [tilespmem:s20+$0x380];
	v8 =	vmul.f32 v39, v41;
	[tilespmem:s20+$0x310] =	vst v9  }
0x79: {  	v46 =	vld [tilespmem:s20+$0x390];
	v10 =	vmul.f32 v42, v41;
	[tilespmem:s20+$0x320] =	vst v7  }
0x7a: {  	v47 =	vld [tilespmem:s20+$0x3A0];
	v12 =	vmul.f32 v43, v41;
	[tilespmem:s20+$0x330] =	vst v8  }
0x7b: {  	v49 =	vld [tilespmem:s20+$0x3C0];
	v50 =	vbroadcast v1, $0x4;
	v13 =	vmul.f32 v44, v41;
	[tilespmem:s20+$0x350] =	vst v10  }
0x7c: {  	v51 =	vld [tilespmem:s20+$0x3D0];
	v11 =	vmul.f32 v40, v41;
	[tilespmem:s20+$0x360] =	vst v12  }
0x7d: {  	v52 =	vld [tilespmem:s20+$0x3E0];
	v9 =	vmul.f32 v45, v50;
	[tilespmem:s20+$0x370] =	vst v13  }
0x7e: {  	v48 =	vld [tilespmem:s20+$0x3B0];
	v7 =	vmul.f32 v46, v50;
	[tilespmem:s20+$0x340] =	vst v11  }
0x7f: {  	v53 =	vld [tilespmem:s20+$0x3F0];
	v8 =	vmul.f32 v47, v50;
	[tilespmem:s20+$0x380] =	vst v9  }
0x80: {  	v54 =	vld [tilespmem:s20+$0x400];
	v10 =	vmul.f32 v49, v50;
	[tilespmem:s20+$0x390] =	vst v7  }
0x81: {  	v55 =	vld [tilespmem:s20+$0x410];
	v12 =	vmul.f32 v51, v50;
	[tilespmem:s20+$0x3A0] =	vst v8  }
0x82: {  	v57 =	vld [tilespmem:s20+$0x430];
	v13 =	vmul.f32 v52, v50;
	[tilespmem:s20+$0x3C0] =	vst v10  }
0x83: {  	v58 =	vld [tilespmem:s20+$0x440];
	v59 =	vbroadcast v1, $0x5;
	v11 =	vmul.f32 v48, v50;
	[tilespmem:s20+$0x3D0] =	vst v12  }
0x84: {  	v60 =	vld [tilespmem:s20+$0x450];
	v9 =	vmul.f32 v53, v50;
	[tilespmem:s20+$0x3E0] =	vst v13  }
0x85: {  	v56 =	vld [tilespmem:s20+$0x420];
	v7 =	vmul.f32 v54, v59;
	[tilespmem:s20+$0x3B0] =	vst v11  }
0x86: {  	v61 =	vld [tilespmem:s20+$0x460];
	v8 =	vmul.f32 v55, v59;
	[tilespmem:s20+$0x3F0] =	vst v9  }
0x87: {  	v62 =	vld [tilespmem:s20+$0x470];
	v10 =	vmul.f32 v57, v59;
	[tilespmem:s20+$0x400] =	vst v7  }
0x88: {  	v63 =	vld [tilespmem:s20+$0x480];
	v12 =	vmul.f32 v58, v59;
	[tilespmem:s20+$0x410] =	vst v8  }
0x89: {  	v19 =	vld [tilespmem:s20+$0x4A0];
	v13 =	vmul.f32 v60, v59;
	[tilespmem:s20+$0x430] =	vst v10  }
0x8a: {  	v20 =	vld [tilespmem:s20+$0x4B0];
	v11 =	vmul.f32 v56, v59;
	[tilespmem:s20+$0x440] =	vst v12  }
0x8b: {  	v21 =	vld [tilespmem:s20+$0x4C0];
	v22 =	vbroadcast v1, $0x6;
	v9 =	vmul.f32 v61, v59;
	[tilespmem:s20+$0x450] =	vst v13  }
0x8c: {  	v18 =	vld [tilespmem:s20+$0x490];
	v7 =	vmul.f32 v62, v59;
	[tilespmem:s20+$0x420] =	vst v11  }
0x8d: {  	v23 =	vld [tilespmem:s20+$0x4D0];
	v8 =	vmul.f32 v63, v22;
	[tilespmem:s20+$0x460] =	vst v9  }
0x8e: {  	v24 =	vld [tilespmem:s20+$0x4E0];
	v10 =	vmul.f32 v19, v22;
	[tilespmem:s20+$0x470] =	vst v7  }
0x8f: {  	v25 =	vld [tilespmem:s20+$0x4F0];
	v12 =	vmul.f32 v20, v22;
	[tilespmem:s20+$0x480] =	vst v8  }
0x90: {  	v27 =	vld [tilespmem:s20+$0x510];
	v13 =	vmul.f32 v21, v22;
	[tilespmem:s20+$0x4A0] =	vst v10  }
0x91: {  	v28 =	vld [tilespmem:s20+$0x520];
	v11 =	vmul.f32 v18, v22;
	[tilespmem:s20+$0x4B0] =	vst v12  }
0x92: {  	v29 =	vld [tilespmem:s20+$0x530];
	v9 =	vmul.f32 v23, v22;
	[tilespmem:s20+$0x4C0] =	vst v13  }
0x93: {  	v31 =	vbroadcast v1, $0x7;
	v53 =	vld [tilespmem:s20+$0x680];
	v7 =	vmul.f32 v24, v22;
	[tilespmem:s20+$0x490] =	vst v11  }
0x94: {  	v57 =	vld [tilespmem:s20+$0x6C0];
	v8 =	vmul.f32 v25, v22;
	[tilespmem:s20+$0x4D0] =	vst v9  }
0x95: {  	v58 =	vld [tilespmem:s20+$0x6D0];
	v10 =	vmul.f32 v27, v31;
	[tilespmem:s20+$0x4E0] =	vst v7  }
0x96: {  	v26 =	vld [tilespmem:s20+$0x500];
	v12 =	vmul.f32 v28, v31;
	[tilespmem:s20+$0x4F0] =	vst v8  }
0x97: {  	v30 =	vld [tilespmem:s20+$0x540];
	v13 =	vmul.f32 v29, v31;
	[tilespmem:s20+$0x510] =	vst v10  }
0x98: {  	v32 =	vld [tilespmem:s20+$0x550];
	v59 =	vmul.f32 v53, v5;
	[tilespmem:s20+$0x520] =	vst v12  }
0x99: {  	v33 =	vld [tilespmem:s20+$0x560];
	v18 =	vmul.f32 v57, v5;
	[tilespmem:s20+$0x530] =	vst v13  }
0x9a: {  	v35 =	vld [tilespmem:s20+$0x580];
	v20 =	vmul.f32 v58, v5;
	[tilespmem:s20+$0x680] =	vst v59  }
0x9b: {  	v36 =	vld [tilespmem:s20+$0x590];
	v11 =	vmul.f32 v26, v31;
	[tilespmem:s20+$0x6C0] =	vst v18  }
0x9c: {  	v37 =	vld [tilespmem:s20+$0x5A0];
	v9 =	vmul.f32 v30, v31;
	[tilespmem:s20+$0x6D0] =	vst v20  }
0x9d: {  	v4 =	vld [tilespmem:s20+$0x700];
	v40 =	vbroadcast v1, $0x8;
	v7 =	vmul.f32 v32, v31;
	[tilespmem:s20+$0x500] =	vst v11  }
0x9e: {  	v6 =	vld [tilespmem:s20+$0x710];
	v8 =	vmul.f32 v33, v31;
	[tilespmem:s20+$0x540] =	vst v9  }
0x9f: {  	v3 =	vld [tilespmem:s20+$0x950];
	v10 =	vmul.f32 v35, v40;
	[tilespmem:s20+$0x550] =	vst v7  }
0xa0: {  	v61 =	vld [tilespmem:s20+$0x180];
	v23 =	vbroadcast v1, $0xB;
	v12 =	vmul.f32 v36, v40;
	[tilespmem:s20+$0x560] =	vst v8  }
0xa1: {  	v34 =	vld [tilespmem:s20+$0x570];
	v13 =	vmul.f32 v37, v40;
	[tilespmem:s20+$0x580] =	vst v10  }
0xa2: {  	v38 =	vld [tilespmem:s20+$0x5B0];
	v27 =	vbroadcast v1, $0xF;
	v4 =	vmul.f32 v4, v23;
	[tilespmem:s20+$0x590] =	vst v12  }
0xa3: {  	v39 =	vld [tilespmem:s20+$0x5C0];
	v6 =	vmul.f32 v6, v23;
	[tilespmem:s20+$0x5A0] =	vst v13  }
0xa4: {  	v41 =	vld [tilespmem:s20+$0x5D0];
	v3 =	vmul.f32 v3, v27;
	[tilespmem:s20+$0x700] =	vst v4  }
0xa5: {  	v43 =	vld [tilespmem:s20+$0x5F0];
	v24 =	vmul.f32 v2, v61;
	[tilespmem:s20+$0x710] =	vst v6  }
0xa6: {  	v44 =	vld [tilespmem:s20+$0x600];
	v11 =	vmul.f32 v34, v31;
	[tilespmem:s20+$0x950] =	vst v3  }
0xa7: {  	v45 =	vld [tilespmem:s20+$0x610];
	v9 =	vmul.f32 v38, v40;
	[tilespmem:s20+$0x180] =	vst v24  }
0xa8: {  	v63 =	vld [tilespmem:s20+$0x1C0];
	v7 =	vmul.f32 v39, v40;
	[tilespmem:s20+$0x570] =	vst v11  }
0xa9: {  	v49 =	vbroadcast v1, $0x9;
	v29 =	vld [tilespmem:s20+$0x770];
	v8 =	vmul.f32 v41, v40;
	[tilespmem:s20+$0x5B0] =	vst v9  }
0xaa: {  	v42 =	vld [tilespmem:s20+$0x5E0];
	v10 =	vmul.f32 v43, v40;
	[tilespmem:s20+$0x5C0] =	vst v7  }
0xab: {  	v46 =	vld [tilespmem:s20+$0x620];
	v12 =	vmul.f32 v44, v49;
	[tilespmem:s20+$0x5D0] =	vst v8  }
0xac: {  	v47 =	vld [tilespmem:s20+$0x630];
	v13 =	vmul.f32 v45, v49;
	[tilespmem:s20+$0x5F0] =	vst v10  }
0xad: {  	v48 =	vld [tilespmem:s20+$0x640];
	v3 =	vmul.f32 v63, v2;
	[tilespmem:s20+$0x600] =	vst v12  }
0xae: {  	v51 =	vld [tilespmem:s20+$0x660];
	v6 =	vmul.f32 v29, v23;
	[tilespmem:s20+$0x610] =	vst v13  }
0xaf: {  	v52 =	vld [tilespmem:s20+$0x670];
	v11 =	vmul.f32 v42, v40;
	[tilespmem:s20+$0x1C0] =	vst v3  }
0xb0: {  	v28 =	vld [tilespmem:s20+$0x760];
	v9 =	vmul.f32 v46, v49;
	[tilespmem:s20+$0x770] =	vst v6  }
0xb1: {  	v26 =	vld [tilespmem:s20+$0x750];
	v7 =	vmul.f32 v47, v49;
	[tilespmem:s20+$0x5E0] =	vst v11  }
0xb2: {  	v30 =	vld [tilespmem:s20+$0x780];
	v8 =	vmul.f32 v48, v49;
	[tilespmem:s20+$0x620] =	vst v9  }
0xb3: {  	v50 =	vld [tilespmem:s20+$0x650];
	v10 =	vmul.f32 v51, v49;
	[tilespmem:s20+$0x630] =	vst v7  }
0xb4: {  	v54 =	vld [tilespmem:s20+$0x690];
	v12 =	vmul.f32 v52, v49;
	[tilespmem:s20+$0x640] =	vst v8  }
0xb5: {  	v55 =	vld [tilespmem:s20+$0x6A0];
	v35 =	vbroadcast v1, $0xC;
	v40 =	vmul.f32 v28, v23;
	[tilespmem:s20+$0x660] =	vst v10  }
0xb6: {  	v56 =	vld [tilespmem:s20+$0x6B0];
	v32 =	vmul.f32 v26, v23;
	[tilespmem:s20+$0x670] =	vst v12  }
0xb7: {  	v60 =	vld [tilespmem:s20+$0x6E0];
	v15 =	vmul.f32 v30, v35;
	[tilespmem:s20+$0x760] =	vst v40  }
0xb8: {  	v62 =	vld [tilespmem:s20+$0x190];
	v11 =	vmul.f32 v50, v49;
	[tilespmem:s20+$0x750] =	vst v32  }
0xb9: {  	v19 =	vld [tilespmem:s20+$0x1D0];
	v9 =	vmul.f32 v54, v5;
	[tilespmem:s20+$0x780] =	vst v15  }
0xba: {  	v33 =	vld [tilespmem:s20+$0x7B0];
	v7 =	vmul.f32 v55, v5;
	[tilespmem:s20+$0x650] =	vst v11  }
0xbb: {  	v61 =	vld [tilespmem:s20+$0x970];
	v8 =	vmul.f32 v56, v5;
	[tilespmem:s20+$0x690] =	vst v9  }
0xbc: {  	v38 =	vld [tilespmem:s20+$0x7F0];
	v5 =	vmul.f32 v60, v5;
	[tilespmem:s20+$0x6A0] =	vst v7  }
0xbd: {  	v21 =	vld [tilespmem:s20+$0x720];
	v12 =	vmul.f32 v62, v2;
	[tilespmem:s20+$0x6B0] =	vst v8  }
0xbe: {  	v22 =	vld [tilespmem:s20+$0x730];
	v2 =	vmul.f32 v19, v2;
	[tilespmem:s20+$0x6E0] =	vst v5  }
0xbf: {  	v25 =	vld [tilespmem:s20+$0x740];
	v62 =	vmul.f32 v33, v35;
	[tilespmem:s20+$0x190] =	vst v12  }
0xc0: {  	v31 =	vld [tilespmem:s20+$0x790];
	v63 =	vmul.f32 v61, v27;
	[tilespmem:s20+$0x1D0] =	vst v2  }
0xc1: {  	v34 =	vld [tilespmem:s20+$0x7C0];
	v15 =	vmul.f32 v38, v35;
	[tilespmem:s20+$0x7B0] =	vst v62  }
0xc2: {  	v41 =	vld [tilespmem:s20+$0x820];
	v7 =	vmul.f32 v21, v23;
	[tilespmem:s20+$0x970] =	vst v63  }
0xc3: {  	v46 =	vld [tilespmem:s20+$0x860];
	v8 =	vmul.f32 v22, v23;
	[tilespmem:s20+$0x7F0] =	vst v15  }
0xc4: {  	v36 =	vld [tilespmem:s20+$0x7D0];
	v5 =	vmul.f32 v25, v23;
	[tilespmem:s20+$0x720] =	vst v7  }
0xc5: {  	v44 =	vbroadcast v1, $0xD;
	v9 =	vmul.f32 v31, v35;
	v2 =	vld [tilespmem:s20+$0x810];
	[tilespmem:s20+$0x730] =	vst v8  }
0xc6: {  	v37 =	vld [tilespmem:s20+$0x7E0];
	v12 =	vmul.f32 v34, v35;
	[tilespmem:s20+$0x740] =	vst v5  }
0xc7: {  	v39 =	vld [tilespmem:s20+$0x800];
	v11 =	vmul.f32 v41, v44;
	[tilespmem:s20+$0x790] =	vst v9  }
0xc8: {  	v42 =	vld [tilespmem:s20+$0x830];
	v51 =	vmul.f32 v46, v44;
	[tilespmem:s20+$0x7C0] =	vst v12  }
0xc9: {  	v48 =	vld [tilespmem:s20+$0x890];
	v8 =	vmul.f32 v36, v35;
	[tilespmem:s20+$0x820] =	vst v11  }
0xca: {  	v49 =	vld [tilespmem:s20+$0x8A0];
	[tilespmem:s20+$0x860] =	vst v51;
	v2 =	vmul.f32 v2, v44  }
0xcb: {  	v50 =	vld [tilespmem:s20+$0x8B0];
	v5 =	vmul.f32 v37, v35;
	[tilespmem:s20+$0x7D0] =	vst v8  }
0xcc: {  	v1 =	vbroadcast v1, $0xE;
	v9 =	vmul.f32 v39, v44;
	[tilespmem:s20+$0x810] =	vst v2;
	v2 =	vld [tilespmem:s20+$0x880]  }
0xcd: {  	v60 =	vld [tilespmem:s20+$0x960];
	v12 =	vmul.f32 v42, v44;
	[tilespmem:s20+$0x7E0] =	vst v5  }
0xce: {  	v45 =	vld [tilespmem:s20+$0x850];
	v11 =	vmul.f32 v48, v1;
	[tilespmem:s20+$0x800] =	vst v9  }
0xcf: {  	v47 =	vld [tilespmem:s20+$0x870];
	v10 =	vmul.f32 v49, v1;
	[tilespmem:s20+$0x830] =	vst v12  }
0xd0: {  	v43 =	vld [tilespmem:s20+$0x840];
	v6 =	vmul.f32 v50, v1;
	[tilespmem:s20+$0x890] =	vst v11  }
0xd1: {  	v55 =	vld [tilespmem:s20+$0x900];
	[tilespmem:s20+$0x8A0] =	vst v10;
	v2 =	vmul.f32 v2, v1  }
0xd2: {  	v57 =	vld [tilespmem:s20+$0x920];
	v4 =	vmul.f32 v60, v27;
	[tilespmem:s20+$0x8B0] =	vst v6  }
0xd3: {  	v5 =	vmul.f32 v45, v44;
	[tilespmem:s20+$0x880] =	vst v2;
	v2 =	vld [tilespmem:s20+$0x8F0]  }
0xd4: {  	v52 =	vld [tilespmem:s20+$0x8C0];
	v9 =	vmul.f32 v47, v44;
	[tilespmem:s20+$0x960] =	vst v4  }
0xd5: {  	v56 =	vld [tilespmem:s20+$0x910];
	v8 =	vmul.f32 v43, v44;
	[tilespmem:s20+$0x850] =	vst v5  }
0xd6: {  	v54 =	vld [tilespmem:s20+$0x8E0];
	v11 =	vmul.f32 v55, v27;
	[tilespmem:s20+$0x870] =	vst v9  }
0xd7: {  	v58 =	vld [tilespmem:s20+$0x930];
	v6 =	vmul.f32 v57, v27;
	[tilespmem:s20+$0x840] =	vst v8  }
0xd8: {  	v53 =	vld [tilespmem:s20+$0x8D0];
	[tilespmem:s20+$0x900] =	vst v11;
	v2 =	vmul.f32 v2, v1  }
0xd9: {  	v59 =	vld [tilespmem:s20+$0x940];
	v5 =	vmul.f32 v52, v1;
	[tilespmem:s20+$0x920] =	vst v6  }
0xda: {  	[tilespmem:s20+$0x8F0] =	vst v2;
	v2 =	vmul.f32 v56, v27  }
0xdb: {  	v3 =	vld [tilespmem:s20+$0x7A0];
	v9 =	vmul.f32 v54, v1;
	[tilespmem:s20+$0x8C0] =	vst v5  }
0xdc: {  	[tilespmem:s20+$0x910] =	vst v2;
	v2 =	vmul.f32 v58, v27  }
0xdd: {  	[tilespmem:s20+$0x8E0] =	vst v9;
	v1 =	vmul.f32 v53, v1  }
0xde: {  	[tilespmem:s20+$0x930] =	vst v2;
	v2 =	vmul.f32 v59, v27  }
0xdf: {  	[tilespmem:s20+$0x8D0] =	vst v1  }
0xe0: {  	s23 =	simm.s32 $0x1;
	[tilespmem:s20+$0x940] =	vst v2;
	v2 =	vmul.f32 v3, v35  }
.LBB2_5:
0xe1: {  	s24 =	sshll.u32 s23, $0x4  }
0xe2: {  	p0 =	sne.s32 s23, $0x7;
	[tilespmem:s20+$0x7A0] =	vst v2;
	s20 =	smov.u32 s23;
	s23 =	sadd.s32 $0x1, s23  }
0xe3: {  	s24 =	sand.u32 $0x3FFFFFF0, s24  }
0xe4: {  	s20 =	sshll.u32 s20, $0xB;
	v1 =	vld [tilespmem:s24+$0x100]  }
0xe5: {  	s20 =	sand.u32 $0x3FFFF800, s20  }
0xe6: {  	v8 =	vld [tilespmem:s20+$0x240]  }
0xe7: {  	v9 =	vld [tilespmem:s20+$0x250]  }
0xe8: {  	v10 =	vld [tilespmem:s20+$0x230]  }
0xe9: {  	v2 =	vbroadcast v1, $0x0;
	v3 =	vld [tilespmem:s20+$0x1A0];
	v7 =	vbroadcast v1, $0x4  }
0xea: {  	v5 =	vld [tilespmem:s20+$0x1B0]  }
0xeb: {  	v6 =	vld [tilespmem:s20+$0x6F0]  }
0xec: {  	v11 =	vld [tilespmem:s20+$0x1E0]  }
0xed: {  	v12 =	vld [tilespmem:s20+$0x1F0]  }
0xee: {  	v4 =	vbroadcast v1, $0xA;
	v3 =	vmul.f32 v3, v2;
	v13 =	vld [tilespmem:s20+$0x200]  }
0xef: {  	v5 =	vmul.f32 v5, v2;
	v14 =	vld [tilespmem:s20+$0x210]  }
0xf0: {  	[tilespmem:s20+$0x1A0] =	vst v3;
	v15 =	vld [tilespmem:s20+$0x220];
	v3 =	vmul.f32 v6, v4  }
0xf1: {  	[tilespmem:s20+$0x1B0] =	vst v5;
	v6 =	vmul.f32 v11, v2;
	v11 =	vbroadcast v1, $0x1;
	v5 =	vld [tilespmem:s20+$0x700]  }
0xf2: {  	v12 =	vmul.f32 v12, v2;
	[tilespmem:s20+$0x6F0] =	vst v3;
	v3 =	vld [tilespmem:s20+$0x950]  }
0xf3: {  	[tilespmem:s20+$0x1E0] =	vst v6;
	v13 =	vmul.f32 v13, v11;
	v6 =	vld [tilespmem:s20+$0x710]  }
0xf4: {  	[tilespmem:s20+$0x1F0] =	vst v12;
	v12 =	vmul.f32 v14, v11;
	v14 =	vld [tilespmem:s20+$0x260]  }
0xf5: {  	[tilespmem:s20+$0x200] =	vst v13;
	v13 =	vmul.f32 v15, v11;
	v15 =	vld [tilespmem:s20+$0x270]  }
0xf6: {  	v10 =	vmul.f32 v10, v11;
	[tilespmem:s20+$0x210] =	vst v12;
	v12 =	vld [tilespmem:s20+$0x280]  }
0xf7: {  	v8 =	vmul.f32 v8, v11;
	[tilespmem:s20+$0x220] =	vst v13;
	v13 =	vld [tilespmem:s20+$0x290]  }
0xf8: {  	v9 =	vmul.f32 v9, v11;
	[tilespmem:s20+$0x230] =	vst v10;
	v10 =	vld [tilespmem:s20+$0x2A0]  }
0xf9: {  	[tilespmem:s20+$0x240] =	vst v8;
	v8 =	vmul.f32 v14, v11;
	v14 =	vbroadcast v1, $0x2;
	v16 =	vld [tilespmem:s20+$0x2B0]  }
0xfa: {  	[tilespmem:s20+$0x250] =	vst v9;
	v9 =	vmul.f32 v15, v11;
	v11 =	vld [tilespmem:s20+$0x2C0]  }
0xfb: {  	[tilespmem:s20+$0x260] =	vst v8;
	v8 =	vmul.f32 v12, v14;
	v12 =	vld [tilespmem:s20+$0x2D0]  }
0xfc: {  	[tilespmem:s20+$0x270] =	vst v9;
	v9 =	vmul.f32 v13, v14;
	v13 =	vld [tilespmem:s20+$0x2E0]  }
0xfd: {  	[tilespmem:s20+$0x280] =	vst v8;
	v8 =	vmul.f32 v10, v14;
	v10 =	vld [tilespmem:s20+$0x2F0]  }
0xfe: {  	[tilespmem:s20+$0x290] =	vst v9;
	v9 =	vmul.f32 v16, v14;
	v15 =	vld [tilespmem:s20+$0x300]  }
0xff: {  	[tilespmem:s20+$0x2A0] =	vst v8;
	v8 =	vmul.f32 v11, v14;
	v11 =	vld [tilespmem:s20+$0x310]  }
0x100: {  	[tilespmem:s20+$0x2B0] =	vst v9;
	v9 =	vmul.f32 v12, v14;
	v12 =	vld [tilespmem:s20+$0x320]  }
0x101: {  	[tilespmem:s20+$0x2C0] =	vst v8;
	v8 =	vmul.f32 v13, v14;
	v13 =	vbroadcast v1, $0x3;
	v16 =	vld [tilespmem:s20+$0x330]  }
0x102: {  	[tilespmem:s20+$0x2D0] =	vst v9;
	v9 =	vmul.f32 v10, v14;
	v10 =	vld [tilespmem:s20+$0x340]  }
0x103: {  	[tilespmem:s20+$0x2E0] =	vst v8;
	v8 =	vmul.f32 v15, v13;
	v14 =	vld [tilespmem:s20+$0x350]  }
0x104: {  	[tilespmem:s20+$0x2F0] =	vst v9;
	v9 =	vmul.f32 v11, v13;
	v11 =	vld [tilespmem:s20+$0x360]  }
0x105: {  	[tilespmem:s20+$0x300] =	vst v8;
	v8 =	vmul.f32 v12, v13;
	v12 =	vld [tilespmem:s20+$0x370]  }
0x106: {  	[tilespmem:s20+$0x310] =	vst v9;
	v9 =	vmul.f32 v16, v13;
	v15 =	vld [tilespmem:s20+$0x380]  }
0x107: {  	[tilespmem:s20+$0x320] =	vst v8;
	v8 =	vmul.f32 v10, v13;
	v10 =	vld [tilespmem:s20+$0x390]  }
0x108: {  	[tilespmem:s20+$0x330] =	vst v9;
	v9 =	vmul.f32 v14, v13;
	v14 =	vld [tilespmem:s20+$0x3A0]  }
0x109: {  	[tilespmem:s20+$0x340] =	vst v8;
	v8 =	vmul.f32 v11, v13;
	v11 =	vld [tilespmem:s20+$0x3B0]  }
0x10a: {  	[tilespmem:s20+$0x350] =	vst v9;
	v9 =	vmul.f32 v12, v13;
	v12 =	vld [tilespmem:s20+$0x3C0]  }
0x10b: {  	[tilespmem:s20+$0x360] =	vst v8;
	v8 =	vmul.f32 v15, v7;
	v13 =	vld [tilespmem:s20+$0x3D0]  }
0x10c: {  	[tilespmem:s20+$0x370] =	vst v9;
	v9 =	vmul.f32 v10, v7;
	v10 =	vld [tilespmem:s20+$0x3E0]  }
0x10d: {  	[tilespmem:s20+$0x380] =	vst v8;
	v8 =	vmul.f32 v14, v7;
	v14 =	vld [tilespmem:s20+$0x3F0]  }
0x10e: {  	[tilespmem:s20+$0x390] =	vst v9;
	v9 =	vmul.f32 v11, v7;
	v11 =	vld [tilespmem:s20+$0x400]  }
0x10f: {  	[tilespmem:s20+$0x3A0] =	vst v8;
	v8 =	vmul.f32 v12, v7;
	v12 =	vld [tilespmem:s20+$0x410]  }
0x110: {  	[tilespmem:s20+$0x3B0] =	vst v9;
	v9 =	vmul.f32 v13, v7;
	v13 =	vld [tilespmem:s20+$0x420]  }
0x111: {  	[tilespmem:s20+$0x3C0] =	vst v8;
	v8 =	vmul.f32 v10, v7;
	v10 =	vbroadcast v1, $0x5;
	v15 =	vld [tilespmem:s20+$0x430]  }
0x112: {  	[tilespmem:s20+$0x3D0] =	vst v9;
	v7 =	vmul.f32 v14, v7;
	v9 =	vld [tilespmem:s20+$0x440]  }
0x113: {  	[tilespmem:s20+$0x3E0] =	vst v8;
	v8 =	vmul.f32 v11, v10;
	v11 =	vld [tilespmem:s20+$0x450]  }
0x114: {  	[tilespmem:s20+$0x3F0] =	vst v7;
	v7 =	vmul.f32 v12, v10;
	v12 =	vld [tilespmem:s20+$0x460]  }
0x115: {  	[tilespmem:s20+$0x400] =	vst v8;
	v8 =	vmul.f32 v13, v10;
	v13 =	vld [tilespmem:s20+$0x470]  }
0x116: {  	[tilespmem:s20+$0x410] =	vst v7;
	v7 =	vmul.f32 v15, v10;
	v14 =	vld [tilespmem:s20+$0x480]  }
0x117: {  	[tilespmem:s20+$0x420] =	vst v8;
	v8 =	vmul.f32 v9, v10;
	v9 =	vld [tilespmem:s20+$0x490]  }
0x118: {  	[tilespmem:s20+$0x430] =	vst v7;
	v7 =	vmul.f32 v11, v10;
	v11 =	vld [tilespmem:s20+$0x4A0]  }
0x119: {  	[tilespmem:s20+$0x440] =	vst v8;
	v8 =	vmul.f32 v12, v10;
	v12 =	vbroadcast v1, $0x6;
	v15 =	vld [tilespmem:s20+$0x4B0]  }
0x11a: {  	[tilespmem:s20+$0x450] =	vst v7;
	v7 =	vmul.f32 v13, v10;
	v10 =	vld [tilespmem:s20+$0x4C0]  }
0x11b: {  	[tilespmem:s20+$0x460] =	vst v8;
	v8 =	vmul.f32 v14, v12;
	v13 =	vld [tilespmem:s20+$0x4D0]  }
0x11c: {  	[tilespmem:s20+$0x470] =	vst v7;
	v7 =	vmul.f32 v9, v12;
	v9 =	vld [tilespmem:s20+$0x4E0]  }
0x11d: {  	[tilespmem:s20+$0x480] =	vst v8;
	v8 =	vmul.f32 v11, v12;
	v11 =	vld [tilespmem:s20+$0x4F0]  }
0x11e: {  	[tilespmem:s20+$0x490] =	vst v7;
	v7 =	vmul.f32 v15, v12;
	v14 =	vld [tilespmem:s20+$0x500]  }
0x11f: {  	[tilespmem:s20+$0x4A0] =	vst v8;
	v8 =	vmul.f32 v10, v12;
	v10 =	vld [tilespmem:s20+$0x510]  }
0x120: {  	[tilespmem:s20+$0x4B0] =	vst v7;
	v7 =	vmul.f32 v13, v12;
	v13 =	vld [tilespmem:s20+$0x520]  }
0x121: {  	[tilespmem:s20+$0x4C0] =	vst v8;
	v8 =	vmul.f32 v9, v12;
	v9 =	vbroadcast v1, $0x7;
	v15 =	vld [tilespmem:s20+$0x530]  }
0x122: {  	[tilespmem:s20+$0x4D0] =	vst v7;
	v7 =	vmul.f32 v11, v12;
	v11 =	vld [tilespmem:s20+$0x540]  }
0x123: {  	[tilespmem:s20+$0x4E0] =	vst v8;
	v8 =	vmul.f32 v14, v9;
	v12 =	vld [tilespmem:s20+$0x550]  }
0x124: {  	[tilespmem:s20+$0x4F0] =	vst v7;
	v7 =	vmul.f32 v10, v9;
	v10 =	vld [tilespmem:s20+$0x560]  }
0x125: {  	[tilespmem:s20+$0x500] =	vst v8;
	v8 =	vmul.f32 v13, v9;
	v13 =	vld [tilespmem:s20+$0x570]  }
0x126: {  	[tilespmem:s20+$0x510] =	vst v7;
	v7 =	vmul.f32 v15, v9;
	v14 =	vld [tilespmem:s20+$0x580]  }
0x127: {  	[tilespmem:s20+$0x520] =	vst v8;
	v8 =	vmul.f32 v11, v9;
	v11 =	vld [tilespmem:s20+$0x590]  }
0x128: {  	[tilespmem:s20+$0x530] =	vst v7;
	v7 =	vmul.f32 v12, v9;
	v12 =	vld [tilespmem:s20+$0x5A0]  }
0x129: {  	[tilespmem:s20+$0x540] =	vst v8;
	v8 =	vmul.f32 v10, v9;
	v10 =	vbroadcast v1, $0x8;
	v15 =	vld [tilespmem:s20+$0x5B0]  }
0x12a: {  	[tilespmem:s20+$0x550] =	vst v7;
	v7 =	vmul.f32 v13, v9;
	v9 =	vld [tilespmem:s20+$0x5C0]  }
0x12b: {  	[tilespmem:s20+$0x560] =	vst v8;
	v8 =	vmul.f32 v14, v10;
	v13 =	vld [tilespmem:s20+$0x5D0]  }
0x12c: {  	[tilespmem:s20+$0x570] =	vst v7;
	v7 =	vmul.f32 v11, v10;
	v11 =	vld [tilespmem:s20+$0x5E0]  }
0x12d: {  	[tilespmem:s20+$0x580] =	vst v8;
	v8 =	vmul.f32 v12, v10;
	v12 =	vld [tilespmem:s20+$0x5F0]  }
0x12e: {  	[tilespmem:s20+$0x590] =	vst v7;
	v7 =	vmul.f32 v15, v10;
	v14 =	vld [tilespmem:s20+$0x600]  }
0x12f: {  	[tilespmem:s20+$0x5A0] =	vst v8;
	v8 =	vmul.f32 v9, v10;
	v9 =	vld [tilespmem:s20+$0x610]  }
0x130: {  	[tilespmem:s20+$0x5B0] =	vst v7;
	v7 =	vmul.f32 v13, v10;
	v13 =	vld [tilespmem:s20+$0x620]  }
0x131: {  	[tilespmem:s20+$0x5C0] =	vst v8;
	v8 =	vmul.f32 v11, v10;
	v11 =	vbroadcast v1, $0x9;
	v15 =	vld [tilespmem:s20+$0x630]  }
0x132: {  	[tilespmem:s20+$0x5D0] =	vst v7;
	v7 =	vmul.f32 v12, v10;
	v10 =	vld [tilespmem:s20+$0x640]  }
0x133: {  	[tilespmem:s20+$0x5E0] =	vst v8;
	v8 =	vmul.f32 v14, v11;
	v12 =	vld [tilespmem:s20+$0x650]  }
0x134: {  	[tilespmem:s20+$0x5F0] =	vst v7;
	v7 =	vmul.f32 v9, v11;
	v9 =	vld [tilespmem:s20+$0x660]  }
0x135: {  	[tilespmem:s20+$0x600] =	vst v8;
	v8 =	vmul.f32 v13, v11;
	v13 =	vld [tilespmem:s20+$0x670]  }
0x136: {  	[tilespmem:s20+$0x610] =	vst v7;
	v7 =	vmul.f32 v15, v11;
	v14 =	vld [tilespmem:s20+$0x680]  }
0x137: {  	[tilespmem:s20+$0x620] =	vst v8;
	v8 =	vmul.f32 v10, v11;
	v10 =	vld [tilespmem:s20+$0x690]  }
0x138: {  	[tilespmem:s20+$0x630] =	vst v7;
	v7 =	vmul.f32 v12, v11;
	v12 =	vld [tilespmem:s20+$0x6A0]  }
0x139: {  	[tilespmem:s20+$0x640] =	vst v8;
	v8 =	vmul.f32 v9, v11;
	v9 =	vld [tilespmem:s20+$0x6B0]  }
0x13a: {  	[tilespmem:s20+$0x650] =	vst v7;
	v7 =	vmul.f32 v13, v11;
	v11 =	vld [tilespmem:s20+$0x6C0]  }
0x13b: {  	[tilespmem:s20+$0x660] =	vst v8;
	v8 =	vmul.f32 v14, v4;
	v13 =	vld [tilespmem:s20+$0x6D0]  }
0x13c: {  	[tilespmem:s20+$0x670] =	vst v7;
	v7 =	vmul.f32 v10, v4;
	v10 =	vld [tilespmem:s20+$0x6E0]  }
0x13d: {  	v14 =	vld [tilespmem:s20+$0x180];
	[tilespmem:s20+$0x680] =	vst v8;
	v8 =	vmul.f32 v12, v4  }
0x13e: {  	v12 =	vld [tilespmem:s20+$0x190];
	[tilespmem:s20+$0x690] =	vst v7;
	v7 =	vmul.f32 v9, v4  }
0x13f: {  	v9 =	vld [tilespmem:s20+$0x1C0];
	[tilespmem:s20+$0x6A0] =	vst v8;
	v8 =	vmul.f32 v11, v4  }
0x140: {  	v11 =	vld [tilespmem:s20+$0x1D0];
	[tilespmem:s20+$0x6B0] =	vst v7;
	v7 =	vmul.f32 v13, v4  }
0x141: {  	[tilespmem:s20+$0x6C0] =	vst v8;
	v8 =	vmul.f32 v10, v4;
	v10 =	vbroadcast v1, $0xB;
	v13 =	vld [tilespmem:s20+$0x720]  }
0x142: {  	v4 =	vbroadcast v1, $0xF;
	v14 =	vmul.f32 v2, v14;
	[tilespmem:s20+$0x6D0] =	vst v7;
	v7 =	vld [tilespmem:s20+$0x730]  }
0x143: {  	v12 =	vmul.f32 v12, v2;
	[tilespmem:s20+$0x6E0] =	vst v8;
	v5 =	vmul.f32 v5, v10;
	v8 =	vld [tilespmem:s20+$0x740]  }
0x144: {  	v6 =	vmul.f32 v6, v10;
	[tilespmem:s20+$0x180] =	vst v14;
	v9 =	vmul.f32 v9, v2;
	v14 =	vld [tilespmem:s20+$0x750]  }
0x145: {  	v3 =	vmul.f32 v3, v4;
	v11 =	vmul.f32 v11, v2;
	[tilespmem:s20+$0x700] =	vst v5;
	v2 =	vld [tilespmem:s20+$0x760]  }
0x146: {  	[tilespmem:s20+$0x710] =	vst v6;
	v5 =	vmul.f32 v13, v10;
	v6 =	vld [tilespmem:s20+$0x770]  }
0x147: {  	v7 =	vmul.f32 v7, v10;
	v13 =	vld [tilespmem:s20+$0x780];
	[tilespmem:s20+$0x950] =	vst v3  }
0x148: {  	[tilespmem:s20+$0x190] =	vst v12;
	v3 =	vmul.f32 v8, v10;
	v8 =	vld [tilespmem:s20+$0x790]  }
0x149: {  	[tilespmem:s20+$0x1C0] =	vst v9;
	v9 =	vmul.f32 v14, v10;
	v12 =	vld [tilespmem:s20+$0x7A0]  }
0x14a: {  	v14 =	vbroadcast v1, $0xC;
	[tilespmem:s20+$0x720] =	vst v5;
	v5 =	vmul.f32 v2, v10;
	v15 =	vld [tilespmem:s20+$0x7B0]  }
0x14b: {  	[tilespmem:s20+$0x750] =	vst v9;
	v6 =	vmul.f32 v6, v10;
	v9 =	vld [tilespmem:s20+$0x7C0]  }
0x14c: {  	[tilespmem:s20+$0x730] =	vst v7;
	v2 =	vmul.f32 v13, v14;
	v7 =	vld [tilespmem:s20+$0x7D0]  }
0x14d: {  	[tilespmem:s20+$0x740] =	vst v3;
	v3 =	vmul.f32 v8, v14;
	v8 =	vld [tilespmem:s20+$0x7E0]  }
0x14e: {  	[tilespmem:s20+$0x780] =	vst v2;
	v2 =	vmul.f32 v12, v14;
	v10 =	vld [tilespmem:s20+$0x7F0]  }
0x14f: {  	[tilespmem:s20+$0x790] =	vst v3;
	v3 =	vld [tilespmem:s20+$0x800]  }
0x150: {  	[tilespmem:s20+$0x1D0] =	vst v11;
	v9 =	vmul.f32 v9, v14;
	v11 =	vld [tilespmem:s20+$0x810]  }
0x151: {  	[tilespmem:s20+$0x760] =	vst v5;
	v5 =	vmul.f32 v7, v14;
	v7 =	vld [tilespmem:s20+$0x820]  }
0x152: {  	[tilespmem:s20+$0x7C0] =	vst v9;
	v8 =	vmul.f32 v8, v14;
	v9 =	vbroadcast v1, $0xD;
	v12 =	vld [tilespmem:s20+$0x830]  }
0x153: {  	[tilespmem:s20+$0x7D0] =	vst v5;
	v5 =	vmul.f32 v10, v14;
	v10 =	vld [tilespmem:s20+$0x840]  }
0x154: {  	[tilespmem:s20+$0x7E0] =	vst v8;
	v3 =	vmul.f32 v3, v9;
	v8 =	vld [tilespmem:s20+$0x850]  }
0x155: {  	[tilespmem:s20+$0x7F0] =	vst v5;
	v5 =	vmul.f32 v11, v9;
	v11 =	vld [tilespmem:s20+$0x860]  }
0x156: {  	[tilespmem:s20+$0x800] =	vst v3;
	v3 =	vmul.f32 v7, v9;
	v7 =	vld [tilespmem:s20+$0x870]  }
0x157: {  	[tilespmem:s20+$0x810] =	vst v5;
	v5 =	vmul.f32 v12, v9;
	v12 =	vld [tilespmem:s20+$0x880]  }
0x158: {  	[tilespmem:s20+$0x820] =	vst v3;
	v3 =	vmul.f32 v10, v9;
	v10 =	vld [tilespmem:s20+$0x890]  }
0x159: {  	[tilespmem:s20+$0x830] =	vst v5;
	v5 =	vmul.f32 v8, v9;
	v8 =	vld [tilespmem:s20+$0x8A0]  }
0x15a: {  	v1 =	vbroadcast v1, $0xE;
	[tilespmem:s20+$0x770] =	vst v6;
	v6 =	vmul.f32 v11, v9;
	v11 =	vld [tilespmem:s20+$0x8B0]  }
0x15b: {  	[tilespmem:s20+$0x850] =	vst v5;
	v5 =	vmul.f32 v7, v9;
	v7 =	vld [tilespmem:s20+$0x8C0]  }
0x15c: {  	[tilespmem:s20+$0x860] =	vst v6;
	v6 =	vmul.f32 v12, v1;
	v9 =	vld [tilespmem:s20+$0x8D0]  }
0x15d: {  	[tilespmem:s20+$0x870] =	vst v5;
	v5 =	vmul.f32 v10, v1;
	v10 =	vld [tilespmem:s20+$0x8E0]  }
0x15e: {  	[tilespmem:s20+$0x880] =	vst v6;
	v6 =	vmul.f32 v8, v1;
	v8 =	vld [tilespmem:s20+$0x8F0]  }
0x15f: {  	[tilespmem:s20+$0x890] =	vst v5;
	v5 =	vmul.f32 v11, v1;
	v11 =	vld [tilespmem:s20+$0x900]  }
0x160: {  	[tilespmem:s20+$0x8A0] =	vst v6;
	v6 =	vmul.f32 v7, v1;
	v7 =	vld [tilespmem:s20+$0x910]  }
0x161: {  	[tilespmem:s20+$0x8B0] =	vst v5;
	v5 =	vmul.f32 v9, v1;
	v9 =	vld [tilespmem:s20+$0x920]  }
0x162: {  	[tilespmem:s20+$0x8C0] =	vst v6;
	v6 =	vmul.f32 v10, v1;
	v10 =	vld [tilespmem:s20+$0x930]  }
0x163: {  	[tilespmem:s20+$0x840] =	vst v3;
	v1 =	vmul.f32 v8, v1;
	v3 =	vld [tilespmem:s20+$0x940]  }
0x164: {  	[tilespmem:s20+$0x8E0] =	vst v6;
	v6 =	vmul.f32 v11, v4;
	v8 =	vld [tilespmem:s20+$0x960]  }
0x165: {  	[tilespmem:s20+$0x8F0] =	vst v1;
	v1 =	vmul.f32 v7, v4;
	v7 =	vld [tilespmem:s20+$0x970]  }
0x166: {  	[tilespmem:s20+$0x900] =	vst v6;
	v6 =	vmul.f32 v9, v4  }
0x167: {  	[tilespmem:s20+$0x910] =	vst v1;
	v1 =	vmul.f32 v10, v4  }
0x168: {  	v9 =	vmul.f32 v15, v14;
	[tilespmem:s20+$0x920] =	vst v6  }
0x169: {  	[tilespmem:s20+$0x930] =	vst v1;
	v1 =	vmul.f32 v3, v4  }
.Ltmp1:
0x16a: {  	[tilespmem:s20+$0x7B0] =	vst v9;
	v3 =	vmul.f32 v7, v4;
	(pc) =	sbr.rel @p0 .LBB2_5-.Ltmp1, $4  }
0x16b: {  	[tilespmem:s20+$0x940] =	vst v1  }
0x16c: {  	v1 =	vmul.f32 v8, v4;
	[tilespmem:s20+$0x970] =	vst v3  }
0x16d: {  	[tilespmem:s20+$0x8D0] =	vst v5  }
0x16e: {  	[tilespmem:s20+$0x960] =	vst v1  }
0x16f: {  	[tilespmem:s20+$0x7A0] =	vst v2;
	s19 =	sadd.s32 $0x1, s19  }
0x170: {  	[spmem:s3] =	stream.indirect.scatter.add.f32 [tilespmem:s31], [sflag:$0x1], $0x80, s14, s14, $0xb8;
	[tilespmem:$0x17D80] =	vst v63  }
0x171: {  	p0 =	slt.s32 s19, $0x4E;
	s20 =	smov.u32 s19  }
0x172: {  	s20 =	simm.s32 @!p0 $0x4E  }
0x173: {  	s20 =	sadd.s32 s9, s20  }
0x174: {  	s20 =	sshll.u32 s20, $0x4  }
0x175: {  	s20 =	sand.u32 $0xFFFFFF0, s20  }
0x176: {  	s23 =	sadd.s32 s2, s20  }
0x177: {  	[tilespmem:s4], [sflag:$0x2] =	stream.linear.gather [hbm4b:s23+s4], $0x80, $0x38;
	[tilespmem:$0x17D80] =	vst v63  }
0x178: {  	_ =	swait.ge [sflag:s0], $0x80  }
0x179: {  	[sflag:s0] =	ssyncset.done $0x0  }
0x17a: {  	s20 =	sadd.s32 s7, s20;
	[sflag:s0] =	ssyncadd.s32 $0xFFFFFF80  }
0x17b: {  	[tilespmem:s5], [sflag:$0x2] =	stream.linear.gather [hbm4b:s20+s4], $0x80, $0x38;
	[tilespmem:$0x17D80] =	vst v63  }
0x17c: {  	p0 =	sne.s32 s19, $0x4F;
	_ =	swait.ge [sflag:s0], $0x80  }
.Ltmp2:
0x17d: {  	[sflag:s0] =	ssyncset.done $0x0;
	(pc) =	sbr.rel @p0 .LBB2_4-.Ltmp2, $4  }
0x17e: {  	[sflag:s0] =	ssyncadd.s32 $0xFFFFFF80  }
0x17f: {  	_ =	swait.ge [sflag:s16], $0x4000  }
0x180: {  	[sflag:s16] =	ssyncset.done $0x0  }
0x181: {  	[sflag:s16] =	ssyncadd.s32 $0xFFFFC000  }
0x182: {  	s15 =	stileid.u32  }
0x183: {  	[bflag:$0x0] =	sbarrier.arrive $0xFFFF;
	s18 =	sshll.u32 s15, $0x6  }
0x184: {  	s19 =	sshrl.u32 s8, $0x3;
	s24 =	rddreg [dreg:$0x6];
	s18 =	sor.u32 $0x1C02, s18  }
0x185: {  	[hbm:s24], [sflag:s18] =	dma.local [spmem:s19], $0x800  }
0x186: {  	_ =	swait.ge [sflag:s0], $0x800  }
0x187: {  	[sflag:s0] =	ssyncset.done $0x0  }
0x188: {  	s20 =	sshrl.u32 s10, $0x3;
	s25 =	rddreg [dreg:$0x8];
	[sflag:s0] =	ssyncadd.s32 $0xFFFFF800  }
0x189: {  	[hbm:s25], [sflag:s18] =	dma.local [spmem:s20], $0x800  }
0x18a: {  	_ =	swait.ge [sflag:s0], $0x800  }
0x18b: {  	[sflag:s0] =	ssyncset.done $0x0  }
0x18c: {  	s23 =	sshrl.u32 s11, $0x3;
	s26 =	rddreg [dreg:$0x9];
	[sflag:s0] =	ssyncadd.s32 $0xFFFFF800  }
0x18d: {  	[hbm:s26], [sflag:s18] =	dma.local [spmem:s23], $0x800  }
0x18e: {  	_ =	swait.ge [sflag:s0], $0x800  }
0x18f: {  	[sflag:s0] =	ssyncset.done $0x0  }
0x190: {  	s24 =	sshrl.u32 s12, $0x3;
	s29 =	rddreg [dreg:$0xa];
	[sflag:s0] =	ssyncadd.s32 $0xFFFFF800  }
0x191: {  	[hbm:s29], [sflag:s18] =	dma.local [spmem:s24], $0x800  }
0x192: {  	_ =	swait.ge [sflag:s0], $0x800  }
0x193: {  	[sflag:s0] =	ssyncset.done $0x0  }
0x194: {  	s25 =	sshrl.u32 s13, $0x3;
	s30 =	rddreg [dreg:$0xb];
	[sflag:s0] =	ssyncadd.s32 $0xFFFFF800  }
0x195: {  	[hbm:s30], [sflag:s18] =	dma.local [spmem:s25], $0x780  }
0x196: {  	_ =	swait.ge [sflag:s0], $0x780  }
0x197: {  	[sflag:s0] =	ssyncset.done $0x0  }
0x198: {  	s28 =	simm.s32 $0x200;
	s26 =	simm.s32 $0x0;
	[sflag:s0] =	ssyncadd.s32 $0xFFFFF880  }
.LBB2_8:
0x199: {  	p0 =	sne.s32 s28, $0xFE00;
	[tilespmem:s26+$0x1F0] =	vst v0  }
0x19a: {  	[tilespmem:s26+$0x180] =	vst v0  }
0x19b: {  	[tilespmem:s26+$0x190] =	vst v0  }
.Ltmp3:
0x19c: {  	[tilespmem:s26+$0x1A0] =	vst v0;
	(pc) =	sbr.rel @p0 .LBB2_8-.Ltmp3, $4  }
0x19d: {  	[tilespmem:s26+$0x1B0] =	vst v0  }
0x19e: {  	[tilespmem:s26+$0x1C0] =	vst v0  }
0x19f: {  	[tilespmem:s26+$0x1D0] =	vst v0  }
0x1a0: {  	[tilespmem:s26+$0x1E0] =	vst v0;
	s26 =	sshra.s32 s28, $0x2;
	s28 =	sadd.s32 $0x200, s28  }
0x1a1: {  	[tilespmem:s26+$0x1F0] =	vst v0  }
0x1a2: {  	[tilespmem:s26+$0x180] =	vst v0  }
0x1a3: {  	[tilespmem:s26+$0x190] =	vst v0  }
0x1a4: {  	[tilespmem:s26+$0x1A0] =	vst v0  }
0x1a5: {  	[tilespmem:s26+$0x1B0] =	vst v0  }
0x1a6: {  	[tilespmem:s26+$0x1C0] =	vst v0  }
0x1a7: {  	[tilespmem:s26+$0x1D0] =	vst v0  }
0x1a8: {  	[tilespmem:s26+$0x1E0] =	vst v0  }
0x1a9: {  	[spmem:s8] =	stream.linear.scatter [tilespmem:s31], [sflag:$0x2], $0x4000, $0x38;
	[tilespmem:$0x17D80] =	vst v63  }
0x1aa: {  	_ =	swait.ge [sflag:s0], $0x4000  }
0x1ab: {  	[sflag:s0] =	ssyncset.done $0x0  }
0x1ac: {  	[sflag:s0] =	ssyncadd.s32 $0xFFFFC000  }
0x1ad: {  	[spmem:s10] =	stream.linear.scatter [tilespmem:s31], [sflag:$0x2], $0x4000, $0x38;
	[tilespmem:$0x17D80] =	vst v63  }
0x1ae: {  	_ =	swait.ge [sflag:s0], $0x4000  }
0x1af: {  	[sflag:s0] =	ssyncset.done $0x0  }
0x1b0: {  	[sflag:s0] =	ssyncadd.s32 $0xFFFFC000  }
0x1b1: {  	[spmem:s11] =	stream.linear.scatter [tilespmem:s31], [sflag:$0x2], $0x4000, $0x38;
	[tilespmem:$0x17D80] =	vst v63  }
0x1b2: {  	_ =	swait.ge [sflag:s0], $0x4000  }
0x1b3: {  	[sflag:s0] =	ssyncset.done $0x0  }
0x1b4: {  	[sflag:s0] =	ssyncadd.s32 $0xFFFFC000  }
0x1b5: {  	[spmem:s12] =	stream.linear.scatter [tilespmem:s31], [sflag:$0x2], $0x4000, $0x38;
	[tilespmem:$0x17D80] =	vst v63  }
0x1b6: {  	_ =	swait.ge [sflag:s0], $0x4000  }
0x1b7: {  	[sflag:s0] =	ssyncset.done $0x0  }
0x1b8: {  	[sflag:s0] =	ssyncadd.s32 $0xFFFFC000  }
0x1b9: {  	[spmem:s13] =	stream.linear.scatter [tilespmem:s31], [sflag:$0x2], $0x3C00, $0x38;
	[tilespmem:$0x17D80] =	vst v63  }
0x1ba: {  	_ =	swait.ge [sflag:s0], $0x3C00  }
0x1bb: {  	[sflag:s0] =	ssyncset.done $0x0  }
0x1bc: {  	[sflag:s0] =	ssyncadd.s32 $0xFFFFC400  }
0x1bd: {  	[bflag:$0x0] =	sbarrier.arrive $0xFFFF  }
0x1be: {  	s26 =	simm.s32 $0x0;
	s15 =	rddreg [dreg:$0xc]  }
0x1bf: {  	[tilespmem:s26], [sflag:$0x2] =	stream.linear.gather [hbm4b:s15+s26], $0x80, $0x38;
	[tilespmem:$0x17D80] =	vst v63  }
0x1c0: {  	_ =	swait.ge [sflag:s0], $0x80  }
0x1c1: {  	[sflag:s0] =	ssyncset.done $0x0  }
0x1c2: {  	s30 =	rddreg [dreg:$0xd];
	[sflag:s0] =	ssyncadd.s32 $0xFFFFFF80  }
0x1c3: {  	[tilespmem:s5], [sflag:$0x2] =	stream.linear.gather [hbm4b:s30+s26], $0x80, $0x38;
	[tilespmem:$0x17D80] =	vst v63  }
0x1c4: {  	_ =	swait.ge [sflag:s0], $0x80  }
0x1c5: {  	[sflag:s0] =	ssyncset.done $0x0  }
0x1c6: {  	s28 =	simm.s32 $0x0;
	[sflag:s0] =	ssyncadd.s32 $0xFFFFFF80  }
.LBB2_10:
0x1c7: {  	[tilespmem:s31], [sflag:$0x1] =	stream.indirect.gather [hbm4b:s1+s14], $0x80, s26, s14, $0xb8;
	[tilespmem:$0x17D80] =	vst v63  }
0x1c8: {  	s29 =	sadd.s32 s21, s28  }
0x1c9: {  	s29 =	sshll.u32 s29, $0x4  }
0x1ca: {  	s29 =	sand.u32 $0x1FFFFFF0, s29  }
0x1cb: {  	s29 =	sadd.s32 s6, s29  }
0x1cc: {  	[tilespmem:s14], [sflag:$0x2] =	stream.linear.gather [hbm4b:s29+s26], $0x80, $0x38;
	[tilespmem:$0x17D80] =	vst v63  }
0x1cd: {  	_ =	swait.ge [sflag:s0], $0x80  }
0x1ce: {  	[sflag:s0] =	ssyncset.done $0x0  }
0x1cf: {  	[sflag:s0] =	ssyncadd.s32 $0xFFFFFF80  }
0x1d0: {  	_ =	swait.ge [sflag:s16], $0x4000  }
0x1d1: {  	s29 =	simm.s32 $0x0;
	[sflag:s16] =	ssyncset.done $0x0  }
0x1d2: {  	s29 =	sand.u32 $0x3FFFFFF0, s29;
	[sflag:s16] =	ssyncadd.s32 $0xFFFFC000  }
0x1d3: {  	s30 =	simm.s32 $0x0;
	v1 =	vld [tilespmem:s29+$0x100]  }
0x1d4: {  	s29 =	sand.u32 $0x3FFFF800, s30  }
0x1d5: {  	v3 =	vld [tilespmem:s29+$0x1A0]  }
0x1d6: {  	v4 =	vld [tilespmem:s29+$0x1B0]  }
0x1d7: {  	v10 =	vld [tilespmem:s29+$0x1E0]  }
0x1d8: {  	v11 =	vld [tilespmem:s29+$0x1F0];
	v2 =	vbroadcast v1, $0x0  }
0x1d9: {  	v12 =	vld [tilespmem:s29+$0x200]  }
0x1da: {  	v13 =	vld [tilespmem:s29+$0x210];
	v3 =	vmul.f32 v3, v2  }
0x1db: {  	v14 =	vld [tilespmem:s29+$0x220];
	v4 =	vmul.f32 v4, v2  }
0x1dc: {  	v9 =	vld [tilespmem:s29+$0x230];
	v23 =	vbroadcast v1, $0x1;
	v22 =	vmul.f32 v10, v2;
	[tilespmem:s29+$0x1A0] =	vst v3  }
0x1dd: {  	v7 =	vld [tilespmem:s29+$0x240];
	v11 =	vmul.f32 v11, v2;
	[tilespmem:s29+$0x1B0] =	vst v4  }
0x1de: {  	v8 =	vld [tilespmem:s29+$0x250];
	v12 =	vmul.f32 v12, v23;
	[tilespmem:s29+$0x1E0] =	vst v22  }
0x1df: {  	v25 =	vld [tilespmem:s29+$0x270];
	v13 =	vmul.f32 v13, v23;
	[tilespmem:s29+$0x1F0] =	vst v11  }
0x1e0: {  	v26 =	vld [tilespmem:s29+$0x280];
	v14 =	vmul.f32 v14, v23;
	[tilespmem:s29+$0x200] =	vst v12  }
0x1e1: {  	v27 =	vld [tilespmem:s29+$0x290];
	v9 =	vmul.f32 v9, v23;
	[tilespmem:s29+$0x210] =	vst v13  }
0x1e2: {  	v6 =	vld [tilespmem:s29+$0x6F0];
	v7 =	vmul.f32 v7, v23;
	[tilespmem:s29+$0x220] =	vst v14  }
0x1e3: {  	v24 =	vld [tilespmem:s29+$0x260];
	v15 =	vbroadcast v1, $0x2;
	v8 =	vmul.f32 v8, v23;
	[tilespmem:s29+$0x230] =	vst v9  }
0x1e4: {  	v28 =	vld [tilespmem:s29+$0x2A0];
	v10 =	vmul.f32 v25, v23;
	[tilespmem:s29+$0x240] =	vst v7  }
0x1e5: {  	v29 =	vld [tilespmem:s29+$0x2B0];
	v5 =	vbroadcast v1, $0xA;
	v32 =	vmul.f32 v26, v15;
	[tilespmem:s29+$0x250] =	vst v8  }
0x1e6: {  	v30 =	vld [tilespmem:s29+$0x2C0];
	v34 =	vmul.f32 v27, v15;
	[tilespmem:s29+$0x270] =	vst v10  }
0x1e7: {  	v33 =	vld [tilespmem:s29+$0x2E0];
	v3 =	vmul.f32 v6, v5;
	[tilespmem:s29+$0x280] =	vst v32  }
0x1e8: {  	v35 =	vld [tilespmem:s29+$0x2F0];
	v11 =	vmul.f32 v24, v23;
	[tilespmem:s29+$0x290] =	vst v34  }
0x1e9: {  	v36 =	vld [tilespmem:s29+$0x300];
	v9 =	vmul.f32 v28, v15;
	[tilespmem:s29+$0x6F0] =	vst v3  }
0x1ea: {  	v31 =	vld [tilespmem:s29+$0x2D0];
	v7 =	vmul.f32 v29, v15;
	[tilespmem:s29+$0x260] =	vst v11  }
0x1eb: {  	v37 =	vld [tilespmem:s29+$0x310];
	v8 =	vmul.f32 v30, v15;
	[tilespmem:s29+$0x2A0] =	vst v9  }
0x1ec: {  	v38 =	vld [tilespmem:s29+$0x320];
	v41 =	vbroadcast v1, $0x3;
	v10 =	vmul.f32 v33, v15;
	[tilespmem:s29+$0x2B0] =	vst v7  }
0x1ed: {  	v39 =	vld [tilespmem:s29+$0x330];
	v12 =	vmul.f32 v35, v15;
	[tilespmem:s29+$0x2C0] =	vst v8  }
0x1ee: {  	v42 =	vld [tilespmem:s29+$0x350];
	v13 =	vmul.f32 v36, v41;
	[tilespmem:s29+$0x2E0] =	vst v10  }
0x1ef: {  	v43 =	vld [tilespmem:s29+$0x360];
	v11 =	vmul.f32 v31, v15;
	[tilespmem:s29+$0x2F0] =	vst v12  }
0x1f0: {  	v44 =	vld [tilespmem:s29+$0x370];
	v9 =	vmul.f32 v37, v41;
	[tilespmem:s29+$0x300] =	vst v13  }
0x1f1: {  	v40 =	vld [tilespmem:s29+$0x340];
	v7 =	vmul.f32 v38, v41;
	[tilespmem:s29+$0x2D0] =	vst v11  }
0x1f2: {  	v45 =	vld [tilespmem:s29+$0x380];
	v8 =	vmul.f32 v39, v41;
	[tilespmem:s29+$0x310] =	vst v9  }
0x1f3: {  	v46 =	vld [tilespmem:s29+$0x390];
	v10 =	vmul.f32 v42, v41;
	[tilespmem:s29+$0x320] =	vst v7  }
0x1f4: {  	v47 =	vld [tilespmem:s29+$0x3A0];
	v12 =	vmul.f32 v43, v41;
	[tilespmem:s29+$0x330] =	vst v8  }
0x1f5: {  	v49 =	vld [tilespmem:s29+$0x3C0];
	v50 =	vbroadcast v1, $0x4;
	v13 =	vmul.f32 v44, v41;
	[tilespmem:s29+$0x350] =	vst v10  }
0x1f6: {  	v51 =	vld [tilespmem:s29+$0x3D0];
	v11 =	vmul.f32 v40, v41;
	[tilespmem:s29+$0x360] =	vst v12  }
0x1f7: {  	v52 =	vld [tilespmem:s29+$0x3E0];
	v9 =	vmul.f32 v45, v50;
	[tilespmem:s29+$0x370] =	vst v13  }
0x1f8: {  	v48 =	vld [tilespmem:s29+$0x3B0];
	v7 =	vmul.f32 v46, v50;
	[tilespmem:s29+$0x340] =	vst v11  }
0x1f9: {  	v53 =	vld [tilespmem:s29+$0x3F0];
	v8 =	vmul.f32 v47, v50;
	[tilespmem:s29+$0x380] =	vst v9  }
0x1fa: {  	v54 =	vld [tilespmem:s29+$0x400];
	v10 =	vmul.f32 v49, v50;
	[tilespmem:s29+$0x390] =	vst v7  }
0x1fb: {  	v55 =	vld [tilespmem:s29+$0x410];
	v12 =	vmul.f32 v51, v50;
	[tilespmem:s29+$0x3A0] =	vst v8  }
0x1fc: {  	v57 =	vld [tilespmem:s29+$0x430];
	v13 =	vmul.f32 v52, v50;
	[tilespmem:s29+$0x3C0] =	vst v10  }
0x1fd: {  	v58 =	vld [tilespmem:s29+$0x440];
	v59 =	vbroadcast v1, $0x5;
	v11 =	vmul.f32 v48, v50;
	[tilespmem:s29+$0x3D0] =	vst v12  }
0x1fe: {  	v60 =	vld [tilespmem:s29+$0x450];
	v9 =	vmul.f32 v53, v50;
	[tilespmem:s29+$0x3E0] =	vst v13  }
0x1ff: {  	v56 =	vld [tilespmem:s29+$0x420];
	v7 =	vmul.f32 v54, v59;
	[tilespmem:s29+$0x3B0] =	vst v11  }
0x200: {  	v61 =	vld [tilespmem:s29+$0x460];
	v8 =	vmul.f32 v55, v59;
	[tilespmem:s29+$0x3F0] =	vst v9  }
0x201: {  	v62 =	vld [tilespmem:s29+$0x470];
	v10 =	vmul.f32 v57, v59;
	[tilespmem:s29+$0x400] =	vst v7  }
0x202: {  	v63 =	vld [tilespmem:s29+$0x480];
	v12 =	vmul.f32 v58, v59;
	[tilespmem:s29+$0x410] =	vst v8  }
0x203: {  	v19 =	vld [tilespmem:s29+$0x4A0];
	v13 =	vmul.f32 v60, v59;
	[tilespmem:s29+$0x430] =	vst v10  }
0x204: {  	v20 =	vld [tilespmem:s29+$0x4B0];
	v11 =	vmul.f32 v56, v59;
	[tilespmem:s29+$0x440] =	vst v12  }
0x205: {  	v21 =	vld [tilespmem:s29+$0x4C0];
	v22 =	vbroadcast v1, $0x6;
	v9 =	vmul.f32 v61, v59;
	[tilespmem:s29+$0x450] =	vst v13  }
0x206: {  	v18 =	vld [tilespmem:s29+$0x490];
	v7 =	vmul.f32 v62, v59;
	[tilespmem:s29+$0x420] =	vst v11  }
0x207: {  	v23 =	vld [tilespmem:s29+$0x4D0];
	v8 =	vmul.f32 v63, v22;
	[tilespmem:s29+$0x460] =	vst v9  }
0x208: {  	v24 =	vld [tilespmem:s29+$0x4E0];
	v10 =	vmul.f32 v19, v22;
	[tilespmem:s29+$0x470] =	vst v7  }
0x209: {  	v25 =	vld [tilespmem:s29+$0x4F0];
	v12 =	vmul.f32 v20, v22;
	[tilespmem:s29+$0x480] =	vst v8  }
0x20a: {  	v27 =	vld [tilespmem:s29+$0x510];
	v13 =	vmul.f32 v21, v22;
	[tilespmem:s29+$0x4A0] =	vst v10  }
0x20b: {  	v28 =	vld [tilespmem:s29+$0x520];
	v11 =	vmul.f32 v18, v22;
	[tilespmem:s29+$0x4B0] =	vst v12  }
0x20c: {  	v29 =	vld [tilespmem:s29+$0x530];
	v9 =	vmul.f32 v23, v22;
	[tilespmem:s29+$0x4C0] =	vst v13  }
0x20d: {  	v31 =	vbroadcast v1, $0x7;
	v53 =	vld [tilespmem:s29+$0x680];
	v7 =	vmul.f32 v24, v22;
	[tilespmem:s29+$0x490] =	vst v11  }
0x20e: {  	v57 =	vld [tilespmem:s29+$0x6C0];
	v8 =	vmul.f32 v25, v22;
	[tilespmem:s29+$0x4D0] =	vst v9  }
0x20f: {  	v58 =	vld [tilespmem:s29+$0x6D0];
	v10 =	vmul.f32 v27, v31;
	[tilespmem:s29+$0x4E0] =	vst v7  }
0x210: {  	v26 =	vld [tilespmem:s29+$0x500];
	v12 =	vmul.f32 v28, v31;
	[tilespmem:s29+$0x4F0] =	vst v8  }
0x211: {  	v30 =	vld [tilespmem:s29+$0x540];
	v13 =	vmul.f32 v29, v31;
	[tilespmem:s29+$0x510] =	vst v10  }
0x212: {  	v32 =	vld [tilespmem:s29+$0x550];
	v59 =	vmul.f32 v53, v5;
	[tilespmem:s29+$0x520] =	vst v12  }
0x213: {  	v33 =	vld [tilespmem:s29+$0x560];
	v18 =	vmul.f32 v57, v5;
	[tilespmem:s29+$0x530] =	vst v13  }
0x214: {  	v35 =	vld [tilespmem:s29+$0x580];
	v20 =	vmul.f32 v58, v5;
	[tilespmem:s29+$0x680] =	vst v59  }
0x215: {  	v36 =	vld [tilespmem:s29+$0x590];
	v11 =	vmul.f32 v26, v31;
	[tilespmem:s29+$0x6C0] =	vst v18  }
0x216: {  	v37 =	vld [tilespmem:s29+$0x5A0];
	v9 =	vmul.f32 v30, v31;
	[tilespmem:s29+$0x6D0] =	vst v20  }
0x217: {  	v4 =	vld [tilespmem:s29+$0x700];
	v40 =	vbroadcast v1, $0x8;
	v7 =	vmul.f32 v32, v31;
	[tilespmem:s29+$0x500] =	vst v11  }
0x218: {  	v6 =	vld [tilespmem:s29+$0x710];
	v8 =	vmul.f32 v33, v31;
	[tilespmem:s29+$0x540] =	vst v9  }
0x219: {  	v3 =	vld [tilespmem:s29+$0x950];
	v10 =	vmul.f32 v35, v40;
	[tilespmem:s29+$0x550] =	vst v7  }
0x21a: {  	v61 =	vld [tilespmem:s29+$0x180];
	v23 =	vbroadcast v1, $0xB;
	v12 =	vmul.f32 v36, v40;
	[tilespmem:s29+$0x560] =	vst v8  }
0x21b: {  	v34 =	vld [tilespmem:s29+$0x570];
	v13 =	vmul.f32 v37, v40;
	[tilespmem:s29+$0x580] =	vst v10  }
0x21c: {  	v38 =	vld [tilespmem:s29+$0x5B0];
	v27 =	vbroadcast v1, $0xF;
	v4 =	vmul.f32 v4, v23;
	[tilespmem:s29+$0x590] =	vst v12  }
0x21d: {  	v39 =	vld [tilespmem:s29+$0x5C0];
	v6 =	vmul.f32 v6, v23;
	[tilespmem:s29+$0x5A0] =	vst v13  }
0x21e: {  	v41 =	vld [tilespmem:s29+$0x5D0];
	v3 =	vmul.f32 v3, v27;
	[tilespmem:s29+$0x700] =	vst v4  }
0x21f: {  	v43 =	vld [tilespmem:s29+$0x5F0];
	v24 =	vmul.f32 v2, v61;
	[tilespmem:s29+$0x710] =	vst v6  }
0x220: {  	v44 =	vld [tilespmem:s29+$0x600];
	v11 =	vmul.f32 v34, v31;
	[tilespmem:s29+$0x950] =	vst v3  }
0x221: {  	v45 =	vld [tilespmem:s29+$0x610];
	v9 =	vmul.f32 v38, v40;
	[tilespmem:s29+$0x180] =	vst v24  }
0x222: {  	v63 =	vld [tilespmem:s29+$0x1C0];
	v7 =	vmul.f32 v39, v40;
	[tilespmem:s29+$0x570] =	vst v11  }
0x223: {  	v49 =	vbroadcast v1, $0x9;
	v29 =	vld [tilespmem:s29+$0x770];
	v8 =	vmul.f32 v41, v40;
	[tilespmem:s29+$0x5B0] =	vst v9  }
0x224: {  	v42 =	vld [tilespmem:s29+$0x5E0];
	v10 =	vmul.f32 v43, v40;
	[tilespmem:s29+$0x5C0] =	vst v7  }
0x225: {  	v46 =	vld [tilespmem:s29+$0x620];
	v12 =	vmul.f32 v44, v49;
	[tilespmem:s29+$0x5D0] =	vst v8  }
0x226: {  	v47 =	vld [tilespmem:s29+$0x630];
	v13 =	vmul.f32 v45, v49;
	[tilespmem:s29+$0x5F0] =	vst v10  }
0x227: {  	v48 =	vld [tilespmem:s29+$0x640];
	v3 =	vmul.f32 v63, v2;
	[tilespmem:s29+$0x600] =	vst v12  }
0x228: {  	v51 =	vld [tilespmem:s29+$0x660];
	v6 =	vmul.f32 v29, v23;
	[tilespmem:s29+$0x610] =	vst v13  }
0x229: {  	v52 =	vld [tilespmem:s29+$0x670];
	v11 =	vmul.f32 v42, v40;
	[tilespmem:s29+$0x1C0] =	vst v3  }
0x22a: {  	v28 =	vld [tilespmem:s29+$0x760];
	v9 =	vmul.f32 v46, v49;
	[tilespmem:s29+$0x770] =	vst v6  }
0x22b: {  	v26 =	vld [tilespmem:s29+$0x750];
	v7 =	vmul.f32 v47, v49;
	[tilespmem:s29+$0x5E0] =	vst v11  }
0x22c: {  	v30 =	vld [tilespmem:s29+$0x780];
	v8 =	vmul.f32 v48, v49;
	[tilespmem:s29+$0x620] =	vst v9  }
0x22d: {  	v50 =	vld [tilespmem:s29+$0x650];
	v10 =	vmul.f32 v51, v49;
	[tilespmem:s29+$0x630] =	vst v7  }
0x22e: {  	v54 =	vld [tilespmem:s29+$0x690];
	v12 =	vmul.f32 v52, v49;
	[tilespmem:s29+$0x640] =	vst v8  }
0x22f: {  	v55 =	vld [tilespmem:s29+$0x6A0];
	v35 =	vbroadcast v1, $0xC;
	v40 =	vmul.f32 v28, v23;
	[tilespmem:s29+$0x660] =	vst v10  }
0x230: {  	v56 =	vld [tilespmem:s29+$0x6B0];
	v32 =	vmul.f32 v26, v23;
	[tilespmem:s29+$0x670] =	vst v12  }
0x231: {  	v60 =	vld [tilespmem:s29+$0x6E0];
	v15 =	vmul.f32 v30, v35;
	[tilespmem:s29+$0x760] =	vst v40  }
0x232: {  	v62 =	vld [tilespmem:s29+$0x190];
	v11 =	vmul.f32 v50, v49;
	[tilespmem:s29+$0x750] =	vst v32  }
0x233: {  	v19 =	vld [tilespmem:s29+$0x1D0];
	v9 =	vmul.f32 v54, v5;
	[tilespmem:s29+$0x780] =	vst v15  }
0x234: {  	v33 =	vld [tilespmem:s29+$0x7B0];
	v7 =	vmul.f32 v55, v5;
	[tilespmem:s29+$0x650] =	vst v11  }
0x235: {  	v61 =	vld [tilespmem:s29+$0x970];
	v8 =	vmul.f32 v56, v5;
	[tilespmem:s29+$0x690] =	vst v9  }
0x236: {  	v38 =	vld [tilespmem:s29+$0x7F0];
	v5 =	vmul.f32 v60, v5;
	[tilespmem:s29+$0x6A0] =	vst v7  }
0x237: {  	v21 =	vld [tilespmem:s29+$0x720];
	v12 =	vmul.f32 v62, v2;
	[tilespmem:s29+$0x6B0] =	vst v8  }
0x238: {  	v22 =	vld [tilespmem:s29+$0x730];
	v2 =	vmul.f32 v19, v2;
	[tilespmem:s29+$0x6E0] =	vst v5  }
0x239: {  	v25 =	vld [tilespmem:s29+$0x740];
	v62 =	vmul.f32 v33, v35;
	[tilespmem:s29+$0x190] =	vst v12  }
0x23a: {  	v31 =	vld [tilespmem:s29+$0x790];
	v63 =	vmul.f32 v61, v27;
	[tilespmem:s29+$0x1D0] =	vst v2  }
0x23b: {  	v34 =	vld [tilespmem:s29+$0x7C0];
	v15 =	vmul.f32 v38, v35;
	[tilespmem:s29+$0x7B0] =	vst v62  }
0x23c: {  	v41 =	vld [tilespmem:s29+$0x820];
	v7 =	vmul.f32 v21, v23;
	[tilespmem:s29+$0x970] =	vst v63  }
0x23d: {  	v46 =	vld [tilespmem:s29+$0x860];
	v8 =	vmul.f32 v22, v23;
	[tilespmem:s29+$0x7F0] =	vst v15  }
0x23e: {  	v36 =	vld [tilespmem:s29+$0x7D0];
	v5 =	vmul.f32 v25, v23;
	[tilespmem:s29+$0x720] =	vst v7  }
0x23f: {  	v44 =	vbroadcast v1, $0xD;
	v9 =	vmul.f32 v31, v35;
	v2 =	vld [tilespmem:s29+$0x810];
	[tilespmem:s29+$0x730] =	vst v8  }
0x240: {  	v37 =	vld [tilespmem:s29+$0x7E0];
	v12 =	vmul.f32 v34, v35;
	[tilespmem:s29+$0x740] =	vst v5  }
0x241: {  	v39 =	vld [tilespmem:s29+$0x800];
	v11 =	vmul.f32 v41, v44;
	[tilespmem:s29+$0x790] =	vst v9  }
0x242: {  	v42 =	vld [tilespmem:s29+$0x830];
	v51 =	vmul.f32 v46, v44;
	[tilespmem:s29+$0x7C0] =	vst v12  }
0x243: {  	v48 =	vld [tilespmem:s29+$0x890];
	v8 =	vmul.f32 v36, v35;
	[tilespmem:s29+$0x820] =	vst v11  }
0x244: {  	v49 =	vld [tilespmem:s29+$0x8A0];
	[tilespmem:s29+$0x860] =	vst v51;
	v2 =	vmul.f32 v2, v44  }
0x245: {  	v50 =	vld [tilespmem:s29+$0x8B0];
	v5 =	vmul.f32 v37, v35;
	[tilespmem:s29+$0x7D0] =	vst v8  }
0x246: {  	v1 =	vbroadcast v1, $0xE;
	v9 =	vmul.f32 v39, v44;
	[tilespmem:s29+$0x810] =	vst v2;
	v2 =	vld [tilespmem:s29+$0x880]  }
0x247: {  	v60 =	vld [tilespmem:s29+$0x960];
	v12 =	vmul.f32 v42, v44;
	[tilespmem:s29+$0x7E0] =	vst v5  }
0x248: {  	v45 =	vld [tilespmem:s29+$0x850];
	v11 =	vmul.f32 v48, v1;
	[tilespmem:s29+$0x800] =	vst v9  }
0x249: {  	v47 =	vld [tilespmem:s29+$0x870];
	v10 =	vmul.f32 v49, v1;
	[tilespmem:s29+$0x830] =	vst v12  }
0x24a: {  	v43 =	vld [tilespmem:s29+$0x840];
	v6 =	vmul.f32 v50, v1;
	[tilespmem:s29+$0x890] =	vst v11  }
0x24b: {  	v55 =	vld [tilespmem:s29+$0x900];
	[tilespmem:s29+$0x8A0] =	vst v10;
	v2 =	vmul.f32 v2, v1  }
0x24c: {  	v57 =	vld [tilespmem:s29+$0x920];
	v4 =	vmul.f32 v60, v27;
	[tilespmem:s29+$0x8B0] =	vst v6  }
0x24d: {  	v5 =	vmul.f32 v45, v44;
	[tilespmem:s29+$0x880] =	vst v2;
	v2 =	vld [tilespmem:s29+$0x8F0]  }
0x24e: {  	v52 =	vld [tilespmem:s29+$0x8C0];
	v9 =	vmul.f32 v47, v44;
	[tilespmem:s29+$0x960] =	vst v4  }
0x24f: {  	v56 =	vld [tilespmem:s29+$0x910];
	v8 =	vmul.f32 v43, v44;
	[tilespmem:s29+$0x850] =	vst v5  }
0x250: {  	v54 =	vld [tilespmem:s29+$0x8E0];
	v11 =	vmul.f32 v55, v27;
	[tilespmem:s29+$0x870] =	vst v9  }
0x251: {  	v58 =	vld [tilespmem:s29+$0x930];
	v6 =	vmul.f32 v57, v27;
	[tilespmem:s29+$0x840] =	vst v8  }
0x252: {  	v53 =	vld [tilespmem:s29+$0x8D0];
	[tilespmem:s29+$0x900] =	vst v11;
	v2 =	vmul.f32 v2, v1  }
0x253: {  	v59 =	vld [tilespmem:s29+$0x940];
	v5 =	vmul.f32 v52, v1;
	[tilespmem:s29+$0x920] =	vst v6  }
0x254: {  	[tilespmem:s29+$0x8F0] =	vst v2;
	v2 =	vmul.f32 v56, v27  }
0x255: {  	v3 =	vld [tilespmem:s29+$0x7A0];
	v9 =	vmul.f32 v54, v1;
	[tilespmem:s29+$0x8C0] =	vst v5  }
0x256: {  	[tilespmem:s29+$0x910] =	vst v2;
	v2 =	vmul.f32 v58, v27  }
0x257: {  	[tilespmem:s29+$0x8E0] =	vst v9;
	v1 =	vmul.f32 v53, v1  }
0x258: {  	[tilespmem:s29+$0x930] =	vst v2;
	v2 =	vmul.f32 v59, v27  }
0x259: {  	[tilespmem:s29+$0x8D0] =	vst v1  }
0x25a: {  	s30 =	simm.s32 $0x1;
	[tilespmem:s29+$0x940] =	vst v2;
	v2 =	vmul.f32 v3, v35  }
.LBB2_11:
0x25b: {  	s15 =	sshll.u32 s30, $0x4  }
0x25c: {  	p0 =	sne.s32 s30, $0x7;
	[tilespmem:s29+$0x7A0] =	vst v2;
	s29 =	smov.u32 s30;
	s30 =	sadd.s32 $0x1, s30  }
0x25d: {  	s15 =	sand.u32 $0x3FFFFFF0, s15  }
0x25e: {  	v1 =	vld [tilespmem:s15+$0x100];
	s15 =	sshll.u32 s29, $0xB  }
0x25f: {  	s29 =	sand.u32 $0x3FFFF800, s15  }
0x260: {  	v8 =	vld [tilespmem:s29+$0x240]  }
0x261: {  	v9 =	vld [tilespmem:s29+$0x250]  }
0x262: {  	v10 =	vld [tilespmem:s29+$0x230]  }
0x263: {  	v2 =	vbroadcast v1, $0x0;
	v3 =	vld [tilespmem:s29+$0x1A0];
	v7 =	vbroadcast v1, $0x4  }
0x264: {  	v5 =	vld [tilespmem:s29+$0x1B0]  }
0x265: {  	v6 =	vld [tilespmem:s29+$0x6F0]  }
0x266: {  	v11 =	vld [tilespmem:s29+$0x1E0]  }
0x267: {  	v12 =	vld [tilespmem:s29+$0x1F0]  }
0x268: {  	v4 =	vbroadcast v1, $0xA;
	v3 =	vmul.f32 v3, v2;
	v13 =	vld [tilespmem:s29+$0x200]  }
0x269: {  	v5 =	vmul.f32 v5, v2;
	v14 =	vld [tilespmem:s29+$0x210]  }
0x26a: {  	[tilespmem:s29+$0x1A0] =	vst v3;
	v15 =	vld [tilespmem:s29+$0x220];
	v3 =	vmul.f32 v6, v4  }
0x26b: {  	[tilespmem:s29+$0x1B0] =	vst v5;
	v6 =	vmul.f32 v11, v2;
	v11 =	vbroadcast v1, $0x1;
	v5 =	vld [tilespmem:s29+$0x700]  }
0x26c: {  	v12 =	vmul.f32 v12, v2;
	[tilespmem:s29+$0x6F0] =	vst v3;
	v3 =	vld [tilespmem:s29+$0x950]  }
0x26d: {  	[tilespmem:s29+$0x1E0] =	vst v6;
	v13 =	vmul.f32 v13, v11;
	v6 =	vld [tilespmem:s29+$0x710]  }
0x26e: {  	[tilespmem:s29+$0x1F0] =	vst v12;
	v12 =	vmul.f32 v14, v11;
	v14 =	vld [tilespmem:s29+$0x260]  }
0x26f: {  	[tilespmem:s29+$0x200] =	vst v13;
	v13 =	vmul.f32 v15, v11;
	v15 =	vld [tilespmem:s29+$0x270]  }
0x270: {  	v10 =	vmul.f32 v10, v11;
	[tilespmem:s29+$0x210] =	vst v12;
	v12 =	vld [tilespmem:s29+$0x280]  }
0x271: {  	v8 =	vmul.f32 v8, v11;
	[tilespmem:s29+$0x220] =	vst v13;
	v13 =	vld [tilespmem:s29+$0x290]  }
0x272: {  	v9 =	vmul.f32 v9, v11;
	[tilespmem:s29+$0x230] =	vst v10;
	v10 =	vld [tilespmem:s29+$0x2A0]  }
0x273: {  	[tilespmem:s29+$0x240] =	vst v8;
	v8 =	vmul.f32 v14, v11;
	v14 =	vbroadcast v1, $0x2;
	v16 =	vld [tilespmem:s29+$0x2B0]  }
0x274: {  	[tilespmem:s29+$0x250] =	vst v9;
	v9 =	vmul.f32 v15, v11;
	v11 =	vld [tilespmem:s29+$0x2C0]  }
0x275: {  	[tilespmem:s29+$0x260] =	vst v8;
	v8 =	vmul.f32 v12, v14;
	v12 =	vld [tilespmem:s29+$0x2D0]  }
0x276: {  	[tilespmem:s29+$0x270] =	vst v9;
	v9 =	vmul.f32 v13, v14;
	v13 =	vld [tilespmem:s29+$0x2E0]  }
0x277: {  	[tilespmem:s29+$0x280] =	vst v8;
	v8 =	vmul.f32 v10, v14;
	v10 =	vld [tilespmem:s29+$0x2F0]  }
0x278: {  	[tilespmem:s29+$0x290] =	vst v9;
	v9 =	vmul.f32 v16, v14;
	v15 =	vld [tilespmem:s29+$0x300]  }
0x279: {  	[tilespmem:s29+$0x2A0] =	vst v8;
	v8 =	vmul.f32 v11, v14;
	v11 =	vld [tilespmem:s29+$0x310]  }
0x27a: {  	[tilespmem:s29+$0x2B0] =	vst v9;
	v9 =	vmul.f32 v12, v14;
	v12 =	vld [tilespmem:s29+$0x320]  }
0x27b: {  	[tilespmem:s29+$0x2C0] =	vst v8;
	v8 =	vmul.f32 v13, v14;
	v13 =	vbroadcast v1, $0x3;
	v16 =	vld [tilespmem:s29+$0x330]  }
0x27c: {  	[tilespmem:s29+$0x2D0] =	vst v9;
	v9 =	vmul.f32 v10, v14;
	v10 =	vld [tilespmem:s29+$0x340]  }
0x27d: {  	[tilespmem:s29+$0x2E0] =	vst v8;
	v8 =	vmul.f32 v15, v13;
	v14 =	vld [tilespmem:s29+$0x350]  }
0x27e: {  	[tilespmem:s29+$0x2F0] =	vst v9;
	v9 =	vmul.f32 v11, v13;
	v11 =	vld [tilespmem:s29+$0x360]  }
0x27f: {  	[tilespmem:s29+$0x300] =	vst v8;
	v8 =	vmul.f32 v12, v13;
	v12 =	vld [tilespmem:s29+$0x370]  }
0x280: {  	[tilespmem:s29+$0x310] =	vst v9;
	v9 =	vmul.f32 v16, v13;
	v15 =	vld [tilespmem:s29+$0x380]  }
0x281: {  	[tilespmem:s29+$0x320] =	vst v8;
	v8 =	vmul.f32 v10, v13;
	v10 =	vld [tilespmem:s29+$0x390]  }
0x282: {  	[tilespmem:s29+$0x330] =	vst v9;
	v9 =	vmul.f32 v14, v13;
	v14 =	vld [tilespmem:s29+$0x3A0]  }
0x283: {  	[tilespmem:s29+$0x340] =	vst v8;
	v8 =	vmul.f32 v11, v13;
	v11 =	vld [tilespmem:s29+$0x3B0]  }
0x284: {  	[tilespmem:s29+$0x350] =	vst v9;
	v9 =	vmul.f32 v12, v13;
	v12 =	vld [tilespmem:s29+$0x3C0]  }
0x285: {  	[tilespmem:s29+$0x360] =	vst v8;
	v8 =	vmul.f32 v15, v7;
	v13 =	vld [tilespmem:s29+$0x3D0]  }
0x286: {  	[tilespmem:s29+$0x370] =	vst v9;
	v9 =	vmul.f32 v10, v7;
	v10 =	vld [tilespmem:s29+$0x3E0]  }
0x287: {  	[tilespmem:s29+$0x380] =	vst v8;
	v8 =	vmul.f32 v14, v7;
	v14 =	vld [tilespmem:s29+$0x3F0]  }
0x288: {  	[tilespmem:s29+$0x390] =	vst v9;
	v9 =	vmul.f32 v11, v7;
	v11 =	vld [tilespmem:s29+$0x400]  }
0x289: {  	[tilespmem:s29+$0x3A0] =	vst v8;
	v8 =	vmul.f32 v12, v7;
	v12 =	vld [tilespmem:s29+$0x410]  }
0x28a: {  	[tilespmem:s29+$0x3B0] =	vst v9;
	v9 =	vmul.f32 v13, v7;
	v13 =	vld [tilespmem:s29+$0x420]  }
0x28b: {  	[tilespmem:s29+$0x3C0] =	vst v8;
	v8 =	vmul.f32 v10, v7;
	v10 =	vbroadcast v1, $0x5;
	v15 =	vld [tilespmem:s29+$0x430]  }
0x28c: {  	[tilespmem:s29+$0x3D0] =	vst v9;
	v7 =	vmul.f32 v14, v7;
	v9 =	vld [tilespmem:s29+$0x440]  }
0x28d: {  	[tilespmem:s29+$0x3E0] =	vst v8;
	v8 =	vmul.f32 v11, v10;
	v11 =	vld [tilespmem:s29+$0x450]  }
0x28e: {  	[tilespmem:s29+$0x3F0] =	vst v7;
	v7 =	vmul.f32 v12, v10;
	v12 =	vld [tilespmem:s29+$0x460]  }
0x28f: {  	[tilespmem:s29+$0x400] =	vst v8;
	v8 =	vmul.f32 v13, v10;
	v13 =	vld [tilespmem:s29+$0x470]  }
0x290: {  	[tilespmem:s29+$0x410] =	vst v7;
	v7 =	vmul.f32 v15, v10;
	v14 =	vld [tilespmem:s29+$0x480]  }
0x291: {  	[tilespmem:s29+$0x420] =	vst v8;
	v8 =	vmul.f32 v9, v10;
	v9 =	vld [tilespmem:s29+$0x490]  }
0x292: {  	[tilespmem:s29+$0x430] =	vst v7;
	v7 =	vmul.f32 v11, v10;
	v11 =	vld [tilespmem:s29+$0x4A0]  }
0x293: {  	[tilespmem:s29+$0x440] =	vst v8;
	v8 =	vmul.f32 v12, v10;
	v12 =	vbroadcast v1, $0x6;
	v15 =	vld [tilespmem:s29+$0x4B0]  }
0x294: {  	[tilespmem:s29+$0x450] =	vst v7;
	v7 =	vmul.f32 v13, v10;
	v10 =	vld [tilespmem:s29+$0x4C0]  }
0x295: {  	[tilespmem:s29+$0x460] =	vst v8;
	v8 =	vmul.f32 v14, v12;
	v13 =	vld [tilespmem:s29+$0x4D0]  }
0x296: {  	[tilespmem:s29+$0x470] =	vst v7;
	v7 =	vmul.f32 v9, v12;
	v9 =	vld [tilespmem:s29+$0x4E0]  }
0x297: {  	[tilespmem:s29+$0x480] =	vst v8;
	v8 =	vmul.f32 v11, v12;
	v11 =	vld [tilespmem:s29+$0x4F0]  }
0x298: {  	[tilespmem:s29+$0x490] =	vst v7;
	v7 =	vmul.f32 v15, v12;
	v14 =	vld [tilespmem:s29+$0x500]  }
0x299: {  	[tilespmem:s29+$0x4A0] =	vst v8;
	v8 =	vmul.f32 v10, v12;
	v10 =	vld [tilespmem:s29+$0x510]  }
0x29a: {  	[tilespmem:s29+$0x4B0] =	vst v7;
	v7 =	vmul.f32 v13, v12;
	v13 =	vld [tilespmem:s29+$0x520]  }
0x29b: {  	[tilespmem:s29+$0x4C0] =	vst v8;
	v8 =	vmul.f32 v9, v12;
	v9 =	vbroadcast v1, $0x7;
	v15 =	vld [tilespmem:s29+$0x530]  }
0x29c: {  	[tilespmem:s29+$0x4D0] =	vst v7;
	v7 =	vmul.f32 v11, v12;
	v11 =	vld [tilespmem:s29+$0x540]  }
0x29d: {  	[tilespmem:s29+$0x4E0] =	vst v8;
	v8 =	vmul.f32 v14, v9;
	v12 =	vld [tilespmem:s29+$0x550]  }
0x29e: {  	[tilespmem:s29+$0x4F0] =	vst v7;
	v7 =	vmul.f32 v10, v9;
	v10 =	vld [tilespmem:s29+$0x560]  }
0x29f: {  	[tilespmem:s29+$0x500] =	vst v8;
	v8 =	vmul.f32 v13, v9;
	v13 =	vld [tilespmem:s29+$0x570]  }
0x2a0: {  	[tilespmem:s29+$0x510] =	vst v7;
	v7 =	vmul.f32 v15, v9;
	v14 =	vld [tilespmem:s29+$0x580]  }
0x2a1: {  	[tilespmem:s29+$0x520] =	vst v8;
	v8 =	vmul.f32 v11, v9;
	v11 =	vld [tilespmem:s29+$0x590]  }
0x2a2: {  	[tilespmem:s29+$0x530] =	vst v7;
	v7 =	vmul.f32 v12, v9;
	v12 =	vld [tilespmem:s29+$0x5A0]  }
0x2a3: {  	[tilespmem:s29+$0x540] =	vst v8;
	v8 =	vmul.f32 v10, v9;
	v10 =	vbroadcast v1, $0x8;
	v15 =	vld [tilespmem:s29+$0x5B0]  }
0x2a4: {  	[tilespmem:s29+$0x550] =	vst v7;
	v7 =	vmul.f32 v13, v9;
	v9 =	vld [tilespmem:s29+$0x5C0]  }
0x2a5: {  	[tilespmem:s29+$0x560] =	vst v8;
	v8 =	vmul.f32 v14, v10;
	v13 =	vld [tilespmem:s29+$0x5D0]  }
0x2a6: {  	[tilespmem:s29+$0x570] =	vst v7;
	v7 =	vmul.f32 v11, v10;
	v11 =	vld [tilespmem:s29+$0x5E0]  }
0x2a7: {  	[tilespmem:s29+$0x580] =	vst v8;
	v8 =	vmul.f32 v12, v10;
	v12 =	vld [tilespmem:s29+$0x5F0]  }
0x2a8: {  	[tilespmem:s29+$0x590] =	vst v7;
	v7 =	vmul.f32 v15, v10;
	v14 =	vld [tilespmem:s29+$0x600]  }
0x2a9: {  	[tilespmem:s29+$0x5A0] =	vst v8;
	v8 =	vmul.f32 v9, v10;
	v9 =	vld [tilespmem:s29+$0x610]  }
0x2aa: {  	[tilespmem:s29+$0x5B0] =	vst v7;
	v7 =	vmul.f32 v13, v10;
	v13 =	vld [tilespmem:s29+$0x620]  }
0x2ab: {  	[tilespmem:s29+$0x5C0] =	vst v8;
	v8 =	vmul.f32 v11, v10;
	v11 =	vbroadcast v1, $0x9;
	v15 =	vld [tilespmem:s29+$0x630]  }
0x2ac: {  	[tilespmem:s29+$0x5D0] =	vst v7;
	v7 =	vmul.f32 v12, v10;
	v10 =	vld [tilespmem:s29+$0x640]  }
0x2ad: {  	[tilespmem:s29+$0x5E0] =	vst v8;
	v8 =	vmul.f32 v14, v11;
	v12 =	vld [tilespmem:s29+$0x650]  }
0x2ae: {  	[tilespmem:s29+$0x5F0] =	vst v7;
	v7 =	vmul.f32 v9, v11;
	v9 =	vld [tilespmem:s29+$0x660]  }
0x2af: {  	[tilespmem:s29+$0x600] =	vst v8;
	v8 =	vmul.f32 v13, v11;
	v13 =	vld [tilespmem:s29+$0x670]  }
0x2b0: {  	[tilespmem:s29+$0x610] =	vst v7;
	v7 =	vmul.f32 v15, v11;
	v14 =	vld [tilespmem:s29+$0x680]  }
0x2b1: {  	[tilespmem:s29+$0x620] =	vst v8;
	v8 =	vmul.f32 v10, v11;
	v10 =	vld [tilespmem:s29+$0x690]  }
0x2b2: {  	[tilespmem:s29+$0x630] =	vst v7;
	v7 =	vmul.f32 v12, v11;
	v12 =	vld [tilespmem:s29+$0x6A0]  }
0x2b3: {  	[tilespmem:s29+$0x640] =	vst v8;
	v8 =	vmul.f32 v9, v11;
	v9 =	vld [tilespmem:s29+$0x6B0]  }
0x2b4: {  	[tilespmem:s29+$0x650] =	vst v7;
	v7 =	vmul.f32 v13, v11;
	v11 =	vld [tilespmem:s29+$0x6C0]  }
0x2b5: {  	[tilespmem:s29+$0x660] =	vst v8;
	v8 =	vmul.f32 v14, v4;
	v13 =	vld [tilespmem:s29+$0x6D0]  }
0x2b6: {  	[tilespmem:s29+$0x670] =	vst v7;
	v7 =	vmul.f32 v10, v4;
	v10 =	vld [tilespmem:s29+$0x6E0]  }
0x2b7: {  	v14 =	vld [tilespmem:s29+$0x180];
	[tilespmem:s29+$0x680] =	vst v8;
	v8 =	vmul.f32 v12, v4  }
0x2b8: {  	v12 =	vld [tilespmem:s29+$0x190];
	[tilespmem:s29+$0x690] =	vst v7;
	v7 =	vmul.f32 v9, v4  }
0x2b9: {  	v9 =	vld [tilespmem:s29+$0x1C0];
	[tilespmem:s29+$0x6A0] =	vst v8;
	v8 =	vmul.f32 v11, v4  }
0x2ba: {  	v11 =	vld [tilespmem:s29+$0x1D0];
	[tilespmem:s29+$0x6B0] =	vst v7;
	v7 =	vmul.f32 v13, v4  }
0x2bb: {  	[tilespmem:s29+$0x6C0] =	vst v8;
	v8 =	vmul.f32 v10, v4;
	v10 =	vbroadcast v1, $0xB;
	v13 =	vld [tilespmem:s29+$0x720]  }
0x2bc: {  	v4 =	vbroadcast v1, $0xF;
	v14 =	vmul.f32 v2, v14;
	[tilespmem:s29+$0x6D0] =	vst v7;
	v7 =	vld [tilespmem:s29+$0x730]  }
0x2bd: {  	v12 =	vmul.f32 v12, v2;
	[tilespmem:s29+$0x6E0] =	vst v8;
	v5 =	vmul.f32 v5, v10;
	v8 =	vld [tilespmem:s29+$0x740]  }
0x2be: {  	v6 =	vmul.f32 v6, v10;
	[tilespmem:s29+$0x180] =	vst v14;
	v9 =	vmul.f32 v9, v2;
	v14 =	vld [tilespmem:s29+$0x750]  }
0x2bf: {  	v3 =	vmul.f32 v3, v4;
	v11 =	vmul.f32 v11, v2;
	[tilespmem:s29+$0x700] =	vst v5;
	v2 =	vld [tilespmem:s29+$0x760]  }
0x2c0: {  	[tilespmem:s29+$0x710] =	vst v6;
	v5 =	vmul.f32 v13, v10;
	v6 =	vld [tilespmem:s29+$0x770]  }
0x2c1: {  	v7 =	vmul.f32 v7, v10;
	v13 =	vld [tilespmem:s29+$0x780];
	[tilespmem:s29+$0x950] =	vst v3  }
0x2c2: {  	[tilespmem:s29+$0x190] =	vst v12;
	v3 =	vmul.f32 v8, v10;
	v8 =	vld [tilespmem:s29+$0x790]  }
0x2c3: {  	[tilespmem:s29+$0x1C0] =	vst v9;
	v9 =	vmul.f32 v14, v10;
	v12 =	vld [tilespmem:s29+$0x7A0]  }
0x2c4: {  	v14 =	vbroadcast v1, $0xC;
	[tilespmem:s29+$0x720] =	vst v5;
	v5 =	vmul.f32 v2, v10;
	v15 =	vld [tilespmem:s29+$0x7B0]  }
0x2c5: {  	[tilespmem:s29+$0x750] =	vst v9;
	v6 =	vmul.f32 v6, v10;
	v9 =	vld [tilespmem:s29+$0x7C0]  }
0x2c6: {  	[tilespmem:s29+$0x730] =	vst v7;
	v2 =	vmul.f32 v13, v14;
	v7 =	vld [tilespmem:s29+$0x7D0]  }
0x2c7: {  	[tilespmem:s29+$0x740] =	vst v3;
	v3 =	vmul.f32 v8, v14;
	v8 =	vld [tilespmem:s29+$0x7E0]  }
0x2c8: {  	[tilespmem:s29+$0x780] =	vst v2;
	v2 =	vmul.f32 v12, v14;
	v10 =	vld [tilespmem:s29+$0x7F0]  }
0x2c9: {  	[tilespmem:s29+$0x790] =	vst v3;
	v3 =	vld [tilespmem:s29+$0x800]  }
0x2ca: {  	[tilespmem:s29+$0x1D0] =	vst v11;
	v9 =	vmul.f32 v9, v14;
	v11 =	vld [tilespmem:s29+$0x810]  }
0x2cb: {  	[tilespmem:s29+$0x760] =	vst v5;
	v5 =	vmul.f32 v7, v14;
	v7 =	vld [tilespmem:s29+$0x820]  }
0x2cc: {  	[tilespmem:s29+$0x7C0] =	vst v9;
	v8 =	vmul.f32 v8, v14;
	v9 =	vbroadcast v1, $0xD;
	v12 =	vld [tilespmem:s29+$0x830]  }
0x2cd: {  	[tilespmem:s29+$0x7D0] =	vst v5;
	v5 =	vmul.f32 v10, v14;
	v10 =	vld [tilespmem:s29+$0x840]  }
0x2ce: {  	[tilespmem:s29+$0x7E0] =	vst v8;
	v3 =	vmul.f32 v3, v9;
	v8 =	vld [tilespmem:s29+$0x850]  }
0x2cf: {  	[tilespmem:s29+$0x7F0] =	vst v5;
	v5 =	vmul.f32 v11, v9;
	v11 =	vld [tilespmem:s29+$0x860]  }
0x2d0: {  	[tilespmem:s29+$0x800] =	vst v3;
	v3 =	vmul.f32 v7, v9;
	v7 =	vld [tilespmem:s29+$0x870]  }
0x2d1: {  	[tilespmem:s29+$0x810] =	vst v5;
	v5 =	vmul.f32 v12, v9;
	v12 =	vld [tilespmem:s29+$0x880]  }
0x2d2: {  	[tilespmem:s29+$0x820] =	vst v3;
	v3 =	vmul.f32 v10, v9;
	v10 =	vld [tilespmem:s29+$0x890]  }
0x2d3: {  	[tilespmem:s29+$0x830] =	vst v5;
	v5 =	vmul.f32 v8, v9;
	v8 =	vld [tilespmem:s29+$0x8A0]  }
0x2d4: {  	v1 =	vbroadcast v1, $0xE;
	[tilespmem:s29+$0x770] =	vst v6;
	v6 =	vmul.f32 v11, v9;
	v11 =	vld [tilespmem:s29+$0x8B0]  }
0x2d5: {  	[tilespmem:s29+$0x850] =	vst v5;
	v5 =	vmul.f32 v7, v9;
	v7 =	vld [tilespmem:s29+$0x8C0]  }
0x2d6: {  	[tilespmem:s29+$0x860] =	vst v6;
	v6 =	vmul.f32 v12, v1;
	v9 =	vld [tilespmem:s29+$0x8D0]  }
0x2d7: {  	[tilespmem:s29+$0x870] =	vst v5;
	v5 =	vmul.f32 v10, v1;
	v10 =	vld [tilespmem:s29+$0x8E0]  }
0x2d8: {  	[tilespmem:s29+$0x880] =	vst v6;
	v6 =	vmul.f32 v8, v1;
	v8 =	vld [tilespmem:s29+$0x8F0]  }
0x2d9: {  	[tilespmem:s29+$0x890] =	vst v5;
	v5 =	vmul.f32 v11, v1;
	v11 =	vld [tilespmem:s29+$0x900]  }
0x2da: {  	[tilespmem:s29+$0x8A0] =	vst v6;
	v6 =	vmul.f32 v7, v1;
	v7 =	vld [tilespmem:s29+$0x910]  }
0x2db: {  	[tilespmem:s29+$0x8B0] =	vst v5;
	v5 =	vmul.f32 v9, v1;
	v9 =	vld [tilespmem:s29+$0x920]  }
0x2dc: {  	[tilespmem:s29+$0x8C0] =	vst v6;
	v6 =	vmul.f32 v10, v1;
	v10 =	vld [tilespmem:s29+$0x930]  }
0x2dd: {  	[tilespmem:s29+$0x840] =	vst v3;
	v1 =	vmul.f32 v8, v1;
	v3 =	vld [tilespmem:s29+$0x940]  }
0x2de: {  	[tilespmem:s29+$0x8E0] =	vst v6;
	v6 =	vmul.f32 v11, v4;
	v8 =	vld [tilespmem:s29+$0x960]  }
0x2df: {  	[tilespmem:s29+$0x8F0] =	vst v1;
	v1 =	vmul.f32 v7, v4;
	v7 =	vld [tilespmem:s29+$0x970]  }
0x2e0: {  	[tilespmem:s29+$0x900] =	vst v6;
	v6 =	vmul.f32 v9, v4  }
0x2e1: {  	[tilespmem:s29+$0x910] =	vst v1;
	v1 =	vmul.f32 v10, v4  }
0x2e2: {  	v9 =	vmul.f32 v15, v14;
	[tilespmem:s29+$0x920] =	vst v6  }
0x2e3: {  	[tilespmem:s29+$0x930] =	vst v1;
	v1 =	vmul.f32 v3, v4  }
.Ltmp4:
0x2e4: {  	[tilespmem:s29+$0x7B0] =	vst v9;
	v3 =	vmul.f32 v7, v4;
	(pc) =	sbr.rel @p0 .LBB2_11-.Ltmp4, $4  }
0x2e5: {  	[tilespmem:s29+$0x940] =	vst v1  }
0x2e6: {  	v1 =	vmul.f32 v8, v4;
	[tilespmem:s29+$0x970] =	vst v3  }
0x2e7: {  	[tilespmem:s29+$0x8D0] =	vst v5  }
0x2e8: {  	[tilespmem:s29+$0x960] =	vst v1  }
0x2e9: {  	[tilespmem:s29+$0x7A0] =	vst v2;
	s28 =	sadd.s32 $0x1, s28  }
0x2ea: {  	[spmem:s3] =	stream.indirect.scatter.add.f32 [tilespmem:s31], [sflag:$0x1], $0x80, s14, s14, $0xb8;
	[tilespmem:$0x17D80] =	vst v63  }
0x2eb: {  	p0 =	slt.s32 s28, $0x4E;
	s15 =	smov.u32 s28  }
0x2ec: {  	s15 =	simm.s32 @!p0 $0x4E  }
0x2ed: {  	s15 =	sadd.s32 s21, s15  }
0x2ee: {  	s15 =	sshll.u32 s15, $0x4  }
0x2ef: {  	s15 =	sand.u32 $0x1FFFFFF0, s15  }
0x2f0: {  	s30 =	sadd.s32 s2, s15  }
0x2f1: {  	[tilespmem:s4], [sflag:$0x2] =	stream.linear.gather [hbm4b:s30+s4], $0x80, $0x38;
	[tilespmem:$0x17D80] =	vst v63  }
0x2f2: {  	_ =	swait.ge [sflag:s0], $0x80  }
0x2f3: {  	[sflag:s0] =	ssyncset.done $0x0  }
0x2f4: {  	s15 =	sadd.s32 s7, s15;
	[sflag:s0] =	ssyncadd.s32 $0xFFFFFF80  }
0x2f5: {  	[tilespmem:s5], [sflag:$0x2] =	stream.linear.gather [hbm4b:s15+s4], $0x80, $0x38;
	[tilespmem:$0x17D80] =	vst v63  }
0x2f6: {  	p0 =	sne.s32 s28, $0x4F;
	_ =	swait.ge [sflag:s0], $0x80  }
.Ltmp5:
0x2f7: {  	[sflag:s0] =	ssyncset.done $0x0;
	(pc) =	sbr.rel @p0 .LBB2_10-.Ltmp5, $4  }
0x2f8: {  	[sflag:s0] =	ssyncadd.s32 $0xFFFFFF80  }
0x2f9: {  	_ =	swait.ge [sflag:s16], $0x4000  }
0x2fa: {  	[sflag:s16] =	ssyncset.done $0x0  }
0x2fb: {  	[sflag:s16] =	ssyncadd.s32 $0xFFFFC000  }
0x2fc: {  	[bflag:$0x0] =	sbarrier.arrive $0xFFFF  }
0x2fd: {  	[hbm:s22], [sflag:s18] =	dma.local [spmem:s19], $0x800  }
0x2fe: {  	_ =	swait.ge [sflag:s0], $0x800  }
0x2ff: {  	[sflag:s0] =	ssyncset.done $0x0  }
0x300: {  	s15 =	rddreg [dreg:$0xf];
	[sflag:s0] =	ssyncadd.s32 $0xFFFFF800  }
0x301: {  	[hbm:s15], [sflag:s18] =	dma.local [spmem:s20], $0x800  }
0x302: {  	_ =	swait.ge [sflag:s0], $0x800  }
0x303: {  	[sflag:s0] =	ssyncset.done $0x0  }
0x304: {  	s26 =	rddreg [dreg:$0x10];
	[sflag:s0] =	ssyncadd.s32 $0xFFFFF800  }
0x305: {  	[hbm:s26], [sflag:s18] =	dma.local [spmem:s23], $0x800  }
0x306: {  	_ =	swait.ge [sflag:s0], $0x800  }
0x307: {  	[sflag:s0] =	ssyncset.done $0x0  }
0x308: {  	s28 =	rddreg [dreg:$0x11];
	[sflag:s0] =	ssyncadd.s32 $0xFFFFF800  }
0x309: {  	[hbm:s28], [sflag:s18] =	dma.local [spmem:s24], $0x800  }
0x30a: {  	_ =	swait.ge [sflag:s0], $0x800  }
0x30b: {  	[sflag:s0] =	ssyncset.done $0x0  }
0x30c: {  	s29 =	rddreg [dreg:$0x12];
	[sflag:s0] =	ssyncadd.s32 $0xFFFFF800  }
0x30d: {  	[hbm:s29], [sflag:s18] =	dma.local [spmem:s25], $0x780  }
0x30e: {  	_ =	swait.ge [sflag:s0], $0x780  }
0x30f: {  	s17 =	sadd.s32 $0x1, s17;
	s30 =	rddreg [dreg:$0xe]  }
0x310: {  	p0 =	sne.s32 s17, s30  }
.Ltmp6:
0x311: {  	_ = 	snop;
	(pc) =	sbr.rel @p0 .LBB2_1-.Ltmp6, $3  }
0x312: {  	_ =	sdelay $0x1  }
0x313: {  	[sflag:s0] =	ssyncset.done $0x0  }
0x314: {  	[sflag:s0] =	ssyncadd.s32 $0xFFFFF880  }
0x315: {  	_ =	sfence.sel $0x180000  }
0x316: {  	[bflag:$0x0] =	sbarrier.arrive $0xFFFF  }
0x317: {  	_ =	strace $0x90000047  }
0x318: {  	s0 =	stileid.u32;
	[bflag:$0x2] =	sbarrier.arrive $0xFFFF  }
0x319: {  	p0 =	sne.s32 s0, $0x0;
	s0 =	rddreg [dreg:$0x4]  }
0x31a: {  	s0 =	sadd.s32 @!p0 $0x100000, s0  }
0x31b: {  	[sflag:s0] =	ssyncadd.tile.s32 @!p0 $0x1;
	_ =	shalt  }
.Lfunc_end2:
_tile_overlayer_lowered:
.L_overlay_start_2:
0x31c: {  	(tag) =	ssettag $0x2  }
0x31d: {  	s0 =	rddreg [dreg:$0x0];
	s2 =	stileid.u32  }
0x31e: {  	s1 =	rddreg [dreg:$0x1];
	p0 =	sne.s32 s2, $0x0  }
0x31f: {  	s3 =	rddreg [dreg:$0x2];
	[bflag:$0x3] =	sbarrier.arrive $0xFFFF;
	s2 =	simm.s32 @!p0 $0x1C02  }
0x320: {  	[timem:s3], [sflag:s2] =	dma.local @!p0 [hbm:s0], s1  }
0x321: {  	s0 =	simm.s32 @!p0 $0x2  }
0x322: {  	_ =	swait.ge @!p0 [sflag:s0], s1  }
0x323: {  	s1 =	ssub.s32 @!p0 $0x0, s1;
	[sflag:s0] =	ssyncset.done @!p0 $0x0  }
0x324: {  	[sflag:s0] =	ssyncadd.s32 @!p0 s1  }
0x325: {  	[bflag:$0x3] =	sbarrier.arrive $0xFFFF  }
0x326: {  	_ =	shalt  }

</sc_bundles>
